<compile_context>
chip_gen: v7x
topology: tpu7x:2x2x1
jax: 0.10.2.dev20260603
libtpu: 0.0.44.dev20260713+nightly
codegen_flags: <defaults>
</compile_context>

<pallas_src>
import numpy as np
import jax
import jax.numpy as jnp
from jax import lax
from jax.experimental import pallas as pl
from jax.experimental.pallas import tpu as pltpu
from jax.experimental.pallas import tpu_sc as plsc

B, N, BN = 8, 20000, 2000
NB = N // BN
APC = 2.0 * np.pi / 12
MEAN = (1.52563191, 1.62856739, 3.8831164)
MININT = np.int32(-0x80000000)
MAXINT = np.int32(0x7FFFFFFF)
KK0, KK1 = 358, 154
P = 512
CAND = P + 32
NV16 = N // 16


def _decode_body(sc_ref, reg_ref, xyz_ref, box_ref, k0_ref, k1_ref):
    reg = reg_ref[0]
    xyz = xyz_ref[0]
    s = sc_ref[0, 0]

    i12 = lax.broadcasted_iota(jnp.int32, (BN, 12), 1)

    def argmax_take(bin_sl, res_sl):
        m = jnp.max(bin_sl, axis=1, keepdims=True)
        bi = jnp.min(jnp.where(bin_sl == m, i12, 9999), axis=1, keepdims=True)
        res = jnp.sum(jnp.where(i12 == bi, res_sl, 0.0), axis=1, keepdims=True)
        return bi, res

    xb, xr = argmax_take(reg[:, 0:12], reg[:, 24:36])
    zb, zr = argmax_take(reg[:, 12:24], reg[:, 36:48])
    rb, rr = argmax_take(reg[:, 49:61], reg[:, 61:73])

    pos_x = xb.astype(jnp.float32) * 0.5 + (0.25 - 3.0) + xr * 0.5 + xyz[:, 0:1]
    pos_z = zb.astype(jnp.float32) * 0.5 + (0.25 - 3.0) + zr * 0.5 + xyz[:, 2:3]
    pos_y = xyz[:, 1:2] + reg[:, 48:49]

    ry = rb.astype(jnp.float32) * APC + rr * (APC / 2.0)
    ry = ry - (2.0 * np.pi) * jnp.floor(ry / (2.0 * np.pi))
    ry = jnp.where(ry > np.pi, ry - 2.0 * np.pi, ry)

    h = reg[:, 73:74] * MEAN[0] + MEAN[0]
    w = reg[:, 74:75] * MEAN[1] + MEAN[1]
    l = reg[:, 75:76] * MEAN[2] + MEAN[2]
    y = pos_y + h * 0.5

    box_ref[0] = jnp.concatenate([pos_x, y, pos_z, h, w, l, ry, s], axis=1)

    u = lax.bitcast_convert_type(s, jnp.int32)
    skey = jnp.where(u < 0, u ^ MININT, jnp.bitwise_not(u) | MININT)
    skey = jnp.where(s == 0.0, jnp.int32(-1), skey)
    k0_ref[0, 0] = jnp.where((pos_z > 0.0) & (pos_z <= 40.0), skey, MAXINT)
    k1_ref[0, 0] = jnp.where((pos_z > 40.0) & (pos_z <= 80.0), skey, MAXINT)


def _decode(scores, reg, xyz):
    sc4 = scores.reshape(B, NB, BN, 1)
    return pl.pallas_call(
        _decode_body,
        grid=(B, NB),
        in_specs=[
            pl.BlockSpec((1, 1, BN, 1), lambda b, c: (b, c, 0, 0)),
            pl.BlockSpec((1, BN, 76), lambda b, c: (b, c, 0)),
            pl.BlockSpec((1, BN, 3), lambda b, c: (b, c, 0)),
        ],
        out_specs=[
            pl.BlockSpec((1, BN, 8), lambda b, c: (b, c, 0)),
            pl.BlockSpec((1, 1, BN, 1), lambda b, c: (b, c, 0, 0)),
            pl.BlockSpec((1, 1, BN, 1), lambda b, c: (b, c, 0, 0)),
        ],
        out_shape=[
            jax.ShapeDtypeStruct((B, N, 8), jnp.float32),
            jax.ShapeDtypeStruct((B, NB, BN, 1), jnp.int32),
            jax.ShapeDtypeStruct((B, NB, BN, 1), jnp.int32),
        ],
    )(sc4, reg, xyz)


def _sc_body(k0_hbm, k1_hbm, boxes_hbm, out_hbm,
             keys_v, hist_v, cand_k, cand_i, tie_i, gidx_v, rows_v, boxh_v):
    i16 = lax.iota(jnp.int32, 16)
    ones = jnp.ones((16,), jnp.int32)
    wid = lax.axis_index("s") * 2 + lax.axis_index("c")

    @pl.when(wid < 16)
    def _work():
        b = wid // 2
        r = wid % 2
        kk = jnp.where(r == 0, jnp.int32(KK0), jnp.int32(KK1))

        @pl.when(r == 0)
        def _():
            pltpu.sync_copy(k0_hbm.at[b], keys_v)

        @pl.when(r == 1)
        def _():
            pltpu.sync_copy(k1_hbm.at[b], keys_v)

        def top11(kv):
            return lax.shift_right_arithmetic(kv, 21) + 1024

        def mid11(kv):
            return lax.shift_right_logical(kv, 10) & 2047

        def low10(kv):
            return kv & 1023

        def hist_pass(nbins, binfn, maskfn, target):
            def zb_(i, c):
                hist_v[pl.ds(i * 16, 16)] = jnp.zeros((16,), jnp.int32)
                return c
            lax.fori_loop(0, nbins // 16, zb_, 0)

            def hb(i, c):
                kv = keys_v[pl.ds(i * 16, 16)]
                bins = jnp.where(maskfn(kv), binfn(kv), jnp.int32(2048))
                plsc.addupdate_scatter(hist_v, [bins], ones)
                return c
            lax.fori_loop(0, NV16, hb, 0)

            def sb(i, carry):
                cum, fvec, fcum = carry
                v = hist_v[pl.ds(i * 16, 16)]
                tot = jnp.sum(v)
                hit = (fvec < 0) & (cum + tot >= target)
                fvec = jnp.where(hit, i.astype(jnp.int32), fvec)
                fcum = jnp.where(hit, cum, fcum)
                return cum + tot, fvec, fcum
            _, fvec, fcum = lax.fori_loop(
                0, nbins // 16, sb, (jnp.int32(0), jnp.int32(-1), jnp.int32(0)))

            def wb(i, carry):
                lane0, run0 = carry

                v = hist_v[pl.ds(i * 16, 16)]
                vjs = [jnp.sum(jnp.where(i16 == j, v, 0)) for j in range(16)]
                s = fcum
                lane = jnp.int32(0)
                for j in range(16):
                    s = s + vjs[j]
                    lane = lane + jnp.where(s < target, jnp.int32(1),
                                            jnp.int32(0))
                run = fcum
                for j in range(16):
                    run = run + jnp.where(jnp.int32(j) < lane, vjs[j],
                                          jnp.int32(0))
                sel = i == fvec
                return (jnp.where(sel, lane, lane0), jnp.where(sel, run, run0))
            lane, run = lax.fori_loop(
                0, nbins // 16, wb, (jnp.int32(0), jnp.int32(0)))
            return fvec * 16 + lane, run

        tgt1 = kk
        b1, c1 = hist_pass(2048, top11, lambda kv: kv == kv, tgt1)
        tgt2 = tgt1 - c1
        b2, c2 = hist_pass(2048, mid11, lambda kv: top11(kv) == b1, tgt2)
        tgt3 = tgt2 - c2
        b3, c3 = hist_pass(
            1024, low10, lambda kv: (top11(kv) == b1) & (mid11(kv) == b2), tgt3)
        t_need = tgt3 - c3
        thr = (lax.shift_left(b1 - 1024, 21) | lax.shift_left(b2, 10) | b3)

        def cb(i, wp):
            kv = keys_v[pl.ds(i * 16, 16)]
            m_lt = kv < thr
            nlt = jnp.sum(jnp.where(m_lt, 1, 0).astype(jnp.int32))
            plsc.store_compressed(cand_k.at[pl.ds(wp, 16)], kv, mask=m_lt)
            return wp + nlt
        wp = lax.fori_loop(0, NV16, cb, jnp.int32(0))

        def cb2(i, wp2):
            kv = keys_v[pl.ds(i * 16, 16)]
            idxv = i * 16 + i16
            m_lt = kv < thr
            nlt = jnp.sum(jnp.where(m_lt, 1, 0).astype(jnp.int32))
            plsc.store_compressed(cand_i.at[pl.ds(wp2, 16)], idxv, mask=m_lt)
            return wp2 + nlt
        lax.fori_loop(0, NV16, cb2, jnp.int32(0))

        def cb3(i, twp):
            kv = keys_v[pl.ds(i * 16, 16)]
            idxv = i * 16 + i16
            m_eq = kv == thr
            neq = jnp.sum(jnp.where(m_eq, 1, 0).astype(jnp.int32))

            @pl.when(twp < t_need)
            def _():
                plsc.store_compressed(tie_i.at[pl.ds(twp, 16)], idxv, mask=m_eq)
            return jnp.where(twp < t_need, twp + neq, twp)
        lax.fori_loop(0, NV16, cb3, jnp.int32(0))

        def ab(t, c):
            g = t * 16 + i16
            m = g < t_need
            pos = jnp.where(m, wp + g, jnp.int32(CAND - 1))
            iv = tie_i[pl.ds(t * 16, 16)]
            plsc.store_scatter(cand_i, [pos], iv)
            plsc.store_scatter(cand_k, [pos], jnp.zeros((16,), jnp.int32) + thr)
            return c
        lax.fori_loop(0, 23, ab, 0)

        def pb(j, c):
            g = j * 16 + i16
            kv = cand_k[pl.ds(j * 16, 16)]
            iv = cand_i[pl.ds(j * 16, 16)]
            cand_k[pl.ds(j * 16, 16)] = jnp.where(g >= kk, MAXINT, kv)
            cand_i[pl.ds(j * 16, 16)] = jnp.where(g >= kk, MAXINT, iv)
            return c
        lax.fori_loop(0, CAND // 16, pb, 0)

        def v16sort(base16, cnt16):
            def body(t, c):
                a = (base16 + t) * 16
                k = cand_k[pl.ds(a, 16)]
                v = cand_i[pl.ds(a, 16)]
                ks, vs = plsc.sort_key_val(k, v)
                cand_k[pl.ds(a, 16)] = ks
                cand_i[pl.ds(a, 16)] = vs
                return c
            lax.fori_loop(0, cnt16, body, 0)

        def cmpx(ai, bi, rev_b):
            ak = cand_k[pl.ds(ai, 16)]
            av = cand_i[pl.ds(ai, 16)]
            bk = cand_k[pl.ds(bi, 16)]
            bv = cand_i[pl.ds(bi, 16)]
            if rev_b:
                bk = lax.rev(bk, (0,))
                bv = lax.rev(bv, (0,))
            c = ak <= bk
            lok = jnp.where(c, ak, bk)
            lov = jnp.where(c, av, bv)
            hik = jnp.where(c, bk, ak)
            hiv = jnp.where(c, bv, av)
            if rev_b:
                hik = lax.rev(hik, (0,))
                hiv = lax.rev(hiv, (0,))
            cand_k[pl.ds(ai, 16)] = lok
            cand_i[pl.ds(ai, 16)] = lov
            cand_k[pl.ds(bi, 16)] = hik
            cand_i[pl.ds(bi, 16)] = hiv

        v16sort(0, P // 16)

        for m in (16, 32, 64, 128, 256):
            def merge_pair(p, c, m=m):
                base = p * (2 * m)

                def ex(j, c2):
                    cmpx(base + j * 16, base + 2 * m - (j + 1) * 16, True)
                    return c2
                lax.fori_loop(0, m // 16, ex, 0)

                d = m // 2
                while d >= 16:
                    def cl(t, c2, d=d):
                        s = (t // (d // 16)) * (2 * d)
                        o = (t % (d // 16)) * 16
                        cmpx(base + s + o, base + s + d + o, False)
                        return c2
                    lax.fori_loop(0, m // 16, cl, 0)
                    d //= 2
                v16sort(base // 16, (2 * m) // 16)
                return c
            lax.fori_loop(0, P // (2 * m), merge_pair, 0)

        def oe_pass(parity, swaps):
            def pbod(t, sw):
                s0 = parity + t * 16
                k = cand_k[pl.ds(s0, 16)]
                idv = cand_i[pl.ds(s0, 16)]
                nbr = s0 + (i16 ^ 1)
                nk = plsc.load_gather(cand_k, [nbr])
                ni = plsc.load_gather(cand_i, [nbr])
                even = (i16 & 1) == 0
                eq = k == nk
                swl = eq & jnp.where(even, idv > ni, idv < ni)
                cand_i[pl.ds(s0, 16)] = jnp.where(swl, ni, idv)
                return sw + jnp.sum(jnp.where(swl, 1, 0).astype(jnp.int32))
            return lax.fori_loop(0, P // 16, pbod, swaps)

        def oe_cond(carry):
            return carry[0] > 0

        def oe_body(carry):
            _, it = carry
            sw = oe_pass(0, jnp.int32(0))
            sw = oe_pass(1, sw)
            return sw, it + 1
        lax.while_loop(oe_cond, oe_body, (jnp.int32(1), jnp.int32(0)))

        def vcount(j, acc):
            kv = cand_k[pl.ds(j * 16, 16)]
            return acc + jnp.sum(jnp.where(kv != MAXINT, 1, 0).astype(jnp.int32))
        nv = lax.fori_loop(0, P // 16, vcount, jnp.int32(0))

        def gix(t, c):
            iv = cand_i[pl.ds(t * 16, 16)]
            gidx_v[pl.ds(t * 16, 16)] = jnp.minimum(iv, jnp.int32(N - 1))
            return c
        lax.fori_loop(0, P // 16, gix, 0)

        Nh = N // 2
        for h in (0, 1):
            pltpu.sync_copy(boxes_hbm.at[b, pl.ds(h * Nh * 8, Nh * 8)], boxh_v)

            def gb(t, c, h=h):
                g = t * 16 + i16
                rowpos = lax.shift_right_logical(g, 3)
                col = g & 7
                row = plsc.load_gather(gidx_v, [rowpos])
                local = row - h * Nh
                inh = (local >= 0) & (local < Nh)
                flat = jnp.where(inh, local * 8 + col, 0)
                v = plsc.load_gather(boxh_v, [flat], mask=inh)
                cur = rows_v[pl.ds(t * 16, 16)]
                rows_v[pl.ds(t * 16, 16)] = jnp.where(inh, v, cur)
                return c
            lax.fori_loop(0, (P * 8) // 16, gb, 0)

        def zt(t, c):
            g = t * 16 + i16
            rv = rows_v[pl.ds(t * 16, 16)]
            rows_v[pl.ds(t * 16, 16)] = jnp.where(g < nv * 8, rv, 0.0)
            return c
        lax.fori_loop(0, (P * 8) // 16, zt, 0)

        @pl.when(r == 0)
        def _():
            pltpu.sync_copy(rows_v, out_hbm.at[b, 0])

        @pl.when(r == 1)
        def _():
            pltpu.sync_copy(rows_v.at[pl.ds(0, 2048)],
                            out_hbm.at[b, 1].at[pl.ds(0, 2048)])


def _topk_sc(k0, k1, boxes_flat):
    mesh = plsc.VectorSubcoreMesh(core_axis_name="c", subcore_axis_name="s")
    fn = pl.kernel(
        _sc_body,
        mesh=mesh,
        out_type=jax.ShapeDtypeStruct((B, 2, P * 8), jnp.float32),
        scratch_types=[
            pltpu.VMEM((N,), jnp.int32),
            pltpu.VMEM((2064,), jnp.int32),
            pltpu.VMEM((CAND,), jnp.int32),
            pltpu.VMEM((CAND,), jnp.int32),
            pltpu.VMEM((400,), jnp.int32),
            pltpu.VMEM((P,), jnp.int32),
            pltpu.VMEM((P * 8,), jnp.float32),
            pltpu.VMEM((N * 8 // 2,), jnp.float32),
        ],
        compiler_params=pltpu.CompilerParams(needs_layout_passes=False),
    )
    return fn(k0, k1, boxes_flat)


def kernel(rpn_scores, rpn_reg, xyz):
    boxes8, k0, k1 = _decode(rpn_scores, rpn_reg, xyz)
    out = _topk_sc(k0.reshape(B, N), k1.reshape(B, N), boxes8.reshape(B, N * 8))
    return jnp.concatenate(
        [out[:, 0, :KK0 * 8].reshape(B, KK0, 8),
         out[:, 1, :KK1 * 8].reshape(B, KK1, 8)], axis=1)

# --- scband reference (transcript-rebuilt; emitter-appended) ---
"""Pipeline reference for scband-proposal-layer-28922309771854 (READ-ONLY COPY).

The authoritative reference and input builder live on the scoring server;
editing this copy changes nothing except your own understanding.
"""

import jax, jax.numpy as jnp
import numpy as np

LOC_SCOPE = 3.0
LOC_BIN_SIZE = 0.5
NUM_HEAD_BIN = 12
PER_LOC_BIN = int(LOC_SCOPE / LOC_BIN_SIZE) * 2
MEAN_SIZE = jnp.array([1.52563191, 1.62856739, 3.8831164], dtype=jnp.float32)
NMS_PRE = 9000
NMS_POST = 512
PRE_N = [int(NMS_PRE * 0.7), NMS_PRE - int(NMS_PRE * 0.7)]
POST_N = [int(NMS_POST * 0.7), NMS_POST - int(NMS_POST * 0.7)]
RANGES = [(0.0, 40.0), (40.0, 80.0)]


def decode_bbox_target(roi, reg):
    pl = PER_LOC_BIN
    x_bin = jnp.argmax(reg[:, 0:pl], axis=1)
    z_bin = jnp.argmax(reg[:, pl:2 * pl], axis=1)
    pos_x = x_bin.astype(jnp.float32) * LOC_BIN_SIZE + LOC_BIN_SIZE / 2 - LOC_SCOPE
    pos_z = z_bin.astype(jnp.float32) * LOC_BIN_SIZE + LOC_BIN_SIZE / 2 - LOC_SCOPE
    x_res = jnp.take_along_axis(reg[:, 2 * pl:3 * pl], x_bin[:, None], axis=1)[:, 0] * LOC_BIN_SIZE
    z_res = jnp.take_along_axis(reg[:, 3 * pl:4 * pl], z_bin[:, None], axis=1)[:, 0] * LOC_BIN_SIZE
    pos_x = pos_x + x_res
    pos_z = pos_z + z_res
    off = 4 * pl
    pos_y = roi[:, 1] + reg[:, off]
    off = off + 1
    ry_bin = jnp.argmax(reg[:, off:off + NUM_HEAD_BIN], axis=1)
    ry_res_norm = jnp.take_along_axis(reg[:, off + NUM_HEAD_BIN:off + 2 * NUM_HEAD_BIN], ry_bin[:, None], axis=1)[:, 0]
    apc = 2.0 * np.pi / NUM_HEAD_BIN
    ry = (ry_bin.astype(jnp.float32) * apc + ry_res_norm * (apc / 2.0)) % (2.0 * np.pi)
    ry = jnp.where(ry > np.pi, ry - 2.0 * np.pi, ry)
    off = off + 2 * NUM_HEAD_BIN
    hwl = reg[:, off:off + 3] * MEAN_SIZE + MEAN_SIZE
    box = jnp.concatenate([pos_x[:, None], pos_y[:, None], pos_z[:, None], hwl, ry[:, None]], axis=1)
    box = box.at[:, 0].add(roi[:, 0])
    box = box.at[:, 2].add(roi[:, 2])
    return box


def _post_single(s, p):
    order = jnp.argsort(-s)
    so = s[order]
    po = p[order]
    dist = po[:, 2]
    boxes = []
    scs = []
    for (lo, hi), pre_n, post_n in zip(RANGES, PRE_N, POST_N):
        mask = (dist > lo) & (dist <= hi)
        within = mask & (jnp.cumsum(mask.astype(jnp.int32)) <= pre_n)
        ms = jnp.where(within, so, -jnp.inf)
        topv, topi = jax.lax.top_k(ms, post_n)
        boxes.append(po[topi])
        scs.append(topv)
    b = jnp.concatenate(boxes, axis=0)
    sc = jnp.concatenate(scs, axis=0)
    valid = jnp.isfinite(sc)
    return jnp.where(valid[:, None], b, 0.0), jnp.where(valid, sc, 0.0)


def _forward(rpn_scores, rpn_reg, xyz):
    B, N = rpn_scores.shape
    props = decode_bbox_target(xyz.reshape(-1, xyz.shape[-1]), rpn_reg.reshape(-1, rpn_reg.shape[-1]))
    props = props.reshape(B, N, 7)
    props = props.at[..., 1].add(props[..., 3] / 2.0)
    boxes, scores = jax.vmap(_post_single)(rpn_scores, props)
    return jnp.concatenate([boxes, scores[..., None]], axis=-1)


def setup_inputs(seed: int = 0):
    key = jax.random.key(seed)
    k1, k2, k3 = jax.random.split(key, 3)
    return {
        "rpn_scores": jax.random.normal(k1, (8, 20000), dtype=jnp.float32),
        "rpn_reg": jax.random.normal(k2, (8, 20000, 76), dtype=jnp.float32),
        "xyz": jax.random.normal(k3, (8, 20000, 3), dtype=jnp.float32),
    }


def reference(rpn_scores, rpn_reg, xyz):
    return _forward(rpn_scores, rpn_reg, xyz)

if __name__ == "__main__":
    import jax
    _d = setup_inputs()
    print(jax.jit(kernel)(*tuple(_d.values())))

</pallas_src>

<mosaic_0001>
#map = affine_map<(d0, d1) -> (0, 0)>
#map1 = affine_map<(d0, d1) -> (0, 0, 0)>
module attributes {stable_mosaic.version = 14 : i64} {
  func.func @_sc_body(%arg0: i32, %arg1: i32, %arg2: memref<8x20000xi32, #tpu.memory_space<hbm>>, %arg3: memref<8x20000xi32, #tpu.memory_space<hbm>>, %arg4: memref<8x160000xf32, #tpu.memory_space<hbm>>, %arg5: memref<8x2x4096xf32, #tpu.memory_space<hbm>>, %arg6: memref<20000xi32, #tpu.memory_space<vmem>>, %arg7: memref<2064xi32, #tpu.memory_space<vmem>>, %arg8: memref<544xi32, #tpu.memory_space<vmem>>, %arg9: memref<544xi32, #tpu.memory_space<vmem>>, %arg10: memref<400xi32, #tpu.memory_space<vmem>>, %arg11: memref<512xi32, #tpu.memory_space<vmem>>, %arg12: memref<4096xf32, #tpu.memory_space<vmem>>, %arg13: memref<80000xf32, #tpu.memory_space<vmem>>) attributes {dimension_semantics = [#tpu.dimension_semantics<core_parallel>, #tpu.dimension_semantics<subcore_parallel>], iteration_bounds = array<i64: 2, 16>, scalar_prefetch = 0 : i64, scratch_operands = 8 : i64, tpu.core_type = #tpu.core_type<sc_vector_subcore>, window_params = [{transform_indices = #map}, {transform_indices = #map}, {transform_indices = #map}, {transform_indices = #map1}]} {
    %iota3A = tpu.iota {dimensions = array<i32: 0>} : vector<16xi32>
    %broadcast_in_dim3A = arith.constant 1 : i32
    %broadcast_in_dim3A_0 = vector.broadcast %broadcast_in_dim3A : i32 to vector<16xi32>
    %mul3A = arith.constant 2 : i32
    %mul3A_1 = arith.muli %arg1, %mul3A : i32
    %add3A = arith.addi %mul3A_1, %arg0 : i32
    %lt3A = arith.constant 16 : i32
    %lt3A_2 = arith.cmpi slt, %add3A, %lt3A : i32
    %convert_element_type3A = arith.extui %lt3A_2 : i1 to i32
    %cond3A = arith.constant 0 : i32
    %cond3A_3 = arith.cmpi ne, %convert_element_type3A, %cond3A : i32
    scf.if %cond3A_3 {
      %jit3A = arith.constant 2 : i32
      %div3A = arith.divsi %add3A, %jit3A : i32
      %sign3A = arith.constant 0 : i32
      %sign3A_4 = arith.cmpi sgt, %add3A, %sign3A : i32
      %sign3A_5 = arith.extui %sign3A_4 : i1 to i32
      %sign3A_6 = arith.constant 0 : i32
      %sign3A_7 = arith.cmpi slt, %add3A, %sign3A_6 : i32
      %sign3A_8 = arith.extui %sign3A_7 : i1 to i32
      %sign3A_9 = arith.subi %sign3A_5, %sign3A_8 : i32
      %sign3A_10 = arith.constant 0 : i32
      %sign3A_11 = arith.cmpi sgt, %jit3A, %sign3A_10 : i32
      %sign3A_12 = arith.extui %sign3A_11 : i1 to i32
      %sign3A_13 = arith.constant 0 : i32
      %sign3A_14 = arith.cmpi slt, %jit3A, %sign3A_13 : i32
      %sign3A_15 = arith.extui %sign3A_14 : i1 to i32
      %sign3A_16 = arith.subi %sign3A_12, %sign3A_15 : i32
      %ne3A = arith.cmpi ne, %sign3A_9, %sign3A_16 : i32
      %rem3A = arith.remsi %add3A, %jit3A : i32
      %ne3A_17 = arith.constant 0 : i32
      %ne3A_18 = arith.cmpi ne, %rem3A, %ne3A_17 : i32
      %and3A = arith.andi %ne3A, %ne3A_18 : i1
      %sub3A = arith.constant 1 : i32
      %sub3A_19 = arith.subi %div3A, %sub3A : i32
      %select_n3A = arith.select %and3A, %sub3A_19, %div3A : i32
      %jit3A_20 = arith.constant 2 : i32
      %eq3A = arith.constant 0 : i32
      %eq3A_21 = arith.cmpi eq, %jit3A_20, %eq3A : i32
      %jit3A_22 = arith.constant 1 : i32
      %select_n3A_23 = arith.select %eq3A_21, %jit3A_22, %jit3A_20 : i32
      %rem3A_24 = arith.remsi %add3A, %select_n3A_23 : i32
      %ne3A_25 = arith.constant 0 : i32
      %ne3A_26 = arith.cmpi ne, %rem3A_24, %ne3A_25 : i32
      %lt3A_27 = arith.constant 0 : i32
      %lt3A_28 = arith.cmpi slt, %rem3A_24, %lt3A_27 : i32
      %lt3A_29 = arith.constant 0 : i32
      %lt3A_30 = arith.cmpi slt, %select_n3A_23, %lt3A_29 : i32
      %ne3A_31 = arith.xori %lt3A_28, %lt3A_30 : i1
      %and3A_32 = arith.andi %ne3A_31, %ne3A_26 : i1
      %add3A_33 = arith.addi %rem3A_24, %select_n3A_23 : i32
      %select_n3A_34 = arith.select %and3A_32, %add3A_33, %rem3A_24 : i32
      %eq3A_35 = arith.constant 0 : i32
      %eq3A_36 = arith.cmpi eq, %select_n3A_34, %eq3A_35 : i32
      %jit3A_37 = arith.constant 358 : i32
      %jit3A_38 = arith.constant 154 : i32
      %select_n3A_39 = arith.select %eq3A_36, %jit3A_37, %jit3A_38 : i32
      %eq3A_40 = arith.constant 0 : i32
      %eq3A_41 = arith.cmpi eq, %select_n3A_34, %eq3A_40 : i32
      %convert_element_type3A_42 = arith.extui %eq3A_41 : i1 to i32
      %cond3A_43 = arith.constant 0 : i32
      %cond3A_44 = arith.cmpi ne, %convert_element_type3A_42, %cond3A_43 : i32
      scf.if %cond3A_44 {
        "tpu.region"() ({
          %run_scoped3A = tpu.sem_alloc : memref<!tpu.dma_semaphore, #tpu.memory_space<semaphore_mem>>
          %dma_start3A = arith.constant 0 : i32
          %dma_start3A_325 = tpu.memref_slice %arg2[%select_n3A, %dma_start3A] : memref<8x20000xi32, #tpu.memory_space<hbm>> -> memref<1x20000xi32, #tpu.memory_space<hbm>>
          %dma_start3A_326 = tpu.memref_squeeze %dma_start3A_325 : memref<1x20000xi32, #tpu.memory_space<hbm>> -> memref<20000xi32, #tpu.memory_space<hbm>>
          %dma_start3A_327 = arith.constant 0 : i32
          %dma_start3A_328 = tpu.memref_slice %arg2[%select_n3A, %dma_start3A_327] : memref<8x20000xi32, #tpu.memory_space<hbm>> -> memref<1x20000xi32, #tpu.memory_space<hbm>>
          %dma_start3A_329 = tpu.memref_squeeze %dma_start3A_328 : memref<1x20000xi32, #tpu.memory_space<hbm>> -> memref<20000xi32, #tpu.memory_space<hbm>>
          tpu.enqueue_dma source(%dma_start3A_329 : memref<20000xi32, #tpu.memory_space<hbm>>) target(%arg6 : memref<20000xi32, #tpu.memory_space<vmem>>) target_semaphore(%run_scoped3A : memref<!tpu.dma_semaphore, #tpu.memory_space<semaphore_mem>>)
          %dma_wait3A = arith.constant 0 : i32
          %dma_wait3A_330 = tpu.memref_slice %arg2[%select_n3A, %dma_wait3A] : memref<8x20000xi32, #tpu.memory_space<hbm>> -> memref<1x20000xi32, #tpu.memory_space<hbm>>
          %dma_wait3A_331 = tpu.memref_squeeze %dma_wait3A_330 : memref<1x20000xi32, #tpu.memory_space<hbm>> -> memref<20000xi32, #tpu.memory_space<hbm>>
          %dma_wait3A_332 = arith.constant 0 : i32
          %dma_wait3A_333 = tpu.memref_slice %arg2[%select_n3A, %dma_wait3A_332] : memref<8x20000xi32, #tpu.memory_space<hbm>> -> memref<1x20000xi32, #tpu.memory_space<hbm>>
          %dma_wait3A_334 = tpu.memref_squeeze %dma_wait3A_333 : memref<1x20000xi32, #tpu.memory_space<hbm>> -> memref<20000xi32, #tpu.memory_space<hbm>>
          tpu.wait_dma2 semaphore(%run_scoped3A : memref<!tpu.dma_semaphore, #tpu.memory_space<semaphore_mem>>) src(%dma_wait3A_334 : memref<20000xi32, #tpu.memory_space<hbm>>) dst(%arg6 : memref<20000xi32, #tpu.memory_space<vmem>>)
          tpu.yield
        }) : () -> ()
      } else {
      }
      %eq3A_45 = arith.constant 1 : i32
      %eq3A_46 = arith.cmpi eq, %select_n3A_34, %eq3A_45 : i32
      %convert_element_type3A_47 = arith.extui %eq3A_46 : i1 to i32
      %cond3A_48 = arith.constant 0 : i32
      %cond3A_49 = arith.cmpi ne, %convert_element_type3A_47, %cond3A_48 : i32
      scf.if %cond3A_49 {
        "tpu.region"() ({
          %run_scoped3A = tpu.sem_alloc : memref<!tpu.dma_semaphore, #tpu.memory_space<semaphore_mem>>
          %dma_start3A = arith.constant 0 : i32
          %dma_start3A_325 = tpu.memref_slice %arg3[%select_n3A, %dma_start3A] : memref<8x20000xi32, #tpu.memory_space<hbm>> -> memref<1x20000xi32, #tpu.memory_space<hbm>>
          %dma_start3A_326 = tpu.memref_squeeze %dma_start3A_325 : memref<1x20000xi32, #tpu.memory_space<hbm>> -> memref<20000xi32, #tpu.memory_space<hbm>>
          %dma_start3A_327 = arith.constant 0 : i32
          %dma_start3A_328 = tpu.memref_slice %arg3[%select_n3A, %dma_start3A_327] : memref<8x20000xi32, #tpu.memory_space<hbm>> -> memref<1x20000xi32, #tpu.memory_space<hbm>>
          %dma_start3A_329 = tpu.memref_squeeze %dma_start3A_328 : memref<1x20000xi32, #tpu.memory_space<hbm>> -> memref<20000xi32, #tpu.memory_space<hbm>>
          tpu.enqueue_dma source(%dma_start3A_329 : memref<20000xi32, #tpu.memory_space<hbm>>) target(%arg6 : memref<20000xi32, #tpu.memory_space<vmem>>) target_semaphore(%run_scoped3A : memref<!tpu.dma_semaphore, #tpu.memory_space<semaphore_mem>>)
          %dma_wait3A = arith.constant 0 : i32
          %dma_wait3A_330 = tpu.memref_slice %arg3[%select_n3A, %dma_wait3A] : memref<8x20000xi32, #tpu.memory_space<hbm>> -> memref<1x20000xi32, #tpu.memory_space<hbm>>
          %dma_wait3A_331 = tpu.memref_squeeze %dma_wait3A_330 : memref<1x20000xi32, #tpu.memory_space<hbm>> -> memref<20000xi32, #tpu.memory_space<hbm>>
          %dma_wait3A_332 = arith.constant 0 : i32
          %dma_wait3A_333 = tpu.memref_slice %arg3[%select_n3A, %dma_wait3A_332] : memref<8x20000xi32, #tpu.memory_space<hbm>> -> memref<1x20000xi32, #tpu.memory_space<hbm>>
          %dma_wait3A_334 = tpu.memref_squeeze %dma_wait3A_333 : memref<1x20000xi32, #tpu.memory_space<hbm>> -> memref<20000xi32, #tpu.memory_space<hbm>>
          tpu.wait_dma2 semaphore(%run_scoped3A : memref<!tpu.dma_semaphore, #tpu.memory_space<semaphore_mem>>) src(%dma_wait3A_334 : memref<20000xi32, #tpu.memory_space<hbm>>) dst(%arg6 : memref<20000xi32, #tpu.memory_space<vmem>>)
          tpu.yield
        }) : () -> ()
      } else {
      }
      %scan3A = arith.constant 0 : i32
      %scan3A_50 = arith.constant 0 : i32
      %scan3A_51 = arith.constant 128 : i32
      %scan3A_52 = arith.addi %scan3A_50, %scan3A_51 : i32
      %scan3A_53 = arith.constant 1 : i32
      scf.for %scan3A_325 = %scan3A_50 to %scan3A_52 step %scan3A_53  : i32 {
        %broadcast_in_dim3A_326 = arith.constant 0 : i32
        %broadcast_in_dim3A_327 = vector.broadcast %broadcast_in_dim3A_326 : i32 to vector<16xi32>
        %mul3A_328 = arith.constant 16 : i32
        %mul3A_329 = arith.muli %scan3A_325, %mul3A_328 : i32
        %swap3A = arith.index_cast %mul3A_329 : i32 to index
        %swap3A_330 = tpu.vector_load %arg7[%swap3A] {strides = array<i32>} : memref<2064xi32, #tpu.memory_space<vmem>>, vector<16xi32>,
        tpu.vector_store %arg7[%swap3A], %broadcast_in_dim3A_327 {strides = array<i32>} : memref<2064xi32, #tpu.memory_space<vmem>>, vector<16xi32>,
      }
      %scan3A_54 = arith.constant 128 : i32
      %scan3A_55 = arith.constant 0 : i32
      %scan3A_56 = arith.constant 0 : i32
      %scan3A_57 = arith.constant 1250 : i32
      %scan3A_58 = arith.addi %scan3A_56, %scan3A_57 : i32
      %scan3A_59 = arith.constant 1 : i32
      scf.for %scan3A_325 = %scan3A_56 to %scan3A_58 step %scan3A_59  : i32 {
        %mul3A_326 = arith.constant 16 : i32
        %mul3A_327 = arith.muli %scan3A_325, %mul3A_326 : i32
        %get3A = arith.index_cast %mul3A_327 : i32 to index
        %get3A_328 = tpu.vector_load %arg6[%get3A] {strides = array<i32>} : memref<20000xi32, #tpu.memory_space<vmem>>, vector<16xi32>,
        %eq3A_329 = arith.cmpi eq, %get3A_328, %get3A_328 : vector<16xi32>
        %shift_right_arithmetic3A = arith.constant 21 : i32
        %shift_right_arithmetic3A_330 = vector.broadcast %shift_right_arithmetic3A : i32 to vector<16xi32>
        %shift_right_arithmetic3A_331 = arith.shrsi %get3A_328, %shift_right_arithmetic3A_330 : vector<16xi32>
        %add3A_332 = arith.constant 1024 : i32
        %add3A_333 = vector.broadcast %add3A_332 : i32 to vector<16xi32>
        %add3A_334 = arith.addi %shift_right_arithmetic3A_331, %add3A_333 : vector<16xi32>
        %jit3A_335 = arith.constant 2048 : i32
        %broadcast_in_dim3A_336 = vector.broadcast %jit3A_335 : i32 to vector<16xi32>
        %select_n3A_337 = arith.select %eq3A_329, %add3A_334, %broadcast_in_dim3A_336 : vector<16xi1>, vector<16xi32>
        tpu.vector_store_idx %arg7[%select_n3A_337], %broadcast_in_dim3A_0 {add = true} : memref<2064xi32, #tpu.memory_space<vmem>>[vector<16xi32>], vector<16xi32>,
      }
      %scan3A_60 = arith.constant 1250 : i32
      %scan3A_61 = arith.constant 0 : i32
      %scan3A_62 = arith.constant -1 : i32
      %scan3A_63 = arith.constant 0 : i32
      %scan3A_64 = arith.constant 0 : i32
      %scan3A_65 = arith.constant 128 : i32
      %scan3A_66 = arith.addi %scan3A_64, %scan3A_65 : i32
      %scan3A_67 = arith.constant 1 : i32
      %scan3A_68:3 = scf.for %scan3A_325 = %scan3A_64 to %scan3A_66 step %scan3A_67 iter_args(%scan3A_326 = %scan3A_61, %scan3A_327 = %scan3A_62, %scan3A_328 = %scan3A_63) -> (i32, i32, i32)  : i32 {
        %mul3A_329 = arith.constant 16 : i32
        %mul3A_330 = arith.muli %scan3A_325, %mul3A_329 : i32
        %get3A = arith.index_cast %mul3A_330 : i32 to index
        %get3A_331 = tpu.vector_load %arg7[%get3A] {strides = array<i32>} : memref<2064xi32, #tpu.memory_space<vmem>>, vector<16xi32>,
        %reduce_sum3A = arith.constant true
        %reduce_sum3A_332 = vector.broadcast %reduce_sum3A : i1 to vector<16xi1>
        %reduce_sum3A_333 = tpu.scan <sum>, %get3A_331 masked %reduce_sum3A_332 : vector<16xi32>, vector<16xi1> -> vector<16xi32>
        %reduce_sum3A_334 = vector.extract %reduce_sum3A_333[15] : i32 from vector<16xi32>
        %lt3A_335 = arith.constant 0 : i32
        %lt3A_336 = arith.cmpi slt, %scan3A_327, %lt3A_335 : i32
        %add3A_337 = arith.addi %scan3A_326, %reduce_sum3A_334 : i32
        %ge3A = arith.cmpi sge, %add3A_337, %select_n3A_39 : i32
        %and3A_338 = arith.andi %lt3A_336, %ge3A : i1
        %select_n3A_339 = arith.select %and3A_338, %scan3A_325, %scan3A_327 : i32
        %select_n3A_340 = arith.select %and3A_338, %scan3A_326, %scan3A_328 : i32
        %add3A_341 = arith.addi %scan3A_326, %reduce_sum3A_334 : i32
        scf.yield %add3A_341, %select_n3A_339, %select_n3A_340 : i32, i32, i32
      }
      %scan3A_69 = arith.constant 128 : i32
      %scan3A_70 = arith.constant 0 : i32
      %scan3A_71 = arith.constant 0 : i32
      %scan3A_72 = arith.constant 0 : i32
      %scan3A_73 = arith.constant 128 : i32
      %scan3A_74 = arith.addi %scan3A_72, %scan3A_73 : i32
      %scan3A_75 = arith.constant 1 : i32
      %scan3A_76:2 = scf.for %scan3A_325 = %scan3A_72 to %scan3A_74 step %scan3A_75 iter_args(%scan3A_326 = %scan3A_70, %scan3A_327 = %scan3A_71) -> (i32, i32)  : i32 {
        %mul3A_328 = arith.constant 16 : i32
        %mul3A_329 = arith.muli %scan3A_325, %mul3A_328 : i32
        %get3A = arith.index_cast %mul3A_329 : i32 to index
        %get3A_330 = tpu.vector_load %arg7[%get3A] {strides = array<i32>} : memref<2064xi32, #tpu.memory_space<vmem>>, vector<16xi32>,
        %eq3A_331 = arith.constant 0 : i32
        %eq3A_332 = vector.broadcast %eq3A_331 : i32 to vector<16xi32>
        %eq3A_333 = arith.cmpi eq, %iota3A, %eq3A_332 : vector<16xi32>
        %jit3A_334 = arith.constant 0 : i32
        %broadcast_in_dim3A_335 = vector.broadcast %jit3A_334 : i32 to vector<16xi32>
        %select_n3A_336 = arith.select %eq3A_333, %get3A_330, %broadcast_in_dim3A_335 : vector<16xi1>, vector<16xi32>
        %reduce_sum3A = arith.constant true
        %reduce_sum3A_337 = vector.broadcast %reduce_sum3A : i1 to vector<16xi1>
        %reduce_sum3A_338 = tpu.scan <sum>, %select_n3A_336 masked %reduce_sum3A_337 : vector<16xi32>, vector<16xi1> -> vector<16xi32>
        %reduce_sum3A_339 = vector.extract %reduce_sum3A_338[15] : i32 from vector<16xi32>
        %eq3A_340 = arith.constant 1 : i32
        %eq3A_341 = vector.broadcast %eq3A_340 : i32 to vector<16xi32>
        %eq3A_342 = arith.cmpi eq, %iota3A, %eq3A_341 : vector<16xi32>
        %jit3A_343 = arith.constant 0 : i32
        %broadcast_in_dim3A_344 = vector.broadcast %jit3A_343 : i32 to vector<16xi32>
        %select_n3A_345 = arith.select %eq3A_342, %get3A_330, %broadcast_in_dim3A_344 : vector<16xi1>, vector<16xi32>
        %reduce_sum3A_346 = arith.constant true
        %reduce_sum3A_347 = vector.broadcast %reduce_sum3A_346 : i1 to vector<16xi1>
        %reduce_sum3A_348 = tpu.scan <sum>, %select_n3A_345 masked %reduce_sum3A_347 : vector<16xi32>, vector<16xi1> -> vector<16xi32>
        %reduce_sum3A_349 = vector.extract %reduce_sum3A_348[15] : i32 from vector<16xi32>
        %eq3A_350 = arith.constant 2 : i32
        %eq3A_351 = vector.broadcast %eq3A_350 : i32 to vector<16xi32>
        %eq3A_352 = arith.cmpi eq, %iota3A, %eq3A_351 : vector<16xi32>
        %jit3A_353 = arith.constant 0 : i32
        %broadcast_in_dim3A_354 = vector.broadcast %jit3A_353 : i32 to vector<16xi32>
        %select_n3A_355 = arith.select %eq3A_352, %get3A_330, %broadcast_in_dim3A_354 : vector<16xi1>, vector<16xi32>
        %reduce_sum3A_356 = arith.constant true
        %reduce_sum3A_357 = vector.broadcast %reduce_sum3A_356 : i1 to vector<16xi1>
        %reduce_sum3A_358 = tpu.scan <sum>, %select_n3A_355 masked %reduce_sum3A_357 : vector<16xi32>, vector<16xi1> -> vector<16xi32>
        %reduce_sum3A_359 = vector.extract %reduce_sum3A_358[15] : i32 from vector<16xi32>
        %eq3A_360 = arith.constant 3 : i32
        %eq3A_361 = vector.broadcast %eq3A_360 : i32 to vector<16xi32>
        %eq3A_362 = arith.cmpi eq, %iota3A, %eq3A_361 : vector<16xi32>
        %jit3A_363 = arith.constant 0 : i32
        %broadcast_in_dim3A_364 = vector.broadcast %jit3A_363 : i32 to vector<16xi32>
        %select_n3A_365 = arith.select %eq3A_362, %get3A_330, %broadcast_in_dim3A_364 : vector<16xi1>, vector<16xi32>
        %reduce_sum3A_366 = arith.constant true
        %reduce_sum3A_367 = vector.broadcast %reduce_sum3A_366 : i1 to vector<16xi1>
        %reduce_sum3A_368 = tpu.scan <sum>, %select_n3A_365 masked %reduce_sum3A_367 : vector<16xi32>, vector<16xi1> -> vector<16xi32>
        %reduce_sum3A_369 = vector.extract %reduce_sum3A_368[15] : i32 from vector<16xi32>
        %eq3A_370 = arith.constant 4 : i32
        %eq3A_371 = vector.broadcast %eq3A_370 : i32 to vector<16xi32>
        %eq3A_372 = arith.cmpi eq, %iota3A, %eq3A_371 : vector<16xi32>
        %jit3A_373 = arith.constant 0 : i32
        %broadcast_in_dim3A_374 = vector.broadcast %jit3A_373 : i32 to vector<16xi32>
        %select_n3A_375 = arith.select %eq3A_372, %get3A_330, %broadcast_in_dim3A_374 : vector<16xi1>, vector<16xi32>
        %reduce_sum3A_376 = arith.constant true
        %reduce_sum3A_377 = vector.broadcast %reduce_sum3A_376 : i1 to vector<16xi1>
        %reduce_sum3A_378 = tpu.scan <sum>, %select_n3A_375 masked %reduce_sum3A_377 : vector<16xi32>, vector<16xi1> -> vector<16xi32>
        %reduce_sum3A_379 = vector.extract %reduce_sum3A_378[15] : i32 from vector<16xi32>
        %eq3A_380 = arith.constant 5 : i32
        %eq3A_381 = vector.broadcast %eq3A_380 : i32 to vector<16xi32>
        %eq3A_382 = arith.cmpi eq, %iota3A, %eq3A_381 : vector<16xi32>
        %jit3A_383 = arith.constant 0 : i32
        %broadcast_in_dim3A_384 = vector.broadcast %jit3A_383 : i32 to vector<16xi32>
        %select_n3A_385 = arith.select %eq3A_382, %get3A_330, %broadcast_in_dim3A_384 : vector<16xi1>, vector<16xi32>
        %reduce_sum3A_386 = arith.constant true
        %reduce_sum3A_387 = vector.broadcast %reduce_sum3A_386 : i1 to vector<16xi1>
        %reduce_sum3A_388 = tpu.scan <sum>, %select_n3A_385 masked %reduce_sum3A_387 : vector<16xi32>, vector<16xi1> -> vector<16xi32>
        %reduce_sum3A_389 = vector.extract %reduce_sum3A_388[15] : i32 from vector<16xi32>
        %eq3A_390 = arith.constant 6 : i32
        %eq3A_391 = vector.broadcast %eq3A_390 : i32 to vector<16xi32>
        %eq3A_392 = arith.cmpi eq, %iota3A, %eq3A_391 : vector<16xi32>
        %jit3A_393 = arith.constant 0 : i32
        %broadcast_in_dim3A_394 = vector.broadcast %jit3A_393 : i32 to vector<16xi32>
        %select_n3A_395 = arith.select %eq3A_392, %get3A_330, %broadcast_in_dim3A_394 : vector<16xi1>, vector<16xi32>
        %reduce_sum3A_396 = arith.constant true
        %reduce_sum3A_397 = vector.broadcast %reduce_sum3A_396 : i1 to vector<16xi1>
        %reduce_sum3A_398 = tpu.scan <sum>, %select_n3A_395 masked %reduce_sum3A_397 : vector<16xi32>, vector<16xi1> -> vector<16xi32>
        %reduce_sum3A_399 = vector.extract %reduce_sum3A_398[15] : i32 from vector<16xi32>
        %eq3A_400 = arith.constant 7 : i32
        %eq3A_401 = vector.broadcast %eq3A_400 : i32 to vector<16xi32>
        %eq3A_402 = arith.cmpi eq, %iota3A, %eq3A_401 : vector<16xi32>
        %jit3A_403 = arith.constant 0 : i32
        %broadcast_in_dim3A_404 = vector.broadcast %jit3A_403 : i32 to vector<16xi32>
        %select_n3A_405 = arith.select %eq3A_402, %get3A_330, %broadcast_in_dim3A_404 : vector<16xi1>, vector<16xi32>
        %reduce_sum3A_406 = arith.constant true
        %reduce_sum3A_407 = vector.broadcast %reduce_sum3A_406 : i1 to vector<16xi1>
        %reduce_sum3A_408 = tpu.scan <sum>, %select_n3A_405 masked %reduce_sum3A_407 : vector<16xi32>, vector<16xi1> -> vector<16xi32>
        %reduce_sum3A_409 = vector.extract %reduce_sum3A_408[15] : i32 from vector<16xi32>
        %eq3A_410 = arith.constant 8 : i32
        %eq3A_411 = vector.broadcast %eq3A_410 : i32 to vector<16xi32>
        %eq3A_412 = arith.cmpi eq, %iota3A, %eq3A_411 : vector<16xi32>
        %jit3A_413 = arith.constant 0 : i32
        %broadcast_in_dim3A_414 = vector.broadcast %jit3A_413 : i32 to vector<16xi32>
        %select_n3A_415 = arith.select %eq3A_412, %get3A_330, %broadcast_in_dim3A_414 : vector<16xi1>, vector<16xi32>
        %reduce_sum3A_416 = arith.constant true
        %reduce_sum3A_417 = vector.broadcast %reduce_sum3A_416 : i1 to vector<16xi1>
        %reduce_sum3A_418 = tpu.scan <sum>, %select_n3A_415 masked %reduce_sum3A_417 : vector<16xi32>, vector<16xi1> -> vector<16xi32>
        %reduce_sum3A_419 = vector.extract %reduce_sum3A_418[15] : i32 from vector<16xi32>
        %eq3A_420 = arith.constant 9 : i32
        %eq3A_421 = vector.broadcast %eq3A_420 : i32 to vector<16xi32>
        %eq3A_422 = arith.cmpi eq, %iota3A, %eq3A_421 : vector<16xi32>
        %jit3A_423 = arith.constant 0 : i32
        %broadcast_in_dim3A_424 = vector.broadcast %jit3A_423 : i32 to vector<16xi32>
        %select_n3A_425 = arith.select %eq3A_422, %get3A_330, %broadcast_in_dim3A_424 : vector<16xi1>, vector<16xi32>
        %reduce_sum3A_426 = arith.constant true
        %reduce_sum3A_427 = vector.broadcast %reduce_sum3A_426 : i1 to vector<16xi1>
        %reduce_sum3A_428 = tpu.scan <sum>, %select_n3A_425 masked %reduce_sum3A_427 : vector<16xi32>, vector<16xi1> -> vector<16xi32>
        %reduce_sum3A_429 = vector.extract %reduce_sum3A_428[15] : i32 from vector<16xi32>
        %eq3A_430 = arith.constant 10 : i32
        %eq3A_431 = vector.broadcast %eq3A_430 : i32 to vector<16xi32>
        %eq3A_432 = arith.cmpi eq, %iota3A, %eq3A_431 : vector<16xi32>
        %jit3A_433 = arith.constant 0 : i32
        %broadcast_in_dim3A_434 = vector.broadcast %jit3A_433 : i32 to vector<16xi32>
        %select_n3A_435 = arith.select %eq3A_432, %get3A_330, %broadcast_in_dim3A_434 : vector<16xi1>, vector<16xi32>
        %reduce_sum3A_436 = arith.constant true
        %reduce_sum3A_437 = vector.broadcast %reduce_sum3A_436 : i1 to vector<16xi1>
        %reduce_sum3A_438 = tpu.scan <sum>, %select_n3A_435 masked %reduce_sum3A_437 : vector<16xi32>, vector<16xi1> -> vector<16xi32>
        %reduce_sum3A_439 = vector.extract %reduce_sum3A_438[15] : i32 from vector<16xi32>
        %eq3A_440 = arith.constant 11 : i32
        %eq3A_441 = vector.broadcast %eq3A_440 : i32 to vector<16xi32>
        %eq3A_442 = arith.cmpi eq, %iota3A, %eq3A_441 : vector<16xi32>
        %jit3A_443 = arith.constant 0 : i32
        %broadcast_in_dim3A_444 = vector.broadcast %jit3A_443 : i32 to vector<16xi32>
        %select_n3A_445 = arith.select %eq3A_442, %get3A_330, %broadcast_in_dim3A_444 : vector<16xi1>, vector<16xi32>
        %reduce_sum3A_446 = arith.constant true
        %reduce_sum3A_447 = vector.broadcast %reduce_sum3A_446 : i1 to vector<16xi1>
        %reduce_sum3A_448 = tpu.scan <sum>, %select_n3A_445 masked %reduce_sum3A_447 : vector<16xi32>, vector<16xi1> -> vector<16xi32>
        %reduce_sum3A_449 = vector.extract %reduce_sum3A_448[15] : i32 from vector<16xi32>
        %eq3A_450 = arith.constant 12 : i32
        %eq3A_451 = vector.broadcast %eq3A_450 : i32 to vector<16xi32>
        %eq3A_452 = arith.cmpi eq, %iota3A, %eq3A_451 : vector<16xi32>
        %jit3A_453 = arith.constant 0 : i32
        %broadcast_in_dim3A_454 = vector.broadcast %jit3A_453 : i32 to vector<16xi32>
        %select_n3A_455 = arith.select %eq3A_452, %get3A_330, %broadcast_in_dim3A_454 : vector<16xi1>, vector<16xi32>
        %reduce_sum3A_456 = arith.constant true
        %reduce_sum3A_457 = vector.broadcast %reduce_sum3A_456 : i1 to vector<16xi1>
        %reduce_sum3A_458 = tpu.scan <sum>, %select_n3A_455 masked %reduce_sum3A_457 : vector<16xi32>, vector<16xi1> -> vector<16xi32>
        %reduce_sum3A_459 = vector.extract %reduce_sum3A_458[15] : i32 from vector<16xi32>
        %eq3A_460 = arith.constant 13 : i32
        %eq3A_461 = vector.broadcast %eq3A_460 : i32 to vector<16xi32>
        %eq3A_462 = arith.cmpi eq, %iota3A, %eq3A_461 : vector<16xi32>
        %jit3A_463 = arith.constant 0 : i32
        %broadcast_in_dim3A_464 = vector.broadcast %jit3A_463 : i32 to vector<16xi32>
        %select_n3A_465 = arith.select %eq3A_462, %get3A_330, %broadcast_in_dim3A_464 : vector<16xi1>, vector<16xi32>
        %reduce_sum3A_466 = arith.constant true
        %reduce_sum3A_467 = vector.broadcast %reduce_sum3A_466 : i1 to vector<16xi1>
        %reduce_sum3A_468 = tpu.scan <sum>, %select_n3A_465 masked %reduce_sum3A_467 : vector<16xi32>, vector<16xi1> -> vector<16xi32>
        %reduce_sum3A_469 = vector.extract %reduce_sum3A_468[15] : i32 from vector<16xi32>
        %eq3A_470 = arith.constant 14 : i32
        %eq3A_471 = vector.broadcast %eq3A_470 : i32 to vector<16xi32>
        %eq3A_472 = arith.cmpi eq, %iota3A, %eq3A_471 : vector<16xi32>
        %jit3A_473 = arith.constant 0 : i32
        %broadcast_in_dim3A_474 = vector.broadcast %jit3A_473 : i32 to vector<16xi32>
        %select_n3A_475 = arith.select %eq3A_472, %get3A_330, %broadcast_in_dim3A_474 : vector<16xi1>, vector<16xi32>
        %reduce_sum3A_476 = arith.constant true
        %reduce_sum3A_477 = vector.broadcast %reduce_sum3A_476 : i1 to vector<16xi1>
        %reduce_sum3A_478 = tpu.scan <sum>, %select_n3A_475 masked %reduce_sum3A_477 : vector<16xi32>, vector<16xi1> -> vector<16xi32>
        %reduce_sum3A_479 = vector.extract %reduce_sum3A_478[15] : i32 from vector<16xi32>
        %eq3A_480 = arith.constant 15 : i32
        %eq3A_481 = vector.broadcast %eq3A_480 : i32 to vector<16xi32>
        %eq3A_482 = arith.cmpi eq, %iota3A, %eq3A_481 : vector<16xi32>
        %jit3A_483 = arith.constant 0 : i32
        %broadcast_in_dim3A_484 = vector.broadcast %jit3A_483 : i32 to vector<16xi32>
        %select_n3A_485 = arith.select %eq3A_482, %get3A_330, %broadcast_in_dim3A_484 : vector<16xi1>, vector<16xi32>
        %reduce_sum3A_486 = arith.constant true
        %reduce_sum3A_487 = vector.broadcast %reduce_sum3A_486 : i1 to vector<16xi1>
        %reduce_sum3A_488 = tpu.scan <sum>, %select_n3A_485 masked %reduce_sum3A_487 : vector<16xi32>, vector<16xi1> -> vector<16xi32>
        %reduce_sum3A_489 = vector.extract %reduce_sum3A_488[15] : i32 from vector<16xi32>
        %add3A_490 = arith.addi %scan3A_68#2, %reduce_sum3A_339 : i32
        %lt3A_491 = arith.cmpi slt, %add3A_490, %select_n3A_39 : i32
        %jit3A_492 = arith.constant 1 : i32
        %jit3A_493 = arith.constant 0 : i32
        %select_n3A_494 = arith.select %lt3A_491, %jit3A_492, %jit3A_493 : i32
        %add3A_495 = arith.constant 0 : i32
        %add3A_496 = arith.addi %add3A_495, %select_n3A_494 : i32
        %add3A_497 = arith.addi %add3A_490, %reduce_sum3A_349 : i32
        %lt3A_498 = arith.cmpi slt, %add3A_497, %select_n3A_39 : i32
        %jit3A_499 = arith.constant 1 : i32
        %jit3A_500 = arith.constant 0 : i32
        %select_n3A_501 = arith.select %lt3A_498, %jit3A_499, %jit3A_500 : i32
        %add3A_502 = arith.addi %add3A_496, %select_n3A_501 : i32
        %add3A_503 = arith.addi %add3A_497, %reduce_sum3A_359 : i32
        %lt3A_504 = arith.cmpi slt, %add3A_503, %select_n3A_39 : i32
        %jit3A_505 = arith.constant 1 : i32
        %jit3A_506 = arith.constant 0 : i32
        %select_n3A_507 = arith.select %lt3A_504, %jit3A_505, %jit3A_506 : i32
        %add3A_508 = arith.addi %add3A_502, %select_n3A_507 : i32
        %add3A_509 = arith.addi %add3A_503, %reduce_sum3A_369 : i32
        %lt3A_510 = arith.cmpi slt, %add3A_509, %select_n3A_39 : i32
        %jit3A_511 = arith.constant 1 : i32
        %jit3A_512 = arith.constant 0 : i32
        %select_n3A_513 = arith.select %lt3A_510, %jit3A_511, %jit3A_512 : i32
        %add3A_514 = arith.addi %add3A_508, %select_n3A_513 : i32
        %add3A_515 = arith.addi %add3A_509, %reduce_sum3A_379 : i32
        %lt3A_516 = arith.cmpi slt, %add3A_515, %select_n3A_39 : i32
        %jit3A_517 = arith.constant 1 : i32
        %jit3A_518 = arith.constant 0 : i32
        %select_n3A_519 = arith.select %lt3A_516, %jit3A_517, %jit3A_518 : i32
        %add3A_520 = arith.addi %add3A_514, %select_n3A_519 : i32
        %add3A_521 = arith.addi %add3A_515, %reduce_sum3A_389 : i32
        %lt3A_522 = arith.cmpi slt, %add3A_521, %select_n3A_39 : i32
        %jit3A_523 = arith.constant 1 : i32
        %jit3A_524 = arith.constant 0 : i32
        %select_n3A_525 = arith.select %lt3A_522, %jit3A_523, %jit3A_524 : i32
        %add3A_526 = arith.addi %add3A_520, %select_n3A_525 : i32
        %add3A_527 = arith.addi %add3A_521, %reduce_sum3A_399 : i32
        %lt3A_528 = arith.cmpi slt, %add3A_527, %select_n3A_39 : i32
        %jit3A_529 = arith.constant 1 : i32
        %jit3A_530 = arith.constant 0 : i32
        %select_n3A_531 = arith.select %lt3A_528, %jit3A_529, %jit3A_530 : i32
        %add3A_532 = arith.addi %add3A_526, %select_n3A_531 : i32
        %add3A_533 = arith.addi %add3A_527, %reduce_sum3A_409 : i32
        %lt3A_534 = arith.cmpi slt, %add3A_533, %select_n3A_39 : i32
        %jit3A_535 = arith.constant 1 : i32
        %jit3A_536 = arith.constant 0 : i32
        %select_n3A_537 = arith.select %lt3A_534, %jit3A_535, %jit3A_536 : i32
        %add3A_538 = arith.addi %add3A_532, %select_n3A_537 : i32
        %add3A_539 = arith.addi %add3A_533, %reduce_sum3A_419 : i32
        %lt3A_540 = arith.cmpi slt, %add3A_539, %select_n3A_39 : i32
        %jit3A_541 = arith.constant 1 : i32
        %jit3A_542 = arith.constant 0 : i32
        %select_n3A_543 = arith.select %lt3A_540, %jit3A_541, %jit3A_542 : i32
        %add3A_544 = arith.addi %add3A_538, %select_n3A_543 : i32
        %add3A_545 = arith.addi %add3A_539, %reduce_sum3A_429 : i32
        %lt3A_546 = arith.cmpi slt, %add3A_545, %select_n3A_39 : i32
        %jit3A_547 = arith.constant 1 : i32
        %jit3A_548 = arith.constant 0 : i32
        %select_n3A_549 = arith.select %lt3A_546, %jit3A_547, %jit3A_548 : i32
        %add3A_550 = arith.addi %add3A_544, %select_n3A_549 : i32
        %add3A_551 = arith.addi %add3A_545, %reduce_sum3A_439 : i32
        %lt3A_552 = arith.cmpi slt, %add3A_551, %select_n3A_39 : i32
        %jit3A_553 = arith.constant 1 : i32
        %jit3A_554 = arith.constant 0 : i32
        %select_n3A_555 = arith.select %lt3A_552, %jit3A_553, %jit3A_554 : i32
        %add3A_556 = arith.addi %add3A_550, %select_n3A_555 : i32
        %add3A_557 = arith.addi %add3A_551, %reduce_sum3A_449 : i32
        %lt3A_558 = arith.cmpi slt, %add3A_557, %select_n3A_39 : i32
        %jit3A_559 = arith.constant 1 : i32
        %jit3A_560 = arith.constant 0 : i32
        %select_n3A_561 = arith.select %lt3A_558, %jit3A_559, %jit3A_560 : i32
        %add3A_562 = arith.addi %add3A_556, %select_n3A_561 : i32
        %add3A_563 = arith.addi %add3A_557, %reduce_sum3A_459 : i32
        %lt3A_564 = arith.cmpi slt, %add3A_563, %select_n3A_39 : i32
        %jit3A_565 = arith.constant 1 : i32
        %jit3A_566 = arith.constant 0 : i32
        %select_n3A_567 = arith.select %lt3A_564, %jit3A_565, %jit3A_566 : i32
        %add3A_568 = arith.addi %add3A_562, %select_n3A_567 : i32
        %add3A_569 = arith.addi %add3A_563, %reduce_sum3A_469 : i32
        %lt3A_570 = arith.cmpi slt, %add3A_569, %select_n3A_39 : i32
        %jit3A_571 = arith.constant 1 : i32
        %jit3A_572 = arith.constant 0 : i32
        %select_n3A_573 = arith.select %lt3A_570, %jit3A_571, %jit3A_572 : i32
        %add3A_574 = arith.addi %add3A_568, %select_n3A_573 : i32
        %add3A_575 = arith.addi %add3A_569, %reduce_sum3A_479 : i32
        %lt3A_576 = arith.cmpi slt, %add3A_575, %select_n3A_39 : i32
        %jit3A_577 = arith.constant 1 : i32
        %jit3A_578 = arith.constant 0 : i32
        %select_n3A_579 = arith.select %lt3A_576, %jit3A_577, %jit3A_578 : i32
        %add3A_580 = arith.addi %add3A_574, %select_n3A_579 : i32
        %add3A_581 = arith.addi %add3A_575, %reduce_sum3A_489 : i32
        %lt3A_582 = arith.cmpi slt, %add3A_581, %select_n3A_39 : i32
        %jit3A_583 = arith.constant 1 : i32
        %jit3A_584 = arith.constant 0 : i32
        %select_n3A_585 = arith.select %lt3A_582, %jit3A_583, %jit3A_584 : i32
        %add3A_586 = arith.addi %add3A_580, %select_n3A_585 : i32
        %lt3A_587 = arith.constant 0 : i32
        %lt3A_588 = arith.cmpi slt, %lt3A_587, %add3A_586 : i32
        %jit3A_589 = arith.constant 0 : i32
        %select_n3A_590 = arith.select %lt3A_588, %reduce_sum3A_339, %jit3A_589 : i32
        %add3A_591 = arith.addi %scan3A_68#2, %select_n3A_590 : i32
        %lt3A_592 = arith.constant 1 : i32
        %lt3A_593 = arith.cmpi slt, %lt3A_592, %add3A_586 : i32
        %jit3A_594 = arith.constant 0 : i32
        %select_n3A_595 = arith.select %lt3A_593, %reduce_sum3A_349, %jit3A_594 : i32
        %add3A_596 = arith.addi %add3A_591, %select_n3A_595 : i32
        %lt3A_597 = arith.constant 2 : i32
        %lt3A_598 = arith.cmpi slt, %lt3A_597, %add3A_586 : i32
        %jit3A_599 = arith.constant 0 : i32
        %select_n3A_600 = arith.select %lt3A_598, %reduce_sum3A_359, %jit3A_599 : i32
        %add3A_601 = arith.addi %add3A_596, %select_n3A_600 : i32
        %lt3A_602 = arith.constant 3 : i32
        %lt3A_603 = arith.cmpi slt, %lt3A_602, %add3A_586 : i32
        %jit3A_604 = arith.constant 0 : i32
        %select_n3A_605 = arith.select %lt3A_603, %reduce_sum3A_369, %jit3A_604 : i32
        %add3A_606 = arith.addi %add3A_601, %select_n3A_605 : i32
        %lt3A_607 = arith.constant 4 : i32
        %lt3A_608 = arith.cmpi slt, %lt3A_607, %add3A_586 : i32
        %jit3A_609 = arith.constant 0 : i32
        %select_n3A_610 = arith.select %lt3A_608, %reduce_sum3A_379, %jit3A_609 : i32
        %add3A_611 = arith.addi %add3A_606, %select_n3A_610 : i32
        %lt3A_612 = arith.constant 5 : i32
        %lt3A_613 = arith.cmpi slt, %lt3A_612, %add3A_586 : i32
        %jit3A_614 = arith.constant 0 : i32
        %select_n3A_615 = arith.select %lt3A_613, %reduce_sum3A_389, %jit3A_614 : i32
        %add3A_616 = arith.addi %add3A_611, %select_n3A_615 : i32
        %lt3A_617 = arith.constant 6 : i32
        %lt3A_618 = arith.cmpi slt, %lt3A_617, %add3A_586 : i32
        %jit3A_619 = arith.constant 0 : i32
        %select_n3A_620 = arith.select %lt3A_618, %reduce_sum3A_399, %jit3A_619 : i32
        %add3A_621 = arith.addi %add3A_616, %select_n3A_620 : i32
        %lt3A_622 = arith.constant 7 : i32
        %lt3A_623 = arith.cmpi slt, %lt3A_622, %add3A_586 : i32
        %jit3A_624 = arith.constant 0 : i32
        %select_n3A_625 = arith.select %lt3A_623, %reduce_sum3A_409, %jit3A_624 : i32
        %add3A_626 = arith.addi %add3A_621, %select_n3A_625 : i32
        %lt3A_627 = arith.constant 8 : i32
        %lt3A_628 = arith.cmpi slt, %lt3A_627, %add3A_586 : i32
        %jit3A_629 = arith.constant 0 : i32
        %select_n3A_630 = arith.select %lt3A_628, %reduce_sum3A_419, %jit3A_629 : i32
        %add3A_631 = arith.addi %add3A_626, %select_n3A_630 : i32
        %lt3A_632 = arith.constant 9 : i32
        %lt3A_633 = arith.cmpi slt, %lt3A_632, %add3A_586 : i32
        %jit3A_634 = arith.constant 0 : i32
        %select_n3A_635 = arith.select %lt3A_633, %reduce_sum3A_429, %jit3A_634 : i32
        %add3A_636 = arith.addi %add3A_631, %select_n3A_635 : i32
        %lt3A_637 = arith.constant 10 : i32
        %lt3A_638 = arith.cmpi slt, %lt3A_637, %add3A_586 : i32
        %jit3A_639 = arith.constant 0 : i32
        %select_n3A_640 = arith.select %lt3A_638, %reduce_sum3A_439, %jit3A_639 : i32
        %add3A_641 = arith.addi %add3A_636, %select_n3A_640 : i32
        %lt3A_642 = arith.constant 11 : i32
        %lt3A_643 = arith.cmpi slt, %lt3A_642, %add3A_586 : i32
        %jit3A_644 = arith.constant 0 : i32
        %select_n3A_645 = arith.select %lt3A_643, %reduce_sum3A_449, %jit3A_644 : i32
        %add3A_646 = arith.addi %add3A_641, %select_n3A_645 : i32
        %lt3A_647 = arith.constant 12 : i32
        %lt3A_648 = arith.cmpi slt, %lt3A_647, %add3A_586 : i32
        %jit3A_649 = arith.constant 0 : i32
        %select_n3A_650 = arith.select %lt3A_648, %reduce_sum3A_459, %jit3A_649 : i32
        %add3A_651 = arith.addi %add3A_646, %select_n3A_650 : i32
        %lt3A_652 = arith.constant 13 : i32
        %lt3A_653 = arith.cmpi slt, %lt3A_652, %add3A_586 : i32
        %jit3A_654 = arith.constant 0 : i32
        %select_n3A_655 = arith.select %lt3A_653, %reduce_sum3A_469, %jit3A_654 : i32
        %add3A_656 = arith.addi %add3A_651, %select_n3A_655 : i32
        %lt3A_657 = arith.constant 14 : i32
        %lt3A_658 = arith.cmpi slt, %lt3A_657, %add3A_586 : i32
        %jit3A_659 = arith.constant 0 : i32
        %select_n3A_660 = arith.select %lt3A_658, %reduce_sum3A_479, %jit3A_659 : i32
        %add3A_661 = arith.addi %add3A_656, %select_n3A_660 : i32
        %lt3A_662 = arith.constant 15 : i32
        %lt3A_663 = arith.cmpi slt, %lt3A_662, %add3A_586 : i32
        %jit3A_664 = arith.constant 0 : i32
        %select_n3A_665 = arith.select %lt3A_663, %reduce_sum3A_489, %jit3A_664 : i32
        %add3A_666 = arith.addi %add3A_661, %select_n3A_665 : i32
        %eq3A_667 = arith.cmpi eq, %scan3A_325, %scan3A_68#1 : i32
        %select_n3A_668 = arith.select %eq3A_667, %add3A_586, %scan3A_326 : i32
        %select_n3A_669 = arith.select %eq3A_667, %add3A_666, %scan3A_327 : i32
        scf.yield %select_n3A_668, %select_n3A_669 : i32, i32
      }
      %scan3A_77 = arith.constant 128 : i32
      %mul3A_78 = arith.constant 16 : i32
      %mul3A_79 = arith.muli %scan3A_68#1, %mul3A_78 : i32
      %add3A_80 = arith.addi %mul3A_79, %scan3A_76#0 : i32
      %sub3A_81 = arith.subi %select_n3A_39, %scan3A_76#1 : i32
      %scan3A_82 = arith.constant 0 : i32
      %scan3A_83 = arith.constant 0 : i32
      %scan3A_84 = arith.constant 128 : i32
      %scan3A_85 = arith.addi %scan3A_83, %scan3A_84 : i32
      %scan3A_86 = arith.constant 1 : i32
      scf.for %scan3A_325 = %scan3A_83 to %scan3A_85 step %scan3A_86  : i32 {
        %broadcast_in_dim3A_326 = arith.constant 0 : i32
        %broadcast_in_dim3A_327 = vector.broadcast %broadcast_in_dim3A_326 : i32 to vector<16xi32>
        %mul3A_328 = arith.constant 16 : i32
        %mul3A_329 = arith.muli %scan3A_325, %mul3A_328 : i32
        %swap3A = arith.index_cast %mul3A_329 : i32 to index
        %swap3A_330 = tpu.vector_load %arg7[%swap3A] {strides = array<i32>} : memref<2064xi32, #tpu.memory_space<vmem>>, vector<16xi32>,
        tpu.vector_store %arg7[%swap3A], %broadcast_in_dim3A_327 {strides = array<i32>} : memref<2064xi32, #tpu.memory_space<vmem>>, vector<16xi32>,
      }
      %scan3A_87 = arith.constant 128 : i32
      %scan3A_88 = arith.constant 0 : i32
      %scan3A_89 = arith.constant 0 : i32
      %scan3A_90 = arith.constant 1250 : i32
      %scan3A_91 = arith.addi %scan3A_89, %scan3A_90 : i32
      %scan3A_92 = arith.constant 1 : i32
      scf.for %scan3A_325 = %scan3A_89 to %scan3A_91 step %scan3A_92  : i32 {
        %mul3A_326 = arith.constant 16 : i32
        %mul3A_327 = arith.muli %scan3A_325, %mul3A_326 : i32
        %get3A = arith.index_cast %mul3A_327 : i32 to index
        %get3A_328 = tpu.vector_load %arg6[%get3A] {strides = array<i32>} : memref<20000xi32, #tpu.memory_space<vmem>>, vector<16xi32>,
        %shift_right_arithmetic3A = arith.constant 21 : i32
        %shift_right_arithmetic3A_329 = vector.broadcast %shift_right_arithmetic3A : i32 to vector<16xi32>
        %shift_right_arithmetic3A_330 = arith.shrsi %get3A_328, %shift_right_arithmetic3A_329 : vector<16xi32>
        %add3A_331 = arith.constant 1024 : i32
        %add3A_332 = vector.broadcast %add3A_331 : i32 to vector<16xi32>
        %add3A_333 = arith.addi %shift_right_arithmetic3A_330, %add3A_332 : vector<16xi32>
        %eq3A_334 = vector.broadcast %add3A_80 : i32 to vector<16xi32>
        %eq3A_335 = arith.cmpi eq, %add3A_333, %eq3A_334 : vector<16xi32>
        %shift_right_logical3A = arith.constant 10 : i32
        %shift_right_logical3A_336 = vector.broadcast %shift_right_logical3A : i32 to vector<16xi32>
        %shift_right_logical3A_337 = arith.shrui %get3A_328, %shift_right_logical3A_336 : vector<16xi32>
        %and3A_338 = arith.constant 2047 : i32
        %and3A_339 = vector.broadcast %and3A_338 : i32 to vector<16xi32>
        %and3A_340 = arith.andi %shift_right_logical3A_337, %and3A_339 : vector<16xi32>
        %jit3A_341 = arith.constant 2048 : i32
        %broadcast_in_dim3A_342 = vector.broadcast %jit3A_341 : i32 to vector<16xi32>
        %select_n3A_343 = arith.select %eq3A_335, %and3A_340, %broadcast_in_dim3A_342 : vector<16xi1>, vector<16xi32>
        tpu.vector_store_idx %arg7[%select_n3A_343], %broadcast_in_dim3A_0 {add = true} : memref<2064xi32, #tpu.memory_space<vmem>>[vector<16xi32>], vector<16xi32>,
      }
      %scan3A_93 = arith.constant 1250 : i32
      %scan3A_94 = arith.constant 0 : i32
      %scan3A_95 = arith.constant -1 : i32
      %scan3A_96 = arith.constant 0 : i32
      %scan3A_97 = arith.constant 0 : i32
      %scan3A_98 = arith.constant 128 : i32
      %scan3A_99 = arith.addi %scan3A_97, %scan3A_98 : i32
      %scan3A_100 = arith.constant 1 : i32
      %scan3A_101:3 = scf.for %scan3A_325 = %scan3A_97 to %scan3A_99 step %scan3A_100 iter_args(%scan3A_326 = %scan3A_94, %scan3A_327 = %scan3A_95, %scan3A_328 = %scan3A_96) -> (i32, i32, i32)  : i32 {
        %mul3A_329 = arith.constant 16 : i32
        %mul3A_330 = arith.muli %scan3A_325, %mul3A_329 : i32
        %get3A = arith.index_cast %mul3A_330 : i32 to index
        %get3A_331 = tpu.vector_load %arg7[%get3A] {strides = array<i32>} : memref<2064xi32, #tpu.memory_space<vmem>>, vector<16xi32>,
        %reduce_sum3A = arith.constant true
        %reduce_sum3A_332 = vector.broadcast %reduce_sum3A : i1 to vector<16xi1>
        %reduce_sum3A_333 = tpu.scan <sum>, %get3A_331 masked %reduce_sum3A_332 : vector<16xi32>, vector<16xi1> -> vector<16xi32>
        %reduce_sum3A_334 = vector.extract %reduce_sum3A_333[15] : i32 from vector<16xi32>
        %lt3A_335 = arith.constant 0 : i32
        %lt3A_336 = arith.cmpi slt, %scan3A_327, %lt3A_335 : i32
        %add3A_337 = arith.addi %scan3A_326, %reduce_sum3A_334 : i32
        %ge3A = arith.cmpi sge, %add3A_337, %sub3A_81 : i32
        %and3A_338 = arith.andi %lt3A_336, %ge3A : i1
        %select_n3A_339 = arith.select %and3A_338, %scan3A_325, %scan3A_327 : i32
        %select_n3A_340 = arith.select %and3A_338, %scan3A_326, %scan3A_328 : i32
        %add3A_341 = arith.addi %scan3A_326, %reduce_sum3A_334 : i32
        scf.yield %add3A_341, %select_n3A_339, %select_n3A_340 : i32, i32, i32
      }
      %scan3A_102 = arith.constant 128 : i32
      %scan3A_103 = arith.constant 0 : i32
      %scan3A_104 = arith.constant 0 : i32
      %scan3A_105 = arith.constant 0 : i32
      %scan3A_106 = arith.constant 128 : i32
      %scan3A_107 = arith.addi %scan3A_105, %scan3A_106 : i32
      %scan3A_108 = arith.constant 1 : i32
      %scan3A_109:2 = scf.for %scan3A_325 = %scan3A_105 to %scan3A_107 step %scan3A_108 iter_args(%scan3A_326 = %scan3A_103, %scan3A_327 = %scan3A_104) -> (i32, i32)  : i32 {
        %mul3A_328 = arith.constant 16 : i32
        %mul3A_329 = arith.muli %scan3A_325, %mul3A_328 : i32
        %get3A = arith.index_cast %mul3A_329 : i32 to index
        %get3A_330 = tpu.vector_load %arg7[%get3A] {strides = array<i32>} : memref<2064xi32, #tpu.memory_space<vmem>>, vector<16xi32>,
        %eq3A_331 = arith.constant 0 : i32
        %eq3A_332 = vector.broadcast %eq3A_331 : i32 to vector<16xi32>
        %eq3A_333 = arith.cmpi eq, %iota3A, %eq3A_332 : vector<16xi32>
        %jit3A_334 = arith.constant 0 : i32
        %broadcast_in_dim3A_335 = vector.broadcast %jit3A_334 : i32 to vector<16xi32>
        %select_n3A_336 = arith.select %eq3A_333, %get3A_330, %broadcast_in_dim3A_335 : vector<16xi1>, vector<16xi32>
        %reduce_sum3A = arith.constant true
        %reduce_sum3A_337 = vector.broadcast %reduce_sum3A : i1 to vector<16xi1>
        %reduce_sum3A_338 = tpu.scan <sum>, %select_n3A_336 masked %reduce_sum3A_337 : vector<16xi32>, vector<16xi1> -> vector<16xi32>
        %reduce_sum3A_339 = vector.extract %reduce_sum3A_338[15] : i32 from vector<16xi32>
        %eq3A_340 = arith.constant 1 : i32
        %eq3A_341 = vector.broadcast %eq3A_340 : i32 to vector<16xi32>
        %eq3A_342 = arith.cmpi eq, %iota3A, %eq3A_341 : vector<16xi32>
        %jit3A_343 = arith.constant 0 : i32
        %broadcast_in_dim3A_344 = vector.broadcast %jit3A_343 : i32 to vector<16xi32>
        %select_n3A_345 = arith.select %eq3A_342, %get3A_330, %broadcast_in_dim3A_344 : vector<16xi1>, vector<16xi32>
        %reduce_sum3A_346 = arith.constant true
        %reduce_sum3A_347 = vector.broadcast %reduce_sum3A_346 : i1 to vector<16xi1>
        %reduce_sum3A_348 = tpu.scan <sum>, %select_n3A_345 masked %reduce_sum3A_347 : vector<16xi32>, vector<16xi1> -> vector<16xi32>
        %reduce_sum3A_349 = vector.extract %reduce_sum3A_348[15] : i32 from vector<16xi32>
        %eq3A_350 = arith.constant 2 : i32
        %eq3A_351 = vector.broadcast %eq3A_350 : i32 to vector<16xi32>
        %eq3A_352 = arith.cmpi eq, %iota3A, %eq3A_351 : vector<16xi32>
        %jit3A_353 = arith.constant 0 : i32
        %broadcast_in_dim3A_354 = vector.broadcast %jit3A_353 : i32 to vector<16xi32>
        %select_n3A_355 = arith.select %eq3A_352, %get3A_330, %broadcast_in_dim3A_354 : vector<16xi1>, vector<16xi32>
        %reduce_sum3A_356 = arith.constant true
        %reduce_sum3A_357 = vector.broadcast %reduce_sum3A_356 : i1 to vector<16xi1>
        %reduce_sum3A_358 = tpu.scan <sum>, %select_n3A_355 masked %reduce_sum3A_357 : vector<16xi32>, vector<16xi1> -> vector<16xi32>
        %reduce_sum3A_359 = vector.extract %reduce_sum3A_358[15] : i32 from vector<16xi32>
        %eq3A_360 = arith.constant 3 : i32
        %eq3A_361 = vector.broadcast %eq3A_360 : i32 to vector<16xi32>
        %eq3A_362 = arith.cmpi eq, %iota3A, %eq3A_361 : vector<16xi32>
        %jit3A_363 = arith.constant 0 : i32
        %broadcast_in_dim3A_364 = vector.broadcast %jit3A_363 : i32 to vector<16xi32>
        %select_n3A_365 = arith.select %eq3A_362, %get3A_330, %broadcast_in_dim3A_364 : vector<16xi1>, vector<16xi32>
        %reduce_sum3A_366 = arith.constant true
        %reduce_sum3A_367 = vector.broadcast %reduce_sum3A_366 : i1 to vector<16xi1>
        %reduce_sum3A_368 = tpu.scan <sum>, %select_n3A_365 masked %reduce_sum3A_367 : vector<16xi32>, vector<16xi1> -> vector<16xi32>
        %reduce_sum3A_369 = vector.extract %reduce_sum3A_368[15] : i32 from vector<16xi32>
        %eq3A_370 = arith.constant 4 : i32
        %eq3A_371 = vector.broadcast %eq3A_370 : i32 to vector<16xi32>
        %eq3A_372 = arith.cmpi eq, %iota3A, %eq3A_371 : vector<16xi32>
        %jit3A_373 = arith.constant 0 : i32
        %broadcast_in_dim3A_374 = vector.broadcast %jit3A_373 : i32 to vector<16xi32>
        %select_n3A_375 = arith.select %eq3A_372, %get3A_330, %broadcast_in_dim3A_374 : vector<16xi1>, vector<16xi32>
        %reduce_sum3A_376 = arith.constant true
        %reduce_sum3A_377 = vector.broadcast %reduce_sum3A_376 : i1 to vector<16xi1>
        %reduce_sum3A_378 = tpu.scan <sum>, %select_n3A_375 masked %reduce_sum3A_377 : vector<16xi32>, vector<16xi1> -> vector<16xi32>
        %reduce_sum3A_379 = vector.extract %reduce_sum3A_378[15] : i32 from vector<16xi32>
        %eq3A_380 = arith.constant 5 : i32
        %eq3A_381 = vector.broadcast %eq3A_380 : i32 to vector<16xi32>
        %eq3A_382 = arith.cmpi eq, %iota3A, %eq3A_381 : vector<16xi32>
        %jit3A_383 = arith.constant 0 : i32
        %broadcast_in_dim3A_384 = vector.broadcast %jit3A_383 : i32 to vector<16xi32>
        %select_n3A_385 = arith.select %eq3A_382, %get3A_330, %broadcast_in_dim3A_384 : vector<16xi1>, vector<16xi32>
        %reduce_sum3A_386 = arith.constant true
        %reduce_sum3A_387 = vector.broadcast %reduce_sum3A_386 : i1 to vector<16xi1>
        %reduce_sum3A_388 = tpu.scan <sum>, %select_n3A_385 masked %reduce_sum3A_387 : vector<16xi32>, vector<16xi1> -> vector<16xi32>
        %reduce_sum3A_389 = vector.extract %reduce_sum3A_388[15] : i32 from vector<16xi32>
        %eq3A_390 = arith.constant 6 : i32
        %eq3A_391 = vector.broadcast %eq3A_390 : i32 to vector<16xi32>
        %eq3A_392 = arith.cmpi eq, %iota3A, %eq3A_391 : vector<16xi32>
        %jit3A_393 = arith.constant 0 : i32
        %broadcast_in_dim3A_394 = vector.broadcast %jit3A_393 : i32 to vector<16xi32>
        %select_n3A_395 = arith.select %eq3A_392, %get3A_330, %broadcast_in_dim3A_394 : vector<16xi1>, vector<16xi32>
        %reduce_sum3A_396 = arith.constant true
        %reduce_sum3A_397 = vector.broadcast %reduce_sum3A_396 : i1 to vector<16xi1>
        %reduce_sum3A_398 = tpu.scan <sum>, %select_n3A_395 masked %reduce_sum3A_397 : vector<16xi32>, vector<16xi1> -> vector<16xi32>
        %reduce_sum3A_399 = vector.extract %reduce_sum3A_398[15] : i32 from vector<16xi32>
        %eq3A_400 = arith.constant 7 : i32
        %eq3A_401 = vector.broadcast %eq3A_400 : i32 to vector<16xi32>
        %eq3A_402 = arith.cmpi eq, %iota3A, %eq3A_401 : vector<16xi32>
        %jit3A_403 = arith.constant 0 : i32
        %broadcast_in_dim3A_404 = vector.broadcast %jit3A_403 : i32 to vector<16xi32>
        %select_n3A_405 = arith.select %eq3A_402, %get3A_330, %broadcast_in_dim3A_404 : vector<16xi1>, vector<16xi32>
        %reduce_sum3A_406 = arith.constant true
        %reduce_sum3A_407 = vector.broadcast %reduce_sum3A_406 : i1 to vector<16xi1>
        %reduce_sum3A_408 = tpu.scan <sum>, %select_n3A_405 masked %reduce_sum3A_407 : vector<16xi32>, vector<16xi1> -> vector<16xi32>
        %reduce_sum3A_409 = vector.extract %reduce_sum3A_408[15] : i32 from vector<16xi32>
        %eq3A_410 = arith.constant 8 : i32
        %eq3A_411 = vector.broadcast %eq3A_410 : i32 to vector<16xi32>
        %eq3A_412 = arith.cmpi eq, %iota3A, %eq3A_411 : vector<16xi32>
        %jit3A_413 = arith.constant 0 : i32
        %broadcast_in_dim3A_414 = vector.broadcast %jit3A_413 : i32 to vector<16xi32>
        %select_n3A_415 = arith.select %eq3A_412, %get3A_330, %broadcast_in_dim3A_414 : vector<16xi1>, vector<16xi32>
        %reduce_sum3A_416 = arith.constant true
        %reduce_sum3A_417 = vector.broadcast %reduce_sum3A_416 : i1 to vector<16xi1>
        %reduce_sum3A_418 = tpu.scan <sum>, %select_n3A_415 masked %reduce_sum3A_417 : vector<16xi32>, vector<16xi1> -> vector<16xi32>
        %reduce_sum3A_419 = vector.extract %reduce_sum3A_418[15] : i32 from vector<16xi32>
        %eq3A_420 = arith.constant 9 : i32
        %eq3A_421 = vector.broadcast %eq3A_420 : i32 to vector<16xi32>
        %eq3A_422 = arith.cmpi eq, %iota3A, %eq3A_421 : vector<16xi32>
        %jit3A_423 = arith.constant 0 : i32
        %broadcast_in_dim3A_424 = vector.broadcast %jit3A_423 : i32 to vector<16xi32>
        %select_n3A_425 = arith.select %eq3A_422, %get3A_330, %broadcast_in_dim3A_424 : vector<16xi1>, vector<16xi32>
        %reduce_sum3A_426 = arith.constant true
        %reduce_sum3A_427 = vector.broadcast %reduce_sum3A_426 : i1 to vector<16xi1>
        %reduce_sum3A_428 = tpu.scan <sum>, %select_n3A_425 masked %reduce_sum3A_427 : vector<16xi32>, vector<16xi1> -> vector<16xi32>
        %reduce_sum3A_429 = vector.extract %reduce_sum3A_428[15] : i32 from vector<16xi32>
        %eq3A_430 = arith.constant 10 : i32
        %eq3A_431 = vector.broadcast %eq3A_430 : i32 to vector<16xi32>
        %eq3A_432 = arith.cmpi eq, %iota3A, %eq3A_431 : vector<16xi32>
        %jit3A_433 = arith.constant 0 : i32
        %broadcast_in_dim3A_434 = vector.broadcast %jit3A_433 : i32 to vector<16xi32>
        %select_n3A_435 = arith.select %eq3A_432, %get3A_330, %broadcast_in_dim3A_434 : vector<16xi1>, vector<16xi32>
        %reduce_sum3A_436 = arith.constant true
        %reduce_sum3A_437 = vector.broadcast %reduce_sum3A_436 : i1 to vector<16xi1>
        %reduce_sum3A_438 = tpu.scan <sum>, %select_n3A_435 masked %reduce_sum3A_437 : vector<16xi32>, vector<16xi1> -> vector<16xi32>
        %reduce_sum3A_439 = vector.extract %reduce_sum3A_438[15] : i32 from vector<16xi32>
        %eq3A_440 = arith.constant 11 : i32
        %eq3A_441 = vector.broadcast %eq3A_440 : i32 to vector<16xi32>
        %eq3A_442 = arith.cmpi eq, %iota3A, %eq3A_441 : vector<16xi32>
        %jit3A_443 = arith.constant 0 : i32
        %broadcast_in_dim3A_444 = vector.broadcast %jit3A_443 : i32 to vector<16xi32>
        %select_n3A_445 = arith.select %eq3A_442, %get3A_330, %broadcast_in_dim3A_444 : vector<16xi1>, vector<16xi32>
        %reduce_sum3A_446 = arith.constant true
        %reduce_sum3A_447 = vector.broadcast %reduce_sum3A_446 : i1 to vector<16xi1>
        %reduce_sum3A_448 = tpu.scan <sum>, %select_n3A_445 masked %reduce_sum3A_447 : vector<16xi32>, vector<16xi1> -> vector<16xi32>
        %reduce_sum3A_449 = vector.extract %reduce_sum3A_448[15] : i32 from vector<16xi32>
        %eq3A_450 = arith.constant 12 : i32
        %eq3A_451 = vector.broadcast %eq3A_450 : i32 to vector<16xi32>
        %eq3A_452 = arith.cmpi eq, %iota3A, %eq3A_451 : vector<16xi32>
        %jit3A_453 = arith.constant 0 : i32
        %broadcast_in_dim3A_454 = vector.broadcast %jit3A_453 : i32 to vector<16xi32>
        %select_n3A_455 = arith.select %eq3A_452, %get3A_330, %broadcast_in_dim3A_454 : vector<16xi1>, vector<16xi32>
        %reduce_sum3A_456 = arith.constant true
        %reduce_sum3A_457 = vector.broadcast %reduce_sum3A_456 : i1 to vector<16xi1>
        %reduce_sum3A_458 = tpu.scan <sum>, %select_n3A_455 masked %reduce_sum3A_457 : vector<16xi32>, vector<16xi1> -> vector<16xi32>
        %reduce_sum3A_459 = vector.extract %reduce_sum3A_458[15] : i32 from vector<16xi32>
        %eq3A_460 = arith.constant 13 : i32
        %eq3A_461 = vector.broadcast %eq3A_460 : i32 to vector<16xi32>
        %eq3A_462 = arith.cmpi eq, %iota3A, %eq3A_461 : vector<16xi32>
        %jit3A_463 = arith.constant 0 : i32
        %broadcast_in_dim3A_464 = vector.broadcast %jit3A_463 : i32 to vector<16xi32>
        %select_n3A_465 = arith.select %eq3A_462, %get3A_330, %broadcast_in_dim3A_464 : vector<16xi1>, vector<16xi32>
        %reduce_sum3A_466 = arith.constant true
        %reduce_sum3A_467 = vector.broadcast %reduce_sum3A_466 : i1 to vector<16xi1>
        %reduce_sum3A_468 = tpu.scan <sum>, %select_n3A_465 masked %reduce_sum3A_467 : vector<16xi32>, vector<16xi1> -> vector<16xi32>
        %reduce_sum3A_469 = vector.extract %reduce_sum3A_468[15] : i32 from vector<16xi32>
        %eq3A_470 = arith.constant 14 : i32
        %eq3A_471 = vector.broadcast %eq3A_470 : i32 to vector<16xi32>
        %eq3A_472 = arith.cmpi eq, %iota3A, %eq3A_471 : vector<16xi32>
        %jit3A_473 = arith.constant 0 : i32
        %broadcast_in_dim3A_474 = vector.broadcast %jit3A_473 : i32 to vector<16xi32>
        %select_n3A_475 = arith.select %eq3A_472, %get3A_330, %broadcast_in_dim3A_474 : vector<16xi1>, vector<16xi32>
        %reduce_sum3A_476 = arith.constant true
        %reduce_sum3A_477 = vector.broadcast %reduce_sum3A_476 : i1 to vector<16xi1>
        %reduce_sum3A_478 = tpu.scan <sum>, %select_n3A_475 masked %reduce_sum3A_477 : vector<16xi32>, vector<16xi1> -> vector<16xi32>
        %reduce_sum3A_479 = vector.extract %reduce_sum3A_478[15] : i32 from vector<16xi32>
        %eq3A_480 = arith.constant 15 : i32
        %eq3A_481 = vector.broadcast %eq3A_480 : i32 to vector<16xi32>
        %eq3A_482 = arith.cmpi eq, %iota3A, %eq3A_481 : vector<16xi32>
        %jit3A_483 = arith.constant 0 : i32
        %broadcast_in_dim3A_484 = vector.broadcast %jit3A_483 : i32 to vector<16xi32>
        %select_n3A_485 = arith.select %eq3A_482, %get3A_330, %broadcast_in_dim3A_484 : vector<16xi1>, vector<16xi32>
        %reduce_sum3A_486 = arith.constant true
        %reduce_sum3A_487 = vector.broadcast %reduce_sum3A_486 : i1 to vector<16xi1>
        %reduce_sum3A_488 = tpu.scan <sum>, %select_n3A_485 masked %reduce_sum3A_487 : vector<16xi32>, vector<16xi1> -> vector<16xi32>
        %reduce_sum3A_489 = vector.extract %reduce_sum3A_488[15] : i32 from vector<16xi32>
        %add3A_490 = arith.addi %scan3A_101#2, %reduce_sum3A_339 : i32
        %lt3A_491 = arith.cmpi slt, %add3A_490, %sub3A_81 : i32
        %jit3A_492 = arith.constant 1 : i32
        %jit3A_493 = arith.constant 0 : i32
        %select_n3A_494 = arith.select %lt3A_491, %jit3A_492, %jit3A_493 : i32
        %add3A_495 = arith.constant 0 : i32
        %add3A_496 = arith.addi %add3A_495, %select_n3A_494 : i32
        %add3A_497 = arith.addi %add3A_490, %reduce_sum3A_349 : i32
        %lt3A_498 = arith.cmpi slt, %add3A_497, %sub3A_81 : i32
        %jit3A_499 = arith.constant 1 : i32
        %jit3A_500 = arith.constant 0 : i32
        %select_n3A_501 = arith.select %lt3A_498, %jit3A_499, %jit3A_500 : i32
        %add3A_502 = arith.addi %add3A_496, %select_n3A_501 : i32
        %add3A_503 = arith.addi %add3A_497, %reduce_sum3A_359 : i32
        %lt3A_504 = arith.cmpi slt, %add3A_503, %sub3A_81 : i32
        %jit3A_505 = arith.constant 1 : i32
        %jit3A_506 = arith.constant 0 : i32
        %select_n3A_507 = arith.select %lt3A_504, %jit3A_505, %jit3A_506 : i32
        %add3A_508 = arith.addi %add3A_502, %select_n3A_507 : i32
        %add3A_509 = arith.addi %add3A_503, %reduce_sum3A_369 : i32
        %lt3A_510 = arith.cmpi slt, %add3A_509, %sub3A_81 : i32
        %jit3A_511 = arith.constant 1 : i32
        %jit3A_512 = arith.constant 0 : i32
        %select_n3A_513 = arith.select %lt3A_510, %jit3A_511, %jit3A_512 : i32
        %add3A_514 = arith.addi %add3A_508, %select_n3A_513 : i32
        %add3A_515 = arith.addi %add3A_509, %reduce_sum3A_379 : i32
        %lt3A_516 = arith.cmpi slt, %add3A_515, %sub3A_81 : i32
        %jit3A_517 = arith.constant 1 : i32
        %jit3A_518 = arith.constant 0 : i32
        %select_n3A_519 = arith.select %lt3A_516, %jit3A_517, %jit3A_518 : i32
        %add3A_520 = arith.addi %add3A_514, %select_n3A_519 : i32
        %add3A_521 = arith.addi %add3A_515, %reduce_sum3A_389 : i32
        %lt3A_522 = arith.cmpi slt, %add3A_521, %sub3A_81 : i32
        %jit3A_523 = arith.constant 1 : i32
        %jit3A_524 = arith.constant 0 : i32
        %select_n3A_525 = arith.select %lt3A_522, %jit3A_523, %jit3A_524 : i32
        %add3A_526 = arith.addi %add3A_520, %select_n3A_525 : i32
        %add3A_527 = arith.addi %add3A_521, %reduce_sum3A_399 : i32
        %lt3A_528 = arith.cmpi slt, %add3A_527, %sub3A_81 : i32
        %jit3A_529 = arith.constant 1 : i32
        %jit3A_530 = arith.constant 0 : i32
        %select_n3A_531 = arith.select %lt3A_528, %jit3A_529, %jit3A_530 : i32
        %add3A_532 = arith.addi %add3A_526, %select_n3A_531 : i32
        %add3A_533 = arith.addi %add3A_527, %reduce_sum3A_409 : i32
        %lt3A_534 = arith.cmpi slt, %add3A_533, %sub3A_81 : i32
        %jit3A_535 = arith.constant 1 : i32
        %jit3A_536 = arith.constant 0 : i32
        %select_n3A_537 = arith.select %lt3A_534, %jit3A_535, %jit3A_536 : i32
        %add3A_538 = arith.addi %add3A_532, %select_n3A_537 : i32
        %add3A_539 = arith.addi %add3A_533, %reduce_sum3A_419 : i32
        %lt3A_540 = arith.cmpi slt, %add3A_539, %sub3A_81 : i32
        %jit3A_541 = arith.constant 1 : i32
        %jit3A_542 = arith.constant 0 : i32
        %select_n3A_543 = arith.select %lt3A_540, %jit3A_541, %jit3A_542 : i32
        %add3A_544 = arith.addi %add3A_538, %select_n3A_543 : i32
        %add3A_545 = arith.addi %add3A_539, %reduce_sum3A_429 : i32
        %lt3A_546 = arith.cmpi slt, %add3A_545, %sub3A_81 : i32
        %jit3A_547 = arith.constant 1 : i32
        %jit3A_548 = arith.constant 0 : i32
        %select_n3A_549 = arith.select %lt3A_546, %jit3A_547, %jit3A_548 : i32
        %add3A_550 = arith.addi %add3A_544, %select_n3A_549 : i32
        %add3A_551 = arith.addi %add3A_545, %reduce_sum3A_439 : i32
        %lt3A_552 = arith.cmpi slt, %add3A_551, %sub3A_81 : i32
        %jit3A_553 = arith.constant 1 : i32
        %jit3A_554 = arith.constant 0 : i32
        %select_n3A_555 = arith.select %lt3A_552, %jit3A_553, %jit3A_554 : i32
        %add3A_556 = arith.addi %add3A_550, %select_n3A_555 : i32
        %add3A_557 = arith.addi %add3A_551, %reduce_sum3A_449 : i32
        %lt3A_558 = arith.cmpi slt, %add3A_557, %sub3A_81 : i32
        %jit3A_559 = arith.constant 1 : i32
        %jit3A_560 = arith.constant 0 : i32
        %select_n3A_561 = arith.select %lt3A_558, %jit3A_559, %jit3A_560 : i32
        %add3A_562 = arith.addi %add3A_556, %select_n3A_561 : i32
        %add3A_563 = arith.addi %add3A_557, %reduce_sum3A_459 : i32
        %lt3A_564 = arith.cmpi slt, %add3A_563, %sub3A_81 : i32
        %jit3A_565 = arith.constant 1 : i32
        %jit3A_566 = arith.constant 0 : i32
        %select_n3A_567 = arith.select %lt3A_564, %jit3A_565, %jit3A_566 : i32
        %add3A_568 = arith.addi %add3A_562, %select_n3A_567 : i32
        %add3A_569 = arith.addi %add3A_563, %reduce_sum3A_469 : i32
        %lt3A_570 = arith.cmpi slt, %add3A_569, %sub3A_81 : i32
        %jit3A_571 = arith.constant 1 : i32
        %jit3A_572 = arith.constant 0 : i32
        %select_n3A_573 = arith.select %lt3A_570, %jit3A_571, %jit3A_572 : i32
        %add3A_574 = arith.addi %add3A_568, %select_n3A_573 : i32
        %add3A_575 = arith.addi %add3A_569, %reduce_sum3A_479 : i32
        %lt3A_576 = arith.cmpi slt, %add3A_575, %sub3A_81 : i32
        %jit3A_577 = arith.constant 1 : i32
        %jit3A_578 = arith.constant 0 : i32
        %select_n3A_579 = arith.select %lt3A_576, %jit3A_577, %jit3A_578 : i32
        %add3A_580 = arith.addi %add3A_574, %select_n3A_579 : i32
        %add3A_581 = arith.addi %add3A_575, %reduce_sum3A_489 : i32
        %lt3A_582 = arith.cmpi slt, %add3A_581, %sub3A_81 : i32
        %jit3A_583 = arith.constant 1 : i32
        %jit3A_584 = arith.constant 0 : i32
        %select_n3A_585 = arith.select %lt3A_582, %jit3A_583, %jit3A_584 : i32
        %add3A_586 = arith.addi %add3A_580, %select_n3A_585 : i32
        %lt3A_587 = arith.constant 0 : i32
        %lt3A_588 = arith.cmpi slt, %lt3A_587, %add3A_586 : i32
        %jit3A_589 = arith.constant 0 : i32
        %select_n3A_590 = arith.select %lt3A_588, %reduce_sum3A_339, %jit3A_589 : i32
        %add3A_591 = arith.addi %scan3A_101#2, %select_n3A_590 : i32
        %lt3A_592 = arith.constant 1 : i32
        %lt3A_593 = arith.cmpi slt, %lt3A_592, %add3A_586 : i32
        %jit3A_594 = arith.constant 0 : i32
        %select_n3A_595 = arith.select %lt3A_593, %reduce_sum3A_349, %jit3A_594 : i32
        %add3A_596 = arith.addi %add3A_591, %select_n3A_595 : i32
        %lt3A_597 = arith.constant 2 : i32
        %lt3A_598 = arith.cmpi slt, %lt3A_597, %add3A_586 : i32
        %jit3A_599 = arith.constant 0 : i32
        %select_n3A_600 = arith.select %lt3A_598, %reduce_sum3A_359, %jit3A_599 : i32
        %add3A_601 = arith.addi %add3A_596, %select_n3A_600 : i32
        %lt3A_602 = arith.constant 3 : i32
        %lt3A_603 = arith.cmpi slt, %lt3A_602, %add3A_586 : i32
        %jit3A_604 = arith.constant 0 : i32
        %select_n3A_605 = arith.select %lt3A_603, %reduce_sum3A_369, %jit3A_604 : i32
        %add3A_606 = arith.addi %add3A_601, %select_n3A_605 : i32
        %lt3A_607 = arith.constant 4 : i32
        %lt3A_608 = arith.cmpi slt, %lt3A_607, %add3A_586 : i32
        %jit3A_609 = arith.constant 0 : i32
        %select_n3A_610 = arith.select %lt3A_608, %reduce_sum3A_379, %jit3A_609 : i32
        %add3A_611 = arith.addi %add3A_606, %select_n3A_610 : i32
        %lt3A_612 = arith.constant 5 : i32
        %lt3A_613 = arith.cmpi slt, %lt3A_612, %add3A_586 : i32
        %jit3A_614 = arith.constant 0 : i32
        %select_n3A_615 = arith.select %lt3A_613, %reduce_sum3A_389, %jit3A_614 : i32
        %add3A_616 = arith.addi %add3A_611, %select_n3A_615 : i32
        %lt3A_617 = arith.constant 6 : i32
        %lt3A_618 = arith.cmpi slt, %lt3A_617, %add3A_586 : i32
        %jit3A_619 = arith.constant 0 : i32
        %select_n3A_620 = arith.select %lt3A_618, %reduce_sum3A_399, %jit3A_619 : i32
        %add3A_621 = arith.addi %add3A_616, %select_n3A_620 : i32
        %lt3A_622 = arith.constant 7 : i32
        %lt3A_623 = arith.cmpi slt, %lt3A_622, %add3A_586 : i32
        %jit3A_624 = arith.constant 0 : i32
        %select_n3A_625 = arith.select %lt3A_623, %reduce_sum3A_409, %jit3A_624 : i32
        %add3A_626 = arith.addi %add3A_621, %select_n3A_625 : i32
        %lt3A_627 = arith.constant 8 : i32
        %lt3A_628 = arith.cmpi slt, %lt3A_627, %add3A_586 : i32
        %jit3A_629 = arith.constant 0 : i32
        %select_n3A_630 = arith.select %lt3A_628, %reduce_sum3A_419, %jit3A_629 : i32
        %add3A_631 = arith.addi %add3A_626, %select_n3A_630 : i32
        %lt3A_632 = arith.constant 9 : i32
        %lt3A_633 = arith.cmpi slt, %lt3A_632, %add3A_586 : i32
        %jit3A_634 = arith.constant 0 : i32
        %select_n3A_635 = arith.select %lt3A_633, %reduce_sum3A_429, %jit3A_634 : i32
        %add3A_636 = arith.addi %add3A_631, %select_n3A_635 : i32
        %lt3A_637 = arith.constant 10 : i32
        %lt3A_638 = arith.cmpi slt, %lt3A_637, %add3A_586 : i32
        %jit3A_639 = arith.constant 0 : i32
        %select_n3A_640 = arith.select %lt3A_638, %reduce_sum3A_439, %jit3A_639 : i32
        %add3A_641 = arith.addi %add3A_636, %select_n3A_640 : i32
        %lt3A_642 = arith.constant 11 : i32
        %lt3A_643 = arith.cmpi slt, %lt3A_642, %add3A_586 : i32
        %jit3A_644 = arith.constant 0 : i32
        %select_n3A_645 = arith.select %lt3A_643, %reduce_sum3A_449, %jit3A_644 : i32
        %add3A_646 = arith.addi %add3A_641, %select_n3A_645 : i32
        %lt3A_647 = arith.constant 12 : i32
        %lt3A_648 = arith.cmpi slt, %lt3A_647, %add3A_586 : i32
        %jit3A_649 = arith.constant 0 : i32
        %select_n3A_650 = arith.select %lt3A_648, %reduce_sum3A_459, %jit3A_649 : i32
        %add3A_651 = arith.addi %add3A_646, %select_n3A_650 : i32
        %lt3A_652 = arith.constant 13 : i32
        %lt3A_653 = arith.cmpi slt, %lt3A_652, %add3A_586 : i32
        %jit3A_654 = arith.constant 0 : i32
        %select_n3A_655 = arith.select %lt3A_653, %reduce_sum3A_469, %jit3A_654 : i32
        %add3A_656 = arith.addi %add3A_651, %select_n3A_655 : i32
        %lt3A_657 = arith.constant 14 : i32
        %lt3A_658 = arith.cmpi slt, %lt3A_657, %add3A_586 : i32
        %jit3A_659 = arith.constant 0 : i32
        %select_n3A_660 = arith.select %lt3A_658, %reduce_sum3A_479, %jit3A_659 : i32
        %add3A_661 = arith.addi %add3A_656, %select_n3A_660 : i32
        %lt3A_662 = arith.constant 15 : i32
        %lt3A_663 = arith.cmpi slt, %lt3A_662, %add3A_586 : i32
        %jit3A_664 = arith.constant 0 : i32
        %select_n3A_665 = arith.select %lt3A_663, %reduce_sum3A_489, %jit3A_664 : i32
        %add3A_666 = arith.addi %add3A_661, %select_n3A_665 : i32
        %eq3A_667 = arith.cmpi eq, %scan3A_325, %scan3A_101#1 : i32
        %select_n3A_668 = arith.select %eq3A_667, %add3A_586, %scan3A_326 : i32
        %select_n3A_669 = arith.select %eq3A_667, %add3A_666, %scan3A_327 : i32
        scf.yield %select_n3A_668, %select_n3A_669 : i32, i32
      }
      %scan3A_110 = arith.constant 128 : i32
      %mul3A_111 = arith.constant 16 : i32
      %mul3A_112 = arith.muli %scan3A_101#1, %mul3A_111 : i32
      %add3A_113 = arith.addi %mul3A_112, %scan3A_109#0 : i32
      %sub3A_114 = arith.subi %sub3A_81, %scan3A_109#1 : i32
      %scan3A_115 = arith.constant 0 : i32
      %scan3A_116 = arith.constant 0 : i32
      %scan3A_117 = arith.constant 64 : i32
      %scan3A_118 = arith.addi %scan3A_116, %scan3A_117 : i32
      %scan3A_119 = arith.constant 1 : i32
      scf.for %scan3A_325 = %scan3A_116 to %scan3A_118 step %scan3A_119  : i32 {
        %broadcast_in_dim3A_326 = arith.constant 0 : i32
        %broadcast_in_dim3A_327 = vector.broadcast %broadcast_in_dim3A_326 : i32 to vector<16xi32>
        %mul3A_328 = arith.constant 16 : i32
        %mul3A_329 = arith.muli %scan3A_325, %mul3A_328 : i32
        %swap3A = arith.index_cast %mul3A_329 : i32 to index
        %swap3A_330 = tpu.vector_load %arg7[%swap3A] {strides = array<i32>} : memref<2064xi32, #tpu.memory_space<vmem>>, vector<16xi32>,
        tpu.vector_store %arg7[%swap3A], %broadcast_in_dim3A_327 {strides = array<i32>} : memref<2064xi32, #tpu.memory_space<vmem>>, vector<16xi32>,
      }
      %scan3A_120 = arith.constant 64 : i32
      %scan3A_121 = arith.constant 0 : i32
      %scan3A_122 = arith.constant 0 : i32
      %scan3A_123 = arith.constant 1250 : i32
      %scan3A_124 = arith.addi %scan3A_122, %scan3A_123 : i32
      %scan3A_125 = arith.constant 1 : i32
      scf.for %scan3A_325 = %scan3A_122 to %scan3A_124 step %scan3A_125  : i32 {
        %mul3A_326 = arith.constant 16 : i32
        %mul3A_327 = arith.muli %scan3A_325, %mul3A_326 : i32
        %get3A = arith.index_cast %mul3A_327 : i32 to index
        %get3A_328 = tpu.vector_load %arg6[%get3A] {strides = array<i32>} : memref<20000xi32, #tpu.memory_space<vmem>>, vector<16xi32>,
        %shift_right_arithmetic3A = arith.constant 21 : i32
        %shift_right_arithmetic3A_329 = vector.broadcast %shift_right_arithmetic3A : i32 to vector<16xi32>
        %shift_right_arithmetic3A_330 = arith.shrsi %get3A_328, %shift_right_arithmetic3A_329 : vector<16xi32>
        %add3A_331 = arith.constant 1024 : i32
        %add3A_332 = vector.broadcast %add3A_331 : i32 to vector<16xi32>
        %add3A_333 = arith.addi %shift_right_arithmetic3A_330, %add3A_332 : vector<16xi32>
        %eq3A_334 = vector.broadcast %add3A_80 : i32 to vector<16xi32>
        %eq3A_335 = arith.cmpi eq, %add3A_333, %eq3A_334 : vector<16xi32>
        %shift_right_logical3A = arith.constant 10 : i32
        %shift_right_logical3A_336 = vector.broadcast %shift_right_logical3A : i32 to vector<16xi32>
        %shift_right_logical3A_337 = arith.shrui %get3A_328, %shift_right_logical3A_336 : vector<16xi32>
        %and3A_338 = arith.constant 2047 : i32
        %and3A_339 = vector.broadcast %and3A_338 : i32 to vector<16xi32>
        %and3A_340 = arith.andi %shift_right_logical3A_337, %and3A_339 : vector<16xi32>
        %eq3A_341 = vector.broadcast %add3A_113 : i32 to vector<16xi32>
        %eq3A_342 = arith.cmpi eq, %and3A_340, %eq3A_341 : vector<16xi32>
        %and3A_343 = arith.andi %eq3A_335, %eq3A_342 : vector<16xi1>
        %and3A_344 = arith.constant 1023 : i32
        %and3A_345 = vector.broadcast %and3A_344 : i32 to vector<16xi32>
        %and3A_346 = arith.andi %get3A_328, %and3A_345 : vector<16xi32>
        %jit3A_347 = arith.constant 2048 : i32
        %broadcast_in_dim3A_348 = vector.broadcast %jit3A_347 : i32 to vector<16xi32>
        %select_n3A_349 = arith.select %and3A_343, %and3A_346, %broadcast_in_dim3A_348 : vector<16xi1>, vector<16xi32>
        tpu.vector_store_idx %arg7[%select_n3A_349], %broadcast_in_dim3A_0 {add = true} : memref<2064xi32, #tpu.memory_space<vmem>>[vector<16xi32>], vector<16xi32>,
      }
      %scan3A_126 = arith.constant 1250 : i32
      %scan3A_127 = arith.constant 0 : i32
      %scan3A_128 = arith.constant -1 : i32
      %scan3A_129 = arith.constant 0 : i32
      %scan3A_130 = arith.constant 0 : i32
      %scan3A_131 = arith.constant 64 : i32
      %scan3A_132 = arith.addi %scan3A_130, %scan3A_131 : i32
      %scan3A_133 = arith.constant 1 : i32
      %scan3A_134:3 = scf.for %scan3A_325 = %scan3A_130 to %scan3A_132 step %scan3A_133 iter_args(%scan3A_326 = %scan3A_127, %scan3A_327 = %scan3A_128, %scan3A_328 = %scan3A_129) -> (i32, i32, i32)  : i32 {
        %mul3A_329 = arith.constant 16 : i32
        %mul3A_330 = arith.muli %scan3A_325, %mul3A_329 : i32
        %get3A = arith.index_cast %mul3A_330 : i32 to index
        %get3A_331 = tpu.vector_load %arg7[%get3A] {strides = array<i32>} : memref<2064xi32, #tpu.memory_space<vmem>>, vector<16xi32>,
        %reduce_sum3A = arith.constant true
        %reduce_sum3A_332 = vector.broadcast %reduce_sum3A : i1 to vector<16xi1>
        %reduce_sum3A_333 = tpu.scan <sum>, %get3A_331 masked %reduce_sum3A_332 : vector<16xi32>, vector<16xi1> -> vector<16xi32>
        %reduce_sum3A_334 = vector.extract %reduce_sum3A_333[15] : i32 from vector<16xi32>
        %lt3A_335 = arith.constant 0 : i32
        %lt3A_336 = arith.cmpi slt, %scan3A_327, %lt3A_335 : i32
        %add3A_337 = arith.addi %scan3A_326, %reduce_sum3A_334 : i32
        %ge3A = arith.cmpi sge, %add3A_337, %sub3A_114 : i32
        %and3A_338 = arith.andi %lt3A_336, %ge3A : i1
        %select_n3A_339 = arith.select %and3A_338, %scan3A_325, %scan3A_327 : i32
        %select_n3A_340 = arith.select %and3A_338, %scan3A_326, %scan3A_328 : i32
        %add3A_341 = arith.addi %scan3A_326, %reduce_sum3A_334 : i32
        scf.yield %add3A_341, %select_n3A_339, %select_n3A_340 : i32, i32, i32
      }
      %scan3A_135 = arith.constant 64 : i32
      %scan3A_136 = arith.constant 0 : i32
      %scan3A_137 = arith.constant 0 : i32
      %scan3A_138 = arith.constant 0 : i32
      %scan3A_139 = arith.constant 64 : i32
      %scan3A_140 = arith.addi %scan3A_138, %scan3A_139 : i32
      %scan3A_141 = arith.constant 1 : i32
      %scan3A_142:2 = scf.for %scan3A_325 = %scan3A_138 to %scan3A_140 step %scan3A_141 iter_args(%scan3A_326 = %scan3A_136, %scan3A_327 = %scan3A_137) -> (i32, i32)  : i32 {
        %mul3A_328 = arith.constant 16 : i32
        %mul3A_329 = arith.muli %scan3A_325, %mul3A_328 : i32
        %get3A = arith.index_cast %mul3A_329 : i32 to index
        %get3A_330 = tpu.vector_load %arg7[%get3A] {strides = array<i32>} : memref<2064xi32, #tpu.memory_space<vmem>>, vector<16xi32>,
        %eq3A_331 = arith.constant 0 : i32
        %eq3A_332 = vector.broadcast %eq3A_331 : i32 to vector<16xi32>
        %eq3A_333 = arith.cmpi eq, %iota3A, %eq3A_332 : vector<16xi32>
        %jit3A_334 = arith.constant 0 : i32
        %broadcast_in_dim3A_335 = vector.broadcast %jit3A_334 : i32 to vector<16xi32>
        %select_n3A_336 = arith.select %eq3A_333, %get3A_330, %broadcast_in_dim3A_335 : vector<16xi1>, vector<16xi32>
        %reduce_sum3A = arith.constant true
        %reduce_sum3A_337 = vector.broadcast %reduce_sum3A : i1 to vector<16xi1>
        %reduce_sum3A_338 = tpu.scan <sum>, %select_n3A_336 masked %reduce_sum3A_337 : vector<16xi32>, vector<16xi1> -> vector<16xi32>
        %reduce_sum3A_339 = vector.extract %reduce_sum3A_338[15] : i32 from vector<16xi32>
        %eq3A_340 = arith.constant 1 : i32
        %eq3A_341 = vector.broadcast %eq3A_340 : i32 to vector<16xi32>
        %eq3A_342 = arith.cmpi eq, %iota3A, %eq3A_341 : vector<16xi32>
        %jit3A_343 = arith.constant 0 : i32
        %broadcast_in_dim3A_344 = vector.broadcast %jit3A_343 : i32 to vector<16xi32>
        %select_n3A_345 = arith.select %eq3A_342, %get3A_330, %broadcast_in_dim3A_344 : vector<16xi1>, vector<16xi32>
        %reduce_sum3A_346 = arith.constant true
        %reduce_sum3A_347 = vector.broadcast %reduce_sum3A_346 : i1 to vector<16xi1>
        %reduce_sum3A_348 = tpu.scan <sum>, %select_n3A_345 masked %reduce_sum3A_347 : vector<16xi32>, vector<16xi1> -> vector<16xi32>
        %reduce_sum3A_349 = vector.extract %reduce_sum3A_348[15] : i32 from vector<16xi32>
        %eq3A_350 = arith.constant 2 : i32
        %eq3A_351 = vector.broadcast %eq3A_350 : i32 to vector<16xi32>
        %eq3A_352 = arith.cmpi eq, %iota3A, %eq3A_351 : vector<16xi32>
        %jit3A_353 = arith.constant 0 : i32
        %broadcast_in_dim3A_354 = vector.broadcast %jit3A_353 : i32 to vector<16xi32>
        %select_n3A_355 = arith.select %eq3A_352, %get3A_330, %broadcast_in_dim3A_354 : vector<16xi1>, vector<16xi32>
        %reduce_sum3A_356 = arith.constant true
        %reduce_sum3A_357 = vector.broadcast %reduce_sum3A_356 : i1 to vector<16xi1>
        %reduce_sum3A_358 = tpu.scan <sum>, %select_n3A_355 masked %reduce_sum3A_357 : vector<16xi32>, vector<16xi1> -> vector<16xi32>
        %reduce_sum3A_359 = vector.extract %reduce_sum3A_358[15] : i32 from vector<16xi32>
        %eq3A_360 = arith.constant 3 : i32
        %eq3A_361 = vector.broadcast %eq3A_360 : i32 to vector<16xi32>
        %eq3A_362 = arith.cmpi eq, %iota3A, %eq3A_361 : vector<16xi32>
        %jit3A_363 = arith.constant 0 : i32
        %broadcast_in_dim3A_364 = vector.broadcast %jit3A_363 : i32 to vector<16xi32>
        %select_n3A_365 = arith.select %eq3A_362, %get3A_330, %broadcast_in_dim3A_364 : vector<16xi1>, vector<16xi32>
        %reduce_sum3A_366 = arith.constant true
        %reduce_sum3A_367 = vector.broadcast %reduce_sum3A_366 : i1 to vector<16xi1>
        %reduce_sum3A_368 = tpu.scan <sum>, %select_n3A_365 masked %reduce_sum3A_367 : vector<16xi32>, vector<16xi1> -> vector<16xi32>
        %reduce_sum3A_369 = vector.extract %reduce_sum3A_368[15] : i32 from vector<16xi32>
        %eq3A_370 = arith.constant 4 : i32
        %eq3A_371 = vector.broadcast %eq3A_370 : i32 to vector<16xi32>
        %eq3A_372 = arith.cmpi eq, %iota3A, %eq3A_371 : vector<16xi32>
        %jit3A_373 = arith.constant 0 : i32
        %broadcast_in_dim3A_374 = vector.broadcast %jit3A_373 : i32 to vector<16xi32>
        %select_n3A_375 = arith.select %eq3A_372, %get3A_330, %broadcast_in_dim3A_374 : vector<16xi1>, vector<16xi32>
        %reduce_sum3A_376 = arith.constant true
        %reduce_sum3A_377 = vector.broadcast %reduce_sum3A_376 : i1 to vector<16xi1>
        %reduce_sum3A_378 = tpu.scan <sum>, %select_n3A_375 masked %reduce_sum3A_377 : vector<16xi32>, vector<16xi1> -> vector<16xi32>
        %reduce_sum3A_379 = vector.extract %reduce_sum3A_378[15] : i32 from vector<16xi32>
        %eq3A_380 = arith.constant 5 : i32
        %eq3A_381 = vector.broadcast %eq3A_380 : i32 to vector<16xi32>
        %eq3A_382 = arith.cmpi eq, %iota3A, %eq3A_381 : vector<16xi32>
        %jit3A_383 = arith.constant 0 : i32
        %broadcast_in_dim3A_384 = vector.broadcast %jit3A_383 : i32 to vector<16xi32>
        %select_n3A_385 = arith.select %eq3A_382, %get3A_330, %broadcast_in_dim3A_384 : vector<16xi1>, vector<16xi32>
        %reduce_sum3A_386 = arith.constant true
        %reduce_sum3A_387 = vector.broadcast %reduce_sum3A_386 : i1 to vector<16xi1>
        %reduce_sum3A_388 = tpu.scan <sum>, %select_n3A_385 masked %reduce_sum3A_387 : vector<16xi32>, vector<16xi1> -> vector<16xi32>
        %reduce_sum3A_389 = vector.extract %reduce_sum3A_388[15] : i32 from vector<16xi32>
        %eq3A_390 = arith.constant 6 : i32
        %eq3A_391 = vector.broadcast %eq3A_390 : i32 to vector<16xi32>
        %eq3A_392 = arith.cmpi eq, %iota3A, %eq3A_391 : vector<16xi32>
        %jit3A_393 = arith.constant 0 : i32
        %broadcast_in_dim3A_394 = vector.broadcast %jit3A_393 : i32 to vector<16xi32>
        %select_n3A_395 = arith.select %eq3A_392, %get3A_330, %broadcast_in_dim3A_394 : vector<16xi1>, vector<16xi32>
        %reduce_sum3A_396 = arith.constant true
        %reduce_sum3A_397 = vector.broadcast %reduce_sum3A_396 : i1 to vector<16xi1>
        %reduce_sum3A_398 = tpu.scan <sum>, %select_n3A_395 masked %reduce_sum3A_397 : vector<16xi32>, vector<16xi1> -> vector<16xi32>
        %reduce_sum3A_399 = vector.extract %reduce_sum3A_398[15] : i32 from vector<16xi32>
        %eq3A_400 = arith.constant 7 : i32
        %eq3A_401 = vector.broadcast %eq3A_400 : i32 to vector<16xi32>
        %eq3A_402 = arith.cmpi eq, %iota3A, %eq3A_401 : vector<16xi32>
        %jit3A_403 = arith.constant 0 : i32
        %broadcast_in_dim3A_404 = vector.broadcast %jit3A_403 : i32 to vector<16xi32>
        %select_n3A_405 = arith.select %eq3A_402, %get3A_330, %broadcast_in_dim3A_404 : vector<16xi1>, vector<16xi32>
        %reduce_sum3A_406 = arith.constant true
        %reduce_sum3A_407 = vector.broadcast %reduce_sum3A_406 : i1 to vector<16xi1>
        %reduce_sum3A_408 = tpu.scan <sum>, %select_n3A_405 masked %reduce_sum3A_407 : vector<16xi32>, vector<16xi1> -> vector<16xi32>
        %reduce_sum3A_409 = vector.extract %reduce_sum3A_408[15] : i32 from vector<16xi32>
        %eq3A_410 = arith.constant 8 : i32
        %eq3A_411 = vector.broadcast %eq3A_410 : i32 to vector<16xi32>
        %eq3A_412 = arith.cmpi eq, %iota3A, %eq3A_411 : vector<16xi32>
        %jit3A_413 = arith.constant 0 : i32
        %broadcast_in_dim3A_414 = vector.broadcast %jit3A_413 : i32 to vector<16xi32>
        %select_n3A_415 = arith.select %eq3A_412, %get3A_330, %broadcast_in_dim3A_414 : vector<16xi1>, vector<16xi32>
        %reduce_sum3A_416 = arith.constant true
        %reduce_sum3A_417 = vector.broadcast %reduce_sum3A_416 : i1 to vector<16xi1>
        %reduce_sum3A_418 = tpu.scan <sum>, %select_n3A_415 masked %reduce_sum3A_417 : vector<16xi32>, vector<16xi1> -> vector<16xi32>
        %reduce_sum3A_419 = vector.extract %reduce_sum3A_418[15] : i32 from vector<16xi32>
        %eq3A_420 = arith.constant 9 : i32
        %eq3A_421 = vector.broadcast %eq3A_420 : i32 to vector<16xi32>
        %eq3A_422 = arith.cmpi eq, %iota3A, %eq3A_421 : vector<16xi32>
        %jit3A_423 = arith.constant 0 : i32
        %broadcast_in_dim3A_424 = vector.broadcast %jit3A_423 : i32 to vector<16xi32>
        %select_n3A_425 = arith.select %eq3A_422, %get3A_330, %broadcast_in_dim3A_424 : vector<16xi1>, vector<16xi32>
        %reduce_sum3A_426 = arith.constant true
        %reduce_sum3A_427 = vector.broadcast %reduce_sum3A_426 : i1 to vector<16xi1>
        %reduce_sum3A_428 = tpu.scan <sum>, %select_n3A_425 masked %reduce_sum3A_427 : vector<16xi32>, vector<16xi1> -> vector<16xi32>
        %reduce_sum3A_429 = vector.extract %reduce_sum3A_428[15] : i32 from vector<16xi32>
        %eq3A_430 = arith.constant 10 : i32
        %eq3A_431 = vector.broadcast %eq3A_430 : i32 to vector<16xi32>
        %eq3A_432 = arith.cmpi eq, %iota3A, %eq3A_431 : vector<16xi32>
        %jit3A_433 = arith.constant 0 : i32
        %broadcast_in_dim3A_434 = vector.broadcast %jit3A_433 : i32 to vector<16xi32>
        %select_n3A_435 = arith.select %eq3A_432, %get3A_330, %broadcast_in_dim3A_434 : vector<16xi1>, vector<16xi32>
        %reduce_sum3A_436 = arith.constant true
        %reduce_sum3A_437 = vector.broadcast %reduce_sum3A_436 : i1 to vector<16xi1>
        %reduce_sum3A_438 = tpu.scan <sum>, %select_n3A_435 masked %reduce_sum3A_437 : vector<16xi32>, vector<16xi1> -> vector<16xi32>
        %reduce_sum3A_439 = vector.extract %reduce_sum3A_438[15] : i32 from vector<16xi32>
        %eq3A_440 = arith.constant 11 : i32
        %eq3A_441 = vector.broadcast %eq3A_440 : i32 to vector<16xi32>
        %eq3A_442 = arith.cmpi eq, %iota3A, %eq3A_441 : vector<16xi32>
        %jit3A_443 = arith.constant 0 : i32
        %broadcast_in_dim3A_444 = vector.broadcast %jit3A_443 : i32 to vector<16xi32>
        %select_n3A_445 = arith.select %eq3A_442, %get3A_330, %broadcast_in_dim3A_444 : vector<16xi1>, vector<16xi32>
        %reduce_sum3A_446 = arith.constant true
        %reduce_sum3A_447 = vector.broadcast %reduce_sum3A_446 : i1 to vector<16xi1>
        %reduce_sum3A_448 = tpu.scan <sum>, %select_n3A_445 masked %reduce_sum3A_447 : vector<16xi32>, vector<16xi1> -> vector<16xi32>
        %reduce_sum3A_449 = vector.extract %reduce_sum3A_448[15] : i32 from vector<16xi32>
        %eq3A_450 = arith.constant 12 : i32
        %eq3A_451 = vector.broadcast %eq3A_450 : i32 to vector<16xi32>
        %eq3A_452 = arith.cmpi eq, %iota3A, %eq3A_451 : vector<16xi32>
        %jit3A_453 = arith.constant 0 : i32
        %broadcast_in_dim3A_454 = vector.broadcast %jit3A_453 : i32 to vector<16xi32>
        %select_n3A_455 = arith.select %eq3A_452, %get3A_330, %broadcast_in_dim3A_454 : vector<16xi1>, vector<16xi32>
        %reduce_sum3A_456 = arith.constant true
        %reduce_sum3A_457 = vector.broadcast %reduce_sum3A_456 : i1 to vector<16xi1>
        %reduce_sum3A_458 = tpu.scan <sum>, %select_n3A_455 masked %reduce_sum3A_457 : vector<16xi32>, vector<16xi1> -> vector<16xi32>
        %reduce_sum3A_459 = vector.extract %reduce_sum3A_458[15] : i32 from vector<16xi32>
        %eq3A_460 = arith.constant 13 : i32
        %eq3A_461 = vector.broadcast %eq3A_460 : i32 to vector<16xi32>
        %eq3A_462 = arith.cmpi eq, %iota3A, %eq3A_461 : vector<16xi32>
        %jit3A_463 = arith.constant 0 : i32
        %broadcast_in_dim3A_464 = vector.broadcast %jit3A_463 : i32 to vector<16xi32>
        %select_n3A_465 = arith.select %eq3A_462, %get3A_330, %broadcast_in_dim3A_464 : vector<16xi1>, vector<16xi32>
        %reduce_sum3A_466 = arith.constant true
        %reduce_sum3A_467 = vector.broadcast %reduce_sum3A_466 : i1 to vector<16xi1>
        %reduce_sum3A_468 = tpu.scan <sum>, %select_n3A_465 masked %reduce_sum3A_467 : vector<16xi32>, vector<16xi1> -> vector<16xi32>
        %reduce_sum3A_469 = vector.extract %reduce_sum3A_468[15] : i32 from vector<16xi32>
        %eq3A_470 = arith.constant 14 : i32
        %eq3A_471 = vector.broadcast %eq3A_470 : i32 to vector<16xi32>
        %eq3A_472 = arith.cmpi eq, %iota3A, %eq3A_471 : vector<16xi32>
        %jit3A_473 = arith.constant 0 : i32
        %broadcast_in_dim3A_474 = vector.broadcast %jit3A_473 : i32 to vector<16xi32>
        %select_n3A_475 = arith.select %eq3A_472, %get3A_330, %broadcast_in_dim3A_474 : vector<16xi1>, vector<16xi32>
        %reduce_sum3A_476 = arith.constant true
        %reduce_sum3A_477 = vector.broadcast %reduce_sum3A_476 : i1 to vector<16xi1>
        %reduce_sum3A_478 = tpu.scan <sum>, %select_n3A_475 masked %reduce_sum3A_477 : vector<16xi32>, vector<16xi1> -> vector<16xi32>
        %reduce_sum3A_479 = vector.extract %reduce_sum3A_478[15] : i32 from vector<16xi32>
        %eq3A_480 = arith.constant 15 : i32
        %eq3A_481 = vector.broadcast %eq3A_480 : i32 to vector<16xi32>
        %eq3A_482 = arith.cmpi eq, %iota3A, %eq3A_481 : vector<16xi32>
        %jit3A_483 = arith.constant 0 : i32
        %broadcast_in_dim3A_484 = vector.broadcast %jit3A_483 : i32 to vector<16xi32>
        %select_n3A_485 = arith.select %eq3A_482, %get3A_330, %broadcast_in_dim3A_484 : vector<16xi1>, vector<16xi32>
        %reduce_sum3A_486 = arith.constant true
        %reduce_sum3A_487 = vector.broadcast %reduce_sum3A_486 : i1 to vector<16xi1>
        %reduce_sum3A_488 = tpu.scan <sum>, %select_n3A_485 masked %reduce_sum3A_487 : vector<16xi32>, vector<16xi1> -> vector<16xi32>
        %reduce_sum3A_489 = vector.extract %reduce_sum3A_488[15] : i32 from vector<16xi32>
        %add3A_490 = arith.addi %scan3A_134#2, %reduce_sum3A_339 : i32
        %lt3A_491 = arith.cmpi slt, %add3A_490, %sub3A_114 : i32
        %jit3A_492 = arith.constant 1 : i32
        %jit3A_493 = arith.constant 0 : i32
        %select_n3A_494 = arith.select %lt3A_491, %jit3A_492, %jit3A_493 : i32
        %add3A_495 = arith.constant 0 : i32
        %add3A_496 = arith.addi %add3A_495, %select_n3A_494 : i32
        %add3A_497 = arith.addi %add3A_490, %reduce_sum3A_349 : i32
        %lt3A_498 = arith.cmpi slt, %add3A_497, %sub3A_114 : i32
        %jit3A_499 = arith.constant 1 : i32
        %jit3A_500 = arith.constant 0 : i32
        %select_n3A_501 = arith.select %lt3A_498, %jit3A_499, %jit3A_500 : i32
        %add3A_502 = arith.addi %add3A_496, %select_n3A_501 : i32
        %add3A_503 = arith.addi %add3A_497, %reduce_sum3A_359 : i32
        %lt3A_504 = arith.cmpi slt, %add3A_503, %sub3A_114 : i32
        %jit3A_505 = arith.constant 1 : i32
        %jit3A_506 = arith.constant 0 : i32
        %select_n3A_507 = arith.select %lt3A_504, %jit3A_505, %jit3A_506 : i32
        %add3A_508 = arith.addi %add3A_502, %select_n3A_507 : i32
        %add3A_509 = arith.addi %add3A_503, %reduce_sum3A_369 : i32
        %lt3A_510 = arith.cmpi slt, %add3A_509, %sub3A_114 : i32
        %jit3A_511 = arith.constant 1 : i32
        %jit3A_512 = arith.constant 0 : i32
        %select_n3A_513 = arith.select %lt3A_510, %jit3A_511, %jit3A_512 : i32
        %add3A_514 = arith.addi %add3A_508, %select_n3A_513 : i32
        %add3A_515 = arith.addi %add3A_509, %reduce_sum3A_379 : i32
        %lt3A_516 = arith.cmpi slt, %add3A_515, %sub3A_114 : i32
        %jit3A_517 = arith.constant 1 : i32
        %jit3A_518 = arith.constant 0 : i32
        %select_n3A_519 = arith.select %lt3A_516, %jit3A_517, %jit3A_518 : i32
        %add3A_520 = arith.addi %add3A_514, %select_n3A_519 : i32
        %add3A_521 = arith.addi %add3A_515, %reduce_sum3A_389 : i32
        %lt3A_522 = arith.cmpi slt, %add3A_521, %sub3A_114 : i32
        %jit3A_523 = arith.constant 1 : i32
        %jit3A_524 = arith.constant 0 : i32
        %select_n3A_525 = arith.select %lt3A_522, %jit3A_523, %jit3A_524 : i32
        %add3A_526 = arith.addi %add3A_520, %select_n3A_525 : i32
        %add3A_527 = arith.addi %add3A_521, %reduce_sum3A_399 : i32
        %lt3A_528 = arith.cmpi slt, %add3A_527, %sub3A_114 : i32
        %jit3A_529 = arith.constant 1 : i32
        %jit3A_530 = arith.constant 0 : i32
        %select_n3A_531 = arith.select %lt3A_528, %jit3A_529, %jit3A_530 : i32
        %add3A_532 = arith.addi %add3A_526, %select_n3A_531 : i32
        %add3A_533 = arith.addi %add3A_527, %reduce_sum3A_409 : i32
        %lt3A_534 = arith.cmpi slt, %add3A_533, %sub3A_114 : i32
        %jit3A_535 = arith.constant 1 : i32
        %jit3A_536 = arith.constant 0 : i32
        %select_n3A_537 = arith.select %lt3A_534, %jit3A_535, %jit3A_536 : i32
        %add3A_538 = arith.addi %add3A_532, %select_n3A_537 : i32
        %add3A_539 = arith.addi %add3A_533, %reduce_sum3A_419 : i32
        %lt3A_540 = arith.cmpi slt, %add3A_539, %sub3A_114 : i32
        %jit3A_541 = arith.constant 1 : i32
        %jit3A_542 = arith.constant 0 : i32
        %select_n3A_543 = arith.select %lt3A_540, %jit3A_541, %jit3A_542 : i32
        %add3A_544 = arith.addi %add3A_538, %select_n3A_543 : i32
        %add3A_545 = arith.addi %add3A_539, %reduce_sum3A_429 : i32
        %lt3A_546 = arith.cmpi slt, %add3A_545, %sub3A_114 : i32
        %jit3A_547 = arith.constant 1 : i32
        %jit3A_548 = arith.constant 0 : i32
        %select_n3A_549 = arith.select %lt3A_546, %jit3A_547, %jit3A_548 : i32
        %add3A_550 = arith.addi %add3A_544, %select_n3A_549 : i32
        %add3A_551 = arith.addi %add3A_545, %reduce_sum3A_439 : i32
        %lt3A_552 = arith.cmpi slt, %add3A_551, %sub3A_114 : i32
        %jit3A_553 = arith.constant 1 : i32
        %jit3A_554 = arith.constant 0 : i32
        %select_n3A_555 = arith.select %lt3A_552, %jit3A_553, %jit3A_554 : i32
        %add3A_556 = arith.addi %add3A_550, %select_n3A_555 : i32
        %add3A_557 = arith.addi %add3A_551, %reduce_sum3A_449 : i32
        %lt3A_558 = arith.cmpi slt, %add3A_557, %sub3A_114 : i32
        %jit3A_559 = arith.constant 1 : i32
        %jit3A_560 = arith.constant 0 : i32
        %select_n3A_561 = arith.select %lt3A_558, %jit3A_559, %jit3A_560 : i32
        %add3A_562 = arith.addi %add3A_556, %select_n3A_561 : i32
        %add3A_563 = arith.addi %add3A_557, %reduce_sum3A_459 : i32
        %lt3A_564 = arith.cmpi slt, %add3A_563, %sub3A_114 : i32
        %jit3A_565 = arith.constant 1 : i32
        %jit3A_566 = arith.constant 0 : i32
        %select_n3A_567 = arith.select %lt3A_564, %jit3A_565, %jit3A_566 : i32
        %add3A_568 = arith.addi %add3A_562, %select_n3A_567 : i32
        %add3A_569 = arith.addi %add3A_563, %reduce_sum3A_469 : i32
        %lt3A_570 = arith.cmpi slt, %add3A_569, %sub3A_114 : i32
        %jit3A_571 = arith.constant 1 : i32
        %jit3A_572 = arith.constant 0 : i32
        %select_n3A_573 = arith.select %lt3A_570, %jit3A_571, %jit3A_572 : i32
        %add3A_574 = arith.addi %add3A_568, %select_n3A_573 : i32
        %add3A_575 = arith.addi %add3A_569, %reduce_sum3A_479 : i32
        %lt3A_576 = arith.cmpi slt, %add3A_575, %sub3A_114 : i32
        %jit3A_577 = arith.constant 1 : i32
        %jit3A_578 = arith.constant 0 : i32
        %select_n3A_579 = arith.select %lt3A_576, %jit3A_577, %jit3A_578 : i32
        %add3A_580 = arith.addi %add3A_574, %select_n3A_579 : i32
        %add3A_581 = arith.addi %add3A_575, %reduce_sum3A_489 : i32
        %lt3A_582 = arith.cmpi slt, %add3A_581, %sub3A_114 : i32
        %jit3A_583 = arith.constant 1 : i32
        %jit3A_584 = arith.constant 0 : i32
        %select_n3A_585 = arith.select %lt3A_582, %jit3A_583, %jit3A_584 : i32
        %add3A_586 = arith.addi %add3A_580, %select_n3A_585 : i32
        %lt3A_587 = arith.constant 0 : i32
        %lt3A_588 = arith.cmpi slt, %lt3A_587, %add3A_586 : i32
        %jit3A_589 = arith.constant 0 : i32
        %select_n3A_590 = arith.select %lt3A_588, %reduce_sum3A_339, %jit3A_589 : i32
        %add3A_591 = arith.addi %scan3A_134#2, %select_n3A_590 : i32
        %lt3A_592 = arith.constant 1 : i32
        %lt3A_593 = arith.cmpi slt, %lt3A_592, %add3A_586 : i32
        %jit3A_594 = arith.constant 0 : i32
        %select_n3A_595 = arith.select %lt3A_593, %reduce_sum3A_349, %jit3A_594 : i32
        %add3A_596 = arith.addi %add3A_591, %select_n3A_595 : i32
        %lt3A_597 = arith.constant 2 : i32
        %lt3A_598 = arith.cmpi slt, %lt3A_597, %add3A_586 : i32
        %jit3A_599 = arith.constant 0 : i32
        %select_n3A_600 = arith.select %lt3A_598, %reduce_sum3A_359, %jit3A_599 : i32
        %add3A_601 = arith.addi %add3A_596, %select_n3A_600 : i32
        %lt3A_602 = arith.constant 3 : i32
        %lt3A_603 = arith.cmpi slt, %lt3A_602, %add3A_586 : i32
        %jit3A_604 = arith.constant 0 : i32
        %select_n3A_605 = arith.select %lt3A_603, %reduce_sum3A_369, %jit3A_604 : i32
        %add3A_606 = arith.addi %add3A_601, %select_n3A_605 : i32
        %lt3A_607 = arith.constant 4 : i32
        %lt3A_608 = arith.cmpi slt, %lt3A_607, %add3A_586 : i32
        %jit3A_609 = arith.constant 0 : i32
        %select_n3A_610 = arith.select %lt3A_608, %reduce_sum3A_379, %jit3A_609 : i32
        %add3A_611 = arith.addi %add3A_606, %select_n3A_610 : i32
        %lt3A_612 = arith.constant 5 : i32
        %lt3A_613 = arith.cmpi slt, %lt3A_612, %add3A_586 : i32
        %jit3A_614 = arith.constant 0 : i32
        %select_n3A_615 = arith.select %lt3A_613, %reduce_sum3A_389, %jit3A_614 : i32
        %add3A_616 = arith.addi %add3A_611, %select_n3A_615 : i32
        %lt3A_617 = arith.constant 6 : i32
        %lt3A_618 = arith.cmpi slt, %lt3A_617, %add3A_586 : i32
        %jit3A_619 = arith.constant 0 : i32
        %select_n3A_620 = arith.select %lt3A_618, %reduce_sum3A_399, %jit3A_619 : i32
        %add3A_621 = arith.addi %add3A_616, %select_n3A_620 : i32
        %lt3A_622 = arith.constant 7 : i32
        %lt3A_623 = arith.cmpi slt, %lt3A_622, %add3A_586 : i32
        %jit3A_624 = arith.constant 0 : i32
        %select_n3A_625 = arith.select %lt3A_623, %reduce_sum3A_409, %jit3A_624 : i32
        %add3A_626 = arith.addi %add3A_621, %select_n3A_625 : i32
        %lt3A_627 = arith.constant 8 : i32
        %lt3A_628 = arith.cmpi slt, %lt3A_627, %add3A_586 : i32
        %jit3A_629 = arith.constant 0 : i32
        %select_n3A_630 = arith.select %lt3A_628, %reduce_sum3A_419, %jit3A_629 : i32
        %add3A_631 = arith.addi %add3A_626, %select_n3A_630 : i32
        %lt3A_632 = arith.constant 9 : i32
        %lt3A_633 = arith.cmpi slt, %lt3A_632, %add3A_586 : i32
        %jit3A_634 = arith.constant 0 : i32
        %select_n3A_635 = arith.select %lt3A_633, %reduce_sum3A_429, %jit3A_634 : i32
        %add3A_636 = arith.addi %add3A_631, %select_n3A_635 : i32
        %lt3A_637 = arith.constant 10 : i32
        %lt3A_638 = arith.cmpi slt, %lt3A_637, %add3A_586 : i32
        %jit3A_639 = arith.constant 0 : i32
        %select_n3A_640 = arith.select %lt3A_638, %reduce_sum3A_439, %jit3A_639 : i32
        %add3A_641 = arith.addi %add3A_636, %select_n3A_640 : i32
        %lt3A_642 = arith.constant 11 : i32
        %lt3A_643 = arith.cmpi slt, %lt3A_642, %add3A_586 : i32
        %jit3A_644 = arith.constant 0 : i32
        %select_n3A_645 = arith.select %lt3A_643, %reduce_sum3A_449, %jit3A_644 : i32
        %add3A_646 = arith.addi %add3A_641, %select_n3A_645 : i32
        %lt3A_647 = arith.constant 12 : i32
        %lt3A_648 = arith.cmpi slt, %lt3A_647, %add3A_586 : i32
        %jit3A_649 = arith.constant 0 : i32
        %select_n3A_650 = arith.select %lt3A_648, %reduce_sum3A_459, %jit3A_649 : i32
        %add3A_651 = arith.addi %add3A_646, %select_n3A_650 : i32
        %lt3A_652 = arith.constant 13 : i32
        %lt3A_653 = arith.cmpi slt, %lt3A_652, %add3A_586 : i32
        %jit3A_654 = arith.constant 0 : i32
        %select_n3A_655 = arith.select %lt3A_653, %reduce_sum3A_469, %jit3A_654 : i32
        %add3A_656 = arith.addi %add3A_651, %select_n3A_655 : i32
        %lt3A_657 = arith.constant 14 : i32
        %lt3A_658 = arith.cmpi slt, %lt3A_657, %add3A_586 : i32
        %jit3A_659 = arith.constant 0 : i32
        %select_n3A_660 = arith.select %lt3A_658, %reduce_sum3A_479, %jit3A_659 : i32
        %add3A_661 = arith.addi %add3A_656, %select_n3A_660 : i32
        %lt3A_662 = arith.constant 15 : i32
        %lt3A_663 = arith.cmpi slt, %lt3A_662, %add3A_586 : i32
        %jit3A_664 = arith.constant 0 : i32
        %select_n3A_665 = arith.select %lt3A_663, %reduce_sum3A_489, %jit3A_664 : i32
        %add3A_666 = arith.addi %add3A_661, %select_n3A_665 : i32
        %eq3A_667 = arith.cmpi eq, %scan3A_325, %scan3A_134#1 : i32
        %select_n3A_668 = arith.select %eq3A_667, %add3A_586, %scan3A_326 : i32
        %select_n3A_669 = arith.select %eq3A_667, %add3A_666, %scan3A_327 : i32
        scf.yield %select_n3A_668, %select_n3A_669 : i32, i32
      }
      %scan3A_143 = arith.constant 64 : i32
      %mul3A_144 = arith.constant 16 : i32
      %mul3A_145 = arith.muli %scan3A_134#1, %mul3A_144 : i32
      %add3A_146 = arith.addi %mul3A_145, %scan3A_142#0 : i32
      %sub3A_147 = arith.subi %sub3A_114, %scan3A_142#1 : i32
      %sub3A_148 = arith.constant 1024 : i32
      %sub3A_149 = arith.subi %add3A_80, %sub3A_148 : i32
      %shift_left3A = arith.constant 21 : i32
      %shift_left3A_150 = arith.shli %sub3A_149, %shift_left3A : i32
      %shift_left3A_151 = arith.constant 10 : i32
      %shift_left3A_152 = arith.shli %add3A_113, %shift_left3A_151 : i32
      %or3A = arith.ori %shift_left3A_150, %shift_left3A_152 : i32
      %or3A_153 = arith.ori %or3A, %add3A_146 : i32
      %scan3A_154 = arith.constant 0 : i32
      %scan3A_155 = arith.constant 0 : i32
      %scan3A_156 = arith.constant 1250 : i32
      %scan3A_157 = arith.addi %scan3A_155, %scan3A_156 : i32
      %scan3A_158 = arith.constant 1 : i32
      %scan3A_159 = scf.for %scan3A_325 = %scan3A_155 to %scan3A_157 step %scan3A_158 iter_args(%scan3A_326 = %scan3A_154) -> (i32)  : i32 {
        %mul3A_327 = arith.constant 16 : i32
        %mul3A_328 = arith.muli %scan3A_325, %mul3A_327 : i32
        %get3A = arith.index_cast %mul3A_328 : i32 to index
        %get3A_329 = tpu.vector_load %arg6[%get3A] {strides = array<i32>} : memref<20000xi32, #tpu.memory_space<vmem>>, vector<16xi32>,
        %lt3A_330 = vector.broadcast %or3A_153 : i32 to vector<16xi32>
        %lt3A_331 = arith.cmpi slt, %get3A_329, %lt3A_330 : vector<16xi32>
        %jit3A_332 = arith.constant 1 : i32
        %jit3A_333 = arith.constant 0 : i32
        %broadcast_in_dim3A_334 = vector.broadcast %jit3A_332 : i32 to vector<16xi32>
        %broadcast_in_dim3A_335 = vector.broadcast %jit3A_333 : i32 to vector<16xi32>
        %select_n3A_336 = arith.select %lt3A_331, %broadcast_in_dim3A_334, %broadcast_in_dim3A_335 : vector<16xi1>, vector<16xi32>
        %reduce_sum3A = arith.constant true
        %reduce_sum3A_337 = vector.broadcast %reduce_sum3A : i1 to vector<16xi1>
        %reduce_sum3A_338 = tpu.scan <sum>, %select_n3A_336 masked %reduce_sum3A_337 : vector<16xi32>, vector<16xi1> -> vector<16xi32>
        %reduce_sum3A_339 = vector.extract %reduce_sum3A_338[15] : i32 from vector<16xi32>
        %swap3A = arith.index_cast %scan3A_326 : i32 to index
        %swap3A_340 = tpu.vector_load %arg8[%swap3A] masked %lt3A_331 {strides = array<i32>} : memref<544xi32, #tpu.memory_space<vmem>>, vector<16xi32>, vector<16xi1>
        tpu.vector_store %arg8[%swap3A], %get3A_329 masked %lt3A_331 {strides = array<i32>} : memref<544xi32, #tpu.memory_space<vmem>>, vector<16xi32>, vector<16xi1>
        %add3A_341 = arith.addi %scan3A_326, %reduce_sum3A_339 : i32
        scf.yield %add3A_341 : i32
      }
      %scan3A_160 = arith.constant 1250 : i32
      %scan3A_161 = arith.constant 0 : i32
      %scan3A_162 = arith.constant 0 : i32
      %scan3A_163 = arith.constant 1250 : i32
      %scan3A_164 = arith.addi %scan3A_162, %scan3A_163 : i32
      %scan3A_165 = arith.constant 1 : i32
      %scan3A_166 = scf.for %scan3A_325 = %scan3A_162 to %scan3A_164 step %scan3A_165 iter_args(%scan3A_326 = %scan3A_161) -> (i32)  : i32 {
        %mul3A_327 = arith.constant 16 : i32
        %mul3A_328 = arith.muli %scan3A_325, %mul3A_327 : i32
        %get3A = arith.index_cast %mul3A_328 : i32 to index
        %get3A_329 = tpu.vector_load %arg6[%get3A] {strides = array<i32>} : memref<20000xi32, #tpu.memory_space<vmem>>, vector<16xi32>,
        %mul3A_330 = arith.constant 16 : i32
        %mul3A_331 = arith.muli %scan3A_325, %mul3A_330 : i32
        %add3A_332 = vector.broadcast %mul3A_331 : i32 to vector<16xi32>
        %add3A_333 = arith.addi %add3A_332, %iota3A : vector<16xi32>
        %lt3A_334 = vector.broadcast %or3A_153 : i32 to vector<16xi32>
        %lt3A_335 = arith.cmpi slt, %get3A_329, %lt3A_334 : vector<16xi32>
        %jit3A_336 = arith.constant 1 : i32
        %jit3A_337 = arith.constant 0 : i32
        %broadcast_in_dim3A_338 = vector.broadcast %jit3A_336 : i32 to vector<16xi32>
        %broadcast_in_dim3A_339 = vector.broadcast %jit3A_337 : i32 to vector<16xi32>
        %select_n3A_340 = arith.select %lt3A_335, %broadcast_in_dim3A_338, %broadcast_in_dim3A_339 : vector<16xi1>, vector<16xi32>
        %reduce_sum3A = arith.constant true
        %reduce_sum3A_341 = vector.broadcast %reduce_sum3A : i1 to vector<16xi1>
        %reduce_sum3A_342 = tpu.scan <sum>, %select_n3A_340 masked %reduce_sum3A_341 : vector<16xi32>, vector<16xi1> -> vector<16xi32>
        %reduce_sum3A_343 = vector.extract %reduce_sum3A_342[15] : i32 from vector<16xi32>
        %swap3A = arith.index_cast %scan3A_326 : i32 to index
        %swap3A_344 = tpu.vector_load %arg9[%swap3A] masked %lt3A_335 {strides = array<i32>} : memref<544xi32, #tpu.memory_space<vmem>>, vector<16xi32>, vector<16xi1>
        tpu.vector_store %arg9[%swap3A], %add3A_333 masked %lt3A_335 {strides = array<i32>} : memref<544xi32, #tpu.memory_space<vmem>>, vector<16xi32>, vector<16xi1>
        %add3A_345 = arith.addi %scan3A_326, %reduce_sum3A_343 : i32
        scf.yield %add3A_345 : i32
      }
      %scan3A_167 = arith.constant 1250 : i32
      %scan3A_168 = arith.constant 0 : i32
      %scan3A_169 = arith.constant 0 : i32
      %scan3A_170 = arith.constant 1250 : i32
      %scan3A_171 = arith.addi %scan3A_169, %scan3A_170 : i32
      %scan3A_172 = arith.constant 1 : i32
      %scan3A_173 = scf.for %scan3A_325 = %scan3A_169 to %scan3A_171 step %scan3A_172 iter_args(%scan3A_326 = %scan3A_168) -> (i32)  : i32 {
        %mul3A_327 = arith.constant 16 : i32
        %mul3A_328 = arith.muli %scan3A_325, %mul3A_327 : i32
        %get3A = arith.index_cast %mul3A_328 : i32 to index
        %get3A_329 = tpu.vector_load %arg6[%get3A] {strides = array<i32>} : memref<20000xi32, #tpu.memory_space<vmem>>, vector<16xi32>,
        %mul3A_330 = arith.constant 16 : i32
        %mul3A_331 = arith.muli %scan3A_325, %mul3A_330 : i32
        %add3A_332 = vector.broadcast %mul3A_331 : i32 to vector<16xi32>
        %add3A_333 = arith.addi %add3A_332, %iota3A : vector<16xi32>
        %eq3A_334 = vector.broadcast %or3A_153 : i32 to vector<16xi32>
        %eq3A_335 = arith.cmpi eq, %get3A_329, %eq3A_334 : vector<16xi32>
        %jit3A_336 = arith.constant 1 : i32
        %jit3A_337 = arith.constant 0 : i32
        %broadcast_in_dim3A_338 = vector.broadcast %jit3A_336 : i32 to vector<16xi32>
        %broadcast_in_dim3A_339 = vector.broadcast %jit3A_337 : i32 to vector<16xi32>
        %select_n3A_340 = arith.select %eq3A_335, %broadcast_in_dim3A_338, %broadcast_in_dim3A_339 : vector<16xi1>, vector<16xi32>
        %reduce_sum3A = arith.constant true
        %reduce_sum3A_341 = vector.broadcast %reduce_sum3A : i1 to vector<16xi1>
        %reduce_sum3A_342 = tpu.scan <sum>, %select_n3A_340 masked %reduce_sum3A_341 : vector<16xi32>, vector<16xi1> -> vector<16xi32>
        %reduce_sum3A_343 = vector.extract %reduce_sum3A_342[15] : i32 from vector<16xi32>
        %lt3A_344 = arith.cmpi slt, %scan3A_326, %sub3A_147 : i32
        %convert_element_type3A_345 = arith.extui %lt3A_344 : i1 to i32
        %cond3A_346 = arith.constant 0 : i32
        %cond3A_347 = arith.cmpi ne, %convert_element_type3A_345, %cond3A_346 : i32
        scf.if %cond3A_347 {
          %swap3A = arith.index_cast %scan3A_326 : i32 to index
          %swap3A_351 = tpu.vector_load %arg10[%swap3A] masked %eq3A_335 {strides = array<i32>} : memref<400xi32, #tpu.memory_space<vmem>>, vector<16xi32>, vector<16xi1>
          tpu.vector_store %arg10[%swap3A], %add3A_333 masked %eq3A_335 {strides = array<i32>} : memref<400xi32, #tpu.memory_space<vmem>>, vector<16xi32>, vector<16xi1>
        } else {
        }
        %lt3A_348 = arith.cmpi slt, %scan3A_326, %sub3A_147 : i32
        %add3A_349 = arith.addi %scan3A_326, %reduce_sum3A_343 : i32
        %select_n3A_350 = arith.select %lt3A_348, %add3A_349, %scan3A_326 : i32
        scf.yield %select_n3A_350 : i32
      }
      %scan3A_174 = arith.constant 1250 : i32
      %scan3A_175 = arith.constant 0 : i32
      %scan3A_176 = arith.constant 0 : i32
      %scan3A_177 = arith.constant 23 : i32
      %scan3A_178 = arith.addi %scan3A_176, %scan3A_177 : i32
      %scan3A_179 = arith.constant 1 : i32
      scf.for %scan3A_325 = %scan3A_176 to %scan3A_178 step %scan3A_179  : i32 {
        %mul3A_326 = arith.constant 16 : i32
        %mul3A_327 = arith.muli %scan3A_325, %mul3A_326 : i32
        %add3A_328 = vector.broadcast %mul3A_327 : i32 to vector<16xi32>
        %add3A_329 = arith.addi %add3A_328, %iota3A : vector<16xi32>
        %lt3A_330 = vector.broadcast %sub3A_147 : i32 to vector<16xi32>
        %lt3A_331 = arith.cmpi slt, %add3A_329, %lt3A_330 : vector<16xi32>
        %add3A_332 = vector.broadcast %scan3A_159 : i32 to vector<16xi32>
        %add3A_333 = arith.addi %add3A_332, %add3A_329 : vector<16xi32>
        %jit3A_334 = arith.constant 543 : i32
        %broadcast_in_dim3A_335 = vector.broadcast %jit3A_334 : i32 to vector<16xi32>
        %select_n3A_336 = arith.select %lt3A_331, %add3A_333, %broadcast_in_dim3A_335 : vector<16xi1>, vector<16xi32>
        %mul3A_337 = arith.constant 16 : i32
        %mul3A_338 = arith.muli %scan3A_325, %mul3A_337 : i32
        %get3A = arith.index_cast %mul3A_338 : i32 to index
        %get3A_339 = tpu.vector_load %arg10[%get3A] {strides = array<i32>} : memref<400xi32, #tpu.memory_space<vmem>>, vector<16xi32>,
        tpu.vector_store_idx %arg9[%select_n3A_336], %get3A_339 : memref<544xi32, #tpu.memory_space<vmem>>[vector<16xi32>], vector<16xi32>,
        %broadcast_in_dim3A_340 = arith.constant 0 : i32
        %broadcast_in_dim3A_341 = vector.broadcast %broadcast_in_dim3A_340 : i32 to vector<16xi32>
        %add3A_342 = vector.broadcast %or3A_153 : i32 to vector<16xi32>
        %add3A_343 = arith.addi %broadcast_in_dim3A_341, %add3A_342 : vector<16xi32>
        tpu.vector_store_idx %arg8[%select_n3A_336], %add3A_343 : memref<544xi32, #tpu.memory_space<vmem>>[vector<16xi32>], vector<16xi32>,
      }
      %scan3A_180 = arith.constant 23 : i32
      %scan3A_181 = arith.constant 0 : i32
      %scan3A_182 = arith.constant 0 : i32
      %scan3A_183 = arith.constant 34 : i32
      %scan3A_184 = arith.addi %scan3A_182, %scan3A_183 : i32
      %scan3A_185 = arith.constant 1 : i32
      scf.for %scan3A_325 = %scan3A_182 to %scan3A_184 step %scan3A_185  : i32 {
        %mul3A_326 = arith.constant 16 : i32
        %mul3A_327 = arith.muli %scan3A_325, %mul3A_326 : i32
        %add3A_328 = vector.broadcast %mul3A_327 : i32 to vector<16xi32>
        %add3A_329 = arith.addi %add3A_328, %iota3A : vector<16xi32>
        %mul3A_330 = arith.constant 16 : i32
        %mul3A_331 = arith.muli %scan3A_325, %mul3A_330 : i32
        %get3A = arith.index_cast %mul3A_331 : i32 to index
        %get3A_332 = tpu.vector_load %arg8[%get3A] {strides = array<i32>} : memref<544xi32, #tpu.memory_space<vmem>>, vector<16xi32>,
        %mul3A_333 = arith.constant 16 : i32
        %mul3A_334 = arith.muli %scan3A_325, %mul3A_333 : i32
        %get3A_335 = arith.index_cast %mul3A_334 : i32 to index
        %get3A_336 = tpu.vector_load %arg9[%get3A_335] {strides = array<i32>} : memref<544xi32, #tpu.memory_space<vmem>>, vector<16xi32>,
        %ge3A = vector.broadcast %select_n3A_39 : i32 to vector<16xi32>
        %ge3A_337 = arith.cmpi sge, %add3A_329, %ge3A : vector<16xi32>
        %jit3A_338 = arith.constant 2147483647 : i32
        %broadcast_in_dim3A_339 = vector.broadcast %jit3A_338 : i32 to vector<16xi32>
        %select_n3A_340 = arith.select %ge3A_337, %broadcast_in_dim3A_339, %get3A_332 : vector<16xi1>, vector<16xi32>
        %mul3A_341 = arith.constant 16 : i32
        %mul3A_342 = arith.muli %scan3A_325, %mul3A_341 : i32
        %swap3A = arith.index_cast %mul3A_342 : i32 to index
        %swap3A_343 = tpu.vector_load %arg8[%swap3A] {strides = array<i32>} : memref<544xi32, #tpu.memory_space<vmem>>, vector<16xi32>,
        tpu.vector_store %arg8[%swap3A], %select_n3A_340 {strides = array<i32>} : memref<544xi32, #tpu.memory_space<vmem>>, vector<16xi32>,
        %ge3A_344 = vector.broadcast %select_n3A_39 : i32 to vector<16xi32>
        %ge3A_345 = arith.cmpi sge, %add3A_329, %ge3A_344 : vector<16xi32>
        %jit3A_346 = arith.constant 2147483647 : i32
        %broadcast_in_dim3A_347 = vector.broadcast %jit3A_346 : i32 to vector<16xi32>
        %select_n3A_348 = arith.select %ge3A_345, %broadcast_in_dim3A_347, %get3A_336 : vector<16xi1>, vector<16xi32>
        %mul3A_349 = arith.constant 16 : i32
        %mul3A_350 = arith.muli %scan3A_325, %mul3A_349 : i32
        %swap3A_351 = arith.index_cast %mul3A_350 : i32 to index
        %swap3A_352 = tpu.vector_load %arg9[%swap3A_351] {strides = array<i32>} : memref<544xi32, #tpu.memory_space<vmem>>, vector<16xi32>,
        tpu.vector_store %arg9[%swap3A_351], %select_n3A_348 {strides = array<i32>} : memref<544xi32, #tpu.memory_space<vmem>>, vector<16xi32>,
      }
      %scan3A_186 = arith.constant 34 : i32
      %scan3A_187 = arith.constant 0 : i32
      %scan3A_188 = arith.constant 0 : i32
      %scan3A_189 = arith.constant 32 : i32
      %scan3A_190 = arith.addi %scan3A_188, %scan3A_189 : i32
      %scan3A_191 = arith.constant 1 : i32
      scf.for %scan3A_325 = %scan3A_188 to %scan3A_190 step %scan3A_191  : i32 {
        %add3A_326 = arith.constant 0 : i32
        %add3A_327 = arith.addi %add3A_326, %scan3A_325 : i32
        %mul3A_328 = arith.constant 16 : i32
        %mul3A_329 = arith.muli %add3A_327, %mul3A_328 : i32
        %get3A = arith.index_cast %mul3A_329 : i32 to index
        %get3A_330 = tpu.vector_load %arg8[%get3A] {strides = array<i32>} : memref<544xi32, #tpu.memory_space<vmem>>, vector<16xi32>,
        %get3A_331 = arith.index_cast %mul3A_329 : i32 to index
        %get3A_332 = tpu.vector_load %arg9[%get3A_331] {strides = array<i32>} : memref<544xi32, #tpu.memory_space<vmem>>, vector<16xi32>,
        %masked_sort3A = arith.constant dense<true> : vector<16xi1>
        %masked_sort3A_333 = arith.constant -2147483648 : i32
        %masked_sort3A_334 = vector.broadcast %masked_sort3A_333 : i32 to vector<16xi32>
        %masked_sort3A_335 = arith.xori %get3A_330, %masked_sort3A_334 : vector<16xi32>
        %masked_sort3A_336, %masked_sort3A_337, %masked_sort3A_338 = tpu.sort %masked_sort3A_335, %get3A_332 masked %masked_sort3A : (vector<16xi32>, vector<16xi32>, vector<16xi1>) -> (vector<16xi1>, vector<16xi32>, vector<16xi32>)
        %masked_sort3A_339 = arith.xori %masked_sort3A_337, %masked_sort3A_334 : vector<16xi32>
        %swap3A = arith.index_cast %mul3A_329 : i32 to index
        %swap3A_340 = tpu.vector_load %arg8[%swap3A] {strides = array<i32>} : memref<544xi32, #tpu.memory_space<vmem>>, vector<16xi32>,
        tpu.vector_store %arg8[%swap3A], %masked_sort3A_339 {strides = array<i32>} : memref<544xi32, #tpu.memory_space<vmem>>, vector<16xi32>,
        %swap3A_341 = arith.index_cast %mul3A_329 : i32 to index
        %swap3A_342 = tpu.vector_load %arg9[%swap3A_341] {strides = array<i32>} : memref<544xi32, #tpu.memory_space<vmem>>, vector<16xi32>,
        tpu.vector_store %arg9[%swap3A_341], %masked_sort3A_338 {strides = array<i32>} : memref<544xi32, #tpu.memory_space<vmem>>, vector<16xi32>,
      }
      %scan3A_192 = arith.constant 32 : i32
      %scan3A_193 = arith.constant 0 : i32
      %scan3A_194 = arith.constant 0 : i32
      %scan3A_195 = arith.constant 16 : i32
      %scan3A_196 = arith.addi %scan3A_194, %scan3A_195 : i32
      %scan3A_197 = arith.constant 1 : i32
      scf.for %scan3A_325 = %scan3A_194 to %scan3A_196 step %scan3A_197  : i32 {
        %mul3A_326 = arith.constant 32 : i32
        %mul3A_327 = arith.muli %scan3A_325, %mul3A_326 : i32
        %scan3A_328 = arith.constant 0 : i32
        %scan3A_329 = arith.constant 0 : i32
        %mul3A_330 = arith.constant 16 : i32
        %mul3A_331 = arith.muli %scan3A_329, %mul3A_330 : i32
        %add3A_332 = arith.addi %mul3A_327, %mul3A_331 : i32
        %add3A_333 = arith.constant 32 : i32
        %add3A_334 = arith.addi %mul3A_327, %add3A_333 : i32
        %add3A_335 = arith.constant 1 : i32
        %add3A_336 = arith.addi %scan3A_329, %add3A_335 : i32
        %mul3A_337 = arith.constant 16 : i32
        %mul3A_338 = arith.muli %add3A_336, %mul3A_337 : i32
        %sub3A_339 = arith.subi %add3A_334, %mul3A_338 : i32
        %get3A = arith.index_cast %add3A_332 : i32 to index
        %get3A_340 = tpu.vector_load %arg8[%get3A] {strides = array<i32>} : memref<544xi32, #tpu.memory_space<vmem>>, vector<16xi32>,
        %get3A_341 = arith.index_cast %add3A_332 : i32 to index
        %get3A_342 = tpu.vector_load %arg9[%get3A_341] {strides = array<i32>} : memref<544xi32, #tpu.memory_space<vmem>>, vector<16xi32>,
        %get3A_343 = arith.index_cast %sub3A_339 : i32 to index
        %get3A_344 = tpu.vector_load %arg8[%get3A_343] {strides = array<i32>} : memref<544xi32, #tpu.memory_space<vmem>>, vector<16xi32>,
        %get3A_345 = arith.index_cast %sub3A_339 : i32 to index
        %get3A_346 = tpu.vector_load %arg9[%get3A_345] {strides = array<i32>} : memref<544xi32, #tpu.memory_space<vmem>>, vector<16xi32>,
        %rev3A = arith.constant 15 : i32
        %rev3A_347 = vector.broadcast %rev3A : i32 to vector<16xi32>
        %rev3A_348 = tpu.iota {dimensions = array<i32: 0>} : vector<16xi32>
        %rev3A_349 = arith.subi %rev3A_347, %rev3A_348 : vector<16xi32>
        %rev3A_350 = tpu.dynamic_gather %get3A_344[%rev3A_349] in [0] : vector<16xi32>, vector<16xi32> -> vector<16xi32>
        %rev3A_351 = arith.constant 15 : i32
        %rev3A_352 = vector.broadcast %rev3A_351 : i32 to vector<16xi32>
        %rev3A_353 = tpu.iota {dimensions = array<i32: 0>} : vector<16xi32>
        %rev3A_354 = arith.subi %rev3A_352, %rev3A_353 : vector<16xi32>
        %rev3A_355 = tpu.dynamic_gather %get3A_346[%rev3A_354] in [0] : vector<16xi32>, vector<16xi32> -> vector<16xi32>
        %le3A = arith.cmpi sle, %get3A_340, %rev3A_350 : vector<16xi32>
        %select_n3A_356 = arith.select %le3A, %get3A_340, %rev3A_350 : vector<16xi1>, vector<16xi32>
        %select_n3A_357 = arith.select %le3A, %get3A_342, %rev3A_355 : vector<16xi1>, vector<16xi32>
        %select_n3A_358 = arith.select %le3A, %rev3A_350, %get3A_340 : vector<16xi1>, vector<16xi32>
        %select_n3A_359 = arith.select %le3A, %rev3A_355, %get3A_342 : vector<16xi1>, vector<16xi32>
        %rev3A_360 = arith.constant 15 : i32
        %rev3A_361 = vector.broadcast %rev3A_360 : i32 to vector<16xi32>
        %rev3A_362 = tpu.iota {dimensions = array<i32: 0>} : vector<16xi32>
        %rev3A_363 = arith.subi %rev3A_361, %rev3A_362 : vector<16xi32>
        %rev3A_364 = tpu.dynamic_gather %select_n3A_358[%rev3A_363] in [0] : vector<16xi32>, vector<16xi32> -> vector<16xi32>
        %rev3A_365 = arith.constant 15 : i32
        %rev3A_366 = vector.broadcast %rev3A_365 : i32 to vector<16xi32>
        %rev3A_367 = tpu.iota {dimensions = array<i32: 0>} : vector<16xi32>
        %rev3A_368 = arith.subi %rev3A_366, %rev3A_367 : vector<16xi32>
        %rev3A_369 = tpu.dynamic_gather %select_n3A_359[%rev3A_368] in [0] : vector<16xi32>, vector<16xi32> -> vector<16xi32>
        %swap3A = arith.index_cast %add3A_332 : i32 to index
        %swap3A_370 = tpu.vector_load %arg8[%swap3A] {strides = array<i32>} : memref<544xi32, #tpu.memory_space<vmem>>, vector<16xi32>,
        tpu.vector_store %arg8[%swap3A], %select_n3A_356 {strides = array<i32>} : memref<544xi32, #tpu.memory_space<vmem>>, vector<16xi32>,
        %swap3A_371 = arith.index_cast %add3A_332 : i32 to index
        %swap3A_372 = tpu.vector_load %arg9[%swap3A_371] {strides = array<i32>} : memref<544xi32, #tpu.memory_space<vmem>>, vector<16xi32>,
        tpu.vector_store %arg9[%swap3A_371], %select_n3A_357 {strides = array<i32>} : memref<544xi32, #tpu.memory_space<vmem>>, vector<16xi32>,
        %swap3A_373 = arith.index_cast %sub3A_339 : i32 to index
        %swap3A_374 = tpu.vector_load %arg8[%swap3A_373] {strides = array<i32>} : memref<544xi32, #tpu.memory_space<vmem>>, vector<16xi32>,
        tpu.vector_store %arg8[%swap3A_373], %rev3A_364 {strides = array<i32>} : memref<544xi32, #tpu.memory_space<vmem>>, vector<16xi32>,
        %swap3A_375 = arith.index_cast %sub3A_339 : i32 to index
        %swap3A_376 = tpu.vector_load %arg9[%swap3A_375] {strides = array<i32>} : memref<544xi32, #tpu.memory_space<vmem>>, vector<16xi32>,
        tpu.vector_store %arg9[%swap3A_375], %rev3A_369 {strides = array<i32>} : memref<544xi32, #tpu.memory_space<vmem>>, vector<16xi32>,
        %scan3A_377 = arith.constant 1 : i32
        %jit3A_378 = arith.constant 16 : i32
        %div3A_379 = arith.divsi %mul3A_327, %jit3A_378 : i32
        %sign3A_380 = arith.constant 0 : i32
        %sign3A_381 = arith.cmpi sgt, %mul3A_327, %sign3A_380 : i32
        %sign3A_382 = arith.extui %sign3A_381 : i1 to i32
        %sign3A_383 = arith.constant 0 : i32
        %sign3A_384 = arith.cmpi slt, %mul3A_327, %sign3A_383 : i32
        %sign3A_385 = arith.extui %sign3A_384 : i1 to i32
        %sign3A_386 = arith.subi %sign3A_382, %sign3A_385 : i32
        %sign3A_387 = arith.constant 0 : i32
        %sign3A_388 = arith.cmpi sgt, %jit3A_378, %sign3A_387 : i32
        %sign3A_389 = arith.extui %sign3A_388 : i1 to i32
        %sign3A_390 = arith.constant 0 : i32
        %sign3A_391 = arith.cmpi slt, %jit3A_378, %sign3A_390 : i32
        %sign3A_392 = arith.extui %sign3A_391 : i1 to i32
        %sign3A_393 = arith.subi %sign3A_389, %sign3A_392 : i32
        %ne3A_394 = arith.cmpi ne, %sign3A_386, %sign3A_393 : i32
        %rem3A_395 = arith.remsi %mul3A_327, %jit3A_378 : i32
        %ne3A_396 = arith.constant 0 : i32
        %ne3A_397 = arith.cmpi ne, %rem3A_395, %ne3A_396 : i32
        %and3A_398 = arith.andi %ne3A_394, %ne3A_397 : i1
        %sub3A_399 = arith.constant 1 : i32
        %sub3A_400 = arith.subi %div3A_379, %sub3A_399 : i32
        %select_n3A_401 = arith.select %and3A_398, %sub3A_400, %div3A_379 : i32
        %scan3A_402 = arith.constant 0 : i32
        %scan3A_403 = arith.constant 0 : i32
        %scan3A_404 = arith.constant 2 : i32
        %scan3A_405 = arith.addi %scan3A_403, %scan3A_404 : i32
        %scan3A_406 = arith.constant 1 : i32
        scf.for %scan3A_408 = %scan3A_403 to %scan3A_405 step %scan3A_406  : i32 {
          %add3A_409 = arith.addi %select_n3A_401, %scan3A_408 : i32
          %mul3A_410 = arith.constant 16 : i32
          %mul3A_411 = arith.muli %add3A_409, %mul3A_410 : i32
          %get3A_412 = arith.index_cast %mul3A_411 : i32 to index
          %get3A_413 = tpu.vector_load %arg8[%get3A_412] {strides = array<i32>} : memref<544xi32, #tpu.memory_space<vmem>>, vector<16xi32>,
          %get3A_414 = arith.index_cast %mul3A_411 : i32 to index
          %get3A_415 = tpu.vector_load %arg9[%get3A_414] {strides = array<i32>} : memref<544xi32, #tpu.memory_space<vmem>>, vector<16xi32>,
          %masked_sort3A = arith.constant dense<true> : vector<16xi1>
          %masked_sort3A_416 = arith.constant -2147483648 : i32
          %masked_sort3A_417 = vector.broadcast %masked_sort3A_416 : i32 to vector<16xi32>
          %masked_sort3A_418 = arith.xori %get3A_413, %masked_sort3A_417 : vector<16xi32>
          %masked_sort3A_419, %masked_sort3A_420, %masked_sort3A_421 = tpu.sort %masked_sort3A_418, %get3A_415 masked %masked_sort3A : (vector<16xi32>, vector<16xi32>, vector<16xi1>) -> (vector<16xi1>, vector<16xi32>, vector<16xi32>)
          %masked_sort3A_422 = arith.xori %masked_sort3A_420, %masked_sort3A_417 : vector<16xi32>
          %swap3A_423 = arith.index_cast %mul3A_411 : i32 to index
          %swap3A_424 = tpu.vector_load %arg8[%swap3A_423] {strides = array<i32>} : memref<544xi32, #tpu.memory_space<vmem>>, vector<16xi32>,
          tpu.vector_store %arg8[%swap3A_423], %masked_sort3A_422 {strides = array<i32>} : memref<544xi32, #tpu.memory_space<vmem>>, vector<16xi32>,
          %swap3A_425 = arith.index_cast %mul3A_411 : i32 to index
          %swap3A_426 = tpu.vector_load %arg9[%swap3A_425] {strides = array<i32>} : memref<544xi32, #tpu.memory_space<vmem>>, vector<16xi32>,
          tpu.vector_store %arg9[%swap3A_425], %masked_sort3A_421 {strides = array<i32>} : memref<544xi32, #tpu.memory_space<vmem>>, vector<16xi32>,
        }
        %scan3A_407 = arith.constant 2 : i32
      }
      %scan3A_198 = arith.constant 16 : i32
      %scan3A_199 = arith.constant 0 : i32
      %scan3A_200 = arith.constant 0 : i32
      %scan3A_201 = arith.constant 8 : i32
      %scan3A_202 = arith.addi %scan3A_200, %scan3A_201 : i32
      %scan3A_203 = arith.constant 1 : i32
      scf.for %scan3A_325 = %scan3A_200 to %scan3A_202 step %scan3A_203  : i32 {
        %mul3A_326 = arith.constant 64 : i32
        %mul3A_327 = arith.muli %scan3A_325, %mul3A_326 : i32
        %scan3A_328 = arith.constant 0 : i32
        %scan3A_329 = arith.constant 0 : i32
        %scan3A_330 = arith.constant 2 : i32
        %scan3A_331 = arith.addi %scan3A_329, %scan3A_330 : i32
        %scan3A_332 = arith.constant 1 : i32
        scf.for %scan3A_370 = %scan3A_329 to %scan3A_331 step %scan3A_332  : i32 {
          %mul3A_371 = arith.constant 16 : i32
          %mul3A_372 = arith.muli %scan3A_370, %mul3A_371 : i32
          %add3A_373 = arith.addi %mul3A_327, %mul3A_372 : i32
          %add3A_374 = arith.constant 64 : i32
          %add3A_375 = arith.addi %mul3A_327, %add3A_374 : i32
          %add3A_376 = arith.constant 1 : i32
          %add3A_377 = arith.addi %scan3A_370, %add3A_376 : i32
          %mul3A_378 = arith.constant 16 : i32
          %mul3A_379 = arith.muli %add3A_377, %mul3A_378 : i32
          %sub3A_380 = arith.subi %add3A_375, %mul3A_379 : i32
          %get3A = arith.index_cast %add3A_373 : i32 to index
          %get3A_381 = tpu.vector_load %arg8[%get3A] {strides = array<i32>} : memref<544xi32, #tpu.memory_space<vmem>>, vector<16xi32>,
          %get3A_382 = arith.index_cast %add3A_373 : i32 to index
          %get3A_383 = tpu.vector_load %arg9[%get3A_382] {strides = array<i32>} : memref<544xi32, #tpu.memory_space<vmem>>, vector<16xi32>,
          %get3A_384 = arith.index_cast %sub3A_380 : i32 to index
          %get3A_385 = tpu.vector_load %arg8[%get3A_384] {strides = array<i32>} : memref<544xi32, #tpu.memory_space<vmem>>, vector<16xi32>,
          %get3A_386 = arith.index_cast %sub3A_380 : i32 to index
          %get3A_387 = tpu.vector_load %arg9[%get3A_386] {strides = array<i32>} : memref<544xi32, #tpu.memory_space<vmem>>, vector<16xi32>,
          %rev3A = arith.constant 15 : i32
          %rev3A_388 = vector.broadcast %rev3A : i32 to vector<16xi32>
          %rev3A_389 = tpu.iota {dimensions = array<i32: 0>} : vector<16xi32>
          %rev3A_390 = arith.subi %rev3A_388, %rev3A_389 : vector<16xi32>
          %rev3A_391 = tpu.dynamic_gather %get3A_385[%rev3A_390] in [0] : vector<16xi32>, vector<16xi32> -> vector<16xi32>
          %rev3A_392 = arith.constant 15 : i32
          %rev3A_393 = vector.broadcast %rev3A_392 : i32 to vector<16xi32>
          %rev3A_394 = tpu.iota {dimensions = array<i32: 0>} : vector<16xi32>
          %rev3A_395 = arith.subi %rev3A_393, %rev3A_394 : vector<16xi32>
          %rev3A_396 = tpu.dynamic_gather %get3A_387[%rev3A_395] in [0] : vector<16xi32>, vector<16xi32> -> vector<16xi32>
          %le3A = arith.cmpi sle, %get3A_381, %rev3A_391 : vector<16xi32>
          %select_n3A_397 = arith.select %le3A, %get3A_381, %rev3A_391 : vector<16xi1>, vector<16xi32>
          %select_n3A_398 = arith.select %le3A, %get3A_383, %rev3A_396 : vector<16xi1>, vector<16xi32>
          %select_n3A_399 = arith.select %le3A, %rev3A_391, %get3A_381 : vector<16xi1>, vector<16xi32>
          %select_n3A_400 = arith.select %le3A, %rev3A_396, %get3A_383 : vector<16xi1>, vector<16xi32>
          %rev3A_401 = arith.constant 15 : i32
          %rev3A_402 = vector.broadcast %rev3A_401 : i32 to vector<16xi32>
          %rev3A_403 = tpu.iota {dimensions = array<i32: 0>} : vector<16xi32>
          %rev3A_404 = arith.subi %rev3A_402, %rev3A_403 : vector<16xi32>
          %rev3A_405 = tpu.dynamic_gather %select_n3A_399[%rev3A_404] in [0] : vector<16xi32>, vector<16xi32> -> vector<16xi32>
          %rev3A_406 = arith.constant 15 : i32
          %rev3A_407 = vector.broadcast %rev3A_406 : i32 to vector<16xi32>
          %rev3A_408 = tpu.iota {dimensions = array<i32: 0>} : vector<16xi32>
          %rev3A_409 = arith.subi %rev3A_407, %rev3A_408 : vector<16xi32>
          %rev3A_410 = tpu.dynamic_gather %select_n3A_400[%rev3A_409] in [0] : vector<16xi32>, vector<16xi32> -> vector<16xi32>
          %swap3A = arith.index_cast %add3A_373 : i32 to index
          %swap3A_411 = tpu.vector_load %arg8[%swap3A] {strides = array<i32>} : memref<544xi32, #tpu.memory_space<vmem>>, vector<16xi32>,
          tpu.vector_store %arg8[%swap3A], %select_n3A_397 {strides = array<i32>} : memref<544xi32, #tpu.memory_space<vmem>>, vector<16xi32>,
          %swap3A_412 = arith.index_cast %add3A_373 : i32 to index
          %swap3A_413 = tpu.vector_load %arg9[%swap3A_412] {strides = array<i32>} : memref<544xi32, #tpu.memory_space<vmem>>, vector<16xi32>,
          tpu.vector_store %arg9[%swap3A_412], %select_n3A_398 {strides = array<i32>} : memref<544xi32, #tpu.memory_space<vmem>>, vector<16xi32>,
          %swap3A_414 = arith.index_cast %sub3A_380 : i32 to index
          %swap3A_415 = tpu.vector_load %arg8[%swap3A_414] {strides = array<i32>} : memref<544xi32, #tpu.memory_space<vmem>>, vector<16xi32>,
          tpu.vector_store %arg8[%swap3A_414], %rev3A_405 {strides = array<i32>} : memref<544xi32, #tpu.memory_space<vmem>>, vector<16xi32>,
          %swap3A_416 = arith.index_cast %sub3A_380 : i32 to index
          %swap3A_417 = tpu.vector_load %arg9[%swap3A_416] {strides = array<i32>} : memref<544xi32, #tpu.memory_space<vmem>>, vector<16xi32>,
          tpu.vector_store %arg9[%swap3A_416], %rev3A_410 {strides = array<i32>} : memref<544xi32, #tpu.memory_space<vmem>>, vector<16xi32>,
        }
        %scan3A_333 = arith.constant 2 : i32
        %scan3A_334 = arith.constant 0 : i32
        %scan3A_335 = arith.constant 0 : i32
        %scan3A_336 = arith.constant 2 : i32
        %scan3A_337 = arith.addi %scan3A_335, %scan3A_336 : i32
        %scan3A_338 = arith.constant 1 : i32
        scf.for %scan3A_370 = %scan3A_335 to %scan3A_337 step %scan3A_338  : i32 {
          %jit3A_371 = arith.constant 1 : i32
          %div3A_372 = arith.divsi %scan3A_370, %jit3A_371 : i32
          %sign3A_373 = arith.constant 0 : i32
          %sign3A_374 = arith.cmpi sgt, %scan3A_370, %sign3A_373 : i32
          %sign3A_375 = arith.extui %sign3A_374 : i1 to i32
          %sign3A_376 = arith.constant 0 : i32
          %sign3A_377 = arith.cmpi slt, %scan3A_370, %sign3A_376 : i32
          %sign3A_378 = arith.extui %sign3A_377 : i1 to i32
          %sign3A_379 = arith.subi %sign3A_375, %sign3A_378 : i32
          %sign3A_380 = arith.constant 0 : i32
          %sign3A_381 = arith.cmpi sgt, %jit3A_371, %sign3A_380 : i32
          %sign3A_382 = arith.extui %sign3A_381 : i1 to i32
          %sign3A_383 = arith.constant 0 : i32
          %sign3A_384 = arith.cmpi slt, %jit3A_371, %sign3A_383 : i32
          %sign3A_385 = arith.extui %sign3A_384 : i1 to i32
          %sign3A_386 = arith.subi %sign3A_382, %sign3A_385 : i32
          %ne3A_387 = arith.cmpi ne, %sign3A_379, %sign3A_386 : i32
          %rem3A_388 = arith.remsi %scan3A_370, %jit3A_371 : i32
          %ne3A_389 = arith.constant 0 : i32
          %ne3A_390 = arith.cmpi ne, %rem3A_388, %ne3A_389 : i32
          %and3A_391 = arith.andi %ne3A_387, %ne3A_390 : i1
          %sub3A_392 = arith.constant 1 : i32
          %sub3A_393 = arith.subi %div3A_372, %sub3A_392 : i32
          %select_n3A_394 = arith.select %and3A_391, %sub3A_393, %div3A_372 : i32
          %mul3A_395 = arith.constant 32 : i32
          %mul3A_396 = arith.muli %select_n3A_394, %mul3A_395 : i32
          %jit3A_397 = arith.constant 1 : i32
          %eq3A_398 = arith.constant 0 : i32
          %eq3A_399 = arith.cmpi eq, %jit3A_397, %eq3A_398 : i32
          %jit3A_400 = arith.constant 1 : i32
          %select_n3A_401 = arith.select %eq3A_399, %jit3A_400, %jit3A_397 : i32
          %rem3A_402 = arith.remsi %scan3A_370, %select_n3A_401 : i32
          %ne3A_403 = arith.constant 0 : i32
          %ne3A_404 = arith.cmpi ne, %rem3A_402, %ne3A_403 : i32
          %lt3A_405 = arith.constant 0 : i32
          %lt3A_406 = arith.cmpi slt, %rem3A_402, %lt3A_405 : i32
          %lt3A_407 = arith.constant 0 : i32
          %lt3A_408 = arith.cmpi slt, %select_n3A_401, %lt3A_407 : i32
          %ne3A_409 = arith.xori %lt3A_406, %lt3A_408 : i1
          %and3A_410 = arith.andi %ne3A_409, %ne3A_404 : i1
          %add3A_411 = arith.addi %rem3A_402, %select_n3A_401 : i32
          %select_n3A_412 = arith.select %and3A_410, %add3A_411, %rem3A_402 : i32
          %mul3A_413 = arith.constant 16 : i32
          %mul3A_414 = arith.muli %select_n3A_412, %mul3A_413 : i32
          %add3A_415 = arith.addi %mul3A_327, %mul3A_396 : i32
          %add3A_416 = arith.addi %add3A_415, %mul3A_414 : i32
          %add3A_417 = arith.addi %mul3A_327, %mul3A_396 : i32
          %add3A_418 = arith.constant 16 : i32
          %add3A_419 = arith.addi %add3A_417, %add3A_418 : i32
          %add3A_420 = arith.addi %add3A_419, %mul3A_414 : i32
          %get3A = arith.index_cast %add3A_416 : i32 to index
          %get3A_421 = tpu.vector_load %arg8[%get3A] {strides = array<i32>} : memref<544xi32, #tpu.memory_space<vmem>>, vector<16xi32>,
          %get3A_422 = arith.index_cast %add3A_416 : i32 to index
          %get3A_423 = tpu.vector_load %arg9[%get3A_422] {strides = array<i32>} : memref<544xi32, #tpu.memory_space<vmem>>, vector<16xi32>,
          %get3A_424 = arith.index_cast %add3A_420 : i32 to index
          %get3A_425 = tpu.vector_load %arg8[%get3A_424] {strides = array<i32>} : memref<544xi32, #tpu.memory_space<vmem>>, vector<16xi32>,
          %get3A_426 = arith.index_cast %add3A_420 : i32 to index
          %get3A_427 = tpu.vector_load %arg9[%get3A_426] {strides = array<i32>} : memref<544xi32, #tpu.memory_space<vmem>>, vector<16xi32>,
          %le3A = arith.cmpi sle, %get3A_421, %get3A_425 : vector<16xi32>
          %select_n3A_428 = arith.select %le3A, %get3A_421, %get3A_425 : vector<16xi1>, vector<16xi32>
          %select_n3A_429 = arith.select %le3A, %get3A_423, %get3A_427 : vector<16xi1>, vector<16xi32>
          %select_n3A_430 = arith.select %le3A, %get3A_425, %get3A_421 : vector<16xi1>, vector<16xi32>
          %select_n3A_431 = arith.select %le3A, %get3A_427, %get3A_423 : vector<16xi1>, vector<16xi32>
          %swap3A = arith.index_cast %add3A_416 : i32 to index
          %swap3A_432 = tpu.vector_load %arg8[%swap3A] {strides = array<i32>} : memref<544xi32, #tpu.memory_space<vmem>>, vector<16xi32>,
          tpu.vector_store %arg8[%swap3A], %select_n3A_428 {strides = array<i32>} : memref<544xi32, #tpu.memory_space<vmem>>, vector<16xi32>,
          %swap3A_433 = arith.index_cast %add3A_416 : i32 to index
          %swap3A_434 = tpu.vector_load %arg9[%swap3A_433] {strides = array<i32>} : memref<544xi32, #tpu.memory_space<vmem>>, vector<16xi32>,
          tpu.vector_store %arg9[%swap3A_433], %select_n3A_429 {strides = array<i32>} : memref<544xi32, #tpu.memory_space<vmem>>, vector<16xi32>,
          %swap3A_435 = arith.index_cast %add3A_420 : i32 to index
          %swap3A_436 = tpu.vector_load %arg8[%swap3A_435] {strides = array<i32>} : memref<544xi32, #tpu.memory_space<vmem>>, vector<16xi32>,
          tpu.vector_store %arg8[%swap3A_435], %select_n3A_430 {strides = array<i32>} : memref<544xi32, #tpu.memory_space<vmem>>, vector<16xi32>,
          %swap3A_437 = arith.index_cast %add3A_420 : i32 to index
          %swap3A_438 = tpu.vector_load %arg9[%swap3A_437] {strides = array<i32>} : memref<544xi32, #tpu.memory_space<vmem>>, vector<16xi32>,
          tpu.vector_store %arg9[%swap3A_437], %select_n3A_431 {strides = array<i32>} : memref<544xi32, #tpu.memory_space<vmem>>, vector<16xi32>,
        }
        %scan3A_339 = arith.constant 2 : i32
        %jit3A_340 = arith.constant 16 : i32
        %div3A_341 = arith.divsi %mul3A_327, %jit3A_340 : i32
        %sign3A_342 = arith.constant 0 : i32
        %sign3A_343 = arith.cmpi sgt, %mul3A_327, %sign3A_342 : i32
        %sign3A_344 = arith.extui %sign3A_343 : i1 to i32
        %sign3A_345 = arith.constant 0 : i32
        %sign3A_346 = arith.cmpi slt, %mul3A_327, %sign3A_345 : i32
        %sign3A_347 = arith.extui %sign3A_346 : i1 to i32
        %sign3A_348 = arith.subi %sign3A_344, %sign3A_347 : i32
        %sign3A_349 = arith.constant 0 : i32
        %sign3A_350 = arith.cmpi sgt, %jit3A_340, %sign3A_349 : i32
        %sign3A_351 = arith.extui %sign3A_350 : i1 to i32
        %sign3A_352 = arith.constant 0 : i32
        %sign3A_353 = arith.cmpi slt, %jit3A_340, %sign3A_352 : i32
        %sign3A_354 = arith.extui %sign3A_353 : i1 to i32
        %sign3A_355 = arith.subi %sign3A_351, %sign3A_354 : i32
        %ne3A_356 = arith.cmpi ne, %sign3A_348, %sign3A_355 : i32
        %rem3A_357 = arith.remsi %mul3A_327, %jit3A_340 : i32
        %ne3A_358 = arith.constant 0 : i32
        %ne3A_359 = arith.cmpi ne, %rem3A_357, %ne3A_358 : i32
        %and3A_360 = arith.andi %ne3A_356, %ne3A_359 : i1
        %sub3A_361 = arith.constant 1 : i32
        %sub3A_362 = arith.subi %div3A_341, %sub3A_361 : i32
        %select_n3A_363 = arith.select %and3A_360, %sub3A_362, %div3A_341 : i32
        %scan3A_364 = arith.constant 0 : i32
        %scan3A_365 = arith.constant 0 : i32
        %scan3A_366 = arith.constant 4 : i32
        %scan3A_367 = arith.addi %scan3A_365, %scan3A_366 : i32
        %scan3A_368 = arith.constant 1 : i32
        scf.for %scan3A_370 = %scan3A_365 to %scan3A_367 step %scan3A_368  : i32 {
          %add3A_371 = arith.addi %select_n3A_363, %scan3A_370 : i32
          %mul3A_372 = arith.constant 16 : i32
          %mul3A_373 = arith.muli %add3A_371, %mul3A_372 : i32
          %get3A = arith.index_cast %mul3A_373 : i32 to index
          %get3A_374 = tpu.vector_load %arg8[%get3A] {strides = array<i32>} : memref<544xi32, #tpu.memory_space<vmem>>, vector<16xi32>,
          %get3A_375 = arith.index_cast %mul3A_373 : i32 to index
          %get3A_376 = tpu.vector_load %arg9[%get3A_375] {strides = array<i32>} : memref<544xi32, #tpu.memory_space<vmem>>, vector<16xi32>,
          %masked_sort3A = arith.constant dense<true> : vector<16xi1>
          %masked_sort3A_377 = arith.constant -2147483648 : i32
          %masked_sort3A_378 = vector.broadcast %masked_sort3A_377 : i32 to vector<16xi32>
          %masked_sort3A_379 = arith.xori %get3A_374, %masked_sort3A_378 : vector<16xi32>
          %masked_sort3A_380, %masked_sort3A_381, %masked_sort3A_382 = tpu.sort %masked_sort3A_379, %get3A_376 masked %masked_sort3A : (vector<16xi32>, vector<16xi32>, vector<16xi1>) -> (vector<16xi1>, vector<16xi32>, vector<16xi32>)
          %masked_sort3A_383 = arith.xori %masked_sort3A_381, %masked_sort3A_378 : vector<16xi32>
          %swap3A = arith.index_cast %mul3A_373 : i32 to index
          %swap3A_384 = tpu.vector_load %arg8[%swap3A] {strides = array<i32>} : memref<544xi32, #tpu.memory_space<vmem>>, vector<16xi32>,
          tpu.vector_store %arg8[%swap3A], %masked_sort3A_383 {strides = array<i32>} : memref<544xi32, #tpu.memory_space<vmem>>, vector<16xi32>,
          %swap3A_385 = arith.index_cast %mul3A_373 : i32 to index
          %swap3A_386 = tpu.vector_load %arg9[%swap3A_385] {strides = array<i32>} : memref<544xi32, #tpu.memory_space<vmem>>, vector<16xi32>,
          tpu.vector_store %arg9[%swap3A_385], %masked_sort3A_382 {strides = array<i32>} : memref<544xi32, #tpu.memory_space<vmem>>, vector<16xi32>,
        }
        %scan3A_369 = arith.constant 4 : i32
      }
      %scan3A_204 = arith.constant 8 : i32
      %scan3A_205 = arith.constant 0 : i32
      %scan3A_206 = arith.constant 0 : i32
      %scan3A_207 = arith.constant 4 : i32
      %scan3A_208 = arith.addi %scan3A_206, %scan3A_207 : i32
      %scan3A_209 = arith.constant 1 : i32
      scf.for %scan3A_325 = %scan3A_206 to %scan3A_208 step %scan3A_209  : i32 {
        %mul3A_326 = arith.constant 128 : i32
        %mul3A_327 = arith.muli %scan3A_325, %mul3A_326 : i32
        %scan3A_328 = arith.constant 0 : i32
        %scan3A_329 = arith.constant 0 : i32
        %scan3A_330 = arith.constant 4 : i32
        %scan3A_331 = arith.addi %scan3A_329, %scan3A_330 : i32
        %scan3A_332 = arith.constant 1 : i32
        scf.for %scan3A_376 = %scan3A_329 to %scan3A_331 step %scan3A_332  : i32 {
          %mul3A_377 = arith.constant 16 : i32
          %mul3A_378 = arith.muli %scan3A_376, %mul3A_377 : i32
          %add3A_379 = arith.addi %mul3A_327, %mul3A_378 : i32
          %add3A_380 = arith.constant 128 : i32
          %add3A_381 = arith.addi %mul3A_327, %add3A_380 : i32
          %add3A_382 = arith.constant 1 : i32
          %add3A_383 = arith.addi %scan3A_376, %add3A_382 : i32
          %mul3A_384 = arith.constant 16 : i32
          %mul3A_385 = arith.muli %add3A_383, %mul3A_384 : i32
          %sub3A_386 = arith.subi %add3A_381, %mul3A_385 : i32
          %get3A = arith.index_cast %add3A_379 : i32 to index
          %get3A_387 = tpu.vector_load %arg8[%get3A] {strides = array<i32>} : memref<544xi32, #tpu.memory_space<vmem>>, vector<16xi32>,
          %get3A_388 = arith.index_cast %add3A_379 : i32 to index
          %get3A_389 = tpu.vector_load %arg9[%get3A_388] {strides = array<i32>} : memref<544xi32, #tpu.memory_space<vmem>>, vector<16xi32>,
          %get3A_390 = arith.index_cast %sub3A_386 : i32 to index
          %get3A_391 = tpu.vector_load %arg8[%get3A_390] {strides = array<i32>} : memref<544xi32, #tpu.memory_space<vmem>>, vector<16xi32>,
          %get3A_392 = arith.index_cast %sub3A_386 : i32 to index
          %get3A_393 = tpu.vector_load %arg9[%get3A_392] {strides = array<i32>} : memref<544xi32, #tpu.memory_space<vmem>>, vector<16xi32>,
          %rev3A = arith.constant 15 : i32
          %rev3A_394 = vector.broadcast %rev3A : i32 to vector<16xi32>
          %rev3A_395 = tpu.iota {dimensions = array<i32: 0>} : vector<16xi32>
          %rev3A_396 = arith.subi %rev3A_394, %rev3A_395 : vector<16xi32>
          %rev3A_397 = tpu.dynamic_gather %get3A_391[%rev3A_396] in [0] : vector<16xi32>, vector<16xi32> -> vector<16xi32>
          %rev3A_398 = arith.constant 15 : i32
          %rev3A_399 = vector.broadcast %rev3A_398 : i32 to vector<16xi32>
          %rev3A_400 = tpu.iota {dimensions = array<i32: 0>} : vector<16xi32>
          %rev3A_401 = arith.subi %rev3A_399, %rev3A_400 : vector<16xi32>
          %rev3A_402 = tpu.dynamic_gather %get3A_393[%rev3A_401] in [0] : vector<16xi32>, vector<16xi32> -> vector<16xi32>
          %le3A = arith.cmpi sle, %get3A_387, %rev3A_397 : vector<16xi32>
          %select_n3A_403 = arith.select %le3A, %get3A_387, %rev3A_397 : vector<16xi1>, vector<16xi32>
          %select_n3A_404 = arith.select %le3A, %get3A_389, %rev3A_402 : vector<16xi1>, vector<16xi32>
          %select_n3A_405 = arith.select %le3A, %rev3A_397, %get3A_387 : vector<16xi1>, vector<16xi32>
          %select_n3A_406 = arith.select %le3A, %rev3A_402, %get3A_389 : vector<16xi1>, vector<16xi32>
          %rev3A_407 = arith.constant 15 : i32
          %rev3A_408 = vector.broadcast %rev3A_407 : i32 to vector<16xi32>
          %rev3A_409 = tpu.iota {dimensions = array<i32: 0>} : vector<16xi32>
          %rev3A_410 = arith.subi %rev3A_408, %rev3A_409 : vector<16xi32>
          %rev3A_411 = tpu.dynamic_gather %select_n3A_405[%rev3A_410] in [0] : vector<16xi32>, vector<16xi32> -> vector<16xi32>
          %rev3A_412 = arith.constant 15 : i32
          %rev3A_413 = vector.broadcast %rev3A_412 : i32 to vector<16xi32>
          %rev3A_414 = tpu.iota {dimensions = array<i32: 0>} : vector<16xi32>
          %rev3A_415 = arith.subi %rev3A_413, %rev3A_414 : vector<16xi32>
          %rev3A_416 = tpu.dynamic_gather %select_n3A_406[%rev3A_415] in [0] : vector<16xi32>, vector<16xi32> -> vector<16xi32>
          %swap3A = arith.index_cast %add3A_379 : i32 to index
          %swap3A_417 = tpu.vector_load %arg8[%swap3A] {strides = array<i32>} : memref<544xi32, #tpu.memory_space<vmem>>, vector<16xi32>,
          tpu.vector_store %arg8[%swap3A], %select_n3A_403 {strides = array<i32>} : memref<544xi32, #tpu.memory_space<vmem>>, vector<16xi32>,
          %swap3A_418 = arith.index_cast %add3A_379 : i32 to index
          %swap3A_419 = tpu.vector_load %arg9[%swap3A_418] {strides = array<i32>} : memref<544xi32, #tpu.memory_space<vmem>>, vector<16xi32>,
          tpu.vector_store %arg9[%swap3A_418], %select_n3A_404 {strides = array<i32>} : memref<544xi32, #tpu.memory_space<vmem>>, vector<16xi32>,
          %swap3A_420 = arith.index_cast %sub3A_386 : i32 to index
          %swap3A_421 = tpu.vector_load %arg8[%swap3A_420] {strides = array<i32>} : memref<544xi32, #tpu.memory_space<vmem>>, vector<16xi32>,
          tpu.vector_store %arg8[%swap3A_420], %rev3A_411 {strides = array<i32>} : memref<544xi32, #tpu.memory_space<vmem>>, vector<16xi32>,
          %swap3A_422 = arith.index_cast %sub3A_386 : i32 to index
          %swap3A_423 = tpu.vector_load %arg9[%swap3A_422] {strides = array<i32>} : memref<544xi32, #tpu.memory_space<vmem>>, vector<16xi32>,
          tpu.vector_store %arg9[%swap3A_422], %rev3A_416 {strides = array<i32>} : memref<544xi32, #tpu.memory_space<vmem>>, vector<16xi32>,
        }
        %scan3A_333 = arith.constant 4 : i32
        %scan3A_334 = arith.constant 0 : i32
        %scan3A_335 = arith.constant 0 : i32
        %scan3A_336 = arith.constant 4 : i32
        %scan3A_337 = arith.addi %scan3A_335, %scan3A_336 : i32
        %scan3A_338 = arith.constant 1 : i32
        scf.for %scan3A_376 = %scan3A_335 to %scan3A_337 step %scan3A_338  : i32 {
          %jit3A_377 = arith.constant 2 : i32
          %div3A_378 = arith.divsi %scan3A_376, %jit3A_377 : i32
          %sign3A_379 = arith.constant 0 : i32
          %sign3A_380 = arith.cmpi sgt, %scan3A_376, %sign3A_379 : i32
          %sign3A_381 = arith.extui %sign3A_380 : i1 to i32
          %sign3A_382 = arith.constant 0 : i32
          %sign3A_383 = arith.cmpi slt, %scan3A_376, %sign3A_382 : i32
          %sign3A_384 = arith.extui %sign3A_383 : i1 to i32
          %sign3A_385 = arith.subi %sign3A_381, %sign3A_384 : i32
          %sign3A_386 = arith.constant 0 : i32
          %sign3A_387 = arith.cmpi sgt, %jit3A_377, %sign3A_386 : i32
          %sign3A_388 = arith.extui %sign3A_387 : i1 to i32
          %sign3A_389 = arith.constant 0 : i32
          %sign3A_390 = arith.cmpi slt, %jit3A_377, %sign3A_389 : i32
          %sign3A_391 = arith.extui %sign3A_390 : i1 to i32
          %sign3A_392 = arith.subi %sign3A_388, %sign3A_391 : i32
          %ne3A_393 = arith.cmpi ne, %sign3A_385, %sign3A_392 : i32
          %rem3A_394 = arith.remsi %scan3A_376, %jit3A_377 : i32
          %ne3A_395 = arith.constant 0 : i32
          %ne3A_396 = arith.cmpi ne, %rem3A_394, %ne3A_395 : i32
          %and3A_397 = arith.andi %ne3A_393, %ne3A_396 : i1
          %sub3A_398 = arith.constant 1 : i32
          %sub3A_399 = arith.subi %div3A_378, %sub3A_398 : i32
          %select_n3A_400 = arith.select %and3A_397, %sub3A_399, %div3A_378 : i32
          %mul3A_401 = arith.constant 64 : i32
          %mul3A_402 = arith.muli %select_n3A_400, %mul3A_401 : i32
          %jit3A_403 = arith.constant 2 : i32
          %eq3A_404 = arith.constant 0 : i32
          %eq3A_405 = arith.cmpi eq, %jit3A_403, %eq3A_404 : i32
          %jit3A_406 = arith.constant 1 : i32
          %select_n3A_407 = arith.select %eq3A_405, %jit3A_406, %jit3A_403 : i32
          %rem3A_408 = arith.remsi %scan3A_376, %select_n3A_407 : i32
          %ne3A_409 = arith.constant 0 : i32
          %ne3A_410 = arith.cmpi ne, %rem3A_408, %ne3A_409 : i32
          %lt3A_411 = arith.constant 0 : i32
          %lt3A_412 = arith.cmpi slt, %rem3A_408, %lt3A_411 : i32
          %lt3A_413 = arith.constant 0 : i32
          %lt3A_414 = arith.cmpi slt, %select_n3A_407, %lt3A_413 : i32
          %ne3A_415 = arith.xori %lt3A_412, %lt3A_414 : i1
          %and3A_416 = arith.andi %ne3A_415, %ne3A_410 : i1
          %add3A_417 = arith.addi %rem3A_408, %select_n3A_407 : i32
          %select_n3A_418 = arith.select %and3A_416, %add3A_417, %rem3A_408 : i32
          %mul3A_419 = arith.constant 16 : i32
          %mul3A_420 = arith.muli %select_n3A_418, %mul3A_419 : i32
          %add3A_421 = arith.addi %mul3A_327, %mul3A_402 : i32
          %add3A_422 = arith.addi %add3A_421, %mul3A_420 : i32
          %add3A_423 = arith.addi %mul3A_327, %mul3A_402 : i32
          %add3A_424 = arith.constant 32 : i32
          %add3A_425 = arith.addi %add3A_423, %add3A_424 : i32
          %add3A_426 = arith.addi %add3A_425, %mul3A_420 : i32
          %get3A = arith.index_cast %add3A_422 : i32 to index
          %get3A_427 = tpu.vector_load %arg8[%get3A] {strides = array<i32>} : memref<544xi32, #tpu.memory_space<vmem>>, vector<16xi32>,
          %get3A_428 = arith.index_cast %add3A_422 : i32 to index
          %get3A_429 = tpu.vector_load %arg9[%get3A_428] {strides = array<i32>} : memref<544xi32, #tpu.memory_space<vmem>>, vector<16xi32>,
          %get3A_430 = arith.index_cast %add3A_426 : i32 to index
          %get3A_431 = tpu.vector_load %arg8[%get3A_430] {strides = array<i32>} : memref<544xi32, #tpu.memory_space<vmem>>, vector<16xi32>,
          %get3A_432 = arith.index_cast %add3A_426 : i32 to index
          %get3A_433 = tpu.vector_load %arg9[%get3A_432] {strides = array<i32>} : memref<544xi32, #tpu.memory_space<vmem>>, vector<16xi32>,
          %le3A = arith.cmpi sle, %get3A_427, %get3A_431 : vector<16xi32>
          %select_n3A_434 = arith.select %le3A, %get3A_427, %get3A_431 : vector<16xi1>, vector<16xi32>
          %select_n3A_435 = arith.select %le3A, %get3A_429, %get3A_433 : vector<16xi1>, vector<16xi32>
          %select_n3A_436 = arith.select %le3A, %get3A_431, %get3A_427 : vector<16xi1>, vector<16xi32>
          %select_n3A_437 = arith.select %le3A, %get3A_433, %get3A_429 : vector<16xi1>, vector<16xi32>
          %swap3A = arith.index_cast %add3A_422 : i32 to index
          %swap3A_438 = tpu.vector_load %arg8[%swap3A] {strides = array<i32>} : memref<544xi32, #tpu.memory_space<vmem>>, vector<16xi32>,
          tpu.vector_store %arg8[%swap3A], %select_n3A_434 {strides = array<i32>} : memref<544xi32, #tpu.memory_space<vmem>>, vector<16xi32>,
          %swap3A_439 = arith.index_cast %add3A_422 : i32 to index
          %swap3A_440 = tpu.vector_load %arg9[%swap3A_439] {strides = array<i32>} : memref<544xi32, #tpu.memory_space<vmem>>, vector<16xi32>,
          tpu.vector_store %arg9[%swap3A_439], %select_n3A_435 {strides = array<i32>} : memref<544xi32, #tpu.memory_space<vmem>>, vector<16xi32>,
          %swap3A_441 = arith.index_cast %add3A_426 : i32 to index
          %swap3A_442 = tpu.vector_load %arg8[%swap3A_441] {strides = array<i32>} : memref<544xi32, #tpu.memory_space<vmem>>, vector<16xi32>,
          tpu.vector_store %arg8[%swap3A_441], %select_n3A_436 {strides = array<i32>} : memref<544xi32, #tpu.memory_space<vmem>>, vector<16xi32>,
          %swap3A_443 = arith.index_cast %add3A_426 : i32 to index
          %swap3A_444 = tpu.vector_load %arg9[%swap3A_443] {strides = array<i32>} : memref<544xi32, #tpu.memory_space<vmem>>, vector<16xi32>,
          tpu.vector_store %arg9[%swap3A_443], %select_n3A_437 {strides = array<i32>} : memref<544xi32, #tpu.memory_space<vmem>>, vector<16xi32>,
        }
        %scan3A_339 = arith.constant 4 : i32
        %scan3A_340 = arith.constant 0 : i32
        %scan3A_341 = arith.constant 0 : i32
        %scan3A_342 = arith.constant 4 : i32
        %scan3A_343 = arith.addi %scan3A_341, %scan3A_342 : i32
        %scan3A_344 = arith.constant 1 : i32
        scf.for %scan3A_376 = %scan3A_341 to %scan3A_343 step %scan3A_344  : i32 {
          %jit3A_377 = arith.constant 1 : i32
          %div3A_378 = arith.divsi %scan3A_376, %jit3A_377 : i32
          %sign3A_379 = arith.constant 0 : i32
          %sign3A_380 = arith.cmpi sgt, %scan3A_376, %sign3A_379 : i32
          %sign3A_381 = arith.extui %sign3A_380 : i1 to i32
          %sign3A_382 = arith.constant 0 : i32
          %sign3A_383 = arith.cmpi slt, %scan3A_376, %sign3A_382 : i32
          %sign3A_384 = arith.extui %sign3A_383 : i1 to i32
          %sign3A_385 = arith.subi %sign3A_381, %sign3A_384 : i32
          %sign3A_386 = arith.constant 0 : i32
          %sign3A_387 = arith.cmpi sgt, %jit3A_377, %sign3A_386 : i32
          %sign3A_388 = arith.extui %sign3A_387 : i1 to i32
          %sign3A_389 = arith.constant 0 : i32
          %sign3A_390 = arith.cmpi slt, %jit3A_377, %sign3A_389 : i32
          %sign3A_391 = arith.extui %sign3A_390 : i1 to i32
          %sign3A_392 = arith.subi %sign3A_388, %sign3A_391 : i32
          %ne3A_393 = arith.cmpi ne, %sign3A_385, %sign3A_392 : i32
          %rem3A_394 = arith.remsi %scan3A_376, %jit3A_377 : i32
          %ne3A_395 = arith.constant 0 : i32
          %ne3A_396 = arith.cmpi ne, %rem3A_394, %ne3A_395 : i32
          %and3A_397 = arith.andi %ne3A_393, %ne3A_396 : i1
          %sub3A_398 = arith.constant 1 : i32
          %sub3A_399 = arith.subi %div3A_378, %sub3A_398 : i32
          %select_n3A_400 = arith.select %and3A_397, %sub3A_399, %div3A_378 : i32
          %mul3A_401 = arith.constant 32 : i32
          %mul3A_402 = arith.muli %select_n3A_400, %mul3A_401 : i32
          %jit3A_403 = arith.constant 1 : i32
          %eq3A_404 = arith.constant 0 : i32
          %eq3A_405 = arith.cmpi eq, %jit3A_403, %eq3A_404 : i32
          %jit3A_406 = arith.constant 1 : i32
          %select_n3A_407 = arith.select %eq3A_405, %jit3A_406, %jit3A_403 : i32
          %rem3A_408 = arith.remsi %scan3A_376, %select_n3A_407 : i32
          %ne3A_409 = arith.constant 0 : i32
          %ne3A_410 = arith.cmpi ne, %rem3A_408, %ne3A_409 : i32
          %lt3A_411 = arith.constant 0 : i32
          %lt3A_412 = arith.cmpi slt, %rem3A_408, %lt3A_411 : i32
          %lt3A_413 = arith.constant 0 : i32
          %lt3A_414 = arith.cmpi slt, %select_n3A_407, %lt3A_413 : i32
          %ne3A_415 = arith.xori %lt3A_412, %lt3A_414 : i1
          %and3A_416 = arith.andi %ne3A_415, %ne3A_410 : i1
          %add3A_417 = arith.addi %rem3A_408, %select_n3A_407 : i32
          %select_n3A_418 = arith.select %and3A_416, %add3A_417, %rem3A_408 : i32
          %mul3A_419 = arith.constant 16 : i32
          %mul3A_420 = arith.muli %select_n3A_418, %mul3A_419 : i32
          %add3A_421 = arith.addi %mul3A_327, %mul3A_402 : i32
          %add3A_422 = arith.addi %add3A_421, %mul3A_420 : i32
          %add3A_423 = arith.addi %mul3A_327, %mul3A_402 : i32
          %add3A_424 = arith.constant 16 : i32
          %add3A_425 = arith.addi %add3A_423, %add3A_424 : i32
          %add3A_426 = arith.addi %add3A_425, %mul3A_420 : i32
          %get3A = arith.index_cast %add3A_422 : i32 to index
          %get3A_427 = tpu.vector_load %arg8[%get3A] {strides = array<i32>} : memref<544xi32, #tpu.memory_space<vmem>>, vector<16xi32>,
          %get3A_428 = arith.index_cast %add3A_422 : i32 to index
          %get3A_429 = tpu.vector_load %arg9[%get3A_428] {strides = array<i32>} : memref<544xi32, #tpu.memory_space<vmem>>, vector<16xi32>,
          %get3A_430 = arith.index_cast %add3A_426 : i32 to index
          %get3A_431 = tpu.vector_load %arg8[%get3A_430] {strides = array<i32>} : memref<544xi32, #tpu.memory_space<vmem>>, vector<16xi32>,
          %get3A_432 = arith.index_cast %add3A_426 : i32 to index
          %get3A_433 = tpu.vector_load %arg9[%get3A_432] {strides = array<i32>} : memref<544xi32, #tpu.memory_space<vmem>>, vector<16xi32>,
          %le3A = arith.cmpi sle, %get3A_427, %get3A_431 : vector<16xi32>
          %select_n3A_434 = arith.select %le3A, %get3A_427, %get3A_431 : vector<16xi1>, vector<16xi32>
          %select_n3A_435 = arith.select %le3A, %get3A_429, %get3A_433 : vector<16xi1>, vector<16xi32>
          %select_n3A_436 = arith.select %le3A, %get3A_431, %get3A_427 : vector<16xi1>, vector<16xi32>
          %select_n3A_437 = arith.select %le3A, %get3A_433, %get3A_429 : vector<16xi1>, vector<16xi32>
          %swap3A = arith.index_cast %add3A_422 : i32 to index
          %swap3A_438 = tpu.vector_load %arg8[%swap3A] {strides = array<i32>} : memref<544xi32, #tpu.memory_space<vmem>>, vector<16xi32>,
          tpu.vector_store %arg8[%swap3A], %select_n3A_434 {strides = array<i32>} : memref<544xi32, #tpu.memory_space<vmem>>, vector<16xi32>,
          %swap3A_439 = arith.index_cast %add3A_422 : i32 to index
          %swap3A_440 = tpu.vector_load %arg9[%swap3A_439] {strides = array<i32>} : memref<544xi32, #tpu.memory_space<vmem>>, vector<16xi32>,
          tpu.vector_store %arg9[%swap3A_439], %select_n3A_435 {strides = array<i32>} : memref<544xi32, #tpu.memory_space<vmem>>, vector<16xi32>,
          %swap3A_441 = arith.index_cast %add3A_426 : i32 to index
          %swap3A_442 = tpu.vector_load %arg8[%swap3A_441] {strides = array<i32>} : memref<544xi32, #tpu.memory_space<vmem>>, vector<16xi32>,
          tpu.vector_store %arg8[%swap3A_441], %select_n3A_436 {strides = array<i32>} : memref<544xi32, #tpu.memory_space<vmem>>, vector<16xi32>,
          %swap3A_443 = arith.index_cast %add3A_426 : i32 to index
          %swap3A_444 = tpu.vector_load %arg9[%swap3A_443] {strides = array<i32>} : memref<544xi32, #tpu.memory_space<vmem>>, vector<16xi32>,
          tpu.vector_store %arg9[%swap3A_443], %select_n3A_437 {strides = array<i32>} : memref<544xi32, #tpu.memory_space<vmem>>, vector<16xi32>,
        }
        %scan3A_345 = arith.constant 4 : i32
        %jit3A_346 = arith.constant 16 : i32
        %div3A_347 = arith.divsi %mul3A_327, %jit3A_346 : i32
        %sign3A_348 = arith.constant 0 : i32
        %sign3A_349 = arith.cmpi sgt, %mul3A_327, %sign3A_348 : i32
        %sign3A_350 = arith.extui %sign3A_349 : i1 to i32
        %sign3A_351 = arith.constant 0 : i32
        %sign3A_352 = arith.cmpi slt, %mul3A_327, %sign3A_351 : i32
        %sign3A_353 = arith.extui %sign3A_352 : i1 to i32
        %sign3A_354 = arith.subi %sign3A_350, %sign3A_353 : i32
        %sign3A_355 = arith.constant 0 : i32
        %sign3A_356 = arith.cmpi sgt, %jit3A_346, %sign3A_355 : i32
        %sign3A_357 = arith.extui %sign3A_356 : i1 to i32
        %sign3A_358 = arith.constant 0 : i32
        %sign3A_359 = arith.cmpi slt, %jit3A_346, %sign3A_358 : i32
        %sign3A_360 = arith.extui %sign3A_359 : i1 to i32
        %sign3A_361 = arith.subi %sign3A_357, %sign3A_360 : i32
        %ne3A_362 = arith.cmpi ne, %sign3A_354, %sign3A_361 : i32
        %rem3A_363 = arith.remsi %mul3A_327, %jit3A_346 : i32
        %ne3A_364 = arith.constant 0 : i32
        %ne3A_365 = arith.cmpi ne, %rem3A_363, %ne3A_364 : i32
        %and3A_366 = arith.andi %ne3A_362, %ne3A_365 : i1
        %sub3A_367 = arith.constant 1 : i32
        %sub3A_368 = arith.subi %div3A_347, %sub3A_367 : i32
        %select_n3A_369 = arith.select %and3A_366, %sub3A_368, %div3A_347 : i32
        %scan3A_370 = arith.constant 0 : i32
        %scan3A_371 = arith.constant 0 : i32
        %scan3A_372 = arith.constant 8 : i32
        %scan3A_373 = arith.addi %scan3A_371, %scan3A_372 : i32
        %scan3A_374 = arith.constant 1 : i32
        scf.for %scan3A_376 = %scan3A_371 to %scan3A_373 step %scan3A_374  : i32 {
          %add3A_377 = arith.addi %select_n3A_369, %scan3A_376 : i32
          %mul3A_378 = arith.constant 16 : i32
          %mul3A_379 = arith.muli %add3A_377, %mul3A_378 : i32
          %get3A = arith.index_cast %mul3A_379 : i32 to index
          %get3A_380 = tpu.vector_load %arg8[%get3A] {strides = array<i32>} : memref<544xi32, #tpu.memory_space<vmem>>, vector<16xi32>,
          %get3A_381 = arith.index_cast %mul3A_379 : i32 to index
          %get3A_382 = tpu.vector_load %arg9[%get3A_381] {strides = array<i32>} : memref<544xi32, #tpu.memory_space<vmem>>, vector<16xi32>,
          %masked_sort3A = arith.constant dense<true> : vector<16xi1>
          %masked_sort3A_383 = arith.constant -2147483648 : i32
          %masked_sort3A_384 = vector.broadcast %masked_sort3A_383 : i32 to vector<16xi32>
          %masked_sort3A_385 = arith.xori %get3A_380, %masked_sort3A_384 : vector<16xi32>
          %masked_sort3A_386, %masked_sort3A_387, %masked_sort3A_388 = tpu.sort %masked_sort3A_385, %get3A_382 masked %masked_sort3A : (vector<16xi32>, vector<16xi32>, vector<16xi1>) -> (vector<16xi1>, vector<16xi32>, vector<16xi32>)
          %masked_sort3A_389 = arith.xori %masked_sort3A_387, %masked_sort3A_384 : vector<16xi32>
          %swap3A = arith.index_cast %mul3A_379 : i32 to index
          %swap3A_390 = tpu.vector_load %arg8[%swap3A] {strides = array<i32>} : memref<544xi32, #tpu.memory_space<vmem>>, vector<16xi32>,
          tpu.vector_store %arg8[%swap3A], %masked_sort3A_389 {strides = array<i32>} : memref<544xi32, #tpu.memory_space<vmem>>, vector<16xi32>,
          %swap3A_391 = arith.index_cast %mul3A_379 : i32 to index
          %swap3A_392 = tpu.vector_load %arg9[%swap3A_391] {strides = array<i32>} : memref<544xi32, #tpu.memory_space<vmem>>, vector<16xi32>,
          tpu.vector_store %arg9[%swap3A_391], %masked_sort3A_388 {strides = array<i32>} : memref<544xi32, #tpu.memory_space<vmem>>, vector<16xi32>,
        }
        %scan3A_375 = arith.constant 8 : i32
      }
      %scan3A_210 = arith.constant 4 : i32
      %scan3A_211 = arith.constant 0 : i32
      %scan3A_212 = arith.constant 0 : i32
      %scan3A_213 = arith.constant 2 : i32
      %scan3A_214 = arith.addi %scan3A_212, %scan3A_213 : i32
      %scan3A_215 = arith.constant 1 : i32
      scf.for %scan3A_325 = %scan3A_212 to %scan3A_214 step %scan3A_215  : i32 {
        %mul3A_326 = arith.constant 256 : i32
        %mul3A_327 = arith.muli %scan3A_325, %mul3A_326 : i32
        %scan3A_328 = arith.constant 0 : i32
        %scan3A_329 = arith.constant 0 : i32
        %scan3A_330 = arith.constant 8 : i32
        %scan3A_331 = arith.addi %scan3A_329, %scan3A_330 : i32
        %scan3A_332 = arith.constant 1 : i32
        scf.for %scan3A_382 = %scan3A_329 to %scan3A_331 step %scan3A_332  : i32 {
          %mul3A_383 = arith.constant 16 : i32
          %mul3A_384 = arith.muli %scan3A_382, %mul3A_383 : i32
          %add3A_385 = arith.addi %mul3A_327, %mul3A_384 : i32
          %add3A_386 = arith.constant 256 : i32
          %add3A_387 = arith.addi %mul3A_327, %add3A_386 : i32
          %add3A_388 = arith.constant 1 : i32
          %add3A_389 = arith.addi %scan3A_382, %add3A_388 : i32
          %mul3A_390 = arith.constant 16 : i32
          %mul3A_391 = arith.muli %add3A_389, %mul3A_390 : i32
          %sub3A_392 = arith.subi %add3A_387, %mul3A_391 : i32
          %get3A = arith.index_cast %add3A_385 : i32 to index
          %get3A_393 = tpu.vector_load %arg8[%get3A] {strides = array<i32>} : memref<544xi32, #tpu.memory_space<vmem>>, vector<16xi32>,
          %get3A_394 = arith.index_cast %add3A_385 : i32 to index
          %get3A_395 = tpu.vector_load %arg9[%get3A_394] {strides = array<i32>} : memref<544xi32, #tpu.memory_space<vmem>>, vector<16xi32>,
          %get3A_396 = arith.index_cast %sub3A_392 : i32 to index
          %get3A_397 = tpu.vector_load %arg8[%get3A_396] {strides = array<i32>} : memref<544xi32, #tpu.memory_space<vmem>>, vector<16xi32>,
          %get3A_398 = arith.index_cast %sub3A_392 : i32 to index
          %get3A_399 = tpu.vector_load %arg9[%get3A_398] {strides = array<i32>} : memref<544xi32, #tpu.memory_space<vmem>>, vector<16xi32>,
          %rev3A = arith.constant 15 : i32
          %rev3A_400 = vector.broadcast %rev3A : i32 to vector<16xi32>
          %rev3A_401 = tpu.iota {dimensions = array<i32: 0>} : vector<16xi32>
          %rev3A_402 = arith.subi %rev3A_400, %rev3A_401 : vector<16xi32>
          %rev3A_403 = tpu.dynamic_gather %get3A_397[%rev3A_402] in [0] : vector<16xi32>, vector<16xi32> -> vector<16xi32>
          %rev3A_404 = arith.constant 15 : i32
          %rev3A_405 = vector.broadcast %rev3A_404 : i32 to vector<16xi32>
          %rev3A_406 = tpu.iota {dimensions = array<i32: 0>} : vector<16xi32>
          %rev3A_407 = arith.subi %rev3A_405, %rev3A_406 : vector<16xi32>
          %rev3A_408 = tpu.dynamic_gather %get3A_399[%rev3A_407] in [0] : vector<16xi32>, vector<16xi32> -> vector<16xi32>
          %le3A = arith.cmpi sle, %get3A_393, %rev3A_403 : vector<16xi32>
          %select_n3A_409 = arith.select %le3A, %get3A_393, %rev3A_403 : vector<16xi1>, vector<16xi32>
          %select_n3A_410 = arith.select %le3A, %get3A_395, %rev3A_408 : vector<16xi1>, vector<16xi32>
          %select_n3A_411 = arith.select %le3A, %rev3A_403, %get3A_393 : vector<16xi1>, vector<16xi32>
          %select_n3A_412 = arith.select %le3A, %rev3A_408, %get3A_395 : vector<16xi1>, vector<16xi32>
          %rev3A_413 = arith.constant 15 : i32
          %rev3A_414 = vector.broadcast %rev3A_413 : i32 to vector<16xi32>
          %rev3A_415 = tpu.iota {dimensions = array<i32: 0>} : vector<16xi32>
          %rev3A_416 = arith.subi %rev3A_414, %rev3A_415 : vector<16xi32>
          %rev3A_417 = tpu.dynamic_gather %select_n3A_411[%rev3A_416] in [0] : vector<16xi32>, vector<16xi32> -> vector<16xi32>
          %rev3A_418 = arith.constant 15 : i32
          %rev3A_419 = vector.broadcast %rev3A_418 : i32 to vector<16xi32>
          %rev3A_420 = tpu.iota {dimensions = array<i32: 0>} : vector<16xi32>
          %rev3A_421 = arith.subi %rev3A_419, %rev3A_420 : vector<16xi32>
          %rev3A_422 = tpu.dynamic_gather %select_n3A_412[%rev3A_421] in [0] : vector<16xi32>, vector<16xi32> -> vector<16xi32>
          %swap3A = arith.index_cast %add3A_385 : i32 to index
          %swap3A_423 = tpu.vector_load %arg8[%swap3A] {strides = array<i32>} : memref<544xi32, #tpu.memory_space<vmem>>, vector<16xi32>,
          tpu.vector_store %arg8[%swap3A], %select_n3A_409 {strides = array<i32>} : memref<544xi32, #tpu.memory_space<vmem>>, vector<16xi32>,
          %swap3A_424 = arith.index_cast %add3A_385 : i32 to index
          %swap3A_425 = tpu.vector_load %arg9[%swap3A_424] {strides = array<i32>} : memref<544xi32, #tpu.memory_space<vmem>>, vector<16xi32>,
          tpu.vector_store %arg9[%swap3A_424], %select_n3A_410 {strides = array<i32>} : memref<544xi32, #tpu.memory_space<vmem>>, vector<16xi32>,
          %swap3A_426 = arith.index_cast %sub3A_392 : i32 to index
          %swap3A_427 = tpu.vector_load %arg8[%swap3A_426] {strides = array<i32>} : memref<544xi32, #tpu.memory_space<vmem>>, vector<16xi32>,
          tpu.vector_store %arg8[%swap3A_426], %rev3A_417 {strides = array<i32>} : memref<544xi32, #tpu.memory_space<vmem>>, vector<16xi32>,
          %swap3A_428 = arith.index_cast %sub3A_392 : i32 to index
          %swap3A_429 = tpu.vector_load %arg9[%swap3A_428] {strides = array<i32>} : memref<544xi32, #tpu.memory_space<vmem>>, vector<16xi32>,
          tpu.vector_store %arg9[%swap3A_428], %rev3A_422 {strides = array<i32>} : memref<544xi32, #tpu.memory_space<vmem>>, vector<16xi32>,
        }
        %scan3A_333 = arith.constant 8 : i32
        %scan3A_334 = arith.constant 0 : i32
        %scan3A_335 = arith.constant 0 : i32
        %scan3A_336 = arith.constant 8 : i32
        %scan3A_337 = arith.addi %scan3A_335, %scan3A_336 : i32
        %scan3A_338 = arith.constant 1 : i32
        scf.for %scan3A_382 = %scan3A_335 to %scan3A_337 step %scan3A_338  : i32 {
          %jit3A_383 = arith.constant 4 : i32
          %div3A_384 = arith.divsi %scan3A_382, %jit3A_383 : i32
          %sign3A_385 = arith.constant 0 : i32
          %sign3A_386 = arith.cmpi sgt, %scan3A_382, %sign3A_385 : i32
          %sign3A_387 = arith.extui %sign3A_386 : i1 to i32
          %sign3A_388 = arith.constant 0 : i32
          %sign3A_389 = arith.cmpi slt, %scan3A_382, %sign3A_388 : i32
          %sign3A_390 = arith.extui %sign3A_389 : i1 to i32
          %sign3A_391 = arith.subi %sign3A_387, %sign3A_390 : i32
          %sign3A_392 = arith.constant 0 : i32
          %sign3A_393 = arith.cmpi sgt, %jit3A_383, %sign3A_392 : i32
          %sign3A_394 = arith.extui %sign3A_393 : i1 to i32
          %sign3A_395 = arith.constant 0 : i32
          %sign3A_396 = arith.cmpi slt, %jit3A_383, %sign3A_395 : i32
          %sign3A_397 = arith.extui %sign3A_396 : i1 to i32
          %sign3A_398 = arith.subi %sign3A_394, %sign3A_397 : i32
          %ne3A_399 = arith.cmpi ne, %sign3A_391, %sign3A_398 : i32
          %rem3A_400 = arith.remsi %scan3A_382, %jit3A_383 : i32
          %ne3A_401 = arith.constant 0 : i32
          %ne3A_402 = arith.cmpi ne, %rem3A_400, %ne3A_401 : i32
          %and3A_403 = arith.andi %ne3A_399, %ne3A_402 : i1
          %sub3A_404 = arith.constant 1 : i32
          %sub3A_405 = arith.subi %div3A_384, %sub3A_404 : i32
          %select_n3A_406 = arith.select %and3A_403, %sub3A_405, %div3A_384 : i32
          %mul3A_407 = arith.constant 128 : i32
          %mul3A_408 = arith.muli %select_n3A_406, %mul3A_407 : i32
          %jit3A_409 = arith.constant 4 : i32
          %eq3A_410 = arith.constant 0 : i32
          %eq3A_411 = arith.cmpi eq, %jit3A_409, %eq3A_410 : i32
          %jit3A_412 = arith.constant 1 : i32
          %select_n3A_413 = arith.select %eq3A_411, %jit3A_412, %jit3A_409 : i32
          %rem3A_414 = arith.remsi %scan3A_382, %select_n3A_413 : i32
          %ne3A_415 = arith.constant 0 : i32
          %ne3A_416 = arith.cmpi ne, %rem3A_414, %ne3A_415 : i32
          %lt3A_417 = arith.constant 0 : i32
          %lt3A_418 = arith.cmpi slt, %rem3A_414, %lt3A_417 : i32
          %lt3A_419 = arith.constant 0 : i32
          %lt3A_420 = arith.cmpi slt, %select_n3A_413, %lt3A_419 : i32
          %ne3A_421 = arith.xori %lt3A_418, %lt3A_420 : i1
          %and3A_422 = arith.andi %ne3A_421, %ne3A_416 : i1
          %add3A_423 = arith.addi %rem3A_414, %select_n3A_413 : i32
          %select_n3A_424 = arith.select %and3A_422, %add3A_423, %rem3A_414 : i32
          %mul3A_425 = arith.constant 16 : i32
          %mul3A_426 = arith.muli %select_n3A_424, %mul3A_425 : i32
          %add3A_427 = arith.addi %mul3A_327, %mul3A_408 : i32
          %add3A_428 = arith.addi %add3A_427, %mul3A_426 : i32
          %add3A_429 = arith.addi %mul3A_327, %mul3A_408 : i32
          %add3A_430 = arith.constant 64 : i32
          %add3A_431 = arith.addi %add3A_429, %add3A_430 : i32
          %add3A_432 = arith.addi %add3A_431, %mul3A_426 : i32
          %get3A = arith.index_cast %add3A_428 : i32 to index
          %get3A_433 = tpu.vector_load %arg8[%get3A] {strides = array<i32>} : memref<544xi32, #tpu.memory_space<vmem>>, vector<16xi32>,
          %get3A_434 = arith.index_cast %add3A_428 : i32 to index
          %get3A_435 = tpu.vector_load %arg9[%get3A_434] {strides = array<i32>} : memref<544xi32, #tpu.memory_space<vmem>>, vector<16xi32>,
          %get3A_436 = arith.index_cast %add3A_432 : i32 to index
          %get3A_437 = tpu.vector_load %arg8[%get3A_436] {strides = array<i32>} : memref<544xi32, #tpu.memory_space<vmem>>, vector<16xi32>,
          %get3A_438 = arith.index_cast %add3A_432 : i32 to index
          %get3A_439 = tpu.vector_load %arg9[%get3A_438] {strides = array<i32>} : memref<544xi32, #tpu.memory_space<vmem>>, vector<16xi32>,
          %le3A = arith.cmpi sle, %get3A_433, %get3A_437 : vector<16xi32>
          %select_n3A_440 = arith.select %le3A, %get3A_433, %get3A_437 : vector<16xi1>, vector<16xi32>
          %select_n3A_441 = arith.select %le3A, %get3A_435, %get3A_439 : vector<16xi1>, vector<16xi32>
          %select_n3A_442 = arith.select %le3A, %get3A_437, %get3A_433 : vector<16xi1>, vector<16xi32>
          %select_n3A_443 = arith.select %le3A, %get3A_439, %get3A_435 : vector<16xi1>, vector<16xi32>
          %swap3A = arith.index_cast %add3A_428 : i32 to index
          %swap3A_444 = tpu.vector_load %arg8[%swap3A] {strides = array<i32>} : memref<544xi32, #tpu.memory_space<vmem>>, vector<16xi32>,
          tpu.vector_store %arg8[%swap3A], %select_n3A_440 {strides = array<i32>} : memref<544xi32, #tpu.memory_space<vmem>>, vector<16xi32>,
          %swap3A_445 = arith.index_cast %add3A_428 : i32 to index
          %swap3A_446 = tpu.vector_load %arg9[%swap3A_445] {strides = array<i32>} : memref<544xi32, #tpu.memory_space<vmem>>, vector<16xi32>,
          tpu.vector_store %arg9[%swap3A_445], %select_n3A_441 {strides = array<i32>} : memref<544xi32, #tpu.memory_space<vmem>>, vector<16xi32>,
          %swap3A_447 = arith.index_cast %add3A_432 : i32 to index
          %swap3A_448 = tpu.vector_load %arg8[%swap3A_447] {strides = array<i32>} : memref<544xi32, #tpu.memory_space<vmem>>, vector<16xi32>,
          tpu.vector_store %arg8[%swap3A_447], %select_n3A_442 {strides = array<i32>} : memref<544xi32, #tpu.memory_space<vmem>>, vector<16xi32>,
          %swap3A_449 = arith.index_cast %add3A_432 : i32 to index
          %swap3A_450 = tpu.vector_load %arg9[%swap3A_449] {strides = array<i32>} : memref<544xi32, #tpu.memory_space<vmem>>, vector<16xi32>,
          tpu.vector_store %arg9[%swap3A_449], %select_n3A_443 {strides = array<i32>} : memref<544xi32, #tpu.memory_space<vmem>>, vector<16xi32>,
        }
        %scan3A_339 = arith.constant 8 : i32
        %scan3A_340 = arith.constant 0 : i32
        %scan3A_341 = arith.constant 0 : i32
        %scan3A_342 = arith.constant 8 : i32
        %scan3A_343 = arith.addi %scan3A_341, %scan3A_342 : i32
        %scan3A_344 = arith.constant 1 : i32
        scf.for %scan3A_382 = %scan3A_341 to %scan3A_343 step %scan3A_344  : i32 {
          %jit3A_383 = arith.constant 2 : i32
          %div3A_384 = arith.divsi %scan3A_382, %jit3A_383 : i32
          %sign3A_385 = arith.constant 0 : i32
          %sign3A_386 = arith.cmpi sgt, %scan3A_382, %sign3A_385 : i32
          %sign3A_387 = arith.extui %sign3A_386 : i1 to i32
          %sign3A_388 = arith.constant 0 : i32
          %sign3A_389 = arith.cmpi slt, %scan3A_382, %sign3A_388 : i32
          %sign3A_390 = arith.extui %sign3A_389 : i1 to i32
          %sign3A_391 = arith.subi %sign3A_387, %sign3A_390 : i32
          %sign3A_392 = arith.constant 0 : i32
          %sign3A_393 = arith.cmpi sgt, %jit3A_383, %sign3A_392 : i32
          %sign3A_394 = arith.extui %sign3A_393 : i1 to i32
          %sign3A_395 = arith.constant 0 : i32
          %sign3A_396 = arith.cmpi slt, %jit3A_383, %sign3A_395 : i32
          %sign3A_397 = arith.extui %sign3A_396 : i1 to i32
          %sign3A_398 = arith.subi %sign3A_394, %sign3A_397 : i32
          %ne3A_399 = arith.cmpi ne, %sign3A_391, %sign3A_398 : i32
          %rem3A_400 = arith.remsi %scan3A_382, %jit3A_383 : i32
          %ne3A_401 = arith.constant 0 : i32
          %ne3A_402 = arith.cmpi ne, %rem3A_400, %ne3A_401 : i32
          %and3A_403 = arith.andi %ne3A_399, %ne3A_402 : i1
          %sub3A_404 = arith.constant 1 : i32
          %sub3A_405 = arith.subi %div3A_384, %sub3A_404 : i32
          %select_n3A_406 = arith.select %and3A_403, %sub3A_405, %div3A_384 : i32
          %mul3A_407 = arith.constant 64 : i32
          %mul3A_408 = arith.muli %select_n3A_406, %mul3A_407 : i32
          %jit3A_409 = arith.constant 2 : i32
          %eq3A_410 = arith.constant 0 : i32
          %eq3A_411 = arith.cmpi eq, %jit3A_409, %eq3A_410 : i32
          %jit3A_412 = arith.constant 1 : i32
          %select_n3A_413 = arith.select %eq3A_411, %jit3A_412, %jit3A_409 : i32
          %rem3A_414 = arith.remsi %scan3A_382, %select_n3A_413 : i32
          %ne3A_415 = arith.constant 0 : i32
          %ne3A_416 = arith.cmpi ne, %rem3A_414, %ne3A_415 : i32
          %lt3A_417 = arith.constant 0 : i32
          %lt3A_418 = arith.cmpi slt, %rem3A_414, %lt3A_417 : i32
          %lt3A_419 = arith.constant 0 : i32
          %lt3A_420 = arith.cmpi slt, %select_n3A_413, %lt3A_419 : i32
          %ne3A_421 = arith.xori %lt3A_418, %lt3A_420 : i1
          %and3A_422 = arith.andi %ne3A_421, %ne3A_416 : i1
          %add3A_423 = arith.addi %rem3A_414, %select_n3A_413 : i32
          %select_n3A_424 = arith.select %and3A_422, %add3A_423, %rem3A_414 : i32
          %mul3A_425 = arith.constant 16 : i32
          %mul3A_426 = arith.muli %select_n3A_424, %mul3A_425 : i32
          %add3A_427 = arith.addi %mul3A_327, %mul3A_408 : i32
          %add3A_428 = arith.addi %add3A_427, %mul3A_426 : i32
          %add3A_429 = arith.addi %mul3A_327, %mul3A_408 : i32
          %add3A_430 = arith.constant 32 : i32
          %add3A_431 = arith.addi %add3A_429, %add3A_430 : i32
          %add3A_432 = arith.addi %add3A_431, %mul3A_426 : i32
          %get3A = arith.index_cast %add3A_428 : i32 to index
          %get3A_433 = tpu.vector_load %arg8[%get3A] {strides = array<i32>} : memref<544xi32, #tpu.memory_space<vmem>>, vector<16xi32>,
          %get3A_434 = arith.index_cast %add3A_428 : i32 to index
          %get3A_435 = tpu.vector_load %arg9[%get3A_434] {strides = array<i32>} : memref<544xi32, #tpu.memory_space<vmem>>, vector<16xi32>,
          %get3A_436 = arith.index_cast %add3A_432 : i32 to index
          %get3A_437 = tpu.vector_load %arg8[%get3A_436] {strides = array<i32>} : memref<544xi32, #tpu.memory_space<vmem>>, vector<16xi32>,
          %get3A_438 = arith.index_cast %add3A_432 : i32 to index
          %get3A_439 = tpu.vector_load %arg9[%get3A_438] {strides = array<i32>} : memref<544xi32, #tpu.memory_space<vmem>>, vector<16xi32>,
          %le3A = arith.cmpi sle, %get3A_433, %get3A_437 : vector<16xi32>
          %select_n3A_440 = arith.select %le3A, %get3A_433, %get3A_437 : vector<16xi1>, vector<16xi32>
          %select_n3A_441 = arith.select %le3A, %get3A_435, %get3A_439 : vector<16xi1>, vector<16xi32>
          %select_n3A_442 = arith.select %le3A, %get3A_437, %get3A_433 : vector<16xi1>, vector<16xi32>
          %select_n3A_443 = arith.select %le3A, %get3A_439, %get3A_435 : vector<16xi1>, vector<16xi32>
          %swap3A = arith.index_cast %add3A_428 : i32 to index
          %swap3A_444 = tpu.vector_load %arg8[%swap3A] {strides = array<i32>} : memref<544xi32, #tpu.memory_space<vmem>>, vector<16xi32>,
          tpu.vector_store %arg8[%swap3A], %select_n3A_440 {strides = array<i32>} : memref<544xi32, #tpu.memory_space<vmem>>, vector<16xi32>,
          %swap3A_445 = arith.index_cast %add3A_428 : i32 to index
          %swap3A_446 = tpu.vector_load %arg9[%swap3A_445] {strides = array<i32>} : memref<544xi32, #tpu.memory_space<vmem>>, vector<16xi32>,
          tpu.vector_store %arg9[%swap3A_445], %select_n3A_441 {strides = array<i32>} : memref<544xi32, #tpu.memory_space<vmem>>, vector<16xi32>,
          %swap3A_447 = arith.index_cast %add3A_432 : i32 to index
          %swap3A_448 = tpu.vector_load %arg8[%swap3A_447] {strides = array<i32>} : memref<544xi32, #tpu.memory_space<vmem>>, vector<16xi32>,
          tpu.vector_store %arg8[%swap3A_447], %select_n3A_442 {strides = array<i32>} : memref<544xi32, #tpu.memory_space<vmem>>, vector<16xi32>,
          %swap3A_449 = arith.index_cast %add3A_432 : i32 to index
          %swap3A_450 = tpu.vector_load %arg9[%swap3A_449] {strides = array<i32>} : memref<544xi32, #tpu.memory_space<vmem>>, vector<16xi32>,
          tpu.vector_store %arg9[%swap3A_449], %select_n3A_443 {strides = array<i32>} : memref<544xi32, #tpu.memory_space<vmem>>, vector<16xi32>,
        }
        %scan3A_345 = arith.constant 8 : i32
        %scan3A_346 = arith.constant 0 : i32
        %scan3A_347 = arith.constant 0 : i32
        %scan3A_348 = arith.constant 8 : i32
        %scan3A_349 = arith.addi %scan3A_347, %scan3A_348 : i32
        %scan3A_350 = arith.constant 1 : i32
        scf.for %scan3A_382 = %scan3A_347 to %scan3A_349 step %scan3A_350  : i32 {
          %jit3A_383 = arith.constant 1 : i32
          %div3A_384 = arith.divsi %scan3A_382, %jit3A_383 : i32
          %sign3A_385 = arith.constant 0 : i32
          %sign3A_386 = arith.cmpi sgt, %scan3A_382, %sign3A_385 : i32
          %sign3A_387 = arith.extui %sign3A_386 : i1 to i32
          %sign3A_388 = arith.constant 0 : i32
          %sign3A_389 = arith.cmpi slt, %scan3A_382, %sign3A_388 : i32
          %sign3A_390 = arith.extui %sign3A_389 : i1 to i32
          %sign3A_391 = arith.subi %sign3A_387, %sign3A_390 : i32
          %sign3A_392 = arith.constant 0 : i32
          %sign3A_393 = arith.cmpi sgt, %jit3A_383, %sign3A_392 : i32
          %sign3A_394 = arith.extui %sign3A_393 : i1 to i32
          %sign3A_395 = arith.constant 0 : i32
          %sign3A_396 = arith.cmpi slt, %jit3A_383, %sign3A_395 : i32
          %sign3A_397 = arith.extui %sign3A_396 : i1 to i32
          %sign3A_398 = arith.subi %sign3A_394, %sign3A_397 : i32
          %ne3A_399 = arith.cmpi ne, %sign3A_391, %sign3A_398 : i32
          %rem3A_400 = arith.remsi %scan3A_382, %jit3A_383 : i32
          %ne3A_401 = arith.constant 0 : i32
          %ne3A_402 = arith.cmpi ne, %rem3A_400, %ne3A_401 : i32
          %and3A_403 = arith.andi %ne3A_399, %ne3A_402 : i1
          %sub3A_404 = arith.constant 1 : i32
          %sub3A_405 = arith.subi %div3A_384, %sub3A_404 : i32
          %select_n3A_406 = arith.select %and3A_403, %sub3A_405, %div3A_384 : i32
          %mul3A_407 = arith.constant 32 : i32
          %mul3A_408 = arith.muli %select_n3A_406, %mul3A_407 : i32
          %jit3A_409 = arith.constant 1 : i32
          %eq3A_410 = arith.constant 0 : i32
          %eq3A_411 = arith.cmpi eq, %jit3A_409, %eq3A_410 : i32
          %jit3A_412 = arith.constant 1 : i32
          %select_n3A_413 = arith.select %eq3A_411, %jit3A_412, %jit3A_409 : i32
          %rem3A_414 = arith.remsi %scan3A_382, %select_n3A_413 : i32
          %ne3A_415 = arith.constant 0 : i32
          %ne3A_416 = arith.cmpi ne, %rem3A_414, %ne3A_415 : i32
          %lt3A_417 = arith.constant 0 : i32
          %lt3A_418 = arith.cmpi slt, %rem3A_414, %lt3A_417 : i32
          %lt3A_419 = arith.constant 0 : i32
          %lt3A_420 = arith.cmpi slt, %select_n3A_413, %lt3A_419 : i32
          %ne3A_421 = arith.xori %lt3A_418, %lt3A_420 : i1
          %and3A_422 = arith.andi %ne3A_421, %ne3A_416 : i1
          %add3A_423 = arith.addi %rem3A_414, %select_n3A_413 : i32
          %select_n3A_424 = arith.select %and3A_422, %add3A_423, %rem3A_414 : i32
          %mul3A_425 = arith.constant 16 : i32
          %mul3A_426 = arith.muli %select_n3A_424, %mul3A_425 : i32
          %add3A_427 = arith.addi %mul3A_327, %mul3A_408 : i32
          %add3A_428 = arith.addi %add3A_427, %mul3A_426 : i32
          %add3A_429 = arith.addi %mul3A_327, %mul3A_408 : i32
          %add3A_430 = arith.constant 16 : i32
          %add3A_431 = arith.addi %add3A_429, %add3A_430 : i32
          %add3A_432 = arith.addi %add3A_431, %mul3A_426 : i32
          %get3A = arith.index_cast %add3A_428 : i32 to index
          %get3A_433 = tpu.vector_load %arg8[%get3A] {strides = array<i32>} : memref<544xi32, #tpu.memory_space<vmem>>, vector<16xi32>,
          %get3A_434 = arith.index_cast %add3A_428 : i32 to index
          %get3A_435 = tpu.vector_load %arg9[%get3A_434] {strides = array<i32>} : memref<544xi32, #tpu.memory_space<vmem>>, vector<16xi32>,
          %get3A_436 = arith.index_cast %add3A_432 : i32 to index
          %get3A_437 = tpu.vector_load %arg8[%get3A_436] {strides = array<i32>} : memref<544xi32, #tpu.memory_space<vmem>>, vector<16xi32>,
          %get3A_438 = arith.index_cast %add3A_432 : i32 to index
          %get3A_439 = tpu.vector_load %arg9[%get3A_438] {strides = array<i32>} : memref<544xi32, #tpu.memory_space<vmem>>, vector<16xi32>,
          %le3A = arith.cmpi sle, %get3A_433, %get3A_437 : vector<16xi32>
          %select_n3A_440 = arith.select %le3A, %get3A_433, %get3A_437 : vector<16xi1>, vector<16xi32>
          %select_n3A_441 = arith.select %le3A, %get3A_435, %get3A_439 : vector<16xi1>, vector<16xi32>
          %select_n3A_442 = arith.select %le3A, %get3A_437, %get3A_433 : vector<16xi1>, vector<16xi32>
          %select_n3A_443 = arith.select %le3A, %get3A_439, %get3A_435 : vector<16xi1>, vector<16xi32>
          %swap3A = arith.index_cast %add3A_428 : i32 to index
          %swap3A_444 = tpu.vector_load %arg8[%swap3A] {strides = array<i32>} : memref<544xi32, #tpu.memory_space<vmem>>, vector<16xi32>,
          tpu.vector_store %arg8[%swap3A], %select_n3A_440 {strides = array<i32>} : memref<544xi32, #tpu.memory_space<vmem>>, vector<16xi32>,
          %swap3A_445 = arith.index_cast %add3A_428 : i32 to index
          %swap3A_446 = tpu.vector_load %arg9[%swap3A_445] {strides = array<i32>} : memref<544xi32, #tpu.memory_space<vmem>>, vector<16xi32>,
          tpu.vector_store %arg9[%swap3A_445], %select_n3A_441 {strides = array<i32>} : memref<544xi32, #tpu.memory_space<vmem>>, vector<16xi32>,
          %swap3A_447 = arith.index_cast %add3A_432 : i32 to index
          %swap3A_448 = tpu.vector_load %arg8[%swap3A_447] {strides = array<i32>} : memref<544xi32, #tpu.memory_space<vmem>>, vector<16xi32>,
          tpu.vector_store %arg8[%swap3A_447], %select_n3A_442 {strides = array<i32>} : memref<544xi32, #tpu.memory_space<vmem>>, vector<16xi32>,
          %swap3A_449 = arith.index_cast %add3A_432 : i32 to index
          %swap3A_450 = tpu.vector_load %arg9[%swap3A_449] {strides = array<i32>} : memref<544xi32, #tpu.memory_space<vmem>>, vector<16xi32>,
          tpu.vector_store %arg9[%swap3A_449], %select_n3A_443 {strides = array<i32>} : memref<544xi32, #tpu.memory_space<vmem>>, vector<16xi32>,
        }
        %scan3A_351 = arith.constant 8 : i32
        %jit3A_352 = arith.constant 16 : i32
        %div3A_353 = arith.divsi %mul3A_327, %jit3A_352 : i32
        %sign3A_354 = arith.constant 0 : i32
        %sign3A_355 = arith.cmpi sgt, %mul3A_327, %sign3A_354 : i32
        %sign3A_356 = arith.extui %sign3A_355 : i1 to i32
        %sign3A_357 = arith.constant 0 : i32
        %sign3A_358 = arith.cmpi slt, %mul3A_327, %sign3A_357 : i32
        %sign3A_359 = arith.extui %sign3A_358 : i1 to i32
        %sign3A_360 = arith.subi %sign3A_356, %sign3A_359 : i32
        %sign3A_361 = arith.constant 0 : i32
        %sign3A_362 = arith.cmpi sgt, %jit3A_352, %sign3A_361 : i32
        %sign3A_363 = arith.extui %sign3A_362 : i1 to i32
        %sign3A_364 = arith.constant 0 : i32
        %sign3A_365 = arith.cmpi slt, %jit3A_352, %sign3A_364 : i32
        %sign3A_366 = arith.extui %sign3A_365 : i1 to i32
        %sign3A_367 = arith.subi %sign3A_363, %sign3A_366 : i32
        %ne3A_368 = arith.cmpi ne, %sign3A_360, %sign3A_367 : i32
        %rem3A_369 = arith.remsi %mul3A_327, %jit3A_352 : i32
        %ne3A_370 = arith.constant 0 : i32
        %ne3A_371 = arith.cmpi ne, %rem3A_369, %ne3A_370 : i32
        %and3A_372 = arith.andi %ne3A_368, %ne3A_371 : i1
        %sub3A_373 = arith.constant 1 : i32
        %sub3A_374 = arith.subi %div3A_353, %sub3A_373 : i32
        %select_n3A_375 = arith.select %and3A_372, %sub3A_374, %div3A_353 : i32
        %scan3A_376 = arith.constant 0 : i32
        %scan3A_377 = arith.constant 0 : i32
        %scan3A_378 = arith.constant 16 : i32
        %scan3A_379 = arith.addi %scan3A_377, %scan3A_378 : i32
        %scan3A_380 = arith.constant 1 : i32
        scf.for %scan3A_382 = %scan3A_377 to %scan3A_379 step %scan3A_380  : i32 {
          %add3A_383 = arith.addi %select_n3A_375, %scan3A_382 : i32
          %mul3A_384 = arith.constant 16 : i32
          %mul3A_385 = arith.muli %add3A_383, %mul3A_384 : i32
          %get3A = arith.index_cast %mul3A_385 : i32 to index
          %get3A_386 = tpu.vector_load %arg8[%get3A] {strides = array<i32>} : memref<544xi32, #tpu.memory_space<vmem>>, vector<16xi32>,
          %get3A_387 = arith.index_cast %mul3A_385 : i32 to index
          %get3A_388 = tpu.vector_load %arg9[%get3A_387] {strides = array<i32>} : memref<544xi32, #tpu.memory_space<vmem>>, vector<16xi32>,
          %masked_sort3A = arith.constant dense<true> : vector<16xi1>
          %masked_sort3A_389 = arith.constant -2147483648 : i32
          %masked_sort3A_390 = vector.broadcast %masked_sort3A_389 : i32 to vector<16xi32>
          %masked_sort3A_391 = arith.xori %get3A_386, %masked_sort3A_390 : vector<16xi32>
          %masked_sort3A_392, %masked_sort3A_393, %masked_sort3A_394 = tpu.sort %masked_sort3A_391, %get3A_388 masked %masked_sort3A : (vector<16xi32>, vector<16xi32>, vector<16xi1>) -> (vector<16xi1>, vector<16xi32>, vector<16xi32>)
          %masked_sort3A_395 = arith.xori %masked_sort3A_393, %masked_sort3A_390 : vector<16xi32>
          %swap3A = arith.index_cast %mul3A_385 : i32 to index
          %swap3A_396 = tpu.vector_load %arg8[%swap3A] {strides = array<i32>} : memref<544xi32, #tpu.memory_space<vmem>>, vector<16xi32>,
          tpu.vector_store %arg8[%swap3A], %masked_sort3A_395 {strides = array<i32>} : memref<544xi32, #tpu.memory_space<vmem>>, vector<16xi32>,
          %swap3A_397 = arith.index_cast %mul3A_385 : i32 to index
          %swap3A_398 = tpu.vector_load %arg9[%swap3A_397] {strides = array<i32>} : memref<544xi32, #tpu.memory_space<vmem>>, vector<16xi32>,
          tpu.vector_store %arg9[%swap3A_397], %masked_sort3A_394 {strides = array<i32>} : memref<544xi32, #tpu.memory_space<vmem>>, vector<16xi32>,
        }
        %scan3A_381 = arith.constant 16 : i32
      }
      %scan3A_216 = arith.constant 2 : i32
      %scan3A_217 = arith.constant 0 : i32
      %scan3A_218 = arith.constant 0 : i32
      %mul3A_219 = arith.constant 512 : i32
      %mul3A_220 = arith.muli %scan3A_218, %mul3A_219 : i32
      %scan3A_221 = arith.constant 0 : i32
      %scan3A_222 = arith.constant 0 : i32
      %scan3A_223 = arith.constant 16 : i32
      %scan3A_224 = arith.addi %scan3A_222, %scan3A_223 : i32
      %scan3A_225 = arith.constant 1 : i32
      scf.for %scan3A_325 = %scan3A_222 to %scan3A_224 step %scan3A_225  : i32 {
        %mul3A_326 = arith.constant 16 : i32
        %mul3A_327 = arith.muli %scan3A_325, %mul3A_326 : i32
        %add3A_328 = arith.addi %mul3A_220, %mul3A_327 : i32
        %add3A_329 = arith.constant 512 : i32
        %add3A_330 = arith.addi %mul3A_220, %add3A_329 : i32
        %add3A_331 = arith.constant 1 : i32
        %add3A_332 = arith.addi %scan3A_325, %add3A_331 : i32
        %mul3A_333 = arith.constant 16 : i32
        %mul3A_334 = arith.muli %add3A_332, %mul3A_333 : i32
        %sub3A_335 = arith.subi %add3A_330, %mul3A_334 : i32
        %get3A = arith.index_cast %add3A_328 : i32 to index
        %get3A_336 = tpu.vector_load %arg8[%get3A] {strides = array<i32>} : memref<544xi32, #tpu.memory_space<vmem>>, vector<16xi32>,
        %get3A_337 = arith.index_cast %add3A_328 : i32 to index
        %get3A_338 = tpu.vector_load %arg9[%get3A_337] {strides = array<i32>} : memref<544xi32, #tpu.memory_space<vmem>>, vector<16xi32>,
        %get3A_339 = arith.index_cast %sub3A_335 : i32 to index
        %get3A_340 = tpu.vector_load %arg8[%get3A_339] {strides = array<i32>} : memref<544xi32, #tpu.memory_space<vmem>>, vector<16xi32>,
        %get3A_341 = arith.index_cast %sub3A_335 : i32 to index
        %get3A_342 = tpu.vector_load %arg9[%get3A_341] {strides = array<i32>} : memref<544xi32, #tpu.memory_space<vmem>>, vector<16xi32>,
        %rev3A = arith.constant 15 : i32
        %rev3A_343 = vector.broadcast %rev3A : i32 to vector<16xi32>
        %rev3A_344 = tpu.iota {dimensions = array<i32: 0>} : vector<16xi32>
        %rev3A_345 = arith.subi %rev3A_343, %rev3A_344 : vector<16xi32>
        %rev3A_346 = tpu.dynamic_gather %get3A_340[%rev3A_345] in [0] : vector<16xi32>, vector<16xi32> -> vector<16xi32>
        %rev3A_347 = arith.constant 15 : i32
        %rev3A_348 = vector.broadcast %rev3A_347 : i32 to vector<16xi32>
        %rev3A_349 = tpu.iota {dimensions = array<i32: 0>} : vector<16xi32>
        %rev3A_350 = arith.subi %rev3A_348, %rev3A_349 : vector<16xi32>
        %rev3A_351 = tpu.dynamic_gather %get3A_342[%rev3A_350] in [0] : vector<16xi32>, vector<16xi32> -> vector<16xi32>
        %le3A = arith.cmpi sle, %get3A_336, %rev3A_346 : vector<16xi32>
        %select_n3A_352 = arith.select %le3A, %get3A_336, %rev3A_346 : vector<16xi1>, vector<16xi32>
        %select_n3A_353 = arith.select %le3A, %get3A_338, %rev3A_351 : vector<16xi1>, vector<16xi32>
        %select_n3A_354 = arith.select %le3A, %rev3A_346, %get3A_336 : vector<16xi1>, vector<16xi32>
        %select_n3A_355 = arith.select %le3A, %rev3A_351, %get3A_338 : vector<16xi1>, vector<16xi32>
        %rev3A_356 = arith.constant 15 : i32
        %rev3A_357 = vector.broadcast %rev3A_356 : i32 to vector<16xi32>
        %rev3A_358 = tpu.iota {dimensions = array<i32: 0>} : vector<16xi32>
        %rev3A_359 = arith.subi %rev3A_357, %rev3A_358 : vector<16xi32>
        %rev3A_360 = tpu.dynamic_gather %select_n3A_354[%rev3A_359] in [0] : vector<16xi32>, vector<16xi32> -> vector<16xi32>
        %rev3A_361 = arith.constant 15 : i32
        %rev3A_362 = vector.broadcast %rev3A_361 : i32 to vector<16xi32>
        %rev3A_363 = tpu.iota {dimensions = array<i32: 0>} : vector<16xi32>
        %rev3A_364 = arith.subi %rev3A_362, %rev3A_363 : vector<16xi32>
        %rev3A_365 = tpu.dynamic_gather %select_n3A_355[%rev3A_364] in [0] : vector<16xi32>, vector<16xi32> -> vector<16xi32>
        %swap3A = arith.index_cast %add3A_328 : i32 to index
        %swap3A_366 = tpu.vector_load %arg8[%swap3A] {strides = array<i32>} : memref<544xi32, #tpu.memory_space<vmem>>, vector<16xi32>,
        tpu.vector_store %arg8[%swap3A], %select_n3A_352 {strides = array<i32>} : memref<544xi32, #tpu.memory_space<vmem>>, vector<16xi32>,
        %swap3A_367 = arith.index_cast %add3A_328 : i32 to index
        %swap3A_368 = tpu.vector_load %arg9[%swap3A_367] {strides = array<i32>} : memref<544xi32, #tpu.memory_space<vmem>>, vector<16xi32>,
        tpu.vector_store %arg9[%swap3A_367], %select_n3A_353 {strides = array<i32>} : memref<544xi32, #tpu.memory_space<vmem>>, vector<16xi32>,
        %swap3A_369 = arith.index_cast %sub3A_335 : i32 to index
        %swap3A_370 = tpu.vector_load %arg8[%swap3A_369] {strides = array<i32>} : memref<544xi32, #tpu.memory_space<vmem>>, vector<16xi32>,
        tpu.vector_store %arg8[%swap3A_369], %rev3A_360 {strides = array<i32>} : memref<544xi32, #tpu.memory_space<vmem>>, vector<16xi32>,
        %swap3A_371 = arith.index_cast %sub3A_335 : i32 to index
        %swap3A_372 = tpu.vector_load %arg9[%swap3A_371] {strides = array<i32>} : memref<544xi32, #tpu.memory_space<vmem>>, vector<16xi32>,
        tpu.vector_store %arg9[%swap3A_371], %rev3A_365 {strides = array<i32>} : memref<544xi32, #tpu.memory_space<vmem>>, vector<16xi32>,
      }
      %scan3A_226 = arith.constant 16 : i32
      %scan3A_227 = arith.constant 0 : i32
      %scan3A_228 = arith.constant 0 : i32
      %scan3A_229 = arith.constant 16 : i32
      %scan3A_230 = arith.addi %scan3A_228, %scan3A_229 : i32
      %scan3A_231 = arith.constant 1 : i32
      scf.for %scan3A_325 = %scan3A_228 to %scan3A_230 step %scan3A_231  : i32 {
        %jit3A_326 = arith.constant 8 : i32
        %div3A_327 = arith.divsi %scan3A_325, %jit3A_326 : i32
        %sign3A_328 = arith.constant 0 : i32
        %sign3A_329 = arith.cmpi sgt, %scan3A_325, %sign3A_328 : i32
        %sign3A_330 = arith.extui %sign3A_329 : i1 to i32
        %sign3A_331 = arith.constant 0 : i32
        %sign3A_332 = arith.cmpi slt, %scan3A_325, %sign3A_331 : i32
        %sign3A_333 = arith.extui %sign3A_332 : i1 to i32
        %sign3A_334 = arith.subi %sign3A_330, %sign3A_333 : i32
        %sign3A_335 = arith.constant 0 : i32
        %sign3A_336 = arith.cmpi sgt, %jit3A_326, %sign3A_335 : i32
        %sign3A_337 = arith.extui %sign3A_336 : i1 to i32
        %sign3A_338 = arith.constant 0 : i32
        %sign3A_339 = arith.cmpi slt, %jit3A_326, %sign3A_338 : i32
        %sign3A_340 = arith.extui %sign3A_339 : i1 to i32
        %sign3A_341 = arith.subi %sign3A_337, %sign3A_340 : i32
        %ne3A_342 = arith.cmpi ne, %sign3A_334, %sign3A_341 : i32
        %rem3A_343 = arith.remsi %scan3A_325, %jit3A_326 : i32
        %ne3A_344 = arith.constant 0 : i32
        %ne3A_345 = arith.cmpi ne, %rem3A_343, %ne3A_344 : i32
        %and3A_346 = arith.andi %ne3A_342, %ne3A_345 : i1
        %sub3A_347 = arith.constant 1 : i32
        %sub3A_348 = arith.subi %div3A_327, %sub3A_347 : i32
        %select_n3A_349 = arith.select %and3A_346, %sub3A_348, %div3A_327 : i32
        %mul3A_350 = arith.constant 256 : i32
        %mul3A_351 = arith.muli %select_n3A_349, %mul3A_350 : i32
        %jit3A_352 = arith.constant 8 : i32
        %eq3A_353 = arith.constant 0 : i32
        %eq3A_354 = arith.cmpi eq, %jit3A_352, %eq3A_353 : i32
        %jit3A_355 = arith.constant 1 : i32
        %select_n3A_356 = arith.select %eq3A_354, %jit3A_355, %jit3A_352 : i32
        %rem3A_357 = arith.remsi %scan3A_325, %select_n3A_356 : i32
        %ne3A_358 = arith.constant 0 : i32
        %ne3A_359 = arith.cmpi ne, %rem3A_357, %ne3A_358 : i32
        %lt3A_360 = arith.constant 0 : i32
        %lt3A_361 = arith.cmpi slt, %rem3A_357, %lt3A_360 : i32
        %lt3A_362 = arith.constant 0 : i32
        %lt3A_363 = arith.cmpi slt, %select_n3A_356, %lt3A_362 : i32
        %ne3A_364 = arith.xori %lt3A_361, %lt3A_363 : i1
        %and3A_365 = arith.andi %ne3A_364, %ne3A_359 : i1
        %add3A_366 = arith.addi %rem3A_357, %select_n3A_356 : i32
        %select_n3A_367 = arith.select %and3A_365, %add3A_366, %rem3A_357 : i32
        %mul3A_368 = arith.constant 16 : i32
        %mul3A_369 = arith.muli %select_n3A_367, %mul3A_368 : i32
        %add3A_370 = arith.addi %mul3A_220, %mul3A_351 : i32
        %add3A_371 = arith.addi %add3A_370, %mul3A_369 : i32
        %add3A_372 = arith.addi %mul3A_220, %mul3A_351 : i32
        %add3A_373 = arith.constant 128 : i32
        %add3A_374 = arith.addi %add3A_372, %add3A_373 : i32
        %add3A_375 = arith.addi %add3A_374, %mul3A_369 : i32
        %get3A = arith.index_cast %add3A_371 : i32 to index
        %get3A_376 = tpu.vector_load %arg8[%get3A] {strides = array<i32>} : memref<544xi32, #tpu.memory_space<vmem>>, vector<16xi32>,
        %get3A_377 = arith.index_cast %add3A_371 : i32 to index
        %get3A_378 = tpu.vector_load %arg9[%get3A_377] {strides = array<i32>} : memref<544xi32, #tpu.memory_space<vmem>>, vector<16xi32>,
        %get3A_379 = arith.index_cast %add3A_375 : i32 to index
        %get3A_380 = tpu.vector_load %arg8[%get3A_379] {strides = array<i32>} : memref<544xi32, #tpu.memory_space<vmem>>, vector<16xi32>,
        %get3A_381 = arith.index_cast %add3A_375 : i32 to index
        %get3A_382 = tpu.vector_load %arg9[%get3A_381] {strides = array<i32>} : memref<544xi32, #tpu.memory_space<vmem>>, vector<16xi32>,
        %le3A = arith.cmpi sle, %get3A_376, %get3A_380 : vector<16xi32>
        %select_n3A_383 = arith.select %le3A, %get3A_376, %get3A_380 : vector<16xi1>, vector<16xi32>
        %select_n3A_384 = arith.select %le3A, %get3A_378, %get3A_382 : vector<16xi1>, vector<16xi32>
        %select_n3A_385 = arith.select %le3A, %get3A_380, %get3A_376 : vector<16xi1>, vector<16xi32>
        %select_n3A_386 = arith.select %le3A, %get3A_382, %get3A_378 : vector<16xi1>, vector<16xi32>
        %swap3A = arith.index_cast %add3A_371 : i32 to index
        %swap3A_387 = tpu.vector_load %arg8[%swap3A] {strides = array<i32>} : memref<544xi32, #tpu.memory_space<vmem>>, vector<16xi32>,
        tpu.vector_store %arg8[%swap3A], %select_n3A_383 {strides = array<i32>} : memref<544xi32, #tpu.memory_space<vmem>>, vector<16xi32>,
        %swap3A_388 = arith.index_cast %add3A_371 : i32 to index
        %swap3A_389 = tpu.vector_load %arg9[%swap3A_388] {strides = array<i32>} : memref<544xi32, #tpu.memory_space<vmem>>, vector<16xi32>,
        tpu.vector_store %arg9[%swap3A_388], %select_n3A_384 {strides = array<i32>} : memref<544xi32, #tpu.memory_space<vmem>>, vector<16xi32>,
        %swap3A_390 = arith.index_cast %add3A_375 : i32 to index
        %swap3A_391 = tpu.vector_load %arg8[%swap3A_390] {strides = array<i32>} : memref<544xi32, #tpu.memory_space<vmem>>, vector<16xi32>,
        tpu.vector_store %arg8[%swap3A_390], %select_n3A_385 {strides = array<i32>} : memref<544xi32, #tpu.memory_space<vmem>>, vector<16xi32>,
        %swap3A_392 = arith.index_cast %add3A_375 : i32 to index
        %swap3A_393 = tpu.vector_load %arg9[%swap3A_392] {strides = array<i32>} : memref<544xi32, #tpu.memory_space<vmem>>, vector<16xi32>,
        tpu.vector_store %arg9[%swap3A_392], %select_n3A_386 {strides = array<i32>} : memref<544xi32, #tpu.memory_space<vmem>>, vector<16xi32>,
      }
      %scan3A_232 = arith.constant 16 : i32
      %scan3A_233 = arith.constant 0 : i32
      %scan3A_234 = arith.constant 0 : i32
      %scan3A_235 = arith.constant 16 : i32
      %scan3A_236 = arith.addi %scan3A_234, %scan3A_235 : i32
      %scan3A_237 = arith.constant 1 : i32
      scf.for %scan3A_325 = %scan3A_234 to %scan3A_236 step %scan3A_237  : i32 {
        %jit3A_326 = arith.constant 4 : i32
        %div3A_327 = arith.divsi %scan3A_325, %jit3A_326 : i32
        %sign3A_328 = arith.constant 0 : i32
        %sign3A_329 = arith.cmpi sgt, %scan3A_325, %sign3A_328 : i32
        %sign3A_330 = arith.extui %sign3A_329 : i1 to i32
        %sign3A_331 = arith.constant 0 : i32
        %sign3A_332 = arith.cmpi slt, %scan3A_325, %sign3A_331 : i32
        %sign3A_333 = arith.extui %sign3A_332 : i1 to i32
        %sign3A_334 = arith.subi %sign3A_330, %sign3A_333 : i32
        %sign3A_335 = arith.constant 0 : i32
        %sign3A_336 = arith.cmpi sgt, %jit3A_326, %sign3A_335 : i32
        %sign3A_337 = arith.extui %sign3A_336 : i1 to i32
        %sign3A_338 = arith.constant 0 : i32
        %sign3A_339 = arith.cmpi slt, %jit3A_326, %sign3A_338 : i32
        %sign3A_340 = arith.extui %sign3A_339 : i1 to i32
        %sign3A_341 = arith.subi %sign3A_337, %sign3A_340 : i32
        %ne3A_342 = arith.cmpi ne, %sign3A_334, %sign3A_341 : i32
        %rem3A_343 = arith.remsi %scan3A_325, %jit3A_326 : i32
        %ne3A_344 = arith.constant 0 : i32
        %ne3A_345 = arith.cmpi ne, %rem3A_343, %ne3A_344 : i32
        %and3A_346 = arith.andi %ne3A_342, %ne3A_345 : i1
        %sub3A_347 = arith.constant 1 : i32
        %sub3A_348 = arith.subi %div3A_327, %sub3A_347 : i32
        %select_n3A_349 = arith.select %and3A_346, %sub3A_348, %div3A_327 : i32
        %mul3A_350 = arith.constant 128 : i32
        %mul3A_351 = arith.muli %select_n3A_349, %mul3A_350 : i32
        %jit3A_352 = arith.constant 4 : i32
        %eq3A_353 = arith.constant 0 : i32
        %eq3A_354 = arith.cmpi eq, %jit3A_352, %eq3A_353 : i32
        %jit3A_355 = arith.constant 1 : i32
        %select_n3A_356 = arith.select %eq3A_354, %jit3A_355, %jit3A_352 : i32
        %rem3A_357 = arith.remsi %scan3A_325, %select_n3A_356 : i32
        %ne3A_358 = arith.constant 0 : i32
        %ne3A_359 = arith.cmpi ne, %rem3A_357, %ne3A_358 : i32
        %lt3A_360 = arith.constant 0 : i32
        %lt3A_361 = arith.cmpi slt, %rem3A_357, %lt3A_360 : i32
        %lt3A_362 = arith.constant 0 : i32
        %lt3A_363 = arith.cmpi slt, %select_n3A_356, %lt3A_362 : i32
        %ne3A_364 = arith.xori %lt3A_361, %lt3A_363 : i1
        %and3A_365 = arith.andi %ne3A_364, %ne3A_359 : i1
        %add3A_366 = arith.addi %rem3A_357, %select_n3A_356 : i32
        %select_n3A_367 = arith.select %and3A_365, %add3A_366, %rem3A_357 : i32
        %mul3A_368 = arith.constant 16 : i32
        %mul3A_369 = arith.muli %select_n3A_367, %mul3A_368 : i32
        %add3A_370 = arith.addi %mul3A_220, %mul3A_351 : i32
        %add3A_371 = arith.addi %add3A_370, %mul3A_369 : i32
        %add3A_372 = arith.addi %mul3A_220, %mul3A_351 : i32
        %add3A_373 = arith.constant 64 : i32
        %add3A_374 = arith.addi %add3A_372, %add3A_373 : i32
        %add3A_375 = arith.addi %add3A_374, %mul3A_369 : i32
        %get3A = arith.index_cast %add3A_371 : i32 to index
        %get3A_376 = tpu.vector_load %arg8[%get3A] {strides = array<i32>} : memref<544xi32, #tpu.memory_space<vmem>>, vector<16xi32>,
        %get3A_377 = arith.index_cast %add3A_371 : i32 to index
        %get3A_378 = tpu.vector_load %arg9[%get3A_377] {strides = array<i32>} : memref<544xi32, #tpu.memory_space<vmem>>, vector<16xi32>,
        %get3A_379 = arith.index_cast %add3A_375 : i32 to index
        %get3A_380 = tpu.vector_load %arg8[%get3A_379] {strides = array<i32>} : memref<544xi32, #tpu.memory_space<vmem>>, vector<16xi32>,
        %get3A_381 = arith.index_cast %add3A_375 : i32 to index
        %get3A_382 = tpu.vector_load %arg9[%get3A_381] {strides = array<i32>} : memref<544xi32, #tpu.memory_space<vmem>>, vector<16xi32>,
        %le3A = arith.cmpi sle, %get3A_376, %get3A_380 : vector<16xi32>
        %select_n3A_383 = arith.select %le3A, %get3A_376, %get3A_380 : vector<16xi1>, vector<16xi32>
        %select_n3A_384 = arith.select %le3A, %get3A_378, %get3A_382 : vector<16xi1>, vector<16xi32>
        %select_n3A_385 = arith.select %le3A, %get3A_380, %get3A_376 : vector<16xi1>, vector<16xi32>
        %select_n3A_386 = arith.select %le3A, %get3A_382, %get3A_378 : vector<16xi1>, vector<16xi32>
        %swap3A = arith.index_cast %add3A_371 : i32 to index
        %swap3A_387 = tpu.vector_load %arg8[%swap3A] {strides = array<i32>} : memref<544xi32, #tpu.memory_space<vmem>>, vector<16xi32>,
        tpu.vector_store %arg8[%swap3A], %select_n3A_383 {strides = array<i32>} : memref<544xi32, #tpu.memory_space<vmem>>, vector<16xi32>,
        %swap3A_388 = arith.index_cast %add3A_371 : i32 to index
        %swap3A_389 = tpu.vector_load %arg9[%swap3A_388] {strides = array<i32>} : memref<544xi32, #tpu.memory_space<vmem>>, vector<16xi32>,
        tpu.vector_store %arg9[%swap3A_388], %select_n3A_384 {strides = array<i32>} : memref<544xi32, #tpu.memory_space<vmem>>, vector<16xi32>,
        %swap3A_390 = arith.index_cast %add3A_375 : i32 to index
        %swap3A_391 = tpu.vector_load %arg8[%swap3A_390] {strides = array<i32>} : memref<544xi32, #tpu.memory_space<vmem>>, vector<16xi32>,
        tpu.vector_store %arg8[%swap3A_390], %select_n3A_385 {strides = array<i32>} : memref<544xi32, #tpu.memory_space<vmem>>, vector<16xi32>,
        %swap3A_392 = arith.index_cast %add3A_375 : i32 to index
        %swap3A_393 = tpu.vector_load %arg9[%swap3A_392] {strides = array<i32>} : memref<544xi32, #tpu.memory_space<vmem>>, vector<16xi32>,
        tpu.vector_store %arg9[%swap3A_392], %select_n3A_386 {strides = array<i32>} : memref<544xi32, #tpu.memory_space<vmem>>, vector<16xi32>,
      }
      %scan3A_238 = arith.constant 16 : i32
      %scan3A_239 = arith.constant 0 : i32
      %scan3A_240 = arith.constant 0 : i32
      %scan3A_241 = arith.constant 16 : i32
      %scan3A_242 = arith.addi %scan3A_240, %scan3A_241 : i32
      %scan3A_243 = arith.constant 1 : i32
      scf.for %scan3A_325 = %scan3A_240 to %scan3A_242 step %scan3A_243  : i32 {
        %jit3A_326 = arith.constant 2 : i32
        %div3A_327 = arith.divsi %scan3A_325, %jit3A_326 : i32
        %sign3A_328 = arith.constant 0 : i32
        %sign3A_329 = arith.cmpi sgt, %scan3A_325, %sign3A_328 : i32
        %sign3A_330 = arith.extui %sign3A_329 : i1 to i32
        %sign3A_331 = arith.constant 0 : i32
        %sign3A_332 = arith.cmpi slt, %scan3A_325, %sign3A_331 : i32
        %sign3A_333 = arith.extui %sign3A_332 : i1 to i32
        %sign3A_334 = arith.subi %sign3A_330, %sign3A_333 : i32
        %sign3A_335 = arith.constant 0 : i32
        %sign3A_336 = arith.cmpi sgt, %jit3A_326, %sign3A_335 : i32
        %sign3A_337 = arith.extui %sign3A_336 : i1 to i32
        %sign3A_338 = arith.constant 0 : i32
        %sign3A_339 = arith.cmpi slt, %jit3A_326, %sign3A_338 : i32
        %sign3A_340 = arith.extui %sign3A_339 : i1 to i32
        %sign3A_341 = arith.subi %sign3A_337, %sign3A_340 : i32
        %ne3A_342 = arith.cmpi ne, %sign3A_334, %sign3A_341 : i32
        %rem3A_343 = arith.remsi %scan3A_325, %jit3A_326 : i32
        %ne3A_344 = arith.constant 0 : i32
        %ne3A_345 = arith.cmpi ne, %rem3A_343, %ne3A_344 : i32
        %and3A_346 = arith.andi %ne3A_342, %ne3A_345 : i1
        %sub3A_347 = arith.constant 1 : i32
        %sub3A_348 = arith.subi %div3A_327, %sub3A_347 : i32
        %select_n3A_349 = arith.select %and3A_346, %sub3A_348, %div3A_327 : i32
        %mul3A_350 = arith.constant 64 : i32
        %mul3A_351 = arith.muli %select_n3A_349, %mul3A_350 : i32
        %jit3A_352 = arith.constant 2 : i32
        %eq3A_353 = arith.constant 0 : i32
        %eq3A_354 = arith.cmpi eq, %jit3A_352, %eq3A_353 : i32
        %jit3A_355 = arith.constant 1 : i32
        %select_n3A_356 = arith.select %eq3A_354, %jit3A_355, %jit3A_352 : i32
        %rem3A_357 = arith.remsi %scan3A_325, %select_n3A_356 : i32
        %ne3A_358 = arith.constant 0 : i32
        %ne3A_359 = arith.cmpi ne, %rem3A_357, %ne3A_358 : i32
        %lt3A_360 = arith.constant 0 : i32
        %lt3A_361 = arith.cmpi slt, %rem3A_357, %lt3A_360 : i32
        %lt3A_362 = arith.constant 0 : i32
        %lt3A_363 = arith.cmpi slt, %select_n3A_356, %lt3A_362 : i32
        %ne3A_364 = arith.xori %lt3A_361, %lt3A_363 : i1
        %and3A_365 = arith.andi %ne3A_364, %ne3A_359 : i1
        %add3A_366 = arith.addi %rem3A_357, %select_n3A_356 : i32
        %select_n3A_367 = arith.select %and3A_365, %add3A_366, %rem3A_357 : i32
        %mul3A_368 = arith.constant 16 : i32
        %mul3A_369 = arith.muli %select_n3A_367, %mul3A_368 : i32
        %add3A_370 = arith.addi %mul3A_220, %mul3A_351 : i32
        %add3A_371 = arith.addi %add3A_370, %mul3A_369 : i32
        %add3A_372 = arith.addi %mul3A_220, %mul3A_351 : i32
        %add3A_373 = arith.constant 32 : i32
        %add3A_374 = arith.addi %add3A_372, %add3A_373 : i32
        %add3A_375 = arith.addi %add3A_374, %mul3A_369 : i32
        %get3A = arith.index_cast %add3A_371 : i32 to index
        %get3A_376 = tpu.vector_load %arg8[%get3A] {strides = array<i32>} : memref<544xi32, #tpu.memory_space<vmem>>, vector<16xi32>,
        %get3A_377 = arith.index_cast %add3A_371 : i32 to index
        %get3A_378 = tpu.vector_load %arg9[%get3A_377] {strides = array<i32>} : memref<544xi32, #tpu.memory_space<vmem>>, vector<16xi32>,
        %get3A_379 = arith.index_cast %add3A_375 : i32 to index
        %get3A_380 = tpu.vector_load %arg8[%get3A_379] {strides = array<i32>} : memref<544xi32, #tpu.memory_space<vmem>>, vector<16xi32>,
        %get3A_381 = arith.index_cast %add3A_375 : i32 to index
        %get3A_382 = tpu.vector_load %arg9[%get3A_381] {strides = array<i32>} : memref<544xi32, #tpu.memory_space<vmem>>, vector<16xi32>,
        %le3A = arith.cmpi sle, %get3A_376, %get3A_380 : vector<16xi32>
        %select_n3A_383 = arith.select %le3A, %get3A_376, %get3A_380 : vector<16xi1>, vector<16xi32>
        %select_n3A_384 = arith.select %le3A, %get3A_378, %get3A_382 : vector<16xi1>, vector<16xi32>
        %select_n3A_385 = arith.select %le3A, %get3A_380, %get3A_376 : vector<16xi1>, vector<16xi32>
        %select_n3A_386 = arith.select %le3A, %get3A_382, %get3A_378 : vector<16xi1>, vector<16xi32>
        %swap3A = arith.index_cast %add3A_371 : i32 to index
        %swap3A_387 = tpu.vector_load %arg8[%swap3A] {strides = array<i32>} : memref<544xi32, #tpu.memory_space<vmem>>, vector<16xi32>,
        tpu.vector_store %arg8[%swap3A], %select_n3A_383 {strides = array<i32>} : memref<544xi32, #tpu.memory_space<vmem>>, vector<16xi32>,
        %swap3A_388 = arith.index_cast %add3A_371 : i32 to index
        %swap3A_389 = tpu.vector_load %arg9[%swap3A_388] {strides = array<i32>} : memref<544xi32, #tpu.memory_space<vmem>>, vector<16xi32>,
        tpu.vector_store %arg9[%swap3A_388], %select_n3A_384 {strides = array<i32>} : memref<544xi32, #tpu.memory_space<vmem>>, vector<16xi32>,
        %swap3A_390 = arith.index_cast %add3A_375 : i32 to index
        %swap3A_391 = tpu.vector_load %arg8[%swap3A_390] {strides = array<i32>} : memref<544xi32, #tpu.memory_space<vmem>>, vector<16xi32>,
        tpu.vector_store %arg8[%swap3A_390], %select_n3A_385 {strides = array<i32>} : memref<544xi32, #tpu.memory_space<vmem>>, vector<16xi32>,
        %swap3A_392 = arith.index_cast %add3A_375 : i32 to index
        %swap3A_393 = tpu.vector_load %arg9[%swap3A_392] {strides = array<i32>} : memref<544xi32, #tpu.memory_space<vmem>>, vector<16xi32>,
        tpu.vector_store %arg9[%swap3A_392], %select_n3A_386 {strides = array<i32>} : memref<544xi32, #tpu.memory_space<vmem>>, vector<16xi32>,
      }
      %scan3A_244 = arith.constant 16 : i32
      %scan3A_245 = arith.constant 0 : i32
      %scan3A_246 = arith.constant 0 : i32
      %scan3A_247 = arith.constant 16 : i32
      %scan3A_248 = arith.addi %scan3A_246, %scan3A_247 : i32
      %scan3A_249 = arith.constant 1 : i32
      scf.for %scan3A_325 = %scan3A_246 to %scan3A_248 step %scan3A_249  : i32 {
        %jit3A_326 = arith.constant 1 : i32
        %div3A_327 = arith.divsi %scan3A_325, %jit3A_326 : i32
        %sign3A_328 = arith.constant 0 : i32
        %sign3A_329 = arith.cmpi sgt, %scan3A_325, %sign3A_328 : i32
        %sign3A_330 = arith.extui %sign3A_329 : i1 to i32
        %sign3A_331 = arith.constant 0 : i32
        %sign3A_332 = arith.cmpi slt, %scan3A_325, %sign3A_331 : i32
        %sign3A_333 = arith.extui %sign3A_332 : i1 to i32
        %sign3A_334 = arith.subi %sign3A_330, %sign3A_333 : i32
        %sign3A_335 = arith.constant 0 : i32
        %sign3A_336 = arith.cmpi sgt, %jit3A_326, %sign3A_335 : i32
        %sign3A_337 = arith.extui %sign3A_336 : i1 to i32
        %sign3A_338 = arith.constant 0 : i32
        %sign3A_339 = arith.cmpi slt, %jit3A_326, %sign3A_338 : i32
        %sign3A_340 = arith.extui %sign3A_339 : i1 to i32
        %sign3A_341 = arith.subi %sign3A_337, %sign3A_340 : i32
        %ne3A_342 = arith.cmpi ne, %sign3A_334, %sign3A_341 : i32
        %rem3A_343 = arith.remsi %scan3A_325, %jit3A_326 : i32
        %ne3A_344 = arith.constant 0 : i32
        %ne3A_345 = arith.cmpi ne, %rem3A_343, %ne3A_344 : i32
        %and3A_346 = arith.andi %ne3A_342, %ne3A_345 : i1
        %sub3A_347 = arith.constant 1 : i32
        %sub3A_348 = arith.subi %div3A_327, %sub3A_347 : i32
        %select_n3A_349 = arith.select %and3A_346, %sub3A_348, %div3A_327 : i32
        %mul3A_350 = arith.constant 32 : i32
        %mul3A_351 = arith.muli %select_n3A_349, %mul3A_350 : i32
        %jit3A_352 = arith.constant 1 : i32
        %eq3A_353 = arith.constant 0 : i32
        %eq3A_354 = arith.cmpi eq, %jit3A_352, %eq3A_353 : i32
        %jit3A_355 = arith.constant 1 : i32
        %select_n3A_356 = arith.select %eq3A_354, %jit3A_355, %jit3A_352 : i32
        %rem3A_357 = arith.remsi %scan3A_325, %select_n3A_356 : i32
        %ne3A_358 = arith.constant 0 : i32
        %ne3A_359 = arith.cmpi ne, %rem3A_357, %ne3A_358 : i32
        %lt3A_360 = arith.constant 0 : i32
        %lt3A_361 = arith.cmpi slt, %rem3A_357, %lt3A_360 : i32
        %lt3A_362 = arith.constant 0 : i32
        %lt3A_363 = arith.cmpi slt, %select_n3A_356, %lt3A_362 : i32
        %ne3A_364 = arith.xori %lt3A_361, %lt3A_363 : i1
        %and3A_365 = arith.andi %ne3A_364, %ne3A_359 : i1
        %add3A_366 = arith.addi %rem3A_357, %select_n3A_356 : i32
        %select_n3A_367 = arith.select %and3A_365, %add3A_366, %rem3A_357 : i32
        %mul3A_368 = arith.constant 16 : i32
        %mul3A_369 = arith.muli %select_n3A_367, %mul3A_368 : i32
        %add3A_370 = arith.addi %mul3A_220, %mul3A_351 : i32
        %add3A_371 = arith.addi %add3A_370, %mul3A_369 : i32
        %add3A_372 = arith.addi %mul3A_220, %mul3A_351 : i32
        %add3A_373 = arith.constant 16 : i32
        %add3A_374 = arith.addi %add3A_372, %add3A_373 : i32
        %add3A_375 = arith.addi %add3A_374, %mul3A_369 : i32
        %get3A = arith.index_cast %add3A_371 : i32 to index
        %get3A_376 = tpu.vector_load %arg8[%get3A] {strides = array<i32>} : memref<544xi32, #tpu.memory_space<vmem>>, vector<16xi32>,
        %get3A_377 = arith.index_cast %add3A_371 : i32 to index
        %get3A_378 = tpu.vector_load %arg9[%get3A_377] {strides = array<i32>} : memref<544xi32, #tpu.memory_space<vmem>>, vector<16xi32>,
        %get3A_379 = arith.index_cast %add3A_375 : i32 to index
        %get3A_380 = tpu.vector_load %arg8[%get3A_379] {strides = array<i32>} : memref<544xi32, #tpu.memory_space<vmem>>, vector<16xi32>,
        %get3A_381 = arith.index_cast %add3A_375 : i32 to index
        %get3A_382 = tpu.vector_load %arg9[%get3A_381] {strides = array<i32>} : memref<544xi32, #tpu.memory_space<vmem>>, vector<16xi32>,
        %le3A = arith.cmpi sle, %get3A_376, %get3A_380 : vector<16xi32>
        %select_n3A_383 = arith.select %le3A, %get3A_376, %get3A_380 : vector<16xi1>, vector<16xi32>
        %select_n3A_384 = arith.select %le3A, %get3A_378, %get3A_382 : vector<16xi1>, vector<16xi32>
        %select_n3A_385 = arith.select %le3A, %get3A_380, %get3A_376 : vector<16xi1>, vector<16xi32>
        %select_n3A_386 = arith.select %le3A, %get3A_382, %get3A_378 : vector<16xi1>, vector<16xi32>
        %swap3A = arith.index_cast %add3A_371 : i32 to index
        %swap3A_387 = tpu.vector_load %arg8[%swap3A] {strides = array<i32>} : memref<544xi32, #tpu.memory_space<vmem>>, vector<16xi32>,
        tpu.vector_store %arg8[%swap3A], %select_n3A_383 {strides = array<i32>} : memref<544xi32, #tpu.memory_space<vmem>>, vector<16xi32>,
        %swap3A_388 = arith.index_cast %add3A_371 : i32 to index
        %swap3A_389 = tpu.vector_load %arg9[%swap3A_388] {strides = array<i32>} : memref<544xi32, #tpu.memory_space<vmem>>, vector<16xi32>,
        tpu.vector_store %arg9[%swap3A_388], %select_n3A_384 {strides = array<i32>} : memref<544xi32, #tpu.memory_space<vmem>>, vector<16xi32>,
        %swap3A_390 = arith.index_cast %add3A_375 : i32 to index
        %swap3A_391 = tpu.vector_load %arg8[%swap3A_390] {strides = array<i32>} : memref<544xi32, #tpu.memory_space<vmem>>, vector<16xi32>,
        tpu.vector_store %arg8[%swap3A_390], %select_n3A_385 {strides = array<i32>} : memref<544xi32, #tpu.memory_space<vmem>>, vector<16xi32>,
        %swap3A_392 = arith.index_cast %add3A_375 : i32 to index
        %swap3A_393 = tpu.vector_load %arg9[%swap3A_392] {strides = array<i32>} : memref<544xi32, #tpu.memory_space<vmem>>, vector<16xi32>,
        tpu.vector_store %arg9[%swap3A_392], %select_n3A_386 {strides = array<i32>} : memref<544xi32, #tpu.memory_space<vmem>>, vector<16xi32>,
      }
      %scan3A_250 = arith.constant 16 : i32
      %jit3A_251 = arith.constant 16 : i32
      %div3A_252 = arith.divsi %mul3A_220, %jit3A_251 : i32
      %sign3A_253 = arith.constant 0 : i32
      %sign3A_254 = arith.cmpi sgt, %mul3A_220, %sign3A_253 : i32
      %sign3A_255 = arith.extui %sign3A_254 : i1 to i32
      %sign3A_256 = arith.constant 0 : i32
      %sign3A_257 = arith.cmpi slt, %mul3A_220, %sign3A_256 : i32
      %sign3A_258 = arith.extui %sign3A_257 : i1 to i32
      %sign3A_259 = arith.subi %sign3A_255, %sign3A_258 : i32
      %sign3A_260 = arith.constant 0 : i32
      %sign3A_261 = arith.cmpi sgt, %jit3A_251, %sign3A_260 : i32
      %sign3A_262 = arith.extui %sign3A_261 : i1 to i32
      %sign3A_263 = arith.constant 0 : i32
      %sign3A_264 = arith.cmpi slt, %jit3A_251, %sign3A_263 : i32
      %sign3A_265 = arith.extui %sign3A_264 : i1 to i32
      %sign3A_266 = arith.subi %sign3A_262, %sign3A_265 : i32
      %ne3A_267 = arith.cmpi ne, %sign3A_259, %sign3A_266 : i32
      %rem3A_268 = arith.remsi %mul3A_220, %jit3A_251 : i32
      %ne3A_269 = arith.constant 0 : i32
      %ne3A_270 = arith.cmpi ne, %rem3A_268, %ne3A_269 : i32
      %and3A_271 = arith.andi %ne3A_267, %ne3A_270 : i1
      %sub3A_272 = arith.constant 1 : i32
      %sub3A_273 = arith.subi %div3A_252, %sub3A_272 : i32
      %select_n3A_274 = arith.select %and3A_271, %sub3A_273, %div3A_252 : i32
      %scan3A_275 = arith.constant 0 : i32
      %scan3A_276 = arith.constant 0 : i32
      %scan3A_277 = arith.constant 32 : i32
      %scan3A_278 = arith.addi %scan3A_276, %scan3A_277 : i32
      %scan3A_279 = arith.constant 1 : i32
      scf.for %scan3A_325 = %scan3A_276 to %scan3A_278 step %scan3A_279  : i32 {
        %add3A_326 = arith.addi %select_n3A_274, %scan3A_325 : i32
        %mul3A_327 = arith.constant 16 : i32
        %mul3A_328 = arith.muli %add3A_326, %mul3A_327 : i32
        %get3A = arith.index_cast %mul3A_328 : i32 to index
        %get3A_329 = tpu.vector_load %arg8[%get3A] {strides = array<i32>} : memref<544xi32, #tpu.memory_space<vmem>>, vector<16xi32>,
        %get3A_330 = arith.index_cast %mul3A_328 : i32 to index
        %get3A_331 = tpu.vector_load %arg9[%get3A_330] {strides = array<i32>} : memref<544xi32, #tpu.memory_space<vmem>>, vector<16xi32>,
        %masked_sort3A = arith.constant dense<true> : vector<16xi1>
        %masked_sort3A_332 = arith.constant -2147483648 : i32
        %masked_sort3A_333 = vector.broadcast %masked_sort3A_332 : i32 to vector<16xi32>
        %masked_sort3A_334 = arith.xori %get3A_329, %masked_sort3A_333 : vector<16xi32>
        %masked_sort3A_335, %masked_sort3A_336, %masked_sort3A_337 = tpu.sort %masked_sort3A_334, %get3A_331 masked %masked_sort3A : (vector<16xi32>, vector<16xi32>, vector<16xi1>) -> (vector<16xi1>, vector<16xi32>, vector<16xi32>)
        %masked_sort3A_338 = arith.xori %masked_sort3A_336, %masked_sort3A_333 : vector<16xi32>
        %swap3A = arith.index_cast %mul3A_328 : i32 to index
        %swap3A_339 = tpu.vector_load %arg8[%swap3A] {strides = array<i32>} : memref<544xi32, #tpu.memory_space<vmem>>, vector<16xi32>,
        tpu.vector_store %arg8[%swap3A], %masked_sort3A_338 {strides = array<i32>} : memref<544xi32, #tpu.memory_space<vmem>>, vector<16xi32>,
        %swap3A_340 = arith.index_cast %mul3A_328 : i32 to index
        %swap3A_341 = tpu.vector_load %arg9[%swap3A_340] {strides = array<i32>} : memref<544xi32, #tpu.memory_space<vmem>>, vector<16xi32>,
        tpu.vector_store %arg9[%swap3A_340], %masked_sort3A_337 {strides = array<i32>} : memref<544xi32, #tpu.memory_space<vmem>>, vector<16xi32>,
      }
      %scan3A_280 = arith.constant 32 : i32
      %scan3A_281 = arith.constant 1 : i32
      %while3A = arith.constant 1 : i32
      %while3A_282 = arith.constant 0 : i32
      %while3A_283:2 = scf.while (%while3A_325 = %while3A, %while3A_326 = %while3A_282) : (i32, i32) -> (i32, i32) {
        %gt3A = arith.constant 0 : i32
        %gt3A_327 = arith.cmpi sgt, %while3A_325, %gt3A : i32
        scf.condition(%gt3A_327) %while3A_325, %while3A_326 : i32, i32
      } do {
      ^bb0(%while3A_325: i32, %while3A_326: i32):
        %scan3A_327 = arith.constant 0 : i32
        %scan3A_328 = arith.constant 0 : i32
        %scan3A_329 = arith.constant 32 : i32
        %scan3A_330 = arith.addi %scan3A_328, %scan3A_329 : i32
        %scan3A_331 = arith.constant 1 : i32
        %scan3A_332 = scf.for %scan3A_342 = %scan3A_328 to %scan3A_330 step %scan3A_331 iter_args(%scan3A_343 = %scan3A_327) -> (i32)  : i32 {
          %mul3A_344 = arith.constant 16 : i32
          %mul3A_345 = arith.muli %scan3A_342, %mul3A_344 : i32
          %add3A_346 = arith.constant 0 : i32
          %add3A_347 = arith.addi %add3A_346, %mul3A_345 : i32
          %get3A = arith.index_cast %add3A_347 : i32 to index
          %get3A_348 = tpu.vector_load %arg8[%get3A] {strides = array<i32>} : memref<544xi32, #tpu.memory_space<vmem>>, vector<16xi32>,
          %get3A_349 = arith.index_cast %add3A_347 : i32 to index
          %get3A_350 = tpu.vector_load %arg9[%get3A_349] {strides = array<i32>} : memref<544xi32, #tpu.memory_space<vmem>>, vector<16xi32>,
          %xor3A = arith.constant 1 : i32
          %xor3A_351 = vector.broadcast %xor3A : i32 to vector<16xi32>
          %xor3A_352 = arith.xori %iota3A, %xor3A_351 : vector<16xi32>
          %add3A_353 = vector.broadcast %add3A_347 : i32 to vector<16xi32>
          %add3A_354 = arith.addi %add3A_353, %xor3A_352 : vector<16xi32>
          %gather3A = tpu.vector_load_idx %arg8[%add3A_354] : memref<544xi32, #tpu.memory_space<vmem>>[vector<16xi32>], vector<16xi32>,
          %gather3A_355 = tpu.vector_load_idx %arg9[%add3A_354] : memref<544xi32, #tpu.memory_space<vmem>>[vector<16xi32>], vector<16xi32>,
          %and3A_356 = arith.constant 1 : i32
          %and3A_357 = vector.broadcast %and3A_356 : i32 to vector<16xi32>
          %and3A_358 = arith.andi %iota3A, %and3A_357 : vector<16xi32>
          %eq3A_359 = arith.constant 0 : i32
          %eq3A_360 = vector.broadcast %eq3A_359 : i32 to vector<16xi32>
          %eq3A_361 = arith.cmpi eq, %and3A_358, %eq3A_360 : vector<16xi32>
          %eq3A_362 = arith.cmpi eq, %get3A_348, %gather3A : vector<16xi32>
          %gt3A = arith.cmpi sgt, %get3A_350, %gather3A_355 : vector<16xi32>
          %lt3A_363 = arith.cmpi slt, %get3A_350, %gather3A_355 : vector<16xi32>
          %select_n3A_364 = arith.select %eq3A_361, %gt3A, %lt3A_363 : vector<16xi1>, vector<16xi1>
          %and3A_365 = arith.andi %eq3A_362, %select_n3A_364 : vector<16xi1>
          %select_n3A_366 = arith.select %and3A_365, %gather3A_355, %get3A_350 : vector<16xi1>, vector<16xi32>
          %swap3A = arith.index_cast %add3A_347 : i32 to index
          %swap3A_367 = tpu.vector_load %arg9[%swap3A] {strides = array<i32>} : memref<544xi32, #tpu.memory_space<vmem>>, vector<16xi32>,
          tpu.vector_store %arg9[%swap3A], %select_n3A_366 {strides = array<i32>} : memref<544xi32, #tpu.memory_space<vmem>>, vector<16xi32>,
          %jit3A_368 = arith.constant 1 : i32
          %jit3A_369 = arith.constant 0 : i32
          %broadcast_in_dim3A_370 = vector.broadcast %jit3A_368 : i32 to vector<16xi32>
          %broadcast_in_dim3A_371 = vector.broadcast %jit3A_369 : i32 to vector<16xi32>
          %select_n3A_372 = arith.select %and3A_365, %broadcast_in_dim3A_370, %broadcast_in_dim3A_371 : vector<16xi1>, vector<16xi32>
          %reduce_sum3A = arith.constant true
          %reduce_sum3A_373 = vector.broadcast %reduce_sum3A : i1 to vector<16xi1>
          %reduce_sum3A_374 = tpu.scan <sum>, %select_n3A_372 masked %reduce_sum3A_373 : vector<16xi32>, vector<16xi1> -> vector<16xi32>
          %reduce_sum3A_375 = vector.extract %reduce_sum3A_374[15] : i32 from vector<16xi32>
          %add3A_376 = arith.addi %scan3A_343, %reduce_sum3A_375 : i32
          scf.yield %add3A_376 : i32
        }
        %scan3A_333 = arith.constant 32 : i32
        %scan3A_334 = arith.constant 0 : i32
        %scan3A_335 = arith.constant 32 : i32
        %scan3A_336 = arith.addi %scan3A_334, %scan3A_335 : i32
        %scan3A_337 = arith.constant 1 : i32
        %scan3A_338 = scf.for %scan3A_342 = %scan3A_334 to %scan3A_336 step %scan3A_337 iter_args(%scan3A_343 = %scan3A_332) -> (i32)  : i32 {
          %mul3A_344 = arith.constant 16 : i32
          %mul3A_345 = arith.muli %scan3A_342, %mul3A_344 : i32
          %add3A_346 = arith.constant 1 : i32
          %add3A_347 = arith.addi %add3A_346, %mul3A_345 : i32
          %get3A = arith.index_cast %add3A_347 : i32 to index
          %get3A_348 = tpu.vector_load %arg8[%get3A] {strides = array<i32>} : memref<544xi32, #tpu.memory_space<vmem>>, vector<16xi32>,
          %get3A_349 = arith.index_cast %add3A_347 : i32 to index
          %get3A_350 = tpu.vector_load %arg9[%get3A_349] {strides = array<i32>} : memref<544xi32, #tpu.memory_space<vmem>>, vector<16xi32>,
          %xor3A = arith.constant 1 : i32
          %xor3A_351 = vector.broadcast %xor3A : i32 to vector<16xi32>
          %xor3A_352 = arith.xori %iota3A, %xor3A_351 : vector<16xi32>
          %add3A_353 = vector.broadcast %add3A_347 : i32 to vector<16xi32>
          %add3A_354 = arith.addi %add3A_353, %xor3A_352 : vector<16xi32>
          %gather3A = tpu.vector_load_idx %arg8[%add3A_354] : memref<544xi32, #tpu.memory_space<vmem>>[vector<16xi32>], vector<16xi32>,
          %gather3A_355 = tpu.vector_load_idx %arg9[%add3A_354] : memref<544xi32, #tpu.memory_space<vmem>>[vector<16xi32>], vector<16xi32>,
          %and3A_356 = arith.constant 1 : i32
          %and3A_357 = vector.broadcast %and3A_356 : i32 to vector<16xi32>
          %and3A_358 = arith.andi %iota3A, %and3A_357 : vector<16xi32>
          %eq3A_359 = arith.constant 0 : i32
          %eq3A_360 = vector.broadcast %eq3A_359 : i32 to vector<16xi32>
          %eq3A_361 = arith.cmpi eq, %and3A_358, %eq3A_360 : vector<16xi32>
          %eq3A_362 = arith.cmpi eq, %get3A_348, %gather3A : vector<16xi32>
          %gt3A = arith.cmpi sgt, %get3A_350, %gather3A_355 : vector<16xi32>
          %lt3A_363 = arith.cmpi slt, %get3A_350, %gather3A_355 : vector<16xi32>
          %select_n3A_364 = arith.select %eq3A_361, %gt3A, %lt3A_363 : vector<16xi1>, vector<16xi1>
          %and3A_365 = arith.andi %eq3A_362, %select_n3A_364 : vector<16xi1>
          %select_n3A_366 = arith.select %and3A_365, %gather3A_355, %get3A_350 : vector<16xi1>, vector<16xi32>
          %swap3A = arith.index_cast %add3A_347 : i32 to index
          %swap3A_367 = tpu.vector_load %arg9[%swap3A] {strides = array<i32>} : memref<544xi32, #tpu.memory_space<vmem>>, vector<16xi32>,
          tpu.vector_store %arg9[%swap3A], %select_n3A_366 {strides = array<i32>} : memref<544xi32, #tpu.memory_space<vmem>>, vector<16xi32>,
          %jit3A_368 = arith.constant 1 : i32
          %jit3A_369 = arith.constant 0 : i32
          %broadcast_in_dim3A_370 = vector.broadcast %jit3A_368 : i32 to vector<16xi32>
          %broadcast_in_dim3A_371 = vector.broadcast %jit3A_369 : i32 to vector<16xi32>
          %select_n3A_372 = arith.select %and3A_365, %broadcast_in_dim3A_370, %broadcast_in_dim3A_371 : vector<16xi1>, vector<16xi32>
          %reduce_sum3A = arith.constant true
          %reduce_sum3A_373 = vector.broadcast %reduce_sum3A : i1 to vector<16xi1>
          %reduce_sum3A_374 = tpu.scan <sum>, %select_n3A_372 masked %reduce_sum3A_373 : vector<16xi32>, vector<16xi1> -> vector<16xi32>
          %reduce_sum3A_375 = vector.extract %reduce_sum3A_374[15] : i32 from vector<16xi32>
          %add3A_376 = arith.addi %scan3A_343, %reduce_sum3A_375 : i32
          scf.yield %add3A_376 : i32
        }
        %scan3A_339 = arith.constant 32 : i32
        %add3A_340 = arith.constant 1 : i32
        %add3A_341 = arith.addi %while3A_326, %add3A_340 : i32
        scf.yield %scan3A_338, %add3A_341 : i32, i32
      }
      %scan3A_284 = arith.constant 0 : i32
      %scan3A_285 = arith.constant 0 : i32
      %scan3A_286 = arith.constant 32 : i32
      %scan3A_287 = arith.addi %scan3A_285, %scan3A_286 : i32
      %scan3A_288 = arith.constant 1 : i32
      %scan3A_289 = scf.for %scan3A_325 = %scan3A_285 to %scan3A_287 step %scan3A_288 iter_args(%scan3A_326 = %scan3A_284) -> (i32)  : i32 {
        %mul3A_327 = arith.constant 16 : i32
        %mul3A_328 = arith.muli %scan3A_325, %mul3A_327 : i32
        %get3A = arith.index_cast %mul3A_328 : i32 to index
        %get3A_329 = tpu.vector_load %arg8[%get3A] {strides = array<i32>} : memref<544xi32, #tpu.memory_space<vmem>>, vector<16xi32>,
        %ne3A_330 = arith.constant 2147483647 : i32
        %ne3A_331 = vector.broadcast %ne3A_330 : i32 to vector<16xi32>
        %ne3A_332 = arith.cmpi ne, %get3A_329, %ne3A_331 : vector<16xi32>
        %jit3A_333 = arith.constant 1 : i32
        %jit3A_334 = arith.constant 0 : i32
        %broadcast_in_dim3A_335 = vector.broadcast %jit3A_333 : i32 to vector<16xi32>
        %broadcast_in_dim3A_336 = vector.broadcast %jit3A_334 : i32 to vector<16xi32>
        %select_n3A_337 = arith.select %ne3A_332, %broadcast_in_dim3A_335, %broadcast_in_dim3A_336 : vector<16xi1>, vector<16xi32>
        %reduce_sum3A = arith.constant true
        %reduce_sum3A_338 = vector.broadcast %reduce_sum3A : i1 to vector<16xi1>
        %reduce_sum3A_339 = tpu.scan <sum>, %select_n3A_337 masked %reduce_sum3A_338 : vector<16xi32>, vector<16xi1> -> vector<16xi32>
        %reduce_sum3A_340 = vector.extract %reduce_sum3A_339[15] : i32 from vector<16xi32>
        %add3A_341 = arith.addi %scan3A_326, %reduce_sum3A_340 : i32
        scf.yield %add3A_341 : i32
      }
      %scan3A_290 = arith.constant 32 : i32
      %scan3A_291 = arith.constant 0 : i32
      %scan3A_292 = arith.constant 0 : i32
      %scan3A_293 = arith.constant 32 : i32
      %scan3A_294 = arith.addi %scan3A_292, %scan3A_293 : i32
      %scan3A_295 = arith.constant 1 : i32
      scf.for %scan3A_325 = %scan3A_292 to %scan3A_294 step %scan3A_295  : i32 {
        %mul3A_326 = arith.constant 16 : i32
        %mul3A_327 = arith.muli %scan3A_325, %mul3A_326 : i32
        %get3A = arith.index_cast %mul3A_327 : i32 to index
        %get3A_328 = tpu.vector_load %arg9[%get3A] {strides = array<i32>} : memref<544xi32, #tpu.memory_space<vmem>>, vector<16xi32>,
        %min3A = arith.constant 19999 : i32
        %min3A_329 = vector.broadcast %min3A : i32 to vector<16xi32>
        %min3A_330 = arith.minsi %get3A_328, %min3A_329 : vector<16xi32>
        %mul3A_331 = arith.constant 16 : i32
        %mul3A_332 = arith.muli %scan3A_325, %mul3A_331 : i32
        %swap3A = arith.index_cast %mul3A_332 : i32 to index
        %swap3A_333 = tpu.vector_load %arg11[%swap3A] {strides = array<i32>} : memref<512xi32, #tpu.memory_space<vmem>>, vector<16xi32>,
        tpu.vector_store %arg11[%swap3A], %min3A_330 {strides = array<i32>} : memref<512xi32, #tpu.memory_space<vmem>>, vector<16xi32>,
      }
      %scan3A_296 = arith.constant 32 : i32
      "tpu.region"() ({
        %run_scoped3A = tpu.sem_alloc : memref<!tpu.dma_semaphore, #tpu.memory_space<semaphore_mem>>
        %dma_start3A = arith.constant 0 : i32
        %dma_start3A_325 = tpu.memref_slice %arg4[%select_n3A, %dma_start3A] : memref<8x160000xf32, #tpu.memory_space<hbm>> -> memref<1x80000xf32, #tpu.memory_space<hbm>>
        %dma_start3A_326 = tpu.memref_squeeze %dma_start3A_325 : memref<1x80000xf32, #tpu.memory_space<hbm>> -> memref<80000xf32, #tpu.memory_space<hbm>>
        %dma_start3A_327 = arith.constant 0 : i32
        %dma_start3A_328 = tpu.memref_slice %arg4[%select_n3A, %dma_start3A_327] : memref<8x160000xf32, #tpu.memory_space<hbm>> -> memref<1x80000xf32, #tpu.memory_space<hbm>>
        %dma_start3A_329 = tpu.memref_squeeze %dma_start3A_328 : memref<1x80000xf32, #tpu.memory_space<hbm>> -> memref<80000xf32, #tpu.memory_space<hbm>>
        tpu.enqueue_dma source(%dma_start3A_329 : memref<80000xf32, #tpu.memory_space<hbm>>) target(%arg13 : memref<80000xf32, #tpu.memory_space<vmem>>) target_semaphore(%run_scoped3A : memref<!tpu.dma_semaphore, #tpu.memory_space<semaphore_mem>>)
        %dma_wait3A = arith.constant 0 : i32
        %dma_wait3A_330 = tpu.memref_slice %arg4[%select_n3A, %dma_wait3A] : memref<8x160000xf32, #tpu.memory_space<hbm>> -> memref<1x80000xf32, #tpu.memory_space<hbm>>
        %dma_wait3A_331 = tpu.memref_squeeze %dma_wait3A_330 : memref<1x80000xf32, #tpu.memory_space<hbm>> -> memref<80000xf32, #tpu.memory_space<hbm>>
        %dma_wait3A_332 = arith.constant 0 : i32
        %dma_wait3A_333 = tpu.memref_slice %arg4[%select_n3A, %dma_wait3A_332] : memref<8x160000xf32, #tpu.memory_space<hbm>> -> memref<1x80000xf32, #tpu.memory_space<hbm>>
        %dma_wait3A_334 = tpu.memref_squeeze %dma_wait3A_333 : memref<1x80000xf32, #tpu.memory_space<hbm>> -> memref<80000xf32, #tpu.memory_space<hbm>>
        tpu.wait_dma2 semaphore(%run_scoped3A : memref<!tpu.dma_semaphore, #tpu.memory_space<semaphore_mem>>) src(%dma_wait3A_334 : memref<80000xf32, #tpu.memory_space<hbm>>) dst(%arg13 : memref<80000xf32, #tpu.memory_space<vmem>>)
        tpu.yield
      }) : () -> ()
      %scan3A_297 = arith.constant 0 : i32
      %scan3A_298 = arith.constant 0 : i32
      %scan3A_299 = arith.constant 256 : i32
      %scan3A_300 = arith.addi %scan3A_298, %scan3A_299 : i32
      %scan3A_301 = arith.constant 1 : i32
      scf.for %scan3A_325 = %scan3A_298 to %scan3A_300 step %scan3A_301  : i32 {
        %mul3A_326 = arith.constant 16 : i32
        %mul3A_327 = arith.muli %scan3A_325, %mul3A_326 : i32
        %add3A_328 = vector.broadcast %mul3A_327 : i32 to vector<16xi32>
        %add3A_329 = arith.addi %add3A_328, %iota3A : vector<16xi32>
        %shift_right_logical3A = arith.constant 3 : i32
        %shift_right_logical3A_330 = vector.broadcast %shift_right_logical3A : i32 to vector<16xi32>
        %shift_right_logical3A_331 = arith.shrui %add3A_329, %shift_right_logical3A_330 : vector<16xi32>
        %and3A_332 = arith.constant 7 : i32
        %and3A_333 = vector.broadcast %and3A_332 : i32 to vector<16xi32>
        %and3A_334 = arith.andi %add3A_329, %and3A_333 : vector<16xi32>
        %gather3A = tpu.vector_load_idx %arg11[%shift_right_logical3A_331] : memref<512xi32, #tpu.memory_space<vmem>>[vector<16xi32>], vector<16xi32>,
        %sub3A_335 = arith.constant 0 : i32
        %sub3A_336 = vector.broadcast %sub3A_335 : i32 to vector<16xi32>
        %sub3A_337 = arith.subi %gather3A, %sub3A_336 : vector<16xi32>
        %ge3A = arith.constant 0 : i32
        %ge3A_338 = vector.broadcast %ge3A : i32 to vector<16xi32>
        %ge3A_339 = arith.cmpi sge, %sub3A_337, %ge3A_338 : vector<16xi32>
        %lt3A_340 = arith.constant 10000 : i32
        %lt3A_341 = vector.broadcast %lt3A_340 : i32 to vector<16xi32>
        %lt3A_342 = arith.cmpi slt, %sub3A_337, %lt3A_341 : vector<16xi32>
        %and3A_343 = arith.andi %ge3A_339, %lt3A_342 : vector<16xi1>
        %mul3A_344 = arith.constant 8 : i32
        %mul3A_345 = vector.broadcast %mul3A_344 : i32 to vector<16xi32>
        %mul3A_346 = arith.muli %sub3A_337, %mul3A_345 : vector<16xi32>
        %add3A_347 = arith.addi %mul3A_346, %and3A_334 : vector<16xi32>
        %jit3A_348 = arith.constant 0 : i32
        %broadcast_in_dim3A_349 = vector.broadcast %jit3A_348 : i32 to vector<16xi32>
        %select_n3A_350 = arith.select %and3A_343, %add3A_347, %broadcast_in_dim3A_349 : vector<16xi1>, vector<16xi32>
        %gather3A_351 = tpu.vector_load_idx %arg13[%select_n3A_350] masked %and3A_343 : memref<80000xf32, #tpu.memory_space<vmem>>[vector<16xi32>], vector<16xf32>, vector<16xi1>
        %mul3A_352 = arith.constant 16 : i32
        %mul3A_353 = arith.muli %scan3A_325, %mul3A_352 : i32
        %get3A = arith.index_cast %mul3A_353 : i32 to index
        %get3A_354 = tpu.vector_load %arg12[%get3A] {strides = array<i32>} : memref<4096xf32, #tpu.memory_space<vmem>>, vector<16xf32>,
        %select_n3A_355 = arith.select %and3A_343, %gather3A_351, %get3A_354 : vector<16xi1>, vector<16xf32>
        %mul3A_356 = arith.constant 16 : i32
        %mul3A_357 = arith.muli %scan3A_325, %mul3A_356 : i32
        %swap3A = arith.index_cast %mul3A_357 : i32 to index
        %swap3A_358 = tpu.vector_load %arg12[%swap3A] {strides = array<i32>} : memref<4096xf32, #tpu.memory_space<vmem>>, vector<16xf32>,
        tpu.vector_store %arg12[%swap3A], %select_n3A_355 {strides = array<i32>} : memref<4096xf32, #tpu.memory_space<vmem>>, vector<16xf32>,
      }
      %scan3A_302 = arith.constant 256 : i32
      "tpu.region"() ({
        %run_scoped3A = tpu.sem_alloc : memref<!tpu.dma_semaphore, #tpu.memory_space<semaphore_mem>>
        %dma_start3A = arith.constant 80000 : i32
        %dma_start3A_325 = tpu.memref_slice %arg4[%select_n3A, %dma_start3A] : memref<8x160000xf32, #tpu.memory_space<hbm>> -> memref<1x80000xf32, #tpu.memory_space<hbm>>
        %dma_start3A_326 = tpu.memref_squeeze %dma_start3A_325 : memref<1x80000xf32, #tpu.memory_space<hbm>> -> memref<80000xf32, #tpu.memory_space<hbm>>
        %dma_start3A_327 = arith.constant 80000 : i32
        %dma_start3A_328 = tpu.memref_slice %arg4[%select_n3A, %dma_start3A_327] : memref<8x160000xf32, #tpu.memory_space<hbm>> -> memref<1x80000xf32, #tpu.memory_space<hbm>>
        %dma_start3A_329 = tpu.memref_squeeze %dma_start3A_328 : memref<1x80000xf32, #tpu.memory_space<hbm>> -> memref<80000xf32, #tpu.memory_space<hbm>>
        tpu.enqueue_dma source(%dma_start3A_329 : memref<80000xf32, #tpu.memory_space<hbm>>) target(%arg13 : memref<80000xf32, #tpu.memory_space<vmem>>) target_semaphore(%run_scoped3A : memref<!tpu.dma_semaphore, #tpu.memory_space<semaphore_mem>>)
        %dma_wait3A = arith.constant 80000 : i32
        %dma_wait3A_330 = tpu.memref_slice %arg4[%select_n3A, %dma_wait3A] : memref<8x160000xf32, #tpu.memory_space<hbm>> -> memref<1x80000xf32, #tpu.memory_space<hbm>>
        %dma_wait3A_331 = tpu.memref_squeeze %dma_wait3A_330 : memref<1x80000xf32, #tpu.memory_space<hbm>> -> memref<80000xf32, #tpu.memory_space<hbm>>
        %dma_wait3A_332 = arith.constant 80000 : i32
        %dma_wait3A_333 = tpu.memref_slice %arg4[%select_n3A, %dma_wait3A_332] : memref<8x160000xf32, #tpu.memory_space<hbm>> -> memref<1x80000xf32, #tpu.memory_space<hbm>>
        %dma_wait3A_334 = tpu.memref_squeeze %dma_wait3A_333 : memref<1x80000xf32, #tpu.memory_space<hbm>> -> memref<80000xf32, #tpu.memory_space<hbm>>
        tpu.wait_dma2 semaphore(%run_scoped3A : memref<!tpu.dma_semaphore, #tpu.memory_space<semaphore_mem>>) src(%dma_wait3A_334 : memref<80000xf32, #tpu.memory_space<hbm>>) dst(%arg13 : memref<80000xf32, #tpu.memory_space<vmem>>)
        tpu.yield
      }) : () -> ()
      %scan3A_303 = arith.constant 0 : i32
      %scan3A_304 = arith.constant 0 : i32
      %scan3A_305 = arith.constant 256 : i32
      %scan3A_306 = arith.addi %scan3A_304, %scan3A_305 : i32
      %scan3A_307 = arith.constant 1 : i32
      scf.for %scan3A_325 = %scan3A_304 to %scan3A_306 step %scan3A_307  : i32 {
        %mul3A_326 = arith.constant 16 : i32
        %mul3A_327 = arith.muli %scan3A_325, %mul3A_326 : i32
        %add3A_328 = vector.broadcast %mul3A_327 : i32 to vector<16xi32>
        %add3A_329 = arith.addi %add3A_328, %iota3A : vector<16xi32>
        %shift_right_logical3A = arith.constant 3 : i32
        %shift_right_logical3A_330 = vector.broadcast %shift_right_logical3A : i32 to vector<16xi32>
        %shift_right_logical3A_331 = arith.shrui %add3A_329, %shift_right_logical3A_330 : vector<16xi32>
        %and3A_332 = arith.constant 7 : i32
        %and3A_333 = vector.broadcast %and3A_332 : i32 to vector<16xi32>
        %and3A_334 = arith.andi %add3A_329, %and3A_333 : vector<16xi32>
        %gather3A = tpu.vector_load_idx %arg11[%shift_right_logical3A_331] : memref<512xi32, #tpu.memory_space<vmem>>[vector<16xi32>], vector<16xi32>,
        %sub3A_335 = arith.constant 10000 : i32
        %sub3A_336 = vector.broadcast %sub3A_335 : i32 to vector<16xi32>
        %sub3A_337 = arith.subi %gather3A, %sub3A_336 : vector<16xi32>
        %ge3A = arith.constant 0 : i32
        %ge3A_338 = vector.broadcast %ge3A : i32 to vector<16xi32>
        %ge3A_339 = arith.cmpi sge, %sub3A_337, %ge3A_338 : vector<16xi32>
        %lt3A_340 = arith.constant 10000 : i32
        %lt3A_341 = vector.broadcast %lt3A_340 : i32 to vector<16xi32>
        %lt3A_342 = arith.cmpi slt, %sub3A_337, %lt3A_341 : vector<16xi32>
        %and3A_343 = arith.andi %ge3A_339, %lt3A_342 : vector<16xi1>
        %mul3A_344 = arith.constant 8 : i32
        %mul3A_345 = vector.broadcast %mul3A_344 : i32 to vector<16xi32>
        %mul3A_346 = arith.muli %sub3A_337, %mul3A_345 : vector<16xi32>
        %add3A_347 = arith.addi %mul3A_346, %and3A_334 : vector<16xi32>
        %jit3A_348 = arith.constant 0 : i32
        %broadcast_in_dim3A_349 = vector.broadcast %jit3A_348 : i32 to vector<16xi32>
        %select_n3A_350 = arith.select %and3A_343, %add3A_347, %broadcast_in_dim3A_349 : vector<16xi1>, vector<16xi32>
        %gather3A_351 = tpu.vector_load_idx %arg13[%select_n3A_350] masked %and3A_343 : memref<80000xf32, #tpu.memory_space<vmem>>[vector<16xi32>], vector<16xf32>, vector<16xi1>
        %mul3A_352 = arith.constant 16 : i32
        %mul3A_353 = arith.muli %scan3A_325, %mul3A_352 : i32
        %get3A = arith.index_cast %mul3A_353 : i32 to index
        %get3A_354 = tpu.vector_load %arg12[%get3A] {strides = array<i32>} : memref<4096xf32, #tpu.memory_space<vmem>>, vector<16xf32>,
        %select_n3A_355 = arith.select %and3A_343, %gather3A_351, %get3A_354 : vector<16xi1>, vector<16xf32>
        %mul3A_356 = arith.constant 16 : i32
        %mul3A_357 = arith.muli %scan3A_325, %mul3A_356 : i32
        %swap3A = arith.index_cast %mul3A_357 : i32 to index
        %swap3A_358 = tpu.vector_load %arg12[%swap3A] {strides = array<i32>} : memref<4096xf32, #tpu.memory_space<vmem>>, vector<16xf32>,
        tpu.vector_store %arg12[%swap3A], %select_n3A_355 {strides = array<i32>} : memref<4096xf32, #tpu.memory_space<vmem>>, vector<16xf32>,
      }
      %scan3A_308 = arith.constant 256 : i32
      %scan3A_309 = arith.constant 0 : i32
      %scan3A_310 = arith.constant 0 : i32
      %scan3A_311 = arith.constant 256 : i32
      %scan3A_312 = arith.addi %scan3A_310, %scan3A_311 : i32
      %scan3A_313 = arith.constant 1 : i32
      scf.for %scan3A_325 = %scan3A_310 to %scan3A_312 step %scan3A_313  : i32 {
        %mul3A_326 = arith.constant 16 : i32
        %mul3A_327 = arith.muli %scan3A_325, %mul3A_326 : i32
        %add3A_328 = vector.broadcast %mul3A_327 : i32 to vector<16xi32>
        %add3A_329 = arith.addi %add3A_328, %iota3A : vector<16xi32>
        %mul3A_330 = arith.constant 16 : i32
        %mul3A_331 = arith.muli %scan3A_325, %mul3A_330 : i32
        %get3A = arith.index_cast %mul3A_331 : i32 to index
        %get3A_332 = tpu.vector_load %arg12[%get3A] {strides = array<i32>} : memref<4096xf32, #tpu.memory_space<vmem>>, vector<16xf32>,
        %mul3A_333 = arith.constant 8 : i32
        %mul3A_334 = arith.muli %scan3A_289, %mul3A_333 : i32
        %lt3A_335 = vector.broadcast %mul3A_334 : i32 to vector<16xi32>
        %lt3A_336 = arith.cmpi slt, %add3A_329, %lt3A_335 : vector<16xi32>
        %jit3A_337 = arith.constant 0.000000e+00 : f32
        %broadcast_in_dim3A_338 = vector.broadcast %jit3A_337 : f32 to vector<16xf32>
        %select_n3A_339 = arith.select %lt3A_336, %get3A_332, %broadcast_in_dim3A_338 : vector<16xi1>, vector<16xf32>
        %mul3A_340 = arith.constant 16 : i32
        %mul3A_341 = arith.muli %scan3A_325, %mul3A_340 : i32
        %swap3A = arith.index_cast %mul3A_341 : i32 to index
        %swap3A_342 = tpu.vector_load %arg12[%swap3A] {strides = array<i32>} : memref<4096xf32, #tpu.memory_space<vmem>>, vector<16xf32>,
        tpu.vector_store %arg12[%swap3A], %select_n3A_339 {strides = array<i32>} : memref<4096xf32, #tpu.memory_space<vmem>>, vector<16xf32>,
      }
      %scan3A_314 = arith.constant 256 : i32
      %eq3A_315 = arith.constant 0 : i32
      %eq3A_316 = arith.cmpi eq, %select_n3A_34, %eq3A_315 : i32
      %convert_element_type3A_317 = arith.extui %eq3A_316 : i1 to i32
      %cond3A_318 = arith.constant 0 : i32
      %cond3A_319 = arith.cmpi ne, %convert_element_type3A_317, %cond3A_318 : i32
      scf.if %cond3A_319 {
        %run_scoped3A = arith.constant 0 : i32
        "tpu.region"() ({
          %run_scoped3A_325 = tpu.sem_alloc : memref<!tpu.dma_semaphore, #tpu.memory_space<semaphore_mem>>
          %dma_start3A = arith.constant 0 : i32
          %dma_start3A_326 = tpu.memref_slice %arg5[%select_n3A, %run_scoped3A, %dma_start3A] : memref<8x2x4096xf32, #tpu.memory_space<hbm>> -> memref<1x1x4096xf32, #tpu.memory_space<hbm>>
          %dma_start3A_327 = tpu.memref_squeeze %dma_start3A_326 : memref<1x1x4096xf32, #tpu.memory_space<hbm>> -> memref<4096xf32, #tpu.memory_space<hbm>>
          %dma_start3A_328 = arith.constant 0 : i32
          %dma_start3A_329 = tpu.memref_slice %arg5[%select_n3A, %run_scoped3A, %dma_start3A_328] : memref<8x2x4096xf32, #tpu.memory_space<hbm>> -> memref<1x1x4096xf32, #tpu.memory_space<hbm>>
          %dma_start3A_330 = tpu.memref_squeeze %dma_start3A_329 : memref<1x1x4096xf32, #tpu.memory_space<hbm>> -> memref<4096xf32, #tpu.memory_space<hbm>>
          tpu.enqueue_dma source(%arg12 : memref<4096xf32, #tpu.memory_space<vmem>>) target(%dma_start3A_330 : memref<4096xf32, #tpu.memory_space<hbm>>) target_semaphore(%run_scoped3A_325 : memref<!tpu.dma_semaphore, #tpu.memory_space<semaphore_mem>>)
          %dma_wait3A = arith.constant 0 : i32
          %dma_wait3A_331 = tpu.memref_slice %arg5[%select_n3A, %run_scoped3A, %dma_wait3A] : memref<8x2x4096xf32, #tpu.memory_space<hbm>> -> memref<1x1x4096xf32, #tpu.memory_space<hbm>>
          %dma_wait3A_332 = tpu.memref_squeeze %dma_wait3A_331 : memref<1x1x4096xf32, #tpu.memory_space<hbm>> -> memref<4096xf32, #tpu.memory_space<hbm>>
          %dma_wait3A_333 = arith.constant 0 : i32
          %dma_wait3A_334 = tpu.memref_slice %arg5[%select_n3A, %run_scoped3A, %dma_wait3A_333] : memref<8x2x4096xf32, #tpu.memory_space<hbm>> -> memref<1x1x4096xf32, #tpu.memory_space<hbm>>
          %dma_wait3A_335 = tpu.memref_squeeze %dma_wait3A_334 : memref<1x1x4096xf32, #tpu.memory_space<hbm>> -> memref<4096xf32, #tpu.memory_space<hbm>>
          tpu.wait_dma2 semaphore(%run_scoped3A_325 : memref<!tpu.dma_semaphore, #tpu.memory_space<semaphore_mem>>) src(%arg12 : memref<4096xf32, #tpu.memory_space<vmem>>) dst(%dma_wait3A_335 : memref<4096xf32, #tpu.memory_space<hbm>>)
          tpu.yield
        }) : () -> ()
      } else {
      }
      %eq3A_320 = arith.constant 1 : i32
      %eq3A_321 = arith.cmpi eq, %select_n3A_34, %eq3A_320 : i32
      %convert_element_type3A_322 = arith.extui %eq3A_321 : i1 to i32
      %cond3A_323 = arith.constant 0 : i32
      %cond3A_324 = arith.cmpi ne, %convert_element_type3A_322, %cond3A_323 : i32
      scf.if %cond3A_324 {
        %run_scoped3A = arith.constant 1 : i32
        "tpu.region"() ({
          %run_scoped3A_325 = tpu.sem_alloc : memref<!tpu.dma_semaphore, #tpu.memory_space<semaphore_mem>>
          %dma_start3A = arith.constant 0 : i32
          %dma_start3A_326 = tpu.memref_slice %arg12[%dma_start3A] : memref<4096xf32, #tpu.memory_space<vmem>> -> memref<2048xf32, #tpu.memory_space<vmem>>
          %dma_start3A_327 = arith.constant 0 : i32
          %dma_start3A_328 = tpu.memref_slice %arg5[%select_n3A, %run_scoped3A, %dma_start3A_327] : memref<8x2x4096xf32, #tpu.memory_space<hbm>> -> memref<1x1x4096xf32, #tpu.memory_space<hbm>>
          %dma_start3A_329 = tpu.memref_squeeze %dma_start3A_328 : memref<1x1x4096xf32, #tpu.memory_space<hbm>> -> memref<4096xf32, #tpu.memory_space<hbm>>
          %dma_start3A_330 = arith.constant 0 : i32
          %dma_start3A_331 = tpu.memref_slice %dma_start3A_329[%dma_start3A_330] : memref<4096xf32, #tpu.memory_space<hbm>> -> memref<2048xf32, #tpu.memory_space<hbm>>
          %dma_start3A_332 = arith.constant 0 : i32
          %dma_start3A_333 = tpu.memref_slice %arg5[%select_n3A, %run_scoped3A, %dma_start3A_332] : memref<8x2x4096xf32, #tpu.memory_space<hbm>> -> memref<1x1x4096xf32, #tpu.memory_space<hbm>>
          %dma_start3A_334 = tpu.memref_squeeze %dma_start3A_333 : memref<1x1x4096xf32, #tpu.memory_space<hbm>> -> memref<4096xf32, #tpu.memory_space<hbm>>
          %dma_start3A_335 = arith.constant 0 : i32
          %dma_start3A_336 = tpu.memref_slice %dma_start3A_334[%dma_start3A_335] : memref<4096xf32, #tpu.memory_space<hbm>> -> memref<2048xf32, #tpu.memory_space<hbm>>
          %dma_start3A_337 = arith.constant 0 : i32
          %dma_start3A_338 = tpu.memref_slice %arg12[%dma_start3A_337] : memref<4096xf32, #tpu.memory_space<vmem>> -> memref<2048xf32, #tpu.memory_space<vmem>>
          tpu.enqueue_dma source(%dma_start3A_338 : memref<2048xf32, #tpu.memory_space<vmem>>) target(%dma_start3A_336 : memref<2048xf32, #tpu.memory_space<hbm>>) target_semaphore(%run_scoped3A_325 : memref<!tpu.dma_semaphore, #tpu.memory_space<semaphore_mem>>)
          %dma_wait3A = arith.constant 0 : i32
          %dma_wait3A_339 = tpu.memref_slice %arg12[%dma_wait3A] : memref<4096xf32, #tpu.memory_space<vmem>> -> memref<2048xf32, #tpu.memory_space<vmem>>
          %dma_wait3A_340 = arith.constant 0 : i32
          %dma_wait3A_341 = tpu.memref_slice %arg5[%select_n3A, %run_scoped3A, %dma_wait3A_340] : memref<8x2x4096xf32, #tpu.memory_space<hbm>> -> memref<1x1x4096xf32, #tpu.memory_space<hbm>>
          %dma_wait3A_342 = tpu.memref_squeeze %dma_wait3A_341 : memref<1x1x4096xf32, #tpu.memory_space<hbm>> -> memref<4096xf32, #tpu.memory_space<hbm>>
          %dma_wait3A_343 = arith.constant 0 : i32
          %dma_wait3A_344 = tpu.memref_slice %dma_wait3A_342[%dma_wait3A_343] : memref<4096xf32, #tpu.memory_space<hbm>> -> memref<2048xf32, #tpu.memory_space<hbm>>
          %dma_wait3A_345 = arith.constant 0 : i32
          %dma_wait3A_346 = tpu.memref_slice %arg5[%select_n3A, %run_scoped3A, %dma_wait3A_345] : memref<8x2x4096xf32, #tpu.memory_space<hbm>> -> memref<1x1x4096xf32, #tpu.memory_space<hbm>>
          %dma_wait3A_347 = tpu.memref_squeeze %dma_wait3A_346 : memref<1x1x4096xf32, #tpu.memory_space<hbm>> -> memref<4096xf32, #tpu.memory_space<hbm>>
          %dma_wait3A_348 = arith.constant 0 : i32
          %dma_wait3A_349 = tpu.memref_slice %dma_wait3A_347[%dma_wait3A_348] : memref<4096xf32, #tpu.memory_space<hbm>> -> memref<2048xf32, #tpu.memory_space<hbm>>
          %dma_wait3A_350 = arith.constant 0 : i32
          %dma_wait3A_351 = tpu.memref_slice %arg12[%dma_wait3A_350] : memref<4096xf32, #tpu.memory_space<vmem>> -> memref<2048xf32, #tpu.memory_space<vmem>>
          tpu.wait_dma2 semaphore(%run_scoped3A_325 : memref<!tpu.dma_semaphore, #tpu.memory_space<semaphore_mem>>) src(%dma_wait3A_351 : memref<2048xf32, #tpu.memory_space<vmem>>) dst(%dma_wait3A_349 : memref<2048xf32, #tpu.memory_space<hbm>>)
          tpu.yield
        }) : () -> ()
      } else {
      }
    } else {
    }
    return
  }
}

module attributes {stable_mosaic.version = 14 : i64} {
  func.func @_decode_body(%arg0: i32, %arg1: i32, %arg2: memref<1x1x2000x1xf32, #tpu.memory_space<vmem>>, %arg3: memref<1x2000x76xf32, #tpu.memory_space<vmem>>, %arg4: memref<1x2000x3xf32, #tpu.memory_space<vmem>>, %arg5: memref<1x2000x8xf32, #tpu.memory_space<vmem>>, %arg6: memref<1x1x2000x1xi32, #tpu.memory_space<vmem>>, %arg7: memref<1x1x2000x1xi32, #tpu.memory_space<vmem>>) attributes {dimension_semantics = [#tpu.dimension_semantics<arbitrary>, #tpu.dimension_semantics<arbitrary>], iteration_bounds = array<i64: 8, 10>, scalar_prefetch = 0 : i64, scratch_operands = 0 : i64, tpu.core_type = #tpu.core_type<tc>, window_params = [{transform_indices = @transform_0, window_bounds = array<i64: 1, 1, 2000, 1>}, {transform_indices = @transform_1, window_bounds = array<i64: 1, 2000, 76>}, {transform_indices = @transform_2, window_bounds = array<i64: 1, 2000, 3>}, {transform_indices = @transform_3, window_bounds = array<i64: 1, 2000, 8>}, {transform_indices = @transform_4, window_bounds = array<i64: 1, 1, 2000, 1>}, {transform_indices = @transform_5, window_bounds = array<i64: 1, 1, 2000, 1>}]} {
    %get3A = arith.constant 0 : index
    %get3A_0 = arith.constant 0 : index
    %get3A_1 = arith.constant 0 : index
    %get3A_2 = vector.load %arg3[%get3A, %get3A_0, %get3A_1] : memref<1x2000x76xf32, #tpu.memory_space<vmem>>, vector<1x2000x76xf32>
    %get3A_3 = vector.shape_cast %get3A_2 : vector<1x2000x76xf32> to vector<2000x76xf32>
    %get3A_4 = arith.constant 0 : index
    %get3A_5 = arith.constant 0 : index
    %get3A_6 = arith.constant 0 : index
    %get3A_7 = vector.load %arg4[%get3A_4, %get3A_5, %get3A_6] : memref<1x2000x3xf32, #tpu.memory_space<vmem>>, vector<1x2000x3xf32>
    %get3A_8 = vector.shape_cast %get3A_7 : vector<1x2000x3xf32> to vector<2000x3xf32>
    %get3A_9 = arith.constant 0 : index
    %get3A_10 = arith.constant 0 : index
    %get3A_11 = arith.constant 0 : index
    %get3A_12 = arith.constant 0 : index
    %get3A_13 = vector.load %arg2[%get3A_9, %get3A_10, %get3A_11, %get3A_12] : memref<1x1x2000x1xf32, #tpu.memory_space<vmem>>, vector<1x1x2000x1xf32>
    %get3A_14 = vector.shape_cast %get3A_13 : vector<1x1x2000x1xf32> to vector<2000x1xf32>
    %iota3A = tpu.iota {dimensions = array<i32: 1>} : vector<2000x12xi32>
    %slice3A = vector.extract_strided_slice %get3A_3 {offsets = [0, 0], sizes = [2000, 12], strides = [1, 1]} : vector<2000x76xf32> to vector<2000x12xf32>
    %slice3A_15 = vector.extract_strided_slice %get3A_3 {offsets = [0, 24], sizes = [2000, 12], strides = [1, 1]} : vector<2000x76xf32> to vector<2000x12xf32>
    %reduce_max3A = arith.constant dense<0xFF800000> : vector<2000xf32>
    %reduce_max3A_16 = vector.multi_reduction <maximumf>, %slice3A, %reduce_max3A [1] : vector<2000x12xf32> to vector<2000xf32>
    %broadcast_in_dim3A = vector.shape_cast %reduce_max3A_16 : vector<2000xf32> to vector<2000x1xf32>
    %eq3A = vector.broadcast %broadcast_in_dim3A : vector<2000x1xf32> to vector<2000x12xf32>
    %eq3A_17 = arith.cmpf oeq, %slice3A, %eq3A : vector<2000x12xf32>
    %jit3A = arith.constant 9999 : i32
    %broadcast_in_dim3A_18 = vector.broadcast %jit3A : i32 to vector<2000x12xi32>
    %select_n3A = arith.select %eq3A_17, %iota3A, %broadcast_in_dim3A_18 : vector<2000x12xi1>, vector<2000x12xi32>
    %reduce_min3A = arith.constant dense<2147483647> : vector<2000xi32>
    %reduce_min3A_19 = vector.multi_reduction <minsi>, %select_n3A, %reduce_min3A [1] : vector<2000x12xi32> to vector<2000xi32>
    %broadcast_in_dim3A_20 = vector.shape_cast %reduce_min3A_19 : vector<2000xi32> to vector<2000x1xi32>
    %eq3A_21 = vector.broadcast %broadcast_in_dim3A_20 : vector<2000x1xi32> to vector<2000x12xi32>
    %eq3A_22 = arith.cmpi eq, %iota3A, %eq3A_21 : vector<2000x12xi32>
    %jit3A_23 = arith.constant 0.000000e+00 : f32
    %broadcast_in_dim3A_24 = vector.broadcast %jit3A_23 : f32 to vector<2000x12xf32>
    %select_n3A_25 = arith.select %eq3A_22, %slice3A_15, %broadcast_in_dim3A_24 : vector<2000x12xi1>, vector<2000x12xf32>
    %reduce_sum3A = arith.constant dense<0.000000e+00> : vector<2000xf32>
    %reduce_sum3A_26 = vector.multi_reduction <add>, %select_n3A_25, %reduce_sum3A [1] : vector<2000x12xf32> to vector<2000xf32>
    %broadcast_in_dim3A_27 = vector.shape_cast %reduce_sum3A_26 : vector<2000xf32> to vector<2000x1xf32>
    %slice3A_28 = vector.extract_strided_slice %get3A_3 {offsets = [0, 12], sizes = [2000, 12], strides = [1, 1]} : vector<2000x76xf32> to vector<2000x12xf32>
    %slice3A_29 = vector.extract_strided_slice %get3A_3 {offsets = [0, 36], sizes = [2000, 12], strides = [1, 1]} : vector<2000x76xf32> to vector<2000x12xf32>
    %reduce_max3A_30 = arith.constant dense<0xFF800000> : vector<2000xf32>
    %reduce_max3A_31 = vector.multi_reduction <maximumf>, %slice3A_28, %reduce_max3A_30 [1] : vector<2000x12xf32> to vector<2000xf32>
    %broadcast_in_dim3A_32 = vector.shape_cast %reduce_max3A_31 : vector<2000xf32> to vector<2000x1xf32>
    %eq3A_33 = vector.broadcast %broadcast_in_dim3A_32 : vector<2000x1xf32> to vector<2000x12xf32>
    %eq3A_34 = arith.cmpf oeq, %slice3A_28, %eq3A_33 : vector<2000x12xf32>
    %jit3A_35 = arith.constant 9999 : i32
    %broadcast_in_dim3A_36 = vector.broadcast %jit3A_35 : i32 to vector<2000x12xi32>
    %select_n3A_37 = arith.select %eq3A_34, %iota3A, %broadcast_in_dim3A_36 : vector<2000x12xi1>, vector<2000x12xi32>
    %reduce_min3A_38 = arith.constant dense<2147483647> : vector<2000xi32>
    %reduce_min3A_39 = vector.multi_reduction <minsi>, %select_n3A_37, %reduce_min3A_38 [1] : vector<2000x12xi32> to vector<2000xi32>
    %broadcast_in_dim3A_40 = vector.shape_cast %reduce_min3A_39 : vector<2000xi32> to vector<2000x1xi32>
    %eq3A_41 = vector.broadcast %broadcast_in_dim3A_40 : vector<2000x1xi32> to vector<2000x12xi32>
    %eq3A_42 = arith.cmpi eq, %iota3A, %eq3A_41 : vector<2000x12xi32>
    %jit3A_43 = arith.constant 0.000000e+00 : f32
    %broadcast_in_dim3A_44 = vector.broadcast %jit3A_43 : f32 to vector<2000x12xf32>
    %select_n3A_45 = arith.select %eq3A_42, %slice3A_29, %broadcast_in_dim3A_44 : vector<2000x12xi1>, vector<2000x12xf32>
    %reduce_sum3A_46 = arith.constant dense<0.000000e+00> : vector<2000xf32>
    %reduce_sum3A_47 = vector.multi_reduction <add>, %select_n3A_45, %reduce_sum3A_46 [1] : vector<2000x12xf32> to vector<2000xf32>
    %broadcast_in_dim3A_48 = vector.shape_cast %reduce_sum3A_47 : vector<2000xf32> to vector<2000x1xf32>
    %slice3A_49 = vector.extract_strided_slice %get3A_3 {offsets = [0, 49], sizes = [2000, 12], strides = [1, 1]} : vector<2000x76xf32> to vector<2000x12xf32>
    %slice3A_50 = vector.extract_strided_slice %get3A_3 {offsets = [0, 61], sizes = [2000, 12], strides = [1, 1]} : vector<2000x76xf32> to vector<2000x12xf32>
    %reduce_max3A_51 = arith.constant dense<0xFF800000> : vector<2000xf32>
    %reduce_max3A_52 = vector.multi_reduction <maximumf>, %slice3A_49, %reduce_max3A_51 [1] : vector<2000x12xf32> to vector<2000xf32>
    %broadcast_in_dim3A_53 = vector.shape_cast %reduce_max3A_52 : vector<2000xf32> to vector<2000x1xf32>
    %eq3A_54 = vector.broadcast %broadcast_in_dim3A_53 : vector<2000x1xf32> to vector<2000x12xf32>
    %eq3A_55 = arith.cmpf oeq, %slice3A_49, %eq3A_54 : vector<2000x12xf32>
    %jit3A_56 = arith.constant 9999 : i32
    %broadcast_in_dim3A_57 = vector.broadcast %jit3A_56 : i32 to vector<2000x12xi32>
    %select_n3A_58 = arith.select %eq3A_55, %iota3A, %broadcast_in_dim3A_57 : vector<2000x12xi1>, vector<2000x12xi32>
    %reduce_min3A_59 = arith.constant dense<2147483647> : vector<2000xi32>
    %reduce_min3A_60 = vector.multi_reduction <minsi>, %select_n3A_58, %reduce_min3A_59 [1] : vector<2000x12xi32> to vector<2000xi32>
    %broadcast_in_dim3A_61 = vector.shape_cast %reduce_min3A_60 : vector<2000xi32> to vector<2000x1xi32>
    %eq3A_62 = vector.broadcast %broadcast_in_dim3A_61 : vector<2000x1xi32> to vector<2000x12xi32>
    %eq3A_63 = arith.cmpi eq, %iota3A, %eq3A_62 : vector<2000x12xi32>
    %jit3A_64 = arith.constant 0.000000e+00 : f32
    %broadcast_in_dim3A_65 = vector.broadcast %jit3A_64 : f32 to vector<2000x12xf32>
    %select_n3A_66 = arith.select %eq3A_63, %slice3A_50, %broadcast_in_dim3A_65 : vector<2000x12xi1>, vector<2000x12xf32>
    %reduce_sum3A_67 = arith.constant dense<0.000000e+00> : vector<2000xf32>
    %reduce_sum3A_68 = vector.multi_reduction <add>, %select_n3A_66, %reduce_sum3A_67 [1] : vector<2000x12xf32> to vector<2000xf32>
    %broadcast_in_dim3A_69 = vector.shape_cast %reduce_sum3A_68 : vector<2000xf32> to vector<2000x1xf32>
    %convert_element_type3A = arith.sitofp %broadcast_in_dim3A_20 : vector<2000x1xi32> to vector<2000x1xf32>
    %mul3A = arith.constant 5.000000e-01 : f32
    %mul3A_70 = vector.broadcast %mul3A : f32 to vector<2000x1xf32>
    %mul3A_71 = arith.mulf %convert_element_type3A, %mul3A_70 : vector<2000x1xf32>
    %add3A = arith.constant -2.750000e+00 : f32
    %add3A_72 = vector.broadcast %add3A : f32 to vector<2000x1xf32>
    %add3A_73 = arith.addf %mul3A_71, %add3A_72 : vector<2000x1xf32>
    %mul3A_74 = arith.constant 5.000000e-01 : f32
    %mul3A_75 = vector.broadcast %mul3A_74 : f32 to vector<2000x1xf32>
    %mul3A_76 = arith.mulf %broadcast_in_dim3A_27, %mul3A_75 : vector<2000x1xf32>
    %add3A_77 = arith.addf %add3A_73, %mul3A_76 : vector<2000x1xf32>
    %slice3A_78 = vector.extract_strided_slice %get3A_8 {offsets = [0, 0], sizes = [2000, 1], strides = [1, 1]} : vector<2000x3xf32> to vector<2000x1xf32>
    %add3A_79 = arith.addf %add3A_77, %slice3A_78 : vector<2000x1xf32>
    %convert_element_type3A_80 = arith.sitofp %broadcast_in_dim3A_40 : vector<2000x1xi32> to vector<2000x1xf32>
    %mul3A_81 = arith.constant 5.000000e-01 : f32
    %mul3A_82 = vector.broadcast %mul3A_81 : f32 to vector<2000x1xf32>
    %mul3A_83 = arith.mulf %convert_element_type3A_80, %mul3A_82 : vector<2000x1xf32>
    %add3A_84 = arith.constant -2.750000e+00 : f32
    %add3A_85 = vector.broadcast %add3A_84 : f32 to vector<2000x1xf32>
    %add3A_86 = arith.addf %mul3A_83, %add3A_85 : vector<2000x1xf32>
    %mul3A_87 = arith.constant 5.000000e-01 : f32
    %mul3A_88 = vector.broadcast %mul3A_87 : f32 to vector<2000x1xf32>
    %mul3A_89 = arith.mulf %broadcast_in_dim3A_48, %mul3A_88 : vector<2000x1xf32>
    %add3A_90 = arith.addf %add3A_86, %mul3A_89 : vector<2000x1xf32>
    %slice3A_91 = vector.extract_strided_slice %get3A_8 {offsets = [0, 2], sizes = [2000, 1], strides = [1, 1]} : vector<2000x3xf32> to vector<2000x1xf32>
    %add3A_92 = arith.addf %add3A_90, %slice3A_91 : vector<2000x1xf32>
    %slice3A_93 = vector.extract_strided_slice %get3A_8 {offsets = [0, 1], sizes = [2000, 1], strides = [1, 1]} : vector<2000x3xf32> to vector<2000x1xf32>
    %slice3A_94 = vector.extract_strided_slice %get3A_3 {offsets = [0, 48], sizes = [2000, 1], strides = [1, 1]} : vector<2000x76xf32> to vector<2000x1xf32>
    %add3A_95 = arith.addf %slice3A_93, %slice3A_94 : vector<2000x1xf32>
    %convert_element_type3A_96 = arith.sitofp %broadcast_in_dim3A_61 : vector<2000x1xi32> to vector<2000x1xf32>
    %mul3A_97 = arith.constant 0.52359879 : f32
    %mul3A_98 = vector.broadcast %mul3A_97 : f32 to vector<2000x1xf32>
    %mul3A_99 = arith.mulf %convert_element_type3A_96, %mul3A_98 : vector<2000x1xf32>
    %mul3A_100 = arith.constant 0.261799395 : f32
    %mul3A_101 = vector.broadcast %mul3A_100 : f32 to vector<2000x1xf32>
    %mul3A_102 = arith.mulf %broadcast_in_dim3A_69, %mul3A_101 : vector<2000x1xf32>
    %add3A_103 = arith.addf %mul3A_99, %mul3A_102 : vector<2000x1xf32>
    %div3A = arith.constant 6.28318548 : f32
    %div3A_104 = vector.broadcast %div3A : f32 to vector<2000x1xf32>
    %div3A_105 = arith.divf %add3A_103, %div3A_104 : vector<2000x1xf32>
    %floor3A = math.floor %div3A_105 : vector<2000x1xf32>
    %mul3A_106 = arith.constant 6.28318548 : f32
    %mul3A_107 = vector.broadcast %mul3A_106 : f32 to vector<2000x1xf32>
    %mul3A_108 = arith.mulf %mul3A_107, %floor3A : vector<2000x1xf32>
    %sub3A = arith.subf %add3A_103, %mul3A_108 : vector<2000x1xf32>
    %gt3A = arith.constant 3.14159274 : f32
    %gt3A_109 = vector.broadcast %gt3A : f32 to vector<2000x1xf32>
    %gt3A_110 = arith.cmpf ogt, %sub3A, %gt3A_109 : vector<2000x1xf32>
    %sub3A_111 = arith.constant 6.28318548 : f32
    %sub3A_112 = vector.broadcast %sub3A_111 : f32 to vector<2000x1xf32>
    %sub3A_113 = arith.subf %sub3A, %sub3A_112 : vector<2000x1xf32>
    %select_n3A_114 = arith.select %gt3A_110, %sub3A_113, %sub3A : vector<2000x1xi1>, vector<2000x1xf32>
    %slice3A_115 = vector.extract_strided_slice %get3A_3 {offsets = [0, 73], sizes = [2000, 1], strides = [1, 1]} : vector<2000x76xf32> to vector<2000x1xf32>
    %mul3A_116 = arith.constant 1.5256319 : f32
    %mul3A_117 = vector.broadcast %mul3A_116 : f32 to vector<2000x1xf32>
    %mul3A_118 = arith.mulf %slice3A_115, %mul3A_117 : vector<2000x1xf32>
    %add3A_119 = arith.constant 1.5256319 : f32
    %add3A_120 = vector.broadcast %add3A_119 : f32 to vector<2000x1xf32>
    %add3A_121 = arith.addf %mul3A_118, %add3A_120 : vector<2000x1xf32>
    %slice3A_122 = vector.extract_strided_slice %get3A_3 {offsets = [0, 74], sizes = [2000, 1], strides = [1, 1]} : vector<2000x76xf32> to vector<2000x1xf32>
    %mul3A_123 = arith.constant 1.62856734 : f32
    %mul3A_124 = vector.broadcast %mul3A_123 : f32 to vector<2000x1xf32>
    %mul3A_125 = arith.mulf %slice3A_122, %mul3A_124 : vector<2000x1xf32>
    %add3A_126 = arith.constant 1.62856734 : f32
    %add3A_127 = vector.broadcast %add3A_126 : f32 to vector<2000x1xf32>
    %add3A_128 = arith.addf %mul3A_125, %add3A_127 : vector<2000x1xf32>
    %slice3A_129 = vector.extract_strided_slice %get3A_3 {offsets = [0, 75], sizes = [2000, 1], strides = [1, 1]} : vector<2000x76xf32> to vector<2000x1xf32>
    %mul3A_130 = arith.constant 3.88311648 : f32
    %mul3A_131 = vector.broadcast %mul3A_130 : f32 to vector<2000x1xf32>
    %mul3A_132 = arith.mulf %slice3A_129, %mul3A_131 : vector<2000x1xf32>
    %add3A_133 = arith.constant 3.88311648 : f32
    %add3A_134 = vector.broadcast %add3A_133 : f32 to vector<2000x1xf32>
    %add3A_135 = arith.addf %mul3A_132, %add3A_134 : vector<2000x1xf32>
    %mul3A_136 = arith.constant 5.000000e-01 : f32
    %mul3A_137 = vector.broadcast %mul3A_136 : f32 to vector<2000x1xf32>
    %mul3A_138 = arith.mulf %add3A_121, %mul3A_137 : vector<2000x1xf32>
    %add3A_139 = arith.addf %add3A_95, %mul3A_138 : vector<2000x1xf32>
    %concatenate3A = tpu.concatenate %add3A_79, %add3A_139, %add3A_92, %add3A_121, %add3A_128, %add3A_135, %select_n3A_114, %get3A_14 in 1 : vector<2000x1xf32>, vector<2000x1xf32>, vector<2000x1xf32>, vector<2000x1xf32>, vector<2000x1xf32>, vector<2000x1xf32>, vector<2000x1xf32>, vector<2000x1xf32> -> vector<2000x8xf32>
    %swap3A = arith.constant 0 : index
    %swap3A_140 = arith.constant 0 : index
    %swap3A_141 = arith.constant 0 : index
    %swap3A_142 = vector.load %arg5[%swap3A, %swap3A_140, %swap3A_141] : memref<1x2000x8xf32, #tpu.memory_space<vmem>>, vector<1x2000x8xf32>
    %swap3A_143 = vector.shape_cast %swap3A_142 : vector<1x2000x8xf32> to vector<2000x8xf32>
    %swap3A_144 = vector.shape_cast %concatenate3A : vector<2000x8xf32> to vector<1x2000x8xf32>
    tpu.vector_store %arg5[%swap3A, %swap3A_140, %swap3A_141], %swap3A_144 {strides = array<i32>} : memref<1x2000x8xf32, #tpu.memory_space<vmem>>, vector<1x2000x8xf32>,
    %bitcast_convert_type3A = tpu.bitcast %get3A_14 : vector<2000x1xf32> -> vector<2000x1xi32>
    %lt3A = arith.constant 0 : i32
    %lt3A_145 = vector.broadcast %lt3A : i32 to vector<2000x1xi32>
    %lt3A_146 = arith.cmpi slt, %bitcast_convert_type3A, %lt3A_145 : vector<2000x1xi32>
    %xor3A = arith.constant -2147483648 : i32
    %xor3A_147 = vector.broadcast %xor3A : i32 to vector<2000x1xi32>
    %xor3A_148 = arith.xori %bitcast_convert_type3A, %xor3A_147 : vector<2000x1xi32>
    %not3A = arith.constant dense<-1> : vector<2000x1xi32>
    %not3A_149 = arith.xori %bitcast_convert_type3A, %not3A : vector<2000x1xi32>
    %or3A = arith.constant -2147483648 : i32
    %or3A_150 = vector.broadcast %or3A : i32 to vector<2000x1xi32>
    %or3A_151 = arith.ori %not3A_149, %or3A_150 : vector<2000x1xi32>
    %select_n3A_152 = arith.select %lt3A_146, %xor3A_148, %or3A_151 : vector<2000x1xi1>, vector<2000x1xi32>
    %eq3A_153 = arith.constant 0.000000e+00 : f32
    %eq3A_154 = vector.broadcast %eq3A_153 : f32 to vector<2000x1xf32>
    %eq3A_155 = arith.cmpf oeq, %get3A_14, %eq3A_154 : vector<2000x1xf32>
    %jit3A_156 = arith.constant -1 : i32
    %broadcast_in_dim3A_157 = vector.broadcast %jit3A_156 : i32 to vector<2000x1xi32>
    %select_n3A_158 = arith.select %eq3A_155, %broadcast_in_dim3A_157, %select_n3A_152 : vector<2000x1xi1>, vector<2000x1xi32>
    %gt3A_159 = arith.constant 0.000000e+00 : f32
    %gt3A_160 = vector.broadcast %gt3A_159 : f32 to vector<2000x1xf32>
    %gt3A_161 = arith.cmpf ogt, %add3A_92, %gt3A_160 : vector<2000x1xf32>
    %le3A = arith.constant 4.000000e+01 : f32
    %le3A_162 = vector.broadcast %le3A : f32 to vector<2000x1xf32>
    %le3A_163 = arith.cmpf ole, %add3A_92, %le3A_162 : vector<2000x1xf32>
    %and3A = arith.andi %gt3A_161, %le3A_163 : vector<2000x1xi1>
    %jit3A_164 = arith.constant 2147483647 : i32
    %broadcast_in_dim3A_165 = vector.broadcast %jit3A_164 : i32 to vector<2000x1xi32>
    %select_n3A_166 = arith.select %and3A, %select_n3A_158, %broadcast_in_dim3A_165 : vector<2000x1xi1>, vector<2000x1xi32>
    %swap3A_167 = arith.constant 0 : index
    %swap3A_168 = arith.constant 0 : index
    %swap3A_169 = arith.constant 0 : index
    %swap3A_170 = arith.constant 0 : index
    %swap3A_171 = vector.load %arg6[%swap3A_167, %swap3A_168, %swap3A_169, %swap3A_170] : memref<1x1x2000x1xi32, #tpu.memory_space<vmem>>, vector<1x1x2000x1xi32>
    %swap3A_172 = vector.shape_cast %swap3A_171 : vector<1x1x2000x1xi32> to vector<2000x1xi32>
    %swap3A_173 = vector.shape_cast %select_n3A_166 : vector<2000x1xi32> to vector<1x1x2000x1xi32>
    tpu.vector_store %arg6[%swap3A_167, %swap3A_168, %swap3A_169, %swap3A_170], %swap3A_173 {strides = array<i32>} : memref<1x1x2000x1xi32, #tpu.memory_space<vmem>>, vector<1x1x2000x1xi32>,
    %gt3A_174 = arith.constant 4.000000e+01 : f32
    %gt3A_175 = vector.broadcast %gt3A_174 : f32 to vector<2000x1xf32>
    %gt3A_176 = arith.cmpf ogt, %add3A_92, %gt3A_175 : vector<2000x1xf32>
    %le3A_177 = arith.constant 8.000000e+01 : f32
    %le3A_178 = vector.broadcast %le3A_177 : f32 to vector<2000x1xf32>
    %le3A_179 = arith.cmpf ole, %add3A_92, %le3A_178 : vector<2000x1xf32>
    %and3A_180 = arith.andi %gt3A_176, %le3A_179 : vector<2000x1xi1>
    %jit3A_181 = arith.constant 2147483647 : i32
    %broadcast_in_dim3A_182 = vector.broadcast %jit3A_181 : i32 to vector<2000x1xi32>
    %select_n3A_183 = arith.select %and3A_180, %select_n3A_158, %broadcast_in_dim3A_182 : vector<2000x1xi1>, vector<2000x1xi32>
    %swap3A_184 = arith.constant 0 : index
    %swap3A_185 = arith.constant 0 : index
    %swap3A_186 = arith.constant 0 : index
    %swap3A_187 = arith.constant 0 : index
    %swap3A_188 = vector.load %arg7[%swap3A_184, %swap3A_185, %swap3A_186, %swap3A_187] : memref<1x1x2000x1xi32, #tpu.memory_space<vmem>>, vector<1x1x2000x1xi32>
    %swap3A_189 = vector.shape_cast %swap3A_188 : vector<1x1x2000x1xi32> to vector<2000x1xi32>
    %swap3A_190 = vector.shape_cast %select_n3A_183 : vector<2000x1xi32> to vector<1x1x2000x1xi32>
    tpu.vector_store %arg7[%swap3A_184, %swap3A_185, %swap3A_186, %swap3A_187], %swap3A_190 {strides = array<i32>} : memref<1x1x2000x1xi32, #tpu.memory_space<vmem>>, vector<1x1x2000x1xi32>,
    return
  }
  func.func @transform_0(%arg0: i32, %arg1: i32) -> (i32, i32, i32, i32) {
    %c0_i32 = arith.constant 0 : i32
    %c0_i32_0 = arith.constant 0 : i32
    %c0_i32_1 = arith.constant 0 : i32
    return %arg0, %arg1, %c0_i32, %c0_i32_0 : i32, i32, i32, i32
  }
  func.func @transform_1(%arg0: i32, %arg1: i32) -> (i32, i32, i32) {
    %c0_i32 = arith.constant 0 : i32
    %c0_i32_0 = arith.constant 0 : i32
    return %arg0, %arg1, %c0_i32 : i32, i32, i32
  }
  func.func @transform_2(%arg0: i32, %arg1: i32) -> (i32, i32, i32) {
    %c0_i32 = arith.constant 0 : i32
    %c0_i32_0 = arith.constant 0 : i32
    return %arg0, %arg1, %c0_i32 : i32, i32, i32
  }
  func.func @transform_3(%arg0: i32, %arg1: i32) -> (i32, i32, i32) {
    %c0_i32 = arith.constant 0 : i32
    %c0_i32_0 = arith.constant 0 : i32
    return %arg0, %arg1, %c0_i32 : i32, i32, i32
  }
  func.func @transform_4(%arg0: i32, %arg1: i32) -> (i32, i32, i32, i32) {
    %c0_i32 = arith.constant 0 : i32
    %c0_i32_0 = arith.constant 0 : i32
    %c0_i32_1 = arith.constant 0 : i32
    return %arg0, %arg1, %c0_i32, %c0_i32_0 : i32, i32, i32, i32
  }
  func.func @transform_5(%arg0: i32, %arg1: i32) -> (i32, i32, i32, i32) {
    %c0_i32 = arith.constant 0 : i32
    %c0_i32_0 = arith.constant 0 : i32
    %c0_i32_1 = arith.constant 0 : i32
    return %arg0, %arg1, %c0_i32, %c0_i32_0 : i32, i32, i32, i32
  }
}

</mosaic_0001>

<sc_bundles>
// kernel: kernel.4.cloned.1.call-start
scs
__scs_entry_jumppad:
0x0: {  	(pc) =	sbr.rel $0x88, $3  }
0x1: {  	(tag) =	ssettag $0x0;
	lr =	simm.s32 $0x1  }
0x2: {  	[smem:$0x3F9E] =	sst lr;
	_ =	strace $0xD0000000  }
0x3: {  	_ = 	snop  }
0x4: {  	_ = 	snop  }
0x5: {  	_ = 	snop  }
0x6: {  	_ = 	snop  }
0x7: {  	_ = 	snop  }
__scs_overlays_trampoline_lowered:
0x8: {  	[smem:$0x3FAD] =	sst s0  }
0x9: {  	[smem:$0x3FAE] =	sst s1  }
0xa: {  	[smem:$0x3FAF] =	sst s2  }
0xb: {  	[smem:$0x3FB0] =	sst s3  }
0xc: {  	[smem:$0x3FB1] =	sst s4  }
0xd: {  	[smem:$0x3FB2] =	sst s5  }
0xe: {  	[smem:$0x3FB3] =	sst s6  }
0xf: {  	[smem:$0x3FB4] =	sst s7  }
0x10: {  	[smem:$0x3FB5] =	sst s8  }
0x11: {  	[smem:$0x3FB6] =	sst s9;
	s0 =	simm.s32 @!p0 $0x0  }
0x12: {  	s1 =	sld [smem:$0x3F9C];
	s0 =	simm.s32 @p0 $0x1  }
0x13: {  	[smem:$0x3FB7] =	sst s0;
	s0 =	simm.s32 @!p1 $0x0  }
0x14: {  	s2 =	sld [smem:$0x3F9B];
	s0 =	simm.s32 @p1 $0x1  }
0x15: {  	[smem:$0x3FB8] =	sst s0;
	s0 =	simm.s32 @!p2 $0x0  }
0x16: {  	s3 =	sld [smem:$0x3FDB];
	s0 =	simm.s32 @p2 $0x1  }
0x17: {  	s4 =	simm.s32 $0x1BF5;
	[smem:$0x3FBA] =	sst s0  }
0x18: {  	s0 =	sld [smem:$0x3F9D];
	_ =	swait.ge [sflag:s4], $0x0  }
0x19: {  	s7 =	sld [smem:$0x3F9E]  }
0x1a: {  	s8 =	sadd.s32 $0xFFFFE003, lr  }
0x1b: {  	s9 =	sadd.s32 $0xFFFFFEF7, lr;
	s5 =	simm.s32 $0xFFFFFFFF;
	p2 =	slt.u32 s8, $0xFFFFF086  }
0x1c: {  	p1 =	slt.u32 s9, $0xF7A;
	s5 =	simm.s32 @!p2 $0x0  }
0x1d: {  	s5 =	simm.s32 @p1 $0x1;
	p0 =	seq.s32 s7, s2  }
0x1e: {  	s7 =	smul.u32 @!p0 $0xF7A, s2;
	p2 =	seq.s32 @!p0 s5, $0x0  }
0x1f: {  	s9 =	smul.u32 $0xF7A, s1;
	s8 =	simm.s32 @!p0 $0x1BF5;
	p2 =	por !p2, p0  }
0x20: {  	[sflag:s8] =	ssyncset.s32 @!p0 $0xFFFFF086;
	s6 =	sadd.s32 @!p0 s3, s7;
	s7 =	simm.s32 @!p0 $0x108  }
0x21: {  	s3 =	sadd.s32 s3, s9;
	s6 =	sadd.s32 @!p0 $0x88, s6;
	s7 =	simm.s32 @p2 $0x1082  }
0x22: {  	[simem:s7], [sflag:s8] =	dma.local @!p0 [hbm:s6], $0xF7A  }
0x23: {  	s9 =	sor.u32 $0xD0000000, s2;
	s6 =	simm.s32 $0x108;
	_ =	swait.ge @!p0 [sflag:s8], $0x0  }
0x24: {  	s3 =	sadd.s32 $0x88, s3;
	s6 =	simm.s32 @!p1 $0x1082;
	[sflag:s4] =	ssyncset.s32 $0xFFFFF086  }
0x25: {  	[simem:s6], [sflag:s4] =	dma.local [hbm:s3], $0xF7A  }
0x26: {  	[smem:$0x3F9E] =	sst s1;
	(tag) =	ssettag s2;
	_ =	strace s9  }
0x27: {  	s1 =	sld [smem:$0x3FAE]  }
0x28: {  	s2 =	sld [smem:$0x3FAF]  }
0x29: {  	s4 =	sld [smem:$0x3FB1]  }
0x2a: {  	p0 =	seq.s32 s5, $0x0;
	s5 =	sld [smem:$0x3FB2]  }
0x2b: {  	s6 =	sld [smem:$0x3FB3]  }
0x2c: {  	s7 =	sld [smem:$0x3FB4]  }
0x2d: {  	s3 =	simm.s32 $0x108;
	s8 =	sld [smem:$0x3FB5]  }
0x2e: {  	s3 =	simm.s32 @!p0 $0x1082;
	s9 =	sld [smem:$0x3FB6]  }
0x2f: {  	lr =	sadd.s32 s0, s3;
	s0 =	sld [smem:$0x3FAD]  }
0x30: {  	s3 =	sld [smem:$0x3FB0]  }
0x31: {  	[smem:$0x3FB9] =	sst s10  }
0x32: {  	s10 =	sld [smem:$0x3FB7];
	_ =	sdelay $0x3  }
0x33: {  	p0 =	seq.s32 s10, $0x1;
	s10 =	sld [smem:$0x3FB9];
	_ =	sdelay $0x3  }
0x34: {  	[smem:$0x3FB9] =	sst s10  }
0x35: {  	s10 =	sld [smem:$0x3FB8];
	_ =	sdelay $0x3  }
0x36: {  	p1 =	seq.s32 s10, $0x1;
	s10 =	sld [smem:$0x3FB9];
	_ =	sdelay $0x3  }
0x37: {  	[smem:$0x3FB9] =	sst s10  }
0x38: {  	s10 =	sld [smem:$0x3FBA]  }
0x39: {  	_ = 	snop;
	(pc) =	sbr.ind lr, $3  }
0x3a: {  	_ = 	snop  }
0x3b: {  	_ = 	snop  }
0x3c: {  	p2 =	seq.s32 s10, $0x1;
	s10 =	sld [smem:$0x3FB9]  }
0x3d: {  	_ =	shalt  }
0x3e: {  	_ =	shalt  }
0x3f: {  	_ =	shalt  }
0x40: {  	_ =	shalt  }
0x41: {  	_ =	shalt  }
0x42: {  	_ =	shalt  }
0x43: {  	_ =	shalt  }
0x44: {  	_ =	shalt  }
0x45: {  	_ =	shalt  }
0x46: {  	_ =	shalt  }
0x47: {  	_ =	shalt  }
0x48: {  	_ =	shalt  }
0x49: {  	_ =	shalt  }
0x4a: {  	_ =	shalt  }
0x4b: {  	_ =	shalt  }
0x4c: {  	_ =	shalt  }
0x4d: {  	_ =	shalt  }
0x4e: {  	_ =	shalt  }
0x4f: {  	_ =	shalt  }
0x50: {  	_ =	shalt  }
0x51: {  	_ =	shalt  }
0x52: {  	_ =	shalt  }
0x53: {  	_ =	shalt  }
0x54: {  	_ =	shalt  }
0x55: {  	_ =	shalt  }
0x56: {  	_ =	shalt  }
0x57: {  	_ =	shalt  }
0x58: {  	_ =	shalt  }
0x59: {  	_ =	shalt  }
0x5a: {  	_ =	shalt  }
0x5b: {  	_ =	shalt  }
0x5c: {  	_ =	shalt  }
0x5d: {  	_ =	shalt  }
0x5e: {  	_ =	shalt  }
0x5f: {  	_ =	shalt  }
0x60: {  	_ =	shalt  }
0x61: {  	_ =	shalt  }
0x62: {  	_ =	shalt  }
0x63: {  	_ =	shalt  }
0x64: {  	_ =	shalt  }
0x65: {  	_ =	shalt  }
0x66: {  	_ =	shalt  }
0x67: {  	_ =	shalt  }
0x68: {  	_ =	shalt  }
0x69: {  	_ =	shalt  }
0x6a: {  	_ =	shalt  }
0x6b: {  	_ =	shalt  }
0x6c: {  	_ =	shalt  }
0x6d: {  	_ =	shalt  }
0x6e: {  	_ =	shalt  }
0x6f: {  	_ =	shalt  }
0x70: {  	_ =	shalt  }
0x71: {  	_ =	shalt  }
0x72: {  	_ =	shalt  }
0x73: {  	_ =	shalt  }
0x74: {  	_ =	shalt  }
0x75: {  	_ =	shalt  }
0x76: {  	_ =	shalt  }
0x77: {  	_ =	shalt  }
0x78: {  	_ =	shalt  }
0x79: {  	_ =	shalt  }
0x7a: {  	_ =	shalt  }
0x7b: {  	_ =	shalt  }
0x7c: {  	_ =	shalt  }
0x7d: {  	_ =	shalt  }
0x7e: {  	_ =	shalt  }
0x7f: {  	_ =	shalt  }
0x80: {  	_ =	shalt  }
0x81: {  	_ =	shalt  }
0x82: {  	_ =	shalt  }
0x83: {  	_ =	shalt  }
0x84: {  	_ =	shalt  }
0x85: {  	_ =	shalt  }
0x86: {  	_ =	shalt  }
0x87: {  	_ =	shalt  }
.Lfunc_end0:
.L_simem_size_0:
called_computation_lowered:
.L_overlay_start_0:
0x88: {  	s2 =	sld [smem:$0x3FD9]  }
0x89: {  	s3 =	sld [smem:$0x3FFE];
	_ =	sdelay $0x1  }
0x8a: {  	s1 =	srdreg.scid  }
0x8b: {  	s0 =	sand.u32 $0x1, s1  }
0x8c: {  	s16 =	sshll.u32 s0, $0xA;
	s2 =	sadd.s32 s3, s2  }
0x8d: {  	s2 =	sadd.s32 s2, s16  }
0x8e: {  	[smem:$0x3FC5] =	sst s2  }
0x8f: {  	_ = 	snop  }
0x90: {  	(tm) =	ssettm $0x1  }
0x91: {  	s17 =	sld [smem:$0x3FFB];
	_ =	sdelay $0x3  }
0x92: {  	_ =	strace s17  }
0x93: {  	s2 =	sld [smem:$0x3FFC];
	_ =	sdelay $0x3  }
0x94: {  	_ =	strace s2  }
0x95: {  	s2 =	sld [smem:$0x3FFD];
	_ =	sdelay $0x3  }
0x96: {  	_ =	strace s2  }
0x97: {  	_ =	strace $0x8FFFFFFF  }
0x98: {  	s18 =	sld [smem:$0x3FDB];
	_ =	sdelay $0x1  }
0x99: {  	s19 =	simm.s32 $_scs_section_size  }
0x9a: {  	s4 =	simm.s32 $_size__tile_overlayer_lowered;
	s5 =	simm.s32 $_tile_overlayer_lowered  }
0x9b: {  	s22 =	simm.s32 $0x1BFF;
	s21 =	sshll.u32 s5, $0x1;
	s2 =	sadd.s32 s19, s18  }
0x9c: {  	s6 =	simm.s32 $0x0;
	s20 =	sshll.u32 s4, $0x1;
	s4 =	sadd.s32 s21, s2  }
0x9d: {  	[timem:s6], [sflag:s22] =	dma.local [hbm:s4], s20  }
0x9e: {  	_ =	swait.ge [sflag:s22], s20  }
0x9f: {  	s3 =	ssub.s32 $0x0, s20;
	[sflag:s22] =	ssyncset.done $0x0  }
0xa0: {  	[sflag:s22] =	ssyncadd.s32 s3;
	_ =	sdelay $0x1  }
0xa1: {  	s23 =	simm.s32 $0x1B8B  }
0xa2: {  	_ =	swait.ge [sflag:s23], $0x1  }
0xa3: {  	[sflag:s23] =	ssyncset.done $0x0  }
0xa4: {  	s25 =	simm.s32 $0x1B8E;
	s24 =	sld [smem:$0x3FFE];
	[sflag:s23] =	ssyncadd.s32 $0xFFFFFFFF  }
0xa5: {  	s26 =	simm.s32 $execute0_lowered;
	[smem:$0x3FD2] =	sst s25  }
0xa6: {  	s4 =	sshll.u32 s26, $0x1;
	_ =	strace $0x80000046;
	[dreg:$0x1] =	wrdreg $0xFFFFFFFF  }
0xa7: {  	s28 =	simm.s32 $_size_execute0_lowered;
	s2 =	sadd.s32 s2, s4;
	[dreg:$0x0] =	wrdreg $0x0  }
0xa8: {  	s4 =	sshll.u32 s28, $0x1;
	[dreg:$0x2] =	wrdreg s2  }
0xa9: {  	[dreg:$0x3] =	wrdreg s4  }
0xaa: {  	[dreg:$0x4] =	wrdreg $0xC0  }
0xab: {  	_ =	task [dreg:s6], $0x5FFFF  }
0xac: {  	[dreg:$0x1] =	wrdreg $0xFFFFFFFF  }
0xad: {  	[dreg:$0x0] =	wrdreg $0x60  }
0xae: {  	[dreg:$0x2] =	wrdreg s24  }
0xaf: {  	[dreg:$0x3] =	wrdreg $0x9  }
0xb0: {  	_ =	task.clear_ibuf [dreg:s6], $0x4FFFF;
	_ =	strace $0x90000046  }
0xb1: {  	s29 =	simm.s32 $0x9;
	_ =	strace $0x80000048  }
0xb2: {  	_ =	swait.ge [sflag:s29], $0x1  }
0xb3: {  	[sflag:s29] =	ssyncadd.s32 $0xFFFFFFFF  }
0xb4: {  	_ =	strace $0x90000048  }
0xb5: {  	_ =	sfence  }
0xb6: {  	s30 =	sld [smem:$0x0];
	_ =	sdelay $0x2  }
0xb7: {  	s31 =	sshll.u32 s1, $0xD;
	s1 =	sshrl.u32 s1, $0x2  }
0xb8: {  	s3 =	sand.u32 $0x4000, s31;
	s1 =	sadd.s32 s1, s30  }
0xb9: {  	s0 =	sor.u32 s3, s0;
	s1 =	sshll.u32 s1, $0x11  }
0xba: {  	s0 =	sor.u32 s1, s0  }
0xbb: {  	s0 =	sadd.s32 $0x8F2B, s0  }
0xbc: {  	[sflag:s0] =	ssyncadd.remote.s32 $0x1  }
0xbd: {  	_ =	sfence.sel $0xFFFF  }
0xbe: {  	[dreg:$0x0] =	wrdreg $0xFFFFFFFF;
	(pc) =	sbr.abs _section_cstart, $3  }
0xbf: {  	[dreg:$0x1] =	wrdreg $0xFFFFFFFF  }
0xc0: {  	_ =	task.clear_ibuf [dreg:s6], $0x2FFFF;
	_ =	strace $0x9FFFFFFF  }
0xc1: {  	(tm) =	ssettm $0x7FFFFFFF  }
tec
execute0_lowered:
.L_overlay_start_1:
0x0: {  	(tag) =	ssettag $0x1  }
0x1: {  	s0 =	stileid.u32  }
0x2: {  	p0 =	sgt.u32 s0, $0x7  }
.Ltmp0:
0x3: {  	_ = 	snop;
	(pc) =	sbr.rel @p0 .LBB2_86-.Ltmp0, $4  }
0x4: {  	_ = 	snop  }
0x5: {  	s12 =	simm.s32 $0x0  }
0x6: {  	[smem:$0x7FF] =	sst s12  }
0x7: {  	s1 =	rddreg [dreg:$0x0];
	_ =	strace $0x80000047  }
0x8: {  	s0 =	srdreg.scid  }
0x9: {  	s11 =	stileid.u32;
	s0 =	sand.u32 $0x1, s0  }
0xa: {  	s3 =	simm.s32 $0x166;
	s7 =	sadd.s32 $0x5000, s1;
	s2 =	sor.u32 s0, s11  }
0xb: {  	s8 =	sadd.s32 $0xA000, s1;
	p1 =	seq.s32 s0, $0x1;
	p0 =	seq.s32 s2, $0x0  }
0xc: {  	s9 =	sadd.s32 $0x31200, s1;
	s13 =	simm.s32 $0x1;
	p0 =	por !p0, !p1  }
0xd: {  	s16 =	simm.s32 $0x4E80;
	s2 =	simm.s32 $0x1;
	p1 =	por !p0, !p0  }
0xe: {  	s14 =	simm.s32 $0x5700;
	s15 =	simm.s32 $0x5980;
	s2 =	simm.s32 @!p1 $0x0  }
0xf: {  	v1 =	vimm.s32 $0x0;
	v2 =	vimm.s32 $0x1;
	vm0 =	vmmov $0x1;
	s25 =	sshll.u32 s11, $0xA;
	s26 =	ssub.s32 $0x2, s0;
	s2 =	ssub.s32 s11, s2  }
0x10: {  	vm4 =	vcmask $0x308;
	vm5 =	vcmask $0x70C;
	v3 =	vimm.s32 $0xEFCDAB89;
	s30 =	sshll.u32 s11, $0x4;
	s29 =	sshrl.u32 s26, $0x1;
	s4 =	sshrl.u32 s2, $0x3  }
0x11: {  	vm3 =	vcmask $0xB10;
	vm6 =	vcmask $0xF14;
	vm1 =	vcmask $0xB08;
	s5 =	sshll.u32 s2, $0x7;
	s2 =	sshll.u32 s2, $0xA;
	s6 =	smul.u32 $0x138800, s4  }
0x12: {  	vm2 =	vcmask $0x300;
	v4 =	vimm.s32 $0x67452301;
	v5 =	vimm.s32 $0x0;
	p0 =	seq.s32 s0, $0x0;
	s2 =	sand.u32 $0x1FFFFC00, s2;
	s4 =	smul.u32 $0x27400, s4  }
0x13: {  	v3 =	vunpack.c.l.s4.s8 v3;
	vm1 =	vmor vm2, vm1;
	vm2 =	vcmask $0x1310;
	s3 =	simm.s32 @!p0 $0x9A;
	s5 =	sand.u32 $0x380, s5;
	s2 =	sadd.s32 s2, s9  }
0x14: {  	v4 =	vunpack.c.l.s4.s8 v4;
	vm1 =	vmor vm1, vm2;
	vm2 =	vcmask $0x1B18;
	s6 =	sor.u32 s5, s6;
	s2 =	sadd.s32 $0x10, s2;
	s28 =	sor.u32 s5, s4  }
0x15: {  	v5 =	vsel vm0, $0xFFFFFFFF, v5;
	vm1 =	vmor vm1, vm2;
	vm2 =	vcmask $0x2320;
	s4 =	ssub.s32 s26, s29;
	s5 =	sadd.s32 s7, s30;
	s10 =	sshrl.u32 s6, $0x3  }
0x16: {  	v3 =	vunpack.c.0.s8.s32 v3;
	vm1 =	vmor vm1, vm2;
	vm2 =	vcmask $0x2B28;
	s6 =	sadd.s32 $0x9C400, s6;
	[dreg:$0x5] =	wrdreg s2;
	s2 =	sadd.s32 s9, s25  }
0x17: {  	v4 =	vunpack.c.0.s8.s32 v4;
	vm1 =	vmor vm1, vm2;
	vm2 =	vcmask $0x3330;
	s31 =	smax.u32 s4, $0x1;
	s10 =	sadd.s32 s8, s10;
	[dreg:$0x6] =	wrdreg s2  }
0x18: {  	[tilespmem:$0x1FFE0] =	vst v5;
	v5 =	vimm.s32 $0x0;
	vm1 =	vmor vm1, vm2;
	vm2 =	vcmask $0x3B38;
	s6 =	sshrl.u32 s6, $0x3;
	s2 =	sshrl.u32 s28, $0x3;
	[dreg:$0x8] =	wrdreg s31  }
0x19: {  	v4 =	vcombine.low v4, v3;
	vm14 =	vmor vm1, vm2;
	vm1 =	vmmov $0x7fff;
	[dreg:$0x3] =	wrdreg s10;
	s6 =	sadd.s32 s8, s6;
	s1 =	sadd.s32 s1, s2  }
0x1a: {  	vm7 =	vcmask $0x1318;
	vm8 =	vcmask $0x171C;
	v5 =	vsel vm1, $0xFFFFFFFF, v5;
	[dreg:$0x4] =	wrdreg s6;
	s1 =	smov.u32 @p0 s5;
	s5 =	simm.s32 $0x80  }
0x1b: {  	v3 =	vlaneseq.u32;
	v0 =	vmov s3;
	v4 =	vand.u32 $0xF, v4;
	[tilespmem:$0x1FFF0] =	vst v5;
	s6 =	simm.s32 $0x400;
	p0 =	sne.s32 s0, $0x0;
	[dreg:$0x7] =	wrdreg s1  }
.LBB2_2:
0x1c: {  	s0 =	simm.s32 $0x0;
	s1 =	rddreg [dreg:$0x7]  }
0x1d: {  	[tilespmem:s0], [sflag:$0x1] =	stream.strided.gather [hbm4b:s1+s5], $0x4E80, s6, s5, $0x38;
	[tilespmem:$0x1A880] =	vst v63  }
0x1e: {  	_ =	swait.ge [sflag:s13], $0x4E80  }
0x1f: {  	[sflag:s13] =	ssyncset.done $0x0  }
0x20: {  	s2 =	simm.s32 $0x0;
	s1 =	simm.s32 $0x40;
	[sflag:s13] =	ssyncadd.s32 $0xFFFFB180  }
.LBB2_3:
0x21: {  	p1 =	sne.s32 s1, $0x1FC0;
	[tilespmem:s2+$0x4E80] =	vst v1;
	s2 =	smov.u32 s1;
	s1 =	sadd.s32 $0x40, s1  }
.Ltmp1:
0x22: {  	(pc) =	sbr.rel @p1 .LBB2_3-.Ltmp1, $2  }
0x23: {  	_ =	sdelay $0x2  }
0x24: {  	s2 =	sshra.s32 s2, $0x2  }
0x25: {  	[tilespmem:s2+$0x4E80] =	vst v1;
	vm2 =	vcmask $0x1B20  }
.LBB2_5:
0x26: {  	s1 =	sshra.s32 s0, $0x2  }
0x27: {  	v5 =	vld [tilespmem:s1+$0x0];
	_ =	sdelay $0x4  }
0x28: {  	v5 =	vshra.s32 v5, $0x15  }
0x29: {  	p1 =	sne.s32 s0, $0x13840;
	v5 =	vadd.s32 $0x400, v5  }
.Ltmp2:
0x2a: {  	_ = 	snop;
	(pc) =	sbr.rel @p1 .LBB2_5-.Ltmp2, $3  }
0x2b: {  	_ =	sdelay $0x1  }
0x2c: {  	s5 =	simm.s32 $0x4E80  }
0x2d: {  	s0 =	sadd.s32 $0x40, s0;
	[tilespmem:v5+s5+$0x0] =	vst.idx.add.s32.msk $0xffff, v2  }
0x2e: {  	v5 =	vld [tilespmem:s5+$0x0];
	_ =	sdelay $0x4  }
0x2f: {  	(xrf0) =	vadd.scan.msk.s32 $0xffff, v5;
	_ =	sdelay $0x5  }
0x30: {  	v5, _, _ =	vpop (xrf0)  }
0x31: {  	(v2sf) =	vpush v5, $0xF;
	_ =	sdelay $0x1  }
0x32: {  	s22 =	simm.s32 $0x4E90  }
0x33: {  	v5 =	vld [tilespmem:s22+$0x0];
	_ =	sdelay $0x2  }
0x34: {  	s0 =	simm.s32 $0x4EA0  }
0x35: {  	v6 =	vld [tilespmem:s0+$0x0]  }
0x36: {  	(xrf0) =	vadd.scan.msk.s32 $0xffff, v5;
	_ =	sdelay $0x3  }
0x37: {  	(xrf0) =	vadd.scan.msk.s32 $0xffff, v6;
	_ =	sdelay $0x1  }
0x38: {  	v6, _, _ =	vpop (xrf0)  }
0x39: {  	s31 =	spop (v2sf);
	(v2sf) =	vpush v6, $0xF  }
0x3a: {  	s30 =	simm.s32 $0x4EB0  }
0x3b: {  	v5 =	vld [tilespmem:s30+$0x0]  }
0x3c: {  	v6, _, _ =	vpop (xrf0)  }
0x3d: {  	(v2sf) =	vpush v6, $0xF;
	_ =	sdelay $0x1  }
0x3e: {  	s18 =	simm.s32 $0xFFFFFFFF;
	s20 =	simm.s32 $0x1  }
0x3f: {  	s23 =	simm.s32 $0x2;
	s2 =	simm.s32 $0x3;
	p1 =	por $0x1, $0x1;
	(xrf0) =	vadd.scan.msk.s32 $0xffff, v5  }
0x40: {  	s9 =	simm.s32 $0x5;
	s10 =	simm.s32 $0x4EC0;
	s1 =	sadd.s32 $0x0, s31  }
0x41: {  	s8 =	simm.s32 $0x0;
	s4 =	simm.s32 $0x0;
	v5 =	vld [tilespmem:s10+$0x0];
	p2 =	sge.s32 s1, s3  }
0x42: {  	s21 =	simm.s32 $0x0;
	s7 =	simm.s32 $0x1;
	p1 =	por !p1, !p2  }
0x43: {  	s6 =	simm.s32 $0x2;
	s0 =	simm.s32 $0x4;
	p1 =	por !p1, !p1  }
.LBB2_7:
0x44: {  	p2 =	sne.s32 s9, $0x7F;
	s18 =	smov.u32 @p1 s8;
	s21 =	smov.u32 @p1 s4  }
0x45: {  	v6, _, _ =	vpop (xrf0);
	s8 =	smov.u32 s7;
	s7 =	smov.u32 s6;
	s6 =	smov.u32 s2  }
0x46: {  	s2 =	smov.u32 s0;
	s0 =	smov.u32 s9;
	s9 =	sadd.s32 $0x1, s9;
	(xrf0) =	vadd.scan.msk.s32 $0xffff, v5;
	(v2sf) =	vpush v6, $0xF  }
.Ltmp3:
0x47: {  	s10 =	sadd.s32 $0x10, s10;
	s11 =	spop (v2sf);
	(pc) =	sbr.rel @p2 .LBB2_7-.Ltmp3, $4  }
0x48: {  	s4 =	smov.u32 s1;
	v5 =	vld [tilespmem:s10+$0x0];
	s1 =	sadd.s32 s1, s11  }
0x49: {  	p1 =	slt.s32 s18, $0x0;
	p3 =	sge.s32 s1, s3  }
0x4a: {  	p1 =	por !p1, !p3  }
0x4b: {  	p1 =	por !p1, !p1  }
0x4c: {  	_ = 	snop  }
0x4d: {  	(xrf0) =	vadd.scan.msk.s32 $0xffff, v5;
	_ =	sdelay $0x4  }
0x4e: {  	v5, _, _ =	vpop (xrf0)  }
0x4f: {  	(v2sf) =	vpush v5, $0xF;
	v5, _, _ =	vpop (xrf0)  }
0x50: {  	(v2sf) =	vpush v5, $0xF;
	v5 =	vld [tilespmem:s5+$0x0];
	_ =	sdelay $0x4  }
0x51: {  	v6 =	vnsel vm0, $0x0, v5  }
0x52: {  	v7 =	vsel vm4, $0x0, v5;
	(xrf0) =	vadd.scan.msk.s32 $0xffff, v6  }
0x53: {  	v6 =	vsel vm5, $0x0, v5;
	(xrf0) =	vadd.scan.msk.s32 $0xffff, v7  }
0x54: {  	s26 =	spop (v2sf);
	v7 =	vsel vm3, $0x0, v5;
	(xrf0) =	vadd.scan.msk.s32 $0xffff, v6  }
0x55: {  	s18 =	smov.u32 @p1 s8;
	s5 =	sadd.s32 s1, s26;
	v6 =	vsel vm6, $0x0, v5;
	(xrf0) =	vadd.scan.msk.s32 $0xffff, v7  }
0x56: {  	p2 =	slt.s32 s18, $0x0;
	p3 =	sge.s32 s5, s3;
	v7 =	vsel vm7, $0x0, v5;
	(xrf0) =	vadd.scan.msk.s32 $0xffff, v6  }
0x57: {  	p2 =	por !p2, !p3;
	v6 =	vsel vm8, $0x0, v5;
	(xrf0) =	vadd.scan.msk.s32 $0xffff, v7  }
0x58: {  	vm9 =	vcmask $0x1F24;
	vm10 =	vcmask $0x2328;
	s28 =	spop (v2sf);
	p2 =	por !p2, !p2;
	v7 =	vsel vm2, $0x0, v5;
	v8, _, _ =	vpop (xrf0);
	(xrf0) =	vadd.scan.msk.s32 $0xffff, v6  }
0x59: {  	vm11 =	vcmask $0x272C;
	s18 =	smov.u32 @p2 s7;
	s7 =	sadd.s32 s5, s28;
	v6 =	vsel vm9, $0x0, v5;
	(v2sf) =	vpush v8, $0xF;
	v8, _, _ =	vpop (xrf0);
	(xrf0) =	vadd.scan.msk.s32 $0xffff, v7  }
0x5a: {  	vm12 =	vcmask $0x2B30;
	p5 =	slt.s32 s18, $0x0;
	p4 =	sge.s32 s7, s3;
	v7 =	vsel vm10, $0x0, v5;
	(v2sf) =	vpush v8, $0xF;
	v8, _, _ =	vpop (xrf0);
	(xrf0) =	vadd.scan.msk.s32 $0xffff, v6  }
0x5b: {  	vm13 =	vcmask $0x2F34;
	p3 =	por !p5, !p4;
	s29 =	spop (v2sf);
	v6 =	vsel vm11, $0x0, v5;
	(v2sf) =	vpush v8, $0xF;
	v8, _, _ =	vpop (xrf0);
	(xrf0) =	vadd.scan.msk.s32 $0xffff, v7  }
0x5c: {  	p3 =	por !p3, !p3;
	s30 =	spop (v2sf);
	v7 =	vsel vm12, $0x0, v5;
	(v2sf) =	vpush v8, $0xF;
	v8, _, _ =	vpop (xrf0);
	(xrf0) =	vadd.scan.msk.s32 $0xffff, v6;
	v6 =	vsel vm13, $0x0, v5  }
0x5d: {  	vm15 =	vcmask $0x3338;
	s18 =	smov.u32 @p3 s6;
	s6 =	sadd.s32 s7, s29;
	(v2sf) =	vpush v8, $0xF;
	v8, _, _ =	vpop (xrf0);
	(xrf0) =	vadd.scan.msk.s32 $0xffff, v7  }
0x5e: {  	p6 =	slt.s32 s18, $0x0;
	p5 =	sge.s32 s6, s3;
	v7 =	vsel vm15, $0x0, v5;
	(v2sf) =	vpush v8, $0xF;
	v8, _, _ =	vpop (xrf0);
	(xrf0) =	vadd.scan.msk.s32 $0xffff, v6  }
0x5f: {  	s21 =	smov.u32 @p1 s4;
	p4 =	por !p6, !p5;
	v6, _, _ =	vpop (xrf0);
	(xrf0) =	vadd.scan.msk.s32 $0xffff, v7;
	v7 =	vld [tilespmem:$0x1FFF0]  }
0x60: {  	s21 =	smov.u32 @p2 s1;
	p2 =	por $0x0, $0x0;
	p4 =	por !p4, !p4  }
.Ltmp4:
0x61: {  	vm1 =	vmmov vm0;
	vm0 =	vcmask $0x373C;
	s18 =	smov.u32 @p4 s2;
	s31 =	sadd.s32 s6, s30;
	(pc) =	sbr.rel @p2 .LBB2_9-.Ltmp4, $4  }
0x62: {  	v9 =	vsel vm0, $0x0, v5;
	vm2 =	vmmov vm3;
	vm3 =	vmmov vm5;
	p5 =	slt.s32 s18, $0x0;
	p6 =	sge.s32 s31, s3  }
0x63: {  	s21 =	smov.u32 @p3 s5;
	vm5 =	vmmov vm4;
	vm4 =	vmmov vm8;
	vm8 =	vmmov vm7;
	p1 =	por !p5, !p6  }
0x64: {  	[dreg:$0x2] =	wrdreg s12;
	vm7 =	vmmov vm6;
	s21 =	smov.u32 @p4 s7;
	p1 =	por !p1, !p1;
	(v2sf) =	vpush v8, $0xF;
	vm6 =	vnez.u8 v7  }
0x65: {  	s18 =	smov.u32 @p1 s0;
	s21 =	smov.u32 @p1 s6;
	(v2sf) =	vpush v6, $0xF;
	v6, _, _ =	vpop (xrf0);
	(xrf0) =	vadd.scan.msk.s32 $0xffff, v9;
	p1 =	por $0x0, $0x0;
	v5 =	vsel vm6, $0x0, v5  }
0x66: {  	(v2sf) =	vpush v6, $0xF  }
0x67: {  	v6, _, _ =	vpop (xrf0)  }
0x68: {  	(v2sf) =	vpush v6, $0xF  }
0x69: {  	s5 =	simm.s32 $0x1;
	s6 =	simm.s32 $0x1;
	v6, _, _ =	vpop (xrf0);
	s11 =	spop (v2sf)  }
0x6a: {  	s7 =	simm.s32 $0x1;
	(v2sf) =	vpush v6, $0xF;
	s0 =	sadd.s32 s21, s11;
	s10 =	spop (v2sf)  }
0x6b: {  	s13 =	simm.s32 $0x1;
	v6, _, _ =	vpop (xrf0);
	s1 =	sadd.s32 s10, s0;
	s9 =	spop (v2sf)  }
0x6c: {  	(v2sf) =	vpush v6, $0xF;
	v6, _, _ =	vpop (xrf0);
	p1 =	slt.s32 s1, s3;
	s8 =	spop (v2sf);
	s1 =	sadd.s32 s9, s1  }
0x6d: {  	(v2sf) =	vpush v6, $0xF;
	s5 =	simm.s32 @!p1 $0x0;
	s4 =	spop (v2sf);
	p1 =	slt.s32 s0, s3  }
0x6e: {  	p2 =	slt.s32 s1, s3;
	s1 =	sadd.s32 s8, s1;
	s6 =	simm.s32 @!p1 $0x0  }
0x6f: {  	(xrf0) =	vadd.scan.msk.s32 $0xffff, v5;
	s7 =	simm.s32 @!p2 $0x0;
	p1 =	slt.s32 s1, s3;
	s6 =	sadd.s32 s6, s5  }
0x70: {  	s12 =	sadd.s32 s4, s1;
	s6 =	sadd.s32 s7, s6;
	s7 =	simm.s32 $0x1  }
0x71: {  	v5, _, _ =	vpop (xrf0);
	s2 =	spop (v2sf);
	s7 =	simm.s32 @!p1 $0x0;
	p1 =	slt.s32 s12, s3  }
0x72: {  	(v2sf) =	vpush v5, $0xF;
	s12 =	sadd.s32 s2, s12;
	s6 =	sadd.s32 s7, s6;
	s7 =	simm.s32 $0x1  }
0x73: {  	s7 =	simm.s32 @!p1 $0x0;
	p1 =	slt.s32 s12, s3;
	s0 =	spop (v2sf)  }
0x74: {  	v5, _, _ =	vpop (xrf0);
	s6 =	sadd.s32 s7, s6;
	s7 =	simm.s32 $0x1;
	s5 =	spop (v2sf)  }
0x75: {  	(v2sf) =	vpush v5, $0xF;
	v5, _, _ =	vpop (xrf0);
	s12 =	sadd.s32 s0, s12;
	s7 =	simm.s32 @!p1 $0x0;
	s30 =	spop (v2sf)  }
0x76: {  	(v2sf) =	vpush v5, $0xF;
	p1 =	slt.s32 s12, s3;
	s6 =	sadd.s32 s7, s6;
	s19 =	sadd.s32 s5, s12  }
0x77: {  	s12 =	simm.s32 $0x1;
	s1 =	spop (v2sf);
	s13 =	simm.s32 @!p1 $0x0  }
0x78: {  	p1 =	slt.s32 s19, s3;
	s7 =	sadd.s32 s30, s19;
	s19 =	simm.s32 $0x1  }
0x79: {  	s29 =	spop (v2sf);
	s6 =	sadd.s32 s13, s6;
	s12 =	simm.s32 @!p1 $0x0  }
0x7a: {  	p1 =	slt.s32 s7, s3;
	s7 =	sadd.s32 s1, s7;
	s13 =	simm.s32 $0x1  }
0x7b: {  	s26 =	spop (v2sf);
	s6 =	sadd.s32 s12, s6;
	s12 =	simm.s32 $0x1  }
0x7c: {  	s28 =	spop (v2sf);
	s12 =	simm.s32 @!p1 $0x0;
	p1 =	slt.s32 s7, s3  }
0x7d: {  	s7 =	sadd.s32 s29, s7;
	s6 =	sadd.s32 s12, s6;
	s13 =	simm.s32 @!p1 $0x0  }
0x7e: {  	p1 =	slt.s32 s7, s3;
	s7 =	sadd.s32 s26, s7;
	s12 =	simm.s32 $0x1  }
0x7f: {  	v5 =	vld [tilespmem:s22+$0x0];
	s6 =	sadd.s32 s13, s6;
	s12 =	simm.s32 @!p1 $0x0;
	p1 =	slt.s32 s7, s3  }
0x80: {  	s24 =	sadd.s32 s28, s7;
	s25 =	sadd.s32 s12, s6;
	s12 =	simm.s32 $0x1  }
0x81: {  	s6 =	spop (v2sf);
	s12 =	simm.s32 @!p1 $0x0;
	p1 =	slt.s32 s24, s3  }
0x82: {  	s13 =	sadd.s32 s6, s24;
	s12 =	sadd.s32 s12, s25;
	s19 =	simm.s32 @!p1 $0x0  }
0x83: {  	p1 =	slt.s32 s13, s3;
	s12 =	sadd.s32 s19, s12;
	s19 =	simm.s32 $0x1  }
0x84: {  	v6 =	vnsel vm1, $0x0, v5;
	s19 =	simm.s32 @!p1 $0x0;
	s7 =	spop (v2sf)  }
0x85: {  	v7 =	vsel vm5, $0x0, v5;
	(xrf0) =	vadd.scan.msk.s32 $0xffff, v6;
	s12 =	sadd.s32 s19, s12;
	s13 =	sadd.s32 s7, s13;
	s24 =	spop (v2sf)  }
0x86: {  	v6 =	vsel vm3, $0x0, v5;
	(xrf0) =	vadd.scan.msk.s32 $0xffff, v7;
	s19 =	simm.s32 $0x1;
	p1 =	slt.s32 s13, s3;
	s13 =	sadd.s32 s24, s13  }
0x87: {  	v7 =	vsel vm2, $0x0, v5;
	(xrf0) =	vadd.scan.msk.s32 $0xffff, v6;
	s19 =	simm.s32 @!p1 $0x0;
	p1 =	slt.s32 s13, s3;
	s13 =	simm.s32 $0x1  }
0x88: {  	p3 =	por $0x0, $0x0;
	v6 =	vsel vm7, $0x0, v5;
	(xrf0) =	vadd.scan.msk.s32 $0xffff, v7;
	s12 =	sadd.s32 s19, s12;
	s13 =	simm.s32 @!p1 $0x0  }
0x89: {  	p2 =	seq.s32 s18, $0x0;
	v7 =	vsel vm8, $0x0, v5;
	(xrf0) =	vadd.scan.msk.s32 $0xffff, v6;
	s25 =	simm.s32 $0x0;
	s31 =	sadd.s32 s13, s12  }
0x8a: {  	vm9 =	vcmask $0x1B20;
	v6 =	vsel vm4, $0x0, v5;
	(xrf0) =	vadd.scan.msk.s32 $0xffff, v7;
	p1 =	seq.s32 s31, $0x0;
	p4 =	sgt.u32 s31, $0x2;
	p5 =	sgt.u32 s31, $0x3  }
0x8b: {  	v7 =	vsel vm9, $0x0, v5;
	vm9 =	vcmask $0x1F24;
	v8, _, _ =	vpop (xrf0);
	(xrf0) =	vadd.scan.msk.s32 $0xffff, v6;
	s11 =	simm.s32 @p1 $0x0;
	p1 =	sgt.u32 s31, $0x1;
	s9 =	simm.s32 @!p4 $0x0  }
0x8c: {  	v6 =	vsel vm9, $0x0, v5;
	(v2sf) =	vpush v8, $0xF;
	v8, _, _ =	vpop (xrf0);
	(xrf0) =	vadd.scan.msk.s32 $0xffff, v7;
	s8 =	simm.s32 @!p5 $0x0;
	p4 =	sgt.u32 s31, $0x5;
	s11 =	sadd.s32 s21, s11  }
0x8d: {  	v7 =	vsel vm10, $0x0, v5;
	(v2sf) =	vpush v8, $0xF;
	v8, _, _ =	vpop (xrf0);
	(xrf0) =	vadd.scan.msk.s32 $0xffff, v6;
	s10 =	simm.s32 @!p1 $0x0;
	p1 =	sgt.u32 s31, $0x4;
	s2 =	simm.s32 @!p4 $0x0  }
0x8e: {  	v6 =	vsel vm11, $0x0, v5;
	(v2sf) =	vpush v8, $0xF;
	v8, _, _ =	vpop (xrf0);
	(xrf0) =	vadd.scan.msk.s32 $0xffff, v7;
	p4 =	sgt.u32 s31, $0x7;
	s10 =	sadd.s32 s10, s11;
	s4 =	simm.s32 @!p1 $0x0  }
.Ltmp5:
0x8f: {  	v7 =	vsel vm12, $0x0, v5;
	(v2sf) =	vpush v8, $0xF;
	v8, _, _ =	vpop (xrf0);
	(xrf0) =	vadd.scan.msk.s32 $0xffff, v6;
	v6 =	vsel vm13, $0x0, v5;
	p1 =	sgt.u32 s31, $0x6;
	s9 =	sadd.s32 s9, s10;
	(pc) =	sbr.rel @p3 .LBB2_11-.Ltmp5, $4  }
0x90: {  	(v2sf) =	vpush v8, $0xF;
	v8, _, _ =	vpop (xrf0);
	(xrf0) =	vadd.scan.msk.s32 $0xffff, v7;
	s5 =	simm.s32 @!p4 $0x0;
	p4 =	sgt.u32 s31, $0x9;
	s8 =	sadd.s32 s8, s9  }
0x91: {  	v7 =	vsel vm15, $0x0, v5;
	(v2sf) =	vpush v8, $0xF;
	v8, _, _ =	vpop (xrf0);
	(xrf0) =	vadd.scan.msk.s32 $0xffff, v6;
	s0 =	simm.s32 @!p1 $0x0;
	p1 =	sgt.u32 s31, $0x8;
	s4 =	sadd.s32 s4, s8  }
0x92: {  	v9 =	vsel vm0, $0x0, v5;
	(v2sf) =	vpush v8, $0xF;
	v6, _, _ =	vpop (xrf0);
	(xrf0) =	vadd.scan.msk.s32 $0xffff, v7;
	s1 =	simm.s32 @!p4 $0x0;
	s30 =	simm.s32 @!p1 $0x0;
	s2 =	sadd.s32 s2, s4  }
0x93: {  	v5 =	vsel vm6, $0x0, v5;
	(v2sf) =	vpush v6, $0xF;
	v6, _, _ =	vpop (xrf0);
	(xrf0) =	vadd.scan.msk.s32 $0xffff, v9;
	p1 =	por $0x1, $0x1;
	s2 =	sadd.s32 s0, s2;
	s0 =	simm.s32 $0x0  }
.LBB2_12:
0x94: {  	p3 =	sgt.u32 s31, $0xA  }
0x95: {  	p4 =	sgt.u32 s31, $0xB;
	p5 =	sgt.u32 s31, $0xC;
	s8 =	smov.u32 s23  }
0x96: {  	(v2sf) =	vpush v6, $0xF;
	v6, _, _ =	vpop (xrf0);
	(xrf0) =	vadd.scan.msk.s32 $0xffff, v5;
	s2 =	sadd.s32 s5, s2;
	s0 =	smov.u32 @p2 s31;
	s22 =	sadd.s32 $0x10, s22  }
0x97: {  	(v2sf) =	vpush v6, $0xF;
	v5, _, _ =	vpop (xrf0);
	s29 =	simm.s32 @!p3 $0x0;
	s26 =	simm.s32 @!p4 $0x0;
	s2 =	sadd.s32 s30, s2  }
0x98: {  	s28 =	simm.s32 @!p5 $0x0;
	p3 =	sgt.u32 s31, $0xD;
	(v2sf) =	vpush v5, $0xF;
	v5, _, _ =	vpop (xrf0);
	s1 =	sadd.s32 s1, s2  }
0x99: {  	s6 =	simm.s32 @!p3 $0x0;
	p3 =	sgt.u32 s31, $0xE;
	(v2sf) =	vpush v5, $0xF;
	v5, _, _ =	vpop (xrf0);
	s1 =	sadd.s32 s29, s1  }
0x9a: {  	s7 =	simm.s32 @!p3 $0x0;
	p3 =	sgt.u32 s31, $0xF;
	(v2sf) =	vpush v5, $0xF;
	v5, _, _ =	vpop (xrf0);
	s1 =	sadd.s32 s26, s1  }
0x9b: {  	s13 =	simm.s32 $0x1;
	s24 =	simm.s32 @!p3 $0x0;
	(v2sf) =	vpush v5, $0xF;
	v5, _, _ =	vpop (xrf0);
	s1 =	sadd.s32 s28, s1  }
0x9c: {  	p3 =	seq.s32 s23, $0x7F;
	s23 =	sadd.s32 $0x1, s23;
	(v2sf) =	vpush v5, $0xF;
	v5, _, _ =	vpop (xrf0);
	s1 =	sadd.s32 s6, s1  }
0x9d: {  	s31 =	simm.s32 $0x1;
	s19 =	spop (v2sf);
	(v2sf) =	vpush v5, $0xF;
	s1 =	sadd.s32 s7, s1  }
0x9e: {  	s7 =	simm.s32 $0x1;
	s5 =	sadd.s32 s21, s19;
	s12 =	spop (v2sf)  }
0x9f: {  	s1 =	sadd.s32 s24, s1;
	s6 =	sadd.s32 s12, s5;
	s2 =	spop (v2sf)  }
0xa0: {  	s25 =	smov.u32 @p2 s1;
	s1 =	simm.s32 $0x1;
	p2 =	slt.s32 s5, s3  }
0xa1: {  	s5 =	simm.s32 $0x1;
	p4 =	slt.s32 s6, s3;
	s4 =	spop (v2sf)  }
0xa2: {  	s6 =	sadd.s32 s2, s6;
	s5 =	simm.s32 @!p2 $0x0;
	s1 =	simm.s32 @!p4 $0x0  }
0xa3: {  	s11 =	spop (v2sf);
	p4 =	slt.s32 s6, s3;
	s6 =	sadd.s32 s4, s6  }
0xa4: {  	s10 =	spop (v2sf);
	s1 =	sadd.s32 s5, s1;
	s7 =	simm.s32 @!p4 $0x0  }
0xa5: {  	p2 =	slt.s32 s6, s3;
	s6 =	sadd.s32 s11, s6;
	s9 =	spop (v2sf)  }
0xa6: {  	s7 =	sadd.s32 s7, s1;
	s13 =	simm.s32 @!p2 $0x0;
	p2 =	slt.s32 s6, s3  }
0xa7: {  	s6 =	sadd.s32 s10, s6;
	s5 =	spop (v2sf);
	s7 =	sadd.s32 s13, s7  }
0xa8: {  	s13 =	simm.s32 $0x1;
	s24 =	sadd.s32 s9, s6;
	s30 =	spop (v2sf)  }
0xa9: {  	s13 =	simm.s32 @!p2 $0x0;
	p2 =	slt.s32 s6, s3;
	s17 =	sadd.s32 s5, s24  }
0xaa: {  	s1 =	spop (v2sf);
	s7 =	sadd.s32 s13, s7;
	s13 =	simm.s32 $0x1  }
0xab: {  	s29 =	spop (v2sf);
	s13 =	simm.s32 @!p2 $0x0;
	p2 =	slt.s32 s24, s3  }
0xac: {  	s26 =	spop (v2sf);
	s13 =	sadd.s32 s13, s7;
	s31 =	simm.s32 @!p2 $0x0  }
0xad: {  	p2 =	slt.s32 s17, s3;
	s17 =	sadd.s32 s30, s17;
	s28 =	spop (v2sf)  }
0xae: {  	s13 =	sadd.s32 s31, s13;
	s31 =	simm.s32 $0x1;
	s6 =	spop (v2sf)  }
0xaf: {  	s31 =	simm.s32 @!p2 $0x0;
	p2 =	slt.s32 s17, s3;
	s17 =	sadd.s32 s1, s17  }
0xb0: {  	s7 =	spop (v2sf);
	s13 =	sadd.s32 s31, s13;
	s31 =	simm.s32 $0x1  }
0xb1: {  	s24 =	spop (v2sf);
	s31 =	simm.s32 @!p2 $0x0;
	p2 =	slt.s32 s17, s3  }
0xb2: {  	s17 =	sadd.s32 s29, s17;
	s13 =	sadd.s32 s31, s13;
	s31 =	simm.s32 $0x1  }
0xb3: {  	s31 =	simm.s32 @!p2 $0x0;
	p2 =	slt.s32 s17, s3  }
0xb4: {  	v5 =	vld [tilespmem:s22+$0x0];
	s17 =	sadd.s32 s26, s17;
	s13 =	sadd.s32 s31, s13;
	s31 =	simm.s32 $0x1  }
0xb5: {  	s31 =	simm.s32 @!p2 $0x0;
	p2 =	slt.s32 s17, s3  }
0xb6: {  	s17 =	sadd.s32 s28, s17;
	s13 =	sadd.s32 s31, s13;
	s31 =	simm.s32 $0x1  }
0xb7: {  	s31 =	simm.s32 @!p2 $0x0;
	p2 =	slt.s32 s17, s3  }
0xb8: {  	s17 =	sadd.s32 s6, s17;
	s13 =	sadd.s32 s31, s13;
	s31 =	simm.s32 $0x1  }
0xb9: {  	vm9 =	vcmask $0x1B20;
	v6 =	vnsel vm1, $0x0, v5;
	v7 =	vsel vm5, $0x0, v5;
	s31 =	simm.s32 @!p2 $0x0;
	p2 =	slt.s32 s17, s3  }
0xba: {  	v8 =	vsel vm3, $0x0, v5;
	v9 =	vsel vm2, $0x0, v5;
	v10 =	vsel vm7, $0x0, v5;
	s17 =	sadd.s32 s7, s17;
	s13 =	sadd.s32 s31, s13;
	s31 =	simm.s32 $0x1  }
0xbb: {  	v11 =	vsel vm8, $0x0, v5;
	v12 =	vsel vm9, $0x0, v5;
	vm9 =	vcmask $0x1F24;
	(xrf0) =	vadd.scan.msk.s32 $0xffff, v6;
	s31 =	simm.s32 @!p2 $0x0;
	p2 =	slt.s32 s17, s3  }
0xbc: {  	v6 =	vsel vm4, $0x0, v5;
	v13 =	vsel vm9, $0x0, v5;
	(xrf0) =	vadd.scan.msk.s32 $0xffff, v7;
	s17 =	sadd.s32 s24, s17;
	s13 =	sadd.s32 s31, s13;
	s31 =	simm.s32 $0x1  }
0xbd: {  	v14 =	vsel vm11, $0x0, v5;
	v15 =	vsel vm12, $0x0, v5;
	v7 =	vsel vm10, $0x0, v5;
	(xrf0) =	vadd.scan.msk.s32 $0xffff, v8;
	s31 =	simm.s32 @!p2 $0x0;
	p2 =	slt.s32 s17, s3;
	s17 =	simm.s32 $0x1  }
0xbe: {  	v16 =	vsel vm15, $0x0, v5;
	v17 =	vsel vm0, $0x0, v5;
	v8 =	vsel vm13, $0x0, v5;
	(xrf0) =	vadd.scan.msk.s32 $0xffff, v9;
	s13 =	sadd.s32 s31, s13;
	s17 =	simm.s32 @!p2 $0x0  }
0xbf: {  	v5 =	vsel vm6, $0x0, v5;
	(xrf0) =	vadd.scan.msk.s32 $0xffff, v10;
	s31 =	sadd.s32 s17, s13  }
0xc0: {  	p2 =	seq.s32 s18, s20;
	s20 =	smov.u32 s8;
	(xrf0) =	vadd.scan.msk.s32 $0xffff, v11;
	p4 =	seq.s32 s31, $0x0  }
0xc1: {  	v9, _, _ =	vpop (xrf0);
	(xrf0) =	vadd.scan.msk.s32 $0xffff, v6;
	p5 =	sgt.u32 s31, $0x2;
	p6 =	sgt.u32 s31, $0x3;
	s19 =	simm.s32 @p4 $0x0  }
0xc2: {  	(v2sf) =	vpush v9, $0xF;
	v6, _, _ =	vpop (xrf0);
	(xrf0) =	vadd.scan.msk.s32 $0xffff, v12;
	p4 =	sgt.u32 s31, $0x1;
	s2 =	simm.s32 @!p5 $0x0;
	s4 =	simm.s32 @!p6 $0x0  }
0xc3: {  	p5 =	sgt.u32 s31, $0x5;
	(v2sf) =	vpush v6, $0xF;
	v6, _, _ =	vpop (xrf0);
	(xrf0) =	vadd.scan.msk.s32 $0xffff, v13;
	s8 =	sadd.s32 s21, s19;
	s12 =	simm.s32 @!p4 $0x0  }
0xc4: {  	p4 =	sgt.u32 s31, $0x4;
	s10 =	simm.s32 @!p5 $0x0;
	(v2sf) =	vpush v6, $0xF;
	v6, _, _ =	vpop (xrf0);
	(xrf0) =	vadd.scan.msk.s32 $0xffff, v7;
	s8 =	sadd.s32 s12, s8  }
.Ltmp6:
0xc5: {  	s11 =	simm.s32 @!p4 $0x0;
	(v2sf) =	vpush v6, $0xF;
	v6, _, _ =	vpop (xrf0);
	(xrf0) =	vadd.scan.msk.s32 $0xffff, v14;
	s2 =	sadd.s32 s2, s8;
	(pc) =	sbr.rel @!p3 .LBB2_12-.Ltmp6, $4  }
0xc6: {  	p5 =	sgt.u32 s31, $0x7;
	p4 =	sgt.u32 s31, $0x6;
	(v2sf) =	vpush v6, $0xF;
	v6, _, _ =	vpop (xrf0);
	(xrf0) =	vadd.scan.msk.s32 $0xffff, v15;
	s2 =	sadd.s32 s4, s2  }
0xc7: {  	s5 =	simm.s32 @!p5 $0x0;
	s9 =	simm.s32 @!p4 $0x0;
	(v2sf) =	vpush v6, $0xF;
	v6, _, _ =	vpop (xrf0);
	(xrf0) =	vadd.scan.msk.s32 $0xffff, v8;
	s2 =	sadd.s32 s11, s2  }
0xc8: {  	p5 =	sgt.u32 s31, $0x9;
	p4 =	sgt.u32 s31, $0x8;
	(v2sf) =	vpush v6, $0xF;
	v6, _, _ =	vpop (xrf0);
	(xrf0) =	vadd.scan.msk.s32 $0xffff, v16;
	s2 =	sadd.s32 s10, s2  }
0xc9: {  	s1 =	simm.s32 @!p5 $0x0;
	s30 =	simm.s32 @!p4 $0x0;
	(v2sf) =	vpush v6, $0xF;
	v6, _, _ =	vpop (xrf0);
	(xrf0) =	vadd.scan.msk.s32 $0xffff, v17;
	s2 =	sadd.s32 s9, s2  }
0xca: {  	vm0 =	vmmov vm2  }
.LBB2_14:
0xcb: {  	p3 =	sgt.u32 @p1 s31, $0xA;
	p4 =	sgt.u32 @p1 s31, $0xB  }
0xcc: {  	p5 =	sgt.u32 @p1 s31, $0xC;
	s2 =	sadd.s32 @p1 s5, s2;
	s9 =	simm.s32 $0x1  }
0xcd: {  	s11 =	simm.s32 $0x1;
	s12 =	simm.s32 $0x1;
	s17 =	simm.s32 $0x1  }
0xce: {  	s19 =	simm.s32 $0x1;
	p2 =	por !p2, !p1;
	p3 =	por !p3, !p1  }
0xcf: {  	p4 =	por !p4, !p1;
	s2 =	sadd.s32 @p1 s30, s2;
	s29 =	simm.s32 @p3 $0x0  }
0xd0: {  	s26 =	simm.s32 @p4 $0x0;
	p3 =	por !p5, !p1;
	s1 =	sadd.s32 @p1 s1, s2  }
0xd1: {  	s28 =	simm.s32 @p3 $0x0;
	p3 =	sgt.u32 @p1 s31, $0xD;
	s1 =	sadd.s32 @p1 s29, s1  }
0xd2: {  	(v2sf) =	vpush v6, $0xF;
	p4 =	sgt.u32 @p1 s31, $0xE;
	p3 =	por !p3, !p1;
	s1 =	sadd.s32 @p1 s26, s1  }
0xd3: {  	v6, _, _ =	vpop (xrf0);
	s26 =	simm.s32 $0x1;
	s6 =	simm.s32 @p3 $0x0;
	p3 =	por !p4, !p1  }
0xd4: {  	(v2sf) =	vpush v6, $0xF;
	v6, _, _ =	vpop (xrf0);
	s1 =	sadd.s32 @p1 s28, s1;
	s7 =	simm.s32 @p3 $0x0;
	p3 =	sgt.u32 @p1 s31, $0xF  }
0xd5: {  	(v2sf) =	vpush v6, $0xF;
	s8 =	spop (v2sf);
	s1 =	sadd.s32 @p1 s6, s1;
	p3 =	por !p3, !p1  }
0xd6: {  	v6, _, _ =	vpop (xrf0);
	s28 =	sadd.s32 s21, s8;
	s4 =	spop (v2sf);
	s22 =	sadd.s32 @p1 s7, s1  }
0xd7: {  	(v2sf) =	vpush v6, $0xF;
	v6, _, _ =	vpop (xrf0);
	s29 =	sadd.s32 s4, s28;
	s2 =	spop (v2sf);
	s24 =	simm.s32 @p3 $0x0  }
0xd8: {  	(v2sf) =	vpush v6, $0xF;
	p4 =	slt.s32 s29, s3;
	s1 =	spop (v2sf);
	s10 =	sadd.s32 s2, s29  }
0xd9: {  	s29 =	simm.s32 $0x1;
	s9 =	simm.s32 @!p4 $0x0;
	s5 =	spop (v2sf)  }
0xda: {  	(xrf0) =	vadd.scan.msk.s32 $0xffff, v5;
	p4 =	slt.s32 s28, s3;
	p5 =	slt.s32 s10, s3;
	s13 =	sadd.s32 s1, s10  }
0xdb: {  	v5, _, _ =	vpop (xrf0);
	s28 =	simm.s32 $0x1;
	s6 =	spop (v2sf);
	s11 =	simm.s32 @!p4 $0x0  }
0xdc: {  	(v2sf) =	vpush v5, $0xF;
	s12 =	simm.s32 @!p5 $0x0;
	p4 =	slt.s32 s13, s3;
	s13 =	sadd.s32 s5, s13  }
0xdd: {  	s7 =	spop (v2sf);
	s11 =	sadd.s32 s11, s9;
	s17 =	simm.s32 @!p4 $0x0  }
0xde: {  	v5, _, _ =	vpop (xrf0);
	p4 =	slt.s32 s13, s3;
	s23 =	sadd.s32 s6, s13;
	s9 =	spop (v2sf)  }
0xdf: {  	(v2sf) =	vpush v5, $0xF;
	s12 =	sadd.s32 s12, s11;
	s19 =	simm.s32 @!p4 $0x0;
	p4 =	slt.s32 s23, s3  }
0xe0: {  	v5, _, _ =	vpop (xrf0);
	s23 =	sadd.s32 s7, s23;
	s17 =	sadd.s32 s17, s12;
	s26 =	simm.s32 @!p4 $0x0  }
0xe1: {  	(v2sf) =	vpush v5, $0xF;
	p4 =	slt.s32 s23, s3;
	s23 =	sadd.s32 s9, s23;
	s10 =	spop (v2sf)  }
0xe2: {  	s17 =	sadd.s32 s19, s17;
	s28 =	simm.s32 @!p4 $0x0;
	p4 =	slt.s32 s23, s3  }
0xe3: {  	s11 =	spop (v2sf);
	s17 =	sadd.s32 s26, s17;
	s23 =	sadd.s32 s10, s23  }
0xe4: {  	s26 =	simm.s32 $0x1;
	s12 =	spop (v2sf);
	s17 =	sadd.s32 s28, s17  }
0xe5: {  	s26 =	simm.s32 @!p4 $0x0;
	p4 =	slt.s32 s23, s3;
	s23 =	sadd.s32 s11, s23  }
0xe6: {  	s13 =	spop (v2sf);
	s17 =	sadd.s32 s26, s17;
	s26 =	simm.s32 $0x1  }
0xe7: {  	s28 =	simm.s32 $0x1;
	s19 =	spop (v2sf);
	s26 =	simm.s32 @!p4 $0x0  }
0xe8: {  	p4 =	slt.s32 s23, s3;
	s23 =	sadd.s32 s12, s23;
	s17 =	sadd.s32 s26, s17  }
0xe9: {  	s28 =	simm.s32 @!p4 $0x0;
	p4 =	slt.s32 s23, s3;
	s26 =	simm.s32 $0x1  }
0xea: {  	s23 =	sadd.s32 s13, s23;
	s17 =	sadd.s32 s28, s17;
	s26 =	simm.s32 @!p4 $0x0  }
0xeb: {  	p4 =	slt.s32 s23, s3;
	s30 =	sadd.s32 s19, s23;
	s23 =	spop (v2sf)  }
0xec: {  	s17 =	sadd.s32 s26, s17;
	s26 =	simm.s32 $0x1;
	s28 =	sadd.s32 s23, s30  }
0xed: {  	s26 =	simm.s32 @!p4 $0x0;
	p4 =	slt.s32 s30, s3;
	s30 =	simm.s32 $0x1  }
0xee: {  	s17 =	sadd.s32 s26, s17;
	s29 =	simm.s32 @!p4 $0x0;
	s26 =	spop (v2sf)  }
0xef: {  	p4 =	slt.s32 s28, s3;
	s17 =	sadd.s32 s29, s17;
	s29 =	sadd.s32 s26, s28  }
0xf0: {  	s28 =	spop (v2sf);
	s30 =	simm.s32 @!p4 $0x0;
	p4 =	slt.s32 s29, s3  }
0xf1: {  	s29 =	sadd.s32 s28, s29;
	s17 =	sadd.s32 s30, s17;
	s30 =	simm.s32 $0x1  }
0xf2: {  	s30 =	simm.s32 @!p4 $0x0;
	p4 =	slt.s32 s29, s3;
	s29 =	simm.s32 $0x1  }
0xf3: {  	s22 =	sadd.s32 @p1 s24, s22;
	s17 =	sadd.s32 s30, s17;
	s29 =	simm.s32 @!p4 $0x0  }
0xf4: {  	s31 =	smov.u32 @p2 s0;
	s22 =	smov.u32 @p2 s25;
	s17 =	sadd.s32 s29, s17  }
0xf5: {  	p2 =	seq.s32 s18, s20;
	p3 =	seq.s32 s17, $0x0;
	p4 =	sgt.u32 s17, $0x2  }
0xf6: {  	s8 =	simm.s32 @p3 $0x0;
	p3 =	sgt.u32 s17, $0x1;
	s2 =	simm.s32 @!p4 $0x0  }
0xf7: {  	p4 =	sgt.u32 s17, $0x5;
	s29 =	sadd.s32 s21, s8;
	s4 =	simm.s32 @!p3 $0x0  }
0xf8: {  	p3 =	sgt.u32 s17, $0x3;
	s6 =	simm.s32 @!p4 $0x0;
	s0 =	sadd.s32 s4, s29  }
0xf9: {  	s1 =	simm.s32 @!p3 $0x0;
	p3 =	sgt.u32 s17, $0x4;
	s0 =	sadd.s32 s2, s0  }
0xfa: {  	p4 =	sgt.u32 s17, $0x7;
	s5 =	simm.s32 @!p3 $0x0;
	s0 =	sadd.s32 s1, s0  }
0xfb: {  	s9 =	simm.s32 @!p4 $0x0;
	p3 =	sgt.u32 s17, $0x6;
	s0 =	sadd.s32 s5, s0  }
0xfc: {  	p4 =	sgt.u32 s17, $0x9;
	s7 =	simm.s32 @!p3 $0x0;
	s0 =	sadd.s32 s6, s0  }
0xfd: {  	s4 =	simm.s32 $0x0;
	p3 =	sgt.u32 s17, $0x8;
	s0 =	sadd.s32 s7, s0  }
0xfe: {  	s11 =	simm.s32 @!p4 $0x0;
	s10 =	simm.s32 @!p3 $0x0;
	s0 =	sadd.s32 s9, s0  }
0xff: {  	p4 =	sgt.u32 s17, $0xB;
	p3 =	sgt.u32 s17, $0xA;
	s0 =	sadd.s32 s10, s0  }
0x100: {  	s4 =	smov.u32 @p1 s22;
	s12 =	simm.s32 @!p3 $0x0;
	s0 =	sadd.s32 s11, s0  }
0x101: {  	s13 =	simm.s32 @!p4 $0x0;
	p3 =	sgt.u32 s17, $0xC;
	s0 =	sadd.s32 s12, s0  }
0x102: {  	v5 =	vld [tilespmem:$0x1FFE0];
	s19 =	simm.s32 @!p3 $0x0;
	p3 =	sgt.u32 s17, $0xD;
	s0 =	sadd.s32 s13, s0  }
0x103: {  	s23 =	simm.s32 @!p3 $0x0;
	p3 =	sgt.u32 s17, $0xE;
	s0 =	sadd.s32 s19, s0  }
0x104: {  	s26 =	simm.s32 @!p3 $0x0;
	p3 =	sgt.u32 s17, $0xF;
	s30 =	sadd.s32 s23, s0  }
0x105: {  	s28 =	simm.s32 @!p3 $0x0;
	s0 =	simm.s32 $0x0;
	s1 =	sadd.s32 s26, s30  }
0x106: {  	s2 =	simm.s32 $0x0;
	s0 =	smov.u32 @p1 s31;
	s1 =	sadd.s32 s28, s1  }
0x107: {  	vm7 =	vcmask $0xF14;
	vm5 =	vcmask $0x308;
	vm1 =	vnez.u8 v5;
	s0 =	smov.u32 @p2 s17;
	s4 =	smov.u32 @p2 s1;
	s1 =	simm.s32 $0x40  }
.LBB2_15:
0x108: {  	p1 =	seq.s32 s1, $0x1FC0;
	[tilespmem:s2+$0x4E80] =	vst v1;
	s2 =	smov.u32 s1;
	s1 =	sadd.s32 $0x40, s1  }
.Ltmp7:
0x109: {  	(pc) =	sbr.rel @!p1 .LBB2_15-.Ltmp7, $2  }
0x10a: {  	_ =	sdelay $0x2  }
0x10b: {  	s2 =	sshra.s32 s2, $0x2  }
0x10c: {  	s1 =	sshll.u32 s18, $0x4  }
0x10d: {  	s0 =	sadd.s32 s1, s0  }
0x10e: {  	[tilespmem:s2+$0x4E80] =	vst v1;
	s1 =	simm.s32 $0x0;
	[dreg:$0x9] =	wrdreg s0;
	v5 =	vmov s0;
	s0 =	simm.s32 $0x40  }
.LBB2_17:
0x10f: {  	p1 =	sne.s32 s0, $0x13840;
	v6 =	vld [tilespmem:s1+$0x0];
	_ =	sdelay $0x4  }
0x110: {  	v7 =	vshra.s32 v6, $0x15  }
0x111: {  	v6 =	vshrl.u32 v6, $0xA;
	v7 =	vadd.s32 $0x400, v7  }
0x112: {  	v6 =	vand.u32 $0x7FF, v6;
	vm2 =	veq.s32 v7, v5  }
0x113: {  	v6 =	vnsel vm2, $0x800, v6  }
.Ltmp8:
0x114: {  	(pc) =	sbr.rel @p1 .LBB2_17-.Ltmp8, $2  }
0x115: {  	_ =	sdelay $0x2  }
0x116: {  	s1 =	sshra.s32 s0, $0x2;
	s0 =	sadd.s32 $0x40, s0;
	[tilespmem:v6+s16+$0x0] =	vst.idx.add.s32.msk $0xffff, v2  }
0x117: {  	v6 =	vld [tilespmem:s1+$0x0];
	_ =	sdelay $0x4  }
0x118: {  	v7 =	vshra.s32 v6, $0x15  }
0x119: {  	v6 =	vshrl.u32 v6, $0xA;
	v7 =	vadd.s32 $0x400, v7  }
0x11a: {  	v6 =	vand.u32 $0x7FF, v6;
	vm2 =	veq.s32 v7, v5  }
0x11b: {  	v6 =	vnsel vm2, $0x800, v6;
	_ =	sdelay $0x4  }
0x11c: {  	s5 =	simm.s32 $0x4E80;
	[tilespmem:v6+s16+$0x0] =	vst.idx.add.s32.msk $0xffff, v2  }
0x11d: {  	v6 =	vld [tilespmem:s5+$0x0];
	_ =	sdelay $0x4  }
0x11e: {  	(xrf0) =	vadd.scan.msk.s32 $0xffff, v6;
	_ =	sdelay $0x5  }
0x11f: {  	v6, _, _ =	vpop (xrf0)  }
0x120: {  	(v2sf) =	vpush v6, $0xF;
	_ =	sdelay $0x1  }
0x121: {  	s24 =	simm.s32 $0x4E90  }
0x122: {  	v6 =	vld [tilespmem:s24+$0x0];
	_ =	sdelay $0x2  }
0x123: {  	s0 =	simm.s32 $0x4EA0  }
0x124: {  	v7 =	vld [tilespmem:s0+$0x0]  }
0x125: {  	(xrf0) =	vadd.scan.msk.s32 $0xffff, v6;
	_ =	sdelay $0x3  }
0x126: {  	(xrf0) =	vadd.scan.msk.s32 $0xffff, v7;
	_ =	sdelay $0x1  }
0x127: {  	v7, _, _ =	vpop (xrf0)  }
0x128: {  	s31 =	spop (v2sf);
	(v2sf) =	vpush v7, $0xF  }
0x129: {  	s30 =	simm.s32 $0x4EB0  }
0x12a: {  	v6 =	vld [tilespmem:s30+$0x0]  }
0x12b: {  	v7, _, _ =	vpop (xrf0)  }
0x12c: {  	(v2sf) =	vpush v7, $0xF;
	_ =	sdelay $0x1  }
0x12d: {  	s19 =	ssub.s32 s3, s4;
	s21 =	simm.s32 $0xFFFFFFFF;
	s22 =	simm.s32 $0x1  }
0x12e: {  	s25 =	simm.s32 $0x2;
	s2 =	simm.s32 $0x3;
	p1 =	por $0x1, $0x1;
	(xrf0) =	vadd.scan.msk.s32 $0xffff, v6  }
0x12f: {  	s9 =	simm.s32 $0x5;
	s10 =	simm.s32 $0x4EC0;
	s1 =	sadd.s32 $0x0, s31  }
0x130: {  	s8 =	simm.s32 $0x0;
	s4 =	simm.s32 $0x0;
	v6 =	vld [tilespmem:s10+$0x0];
	p2 =	sge.s32 s1, s19  }
0x131: {  	s23 =	simm.s32 $0x0;
	s7 =	simm.s32 $0x1;
	p1 =	por !p1, !p2  }
0x132: {  	s6 =	simm.s32 $0x2;
	s0 =	simm.s32 $0x4;
	p1 =	por !p1, !p1  }
.LBB2_19:
0x133: {  	p2 =	sne.s32 s9, $0x7F;
	s21 =	smov.u32 @p1 s8;
	s23 =	smov.u32 @p1 s4  }
0x134: {  	v7, _, _ =	vpop (xrf0);
	s8 =	smov.u32 s7;
	s7 =	smov.u32 s6;
	s6 =	smov.u32 s2  }
0x135: {  	s2 =	smov.u32 s0;
	s0 =	smov.u32 s9;
	s9 =	sadd.s32 $0x1, s9;
	(xrf0) =	vadd.scan.msk.s32 $0xffff, v6;
	(v2sf) =	vpush v7, $0xF  }
.Ltmp9:
0x136: {  	s10 =	sadd.s32 $0x10, s10;
	s11 =	spop (v2sf);
	(pc) =	sbr.rel @p2 .LBB2_19-.Ltmp9, $4  }
0x137: {  	s4 =	smov.u32 s1;
	v6 =	vld [tilespmem:s10+$0x0];
	s1 =	sadd.s32 s1, s11  }
0x138: {  	p1 =	slt.s32 s21, $0x0;
	p3 =	sge.s32 s1, s19  }
0x139: {  	p1 =	por !p1, !p3  }
0x13a: {  	p1 =	por !p1, !p1  }
0x13b: {  	_ = 	snop  }
0x13c: {  	(xrf0) =	vadd.scan.msk.s32 $0xffff, v6;
	_ =	sdelay $0x4  }
0x13d: {  	v6, _, _ =	vpop (xrf0)  }
0x13e: {  	(v2sf) =	vpush v6, $0xF;
	v6, _, _ =	vpop (xrf0)  }
0x13f: {  	(v2sf) =	vpush v6, $0xF;
	v6 =	vld [tilespmem:s5+$0x0];
	_ =	sdelay $0x4  }
0x140: {  	v7 =	vnsel vm1, $0x0, v6  }
0x141: {  	vm3 =	vcmask $0x70C;
	v8 =	vsel vm5, $0x0, v6;
	(xrf0) =	vadd.scan.msk.s32 $0xffff, v7  }
0x142: {  	v7 =	vsel vm3, $0x0, v6;
	(xrf0) =	vadd.scan.msk.s32 $0xffff, v8  }
0x143: {  	s26 =	spop (v2sf);
	v8 =	vsel vm0, $0x0, v6;
	(xrf0) =	vadd.scan.msk.s32 $0xffff, v7  }
0x144: {  	s21 =	smov.u32 @p1 s8;
	vm8 =	vcmask $0x1318;
	s5 =	sadd.s32 s1, s26;
	v7 =	vsel vm7, $0x0, v6;
	(xrf0) =	vadd.scan.msk.s32 $0xffff, v8  }
0x145: {  	vm4 =	vcmask $0x171C;
	p2 =	slt.s32 s21, $0x0;
	p3 =	sge.s32 s5, s19;
	v8 =	vsel vm8, $0x0, v6;
	(xrf0) =	vadd.scan.msk.s32 $0xffff, v7  }
0x146: {  	vm2 =	vcmask $0x1B20;
	p2 =	por !p2, !p3;
	v7 =	vsel vm4, $0x0, v6;
	(xrf0) =	vadd.scan.msk.s32 $0xffff, v8  }
0x147: {  	vm9 =	vcmask $0x1F24;
	s28 =	spop (v2sf);
	p2 =	por !p2, !p2;
	v8 =	vsel vm2, $0x0, v6;
	v9, _, _ =	vpop (xrf0);
	(xrf0) =	vadd.scan.msk.s32 $0xffff, v7  }
0x148: {  	vm10 =	vcmask $0x2328;
	s21 =	smov.u32 @p2 s7;
	s7 =	sadd.s32 s5, s28;
	v7 =	vsel vm9, $0x0, v6;
	v58, _, _ =	vpop (xrf0);
	(xrf0) =	vadd.scan.msk.s32 $0xffff, v8  }
0x149: {  	vm11 =	vcmask $0x272C;
	p5 =	slt.s32 s21, $0x0;
	p4 =	sge.s32 s7, s19;
	v8 =	vsel vm10, $0x0, v6;
	v59, _, _ =	vpop (xrf0);
	(xrf0) =	vadd.scan.msk.s32 $0xffff, v7  }
0x14a: {  	vm12 =	vcmask $0x2B30;
	vm13 =	vcmask $0x2F34;
	p3 =	por !p5, !p4;
	v7 =	vsel vm11, $0x0, v6;
	v60, _, _ =	vpop (xrf0);
	(xrf0) =	vadd.scan.msk.s32 $0xffff, v8  }
0x14b: {  	p3 =	por !p3, !p3;
	s29 =	spop (v2sf);
	v8 =	vsel vm12, $0x0, v6;
	v61, _, _ =	vpop (xrf0);
	(xrf0) =	vadd.scan.msk.s32 $0xffff, v7;
	v7 =	vsel vm13, $0x0, v6  }
0x14c: {  	vm15 =	vcmask $0x3338;
	s21 =	smov.u32 @p3 s6;
	s6 =	sadd.s32 s7, s29;
	v62, _, _ =	vpop (xrf0);
	(xrf0) =	vadd.scan.msk.s32 $0xffff, v8  }
0x14d: {  	s23 =	smov.u32 @p1 s4;
	p6 =	slt.s32 s21, $0x0;
	p5 =	sge.s32 s6, s19;
	(v2sf) =	vpush v9, $0xF;
	v8 =	vsel vm15, $0x0, v6;
	v63, _, _ =	vpop (xrf0);
	(xrf0) =	vadd.scan.msk.s32 $0xffff, v7  }
0x14e: {  	s23 =	smov.u32 @p2 s1;
	p4 =	por !p6, !p5;
	(v2sf) =	vpush v58, $0xF;
	v7, _, _ =	vpop (xrf0);
	(xrf0) =	vadd.scan.msk.s32 $0xffff, v8;
	v8 =	vld [tilespmem:$0x1FFF0]  }
0x14f: {  	p2 =	por $0x0, $0x0;
	p4 =	por !p4, !p4;
	s30 =	spop (v2sf);
	(v2sf) =	vpush v59, $0xF  }
.Ltmp10:
0x150: {  	s21 =	smov.u32 @p4 s2;
	s31 =	sadd.s32 s6, s30;
	(v2sf) =	vpush v60, $0xF;
	(pc) =	sbr.rel @p2 .LBB2_21-.Ltmp10, $4  }
0x151: {  	p5 =	slt.s32 s21, $0x0;
	p6 =	sge.s32 s31, s19;
	(v2sf) =	vpush v61, $0xF  }
0x152: {  	vm3 =	vmmov vm0;
	vm0 =	vcmask $0x373C;
	s23 =	smov.u32 @p3 s5;
	p1 =	por !p5, !p6;
	(v2sf) =	vpush v62, $0xF  }
0x153: {  	v10 =	vsel vm0, $0x0, v6;
	s23 =	smov.u32 @p4 s7;
	p1 =	por !p1, !p1;
	(v2sf) =	vpush v63, $0xF;
	vm6 =	vnez.u8 v8  }
0x154: {  	s21 =	smov.u32 @p1 s0;
	s23 =	smov.u32 @p1 s6;
	(v2sf) =	vpush v7, $0xF;
	v7, _, _ =	vpop (xrf0);
	(xrf0) =	vadd.scan.msk.s32 $0xffff, v10;
	p1 =	por $0x0, $0x0;
	v6 =	vsel vm6, $0x0, v6  }
0x155: {  	_ = 	snop  }
0x156: {  	(v2sf) =	vpush v7, $0xF;
	v7, _, _ =	vpop (xrf0)  }
0x157: {  	(v2sf) =	vpush v7, $0xF;
	v7, _, _ =	vpop (xrf0)  }
0x158: {  	(v2sf) =	vpush v7, $0xF  }
0x159: {  	v7, _, _ =	vpop (xrf0)  }
0x15a: {  	(v2sf) =	vpush v7, $0xF;
	v7, _, _ =	vpop (xrf0)  }
0x15b: {  	(v2sf) =	vpush v7, $0xF  }
0x15c: {  	s5 =	simm.s32 $0x1;
	s13 =	spop (v2sf)  }
0x15d: {  	s6 =	simm.s32 $0x1;
	s0 =	sadd.s32 s23, s13;
	s12 =	spop (v2sf)  }
0x15e: {  	s8 =	simm.s32 $0x1;
	s1 =	sadd.s32 s12, s0;
	s11 =	spop (v2sf)  }
0x15f: {  	s17 =	simm.s32 $0x1;
	p1 =	slt.s32 s1, s19;
	s9 =	spop (v2sf)  }
0x160: {  	s1 =	sadd.s32 s11, s1;
	s5 =	simm.s32 @!p1 $0x0;
	s4 =	spop (v2sf)  }
0x161: {  	p1 =	slt.s32 s0, s19;
	p2 =	slt.s32 s1, s19;
	s18 =	sadd.s32 s9, s1  }
0x162: {  	(xrf0) =	vadd.scan.msk.s32 $0xffff, v6;
	s2 =	spop (v2sf);
	s6 =	simm.s32 @!p1 $0x0;
	s8 =	simm.s32 @!p2 $0x0  }
0x163: {  	p1 =	slt.s32 s18, s19;
	s0 =	spop (v2sf);
	s5 =	sadd.s32 s6, s5  }
0x164: {  	s7 =	spop (v2sf);
	s5 =	sadd.s32 s8, s5;
	s8 =	simm.s32 $0x1  }
0x165: {  	v6, _, _ =	vpop (xrf0);
	s10 =	sadd.s32 s4, s18;
	s1 =	spop (v2sf);
	s8 =	simm.s32 @!p1 $0x0  }
0x166: {  	(v2sf) =	vpush v6, $0xF;
	v6, _, _ =	vpop (xrf0);
	p1 =	slt.s32 s10, s19;
	s10 =	sadd.s32 s2, s10;
	s6 =	spop (v2sf)  }
0x167: {  	(v2sf) =	vpush v6, $0xF;
	s5 =	sadd.s32 s8, s5;
	s8 =	simm.s32 $0x1;
	s31 =	spop (v2sf)  }
0x168: {  	v6, _, _ =	vpop (xrf0);
	s8 =	simm.s32 @!p1 $0x0;
	p1 =	slt.s32 s10, s19;
	s10 =	sadd.s32 s0, s10  }
0x169: {  	(v2sf) =	vpush v6, $0xF;
	s29 =	spop (v2sf);
	s5 =	sadd.s32 s8, s5;
	s8 =	simm.s32 $0x1  }
0x16a: {  	s20 =	sadd.s32 s7, s10;
	s30 =	spop (v2sf);
	s8 =	simm.s32 @!p1 $0x0  }
0x16b: {  	p1 =	slt.s32 s10, s19;
	s10 =	simm.s32 $0x1;
	s5 =	sadd.s32 s8, s5  }
0x16c: {  	s17 =	simm.s32 @!p1 $0x0;
	p1 =	slt.s32 s20, s19;
	s8 =	sadd.s32 s1, s20  }
0x16d: {  	s5 =	sadd.s32 s17, s5;
	s10 =	simm.s32 @!p1 $0x0;
	p1 =	slt.s32 s8, s19  }
0x16e: {  	s8 =	sadd.s32 s6, s8;
	s5 =	sadd.s32 s10, s5;
	s10 =	simm.s32 $0x1  }
0x16f: {  	s17 =	simm.s32 $0x1;
	s10 =	simm.s32 @!p1 $0x0;
	p1 =	slt.s32 s8, s19  }
0x170: {  	s8 =	sadd.s32 s31, s8;
	s5 =	sadd.s32 s10, s5;
	s17 =	simm.s32 @!p1 $0x0  }
0x171: {  	p1 =	slt.s32 s8, s19;
	s8 =	sadd.s32 s29, s8;
	s10 =	simm.s32 $0x1  }
0x172: {  	v6 =	vld [tilespmem:s24+$0x0];
	s5 =	sadd.s32 s17, s5;
	s10 =	simm.s32 @!p1 $0x0;
	p1 =	slt.s32 s8, s19  }
0x173: {  	s26 =	sadd.s32 s30, s8;
	s5 =	sadd.s32 s10, s5;
	s10 =	simm.s32 $0x1  }
0x174: {  	s18 =	simm.s32 $0x1;
	s10 =	simm.s32 @!p1 $0x0;
	p1 =	slt.s32 s26, s19  }
0x175: {  	s8 =	spop (v2sf);
	s5 =	sadd.s32 s10, s5;
	s18 =	simm.s32 @!p1 $0x0  }
0x176: {  	s10 =	spop (v2sf);
	s17 =	sadd.s32 s8, s26;
	s5 =	sadd.s32 s18, s5  }
0x177: {  	v7 =	vnsel vm1, $0x0, v6;
	p1 =	slt.s32 s17, s19;
	s17 =	sadd.s32 s10, s17;
	s18 =	simm.s32 $0x1  }
0x178: {  	vm2 =	vcmask $0x70C;
	v8 =	vsel vm5, $0x0, v6;
	(xrf0) =	vadd.scan.msk.s32 $0xffff, v7;
	s26 =	spop (v2sf);
	s18 =	simm.s32 @!p1 $0x0;
	p1 =	slt.s32 s17, s19  }
0x179: {  	v7 =	vsel vm2, $0x0, v6;
	(xrf0) =	vadd.scan.msk.s32 $0xffff, v8;
	s17 =	sadd.s32 s26, s17;
	s5 =	sadd.s32 s18, s5;
	s18 =	simm.s32 $0x1  }
0x17a: {  	v8 =	vsel vm3, $0x0, v6;
	(xrf0) =	vadd.scan.msk.s32 $0xffff, v7;
	s18 =	simm.s32 @!p1 $0x0;
	p1 =	slt.s32 s17, s19;
	s17 =	simm.s32 $0x1  }
0x17b: {  	p3 =	por $0x0, $0x0;
	v7 =	vsel vm7, $0x0, v6;
	(xrf0) =	vadd.scan.msk.s32 $0xffff, v8;
	s5 =	sadd.s32 s18, s5;
	s17 =	simm.s32 @!p1 $0x0  }
0x17c: {  	s28 =	simm.s32 $0x0;
	p2 =	seq.s32 s21, $0x0;
	v8 =	vsel vm8, $0x0, v6;
	(xrf0) =	vadd.scan.msk.s32 $0xffff, v7;
	s5 =	sadd.s32 s17, s5  }
0x17d: {  	vm2 =	vcmask $0x1B20;
	v7 =	vsel vm4, $0x0, v6;
	(xrf0) =	vadd.scan.msk.s32 $0xffff, v8;
	p1 =	seq.s32 s5, $0x0;
	p4 =	sgt.u32 s5, $0x2;
	p5 =	sgt.u32 s5, $0x3  }
0x17e: {  	v8 =	vsel vm2, $0x0, v6;
	v9, _, _ =	vpop (xrf0);
	(xrf0) =	vadd.scan.msk.s32 $0xffff, v7;
	s13 =	simm.s32 @p1 $0x0;
	p1 =	sgt.u32 s5, $0x1;
	s11 =	simm.s32 @!p4 $0x0  }
0x17f: {  	v7 =	vsel vm9, $0x0, v6;
	(v2sf) =	vpush v9, $0xF;
	v58, _, _ =	vpop (xrf0);
	(xrf0) =	vadd.scan.msk.s32 $0xffff, v8;
	s9 =	simm.s32 @!p5 $0x0;
	p4 =	sgt.u32 s5, $0x5;
	s13 =	sadd.s32 s23, s13  }
0x180: {  	v8 =	vsel vm10, $0x0, v6;
	(v2sf) =	vpush v58, $0xF;
	v59, _, _ =	vpop (xrf0);
	(xrf0) =	vadd.scan.msk.s32 $0xffff, v7;
	s12 =	simm.s32 @!p1 $0x0;
	p1 =	sgt.u32 s5, $0x4;
	s2 =	simm.s32 @!p4 $0x0  }
0x181: {  	v7 =	vsel vm11, $0x0, v6;
	(v2sf) =	vpush v59, $0xF;
	v60, _, _ =	vpop (xrf0);
	(xrf0) =	vadd.scan.msk.s32 $0xffff, v8;
	p4 =	sgt.u32 s5, $0x7;
	s12 =	sadd.s32 s12, s13;
	s4 =	simm.s32 @!p1 $0x0  }
.Ltmp11:
0x182: {  	v8 =	vsel vm12, $0x0, v6;
	(v2sf) =	vpush v60, $0xF;
	v61, _, _ =	vpop (xrf0);
	(xrf0) =	vadd.scan.msk.s32 $0xffff, v7;
	v7 =	vsel vm13, $0x0, v6;
	p1 =	sgt.u32 s5, $0x6;
	s11 =	sadd.s32 s11, s12;
	(pc) =	sbr.rel @p3 .LBB2_23-.Ltmp11, $4  }
0x183: {  	(v2sf) =	vpush v61, $0xF;
	v62, _, _ =	vpop (xrf0);
	(xrf0) =	vadd.scan.msk.s32 $0xffff, v8;
	s7 =	simm.s32 @!p4 $0x0;
	p4 =	sgt.u32 s5, $0x9;
	s9 =	sadd.s32 s9, s11  }
0x184: {  	v8 =	vsel vm15, $0x0, v6;
	(v2sf) =	vpush v62, $0xF;
	v63, _, _ =	vpop (xrf0);
	(xrf0) =	vadd.scan.msk.s32 $0xffff, v7;
	s0 =	simm.s32 @!p1 $0x0;
	p1 =	sgt.u32 s5, $0x8;
	s4 =	sadd.s32 s4, s9  }
0x185: {  	v10 =	vsel vm0, $0x0, v6;
	(v2sf) =	vpush v63, $0xF;
	v7, _, _ =	vpop (xrf0);
	(xrf0) =	vadd.scan.msk.s32 $0xffff, v8;
	s6 =	simm.s32 @!p4 $0x0;
	s1 =	simm.s32 @!p1 $0x0;
	s2 =	sadd.s32 s2, s4  }
0x186: {  	v6 =	vsel vm6, $0x0, v6;
	(v2sf) =	vpush v7, $0xF;
	v7, _, _ =	vpop (xrf0);
	(xrf0) =	vadd.scan.msk.s32 $0xffff, v10;
	p1 =	por $0x1, $0x1;
	s2 =	sadd.s32 s0, s2;
	s0 =	simm.s32 $0x0  }
.LBB2_24:
0x187: {  	p3 =	sgt.u32 s5, $0xA  }
0x188: {  	p4 =	sgt.u32 s5, $0xB;
	p5 =	sgt.u32 s5, $0xC;
	s9 =	smov.u32 s25  }
0x189: {  	(v2sf) =	vpush v7, $0xF;
	v7, _, _ =	vpop (xrf0);
	(xrf0) =	vadd.scan.msk.s32 $0xffff, v6;
	s2 =	sadd.s32 s7, s2;
	s0 =	smov.u32 @p2 s5;
	s24 =	sadd.s32 $0x10, s24  }
0x18a: {  	(v2sf) =	vpush v7, $0xF;
	v6, _, _ =	vpop (xrf0);
	s31 =	simm.s32 @!p3 $0x0;
	s29 =	simm.s32 @!p4 $0x0;
	s1 =	sadd.s32 s1, s2  }
0x18b: {  	s30 =	simm.s32 @!p5 $0x0;
	p3 =	sgt.u32 s5, $0xD;
	(v2sf) =	vpush v6, $0xF;
	v6, _, _ =	vpop (xrf0);
	s1 =	sadd.s32 s6, s1  }
0x18c: {  	s8 =	simm.s32 @!p3 $0x0;
	p3 =	sgt.u32 s5, $0xE;
	(v2sf) =	vpush v6, $0xF;
	v6, _, _ =	vpop (xrf0);
	s1 =	sadd.s32 s31, s1  }
0x18d: {  	s10 =	simm.s32 @!p3 $0x0;
	p3 =	sgt.u32 s5, $0xF;
	(v2sf) =	vpush v6, $0xF;
	v6, _, _ =	vpop (xrf0);
	s1 =	sadd.s32 s29, s1  }
0x18e: {  	s17 =	simm.s32 $0x1;
	s26 =	simm.s32 @!p3 $0x0;
	(v2sf) =	vpush v6, $0xF;
	v6, _, _ =	vpop (xrf0);
	s1 =	sadd.s32 s30, s1  }
0x18f: {  	p3 =	seq.s32 s25, $0x7F;
	s25 =	sadd.s32 $0x1, s25;
	(v2sf) =	vpush v6, $0xF;
	v6, _, _ =	vpop (xrf0);
	s1 =	sadd.s32 s8, s1  }
0x190: {  	s8 =	simm.s32 $0x1;
	s13 =	spop (v2sf);
	(v2sf) =	vpush v6, $0xF;
	s1 =	sadd.s32 s10, s1  }
0x191: {  	s5 =	sadd.s32 s23, s13;
	s20 =	spop (v2sf);
	s1 =	sadd.s32 s26, s1  }
0x192: {  	s4 =	sadd.s32 s20, s5;
	s18 =	spop (v2sf);
	s28 =	smov.u32 @p2 s1  }
0x193: {  	s1 =	simm.s32 $0x1;
	p2 =	slt.s32 s5, s19;
	s5 =	simm.s32 $0x1  }
0x194: {  	p4 =	slt.s32 s4, s19;
	s2 =	spop (v2sf);
	s6 =	sadd.s32 s18, s4  }
0x195: {  	s5 =	simm.s32 @!p2 $0x0;
	s1 =	simm.s32 @!p4 $0x0;
	s4 =	spop (v2sf)  }
0x196: {  	p4 =	slt.s32 s6, s19;
	s6 =	sadd.s32 s2, s6;
	s12 =	spop (v2sf)  }
0x197: {  	s1 =	sadd.s32 s5, s1;
	s5 =	simm.s32 $0x1;
	p2 =	slt.s32 s6, s19  }
0x198: {  	s10 =	sadd.s32 s4, s6;
	s11 =	spop (v2sf);
	s5 =	simm.s32 @!p4 $0x0  }
0x199: {  	s8 =	simm.s32 @!p2 $0x0;
	p2 =	slt.s32 s10, s19;
	s10 =	sadd.s32 s12, s10  }
0x19a: {  	s7 =	spop (v2sf);
	s5 =	sadd.s32 s5, s1;
	s26 =	sadd.s32 s11, s10  }
0x19b: {  	s1 =	spop (v2sf);
	s5 =	sadd.s32 s8, s5;
	s8 =	simm.s32 $0x1  }
0x19c: {  	s16 =	sadd.s32 s7, s26;
	s6 =	spop (v2sf);
	s8 =	simm.s32 @!p2 $0x0  }
0x19d: {  	p2 =	slt.s32 s10, s19;
	s31 =	spop (v2sf);
	s5 =	sadd.s32 s8, s5  }
0x19e: {  	s17 =	simm.s32 @!p2 $0x0;
	p2 =	slt.s32 s26, s19;
	s29 =	spop (v2sf)  }
0x19f: {  	s5 =	sadd.s32 s17, s5;
	s17 =	simm.s32 $0x1;
	s30 =	spop (v2sf)  }
0x1a0: {  	s17 =	simm.s32 @!p2 $0x0;
	p2 =	slt.s32 s16, s19;
	s16 =	sadd.s32 s1, s16  }
0x1a1: {  	s8 =	spop (v2sf);
	s5 =	sadd.s32 s17, s5;
	s17 =	simm.s32 $0x1  }
0x1a2: {  	s10 =	spop (v2sf);
	s17 =	simm.s32 @!p2 $0x0;
	p2 =	slt.s32 s16, s19  }
0x1a3: {  	s16 =	sadd.s32 s6, s16;
	s5 =	sadd.s32 s17, s5;
	s17 =	simm.s32 $0x1  }
0x1a4: {  	s26 =	spop (v2sf);
	s17 =	simm.s32 @!p2 $0x0;
	p2 =	slt.s32 s16, s19  }
0x1a5: {  	s16 =	sadd.s32 s31, s16;
	s5 =	sadd.s32 s17, s5;
	s17 =	simm.s32 $0x1  }
0x1a6: {  	s17 =	simm.s32 @!p2 $0x0;
	p2 =	slt.s32 s16, s19  }
0x1a7: {  	v6 =	vld [tilespmem:s24+$0x0];
	s16 =	sadd.s32 s29, s16;
	s5 =	sadd.s32 s17, s5;
	s17 =	simm.s32 $0x1  }
0x1a8: {  	s17 =	simm.s32 @!p2 $0x0;
	p2 =	slt.s32 s16, s19  }
0x1a9: {  	s16 =	sadd.s32 s30, s16;
	s5 =	sadd.s32 s17, s5;
	s17 =	simm.s32 $0x1  }
0x1aa: {  	s17 =	simm.s32 @!p2 $0x0;
	p2 =	slt.s32 s16, s19  }
0x1ab: {  	s16 =	sadd.s32 s8, s16;
	s5 =	sadd.s32 s17, s5;
	s17 =	simm.s32 $0x1  }
0x1ac: {  	vm2 =	vcmask $0x70C;
	v7 =	vnsel vm1, $0x0, v6;
	s17 =	simm.s32 @!p2 $0x0;
	p2 =	slt.s32 s16, s19  }
0x1ad: {  	v8 =	vsel vm5, $0x0, v6;
	v9 =	vsel vm2, $0x0, v6;
	v10 =	vsel vm3, $0x0, v6;
	s16 =	sadd.s32 s10, s16;
	s5 =	sadd.s32 s17, s5;
	s17 =	simm.s32 $0x1  }
0x1ae: {  	v11 =	vsel vm7, $0x0, v6;
	v12 =	vsel vm8, $0x0, v6;
	vm2 =	vcmask $0x1B20;
	(xrf0) =	vadd.scan.msk.s32 $0xffff, v7;
	s17 =	simm.s32 @!p2 $0x0;
	p2 =	slt.s32 s16, s19  }
0x1af: {  	v14 =	vsel vm9, $0x0, v6;
	v7 =	vsel vm4, $0x0, v6;
	v13 =	vsel vm2, $0x0, v6;
	(xrf0) =	vadd.scan.msk.s32 $0xffff, v8;
	s16 =	sadd.s32 s26, s16;
	s5 =	sadd.s32 s17, s5;
	s17 =	simm.s32 $0x1  }
0x1b0: {  	v15 =	vsel vm11, $0x0, v6;
	v16 =	vsel vm12, $0x0, v6;
	v8 =	vsel vm10, $0x0, v6;
	(xrf0) =	vadd.scan.msk.s32 $0xffff, v9;
	s17 =	simm.s32 @!p2 $0x0;
	p2 =	slt.s32 s16, s19;
	s16 =	simm.s32 $0x1  }
0x1b1: {  	v17 =	vsel vm15, $0x0, v6;
	v18 =	vsel vm0, $0x0, v6;
	v9 =	vsel vm13, $0x0, v6;
	(xrf0) =	vadd.scan.msk.s32 $0xffff, v10;
	s5 =	sadd.s32 s17, s5;
	s16 =	simm.s32 @!p2 $0x0  }
0x1b2: {  	v6 =	vsel vm6, $0x0, v6;
	(xrf0) =	vadd.scan.msk.s32 $0xffff, v11;
	s5 =	sadd.s32 s16, s5  }
0x1b3: {  	p2 =	seq.s32 s21, s22;
	s22 =	smov.u32 s9;
	(xrf0) =	vadd.scan.msk.s32 $0xffff, v12;
	p4 =	seq.s32 s5, $0x0  }
0x1b4: {  	v10, _, _ =	vpop (xrf0);
	(xrf0) =	vadd.scan.msk.s32 $0xffff, v7;
	p5 =	sgt.u32 s5, $0x2;
	p6 =	sgt.u32 s5, $0x3;
	s13 =	simm.s32 @p4 $0x0  }
0x1b5: {  	(v2sf) =	vpush v10, $0xF;
	v7, _, _ =	vpop (xrf0);
	(xrf0) =	vadd.scan.msk.s32 $0xffff, v13;
	p4 =	sgt.u32 s5, $0x1;
	s18 =	simm.s32 @!p5 $0x0;
	s2 =	simm.s32 @!p6 $0x0  }
0x1b6: {  	p5 =	sgt.u32 s5, $0x5;
	(v2sf) =	vpush v7, $0xF;
	v7, _, _ =	vpop (xrf0);
	(xrf0) =	vadd.scan.msk.s32 $0xffff, v14;
	s9 =	sadd.s32 s23, s13;
	s20 =	simm.s32 @!p4 $0x0  }
0x1b7: {  	p4 =	sgt.u32 s5, $0x4;
	s12 =	simm.s32 @!p5 $0x0;
	(v2sf) =	vpush v7, $0xF;
	v7, _, _ =	vpop (xrf0);
	(xrf0) =	vadd.scan.msk.s32 $0xffff, v8;
	s9 =	sadd.s32 s20, s9  }
.Ltmp12:
0x1b8: {  	s4 =	simm.s32 @!p4 $0x0;
	(v2sf) =	vpush v7, $0xF;
	v7, _, _ =	vpop (xrf0);
	(xrf0) =	vadd.scan.msk.s32 $0xffff, v15;
	s9 =	sadd.s32 s18, s9;
	(pc) =	sbr.rel @!p3 .LBB2_24-.Ltmp12, $4  }
0x1b9: {  	p5 =	sgt.u32 s5, $0x7;
	p4 =	sgt.u32 s5, $0x6;
	(v2sf) =	vpush v7, $0xF;
	v7, _, _ =	vpop (xrf0);
	(xrf0) =	vadd.scan.msk.s32 $0xffff, v16;
	s2 =	sadd.s32 s2, s9  }
0x1ba: {  	s7 =	simm.s32 @!p5 $0x0;
	s11 =	simm.s32 @!p4 $0x0;
	(v2sf) =	vpush v7, $0xF;
	v7, _, _ =	vpop (xrf0);
	(xrf0) =	vadd.scan.msk.s32 $0xffff, v9;
	s2 =	sadd.s32 s4, s2  }
0x1bb: {  	p5 =	sgt.u32 s5, $0x9;
	p4 =	sgt.u32 s5, $0x8;
	(v2sf) =	vpush v7, $0xF;
	v7, _, _ =	vpop (xrf0);
	(xrf0) =	vadd.scan.msk.s32 $0xffff, v17;
	s2 =	sadd.s32 s12, s2  }
0x1bc: {  	s6 =	simm.s32 @!p5 $0x0;
	s1 =	simm.s32 @!p4 $0x0;
	(v2sf) =	vpush v7, $0xF;
	v7, _, _ =	vpop (xrf0);
	(xrf0) =	vadd.scan.msk.s32 $0xffff, v18;
	s2 =	sadd.s32 s11, s2  }
.LBB2_25:
0x1bd: {  	p3 =	sgt.u32 @p1 s5, $0xA;
	p4 =	sgt.u32 @p1 s5, $0xB  }
0x1be: {  	p5 =	sgt.u32 @p1 s5, $0xC;
	s2 =	sadd.s32 @p1 s7, s2;
	s12 =	simm.s32 $0x1  }
0x1bf: {  	s13 =	simm.s32 $0x1;
	s17 =	simm.s32 $0x1;
	p2 =	por !p2, !p1  }
0x1c0: {  	p3 =	por !p3, !p1;
	p4 =	por !p4, !p1;
	s1 =	sadd.s32 @p1 s1, s2  }
0x1c1: {  	s31 =	simm.s32 @p3 $0x0;
	s29 =	simm.s32 @p4 $0x0;
	p3 =	por !p5, !p1  }
0x1c2: {  	s1 =	sadd.s32 @p1 s6, s1;
	p4 =	sgt.u32 @p1 s5, $0xE;
	s30 =	simm.s32 @p3 $0x0  }
0x1c3: {  	(v2sf) =	vpush v7, $0xF;
	p3 =	sgt.u32 @p1 s5, $0xD;
	s1 =	sadd.s32 @p1 s31, s1;
	s31 =	simm.s32 $0x1  }
0x1c4: {  	v7, _, _ =	vpop (xrf0);
	p3 =	por !p3, !p1;
	s1 =	sadd.s32 @p1 s29, s1;
	s29 =	simm.s32 $0x1  }
0x1c5: {  	(v2sf) =	vpush v7, $0xF;
	s8 =	simm.s32 @p3 $0x0;
	p3 =	por !p4, !p1;
	s1 =	sadd.s32 @p1 s30, s1  }
0x1c6: {  	v7, _, _ =	vpop (xrf0);
	s30 =	simm.s32 $0x1;
	s10 =	simm.s32 @p3 $0x0;
	p3 =	sgt.u32 @p1 s5, $0xF  }
0x1c7: {  	(v2sf) =	vpush v7, $0xF;
	v7, _, _ =	vpop (xrf0);
	s1 =	sadd.s32 @p1 s8, s1;
	p3 =	por !p3, !p1;
	s7 =	spop (v2sf)  }
0x1c8: {  	(v2sf) =	vpush v7, $0xF;
	s24 =	sadd.s32 @p1 s10, s1;
	s20 =	sadd.s32 s23, s7;
	s4 =	spop (v2sf)  }
0x1c9: {  	v7, _, _ =	vpop (xrf0);
	s10 =	simm.s32 $0x1;
	s25 =	sadd.s32 s4, s20;
	s2 =	spop (v2sf)  }
0x1ca: {  	(v2sf) =	vpush v7, $0xF;
	s26 =	simm.s32 @p3 $0x0;
	p4 =	slt.s32 s25, s19;
	s1 =	spop (v2sf)  }
0x1cb: {  	s11 =	sadd.s32 s2, s25;
	s25 =	simm.s32 $0x1;
	s10 =	simm.s32 @!p4 $0x0  }
0x1cc: {  	(xrf0) =	vadd.scan.msk.s32 $0xffff, v6;
	s6 =	spop (v2sf);
	p4 =	slt.s32 s20, s19;
	p5 =	slt.s32 s11, s19  }
0x1cd: {  	s16 =	sadd.s32 s1, s11;
	s20 =	simm.s32 $0x1;
	s8 =	spop (v2sf)  }
0x1ce: {  	s12 =	simm.s32 @!p4 $0x0;
	s13 =	simm.s32 @!p5 $0x0;
	p4 =	slt.s32 s16, s19  }
0x1cf: {  	v6, _, _ =	vpop (xrf0);
	s16 =	sadd.s32 s6, s16;
	s9 =	spop (v2sf);
	s12 =	sadd.s32 s12, s10  }
0x1d0: {  	(v2sf) =	vpush v6, $0xF;
	v6, _, _ =	vpop (xrf0);
	s17 =	simm.s32 @!p4 $0x0;
	p4 =	slt.s32 s16, s19;
	s16 =	sadd.s32 s8, s16  }
0x1d1: {  	(v2sf) =	vpush v6, $0xF;
	s10 =	spop (v2sf);
	s13 =	sadd.s32 s13, s12;
	s20 =	simm.s32 @!p4 $0x0  }
0x1d2: {  	v6, _, _ =	vpop (xrf0);
	p4 =	slt.s32 s16, s19;
	s16 =	sadd.s32 s9, s16;
	s11 =	spop (v2sf)  }
0x1d3: {  	(v2sf) =	vpush v6, $0xF;
	s17 =	sadd.s32 s17, s13;
	s25 =	simm.s32 @!p4 $0x0;
	p4 =	slt.s32 s16, s19  }
0x1d4: {  	s16 =	sadd.s32 s10, s16;
	s12 =	spop (v2sf);
	s17 =	sadd.s32 s20, s17  }
0x1d5: {  	s29 =	simm.s32 @!p4 $0x0;
	p4 =	slt.s32 s16, s19;
	s16 =	sadd.s32 s11, s16  }
0x1d6: {  	s13 =	spop (v2sf);
	s17 =	sadd.s32 s25, s17;
	s25 =	simm.s32 $0x1  }
0x1d7: {  	s18 =	spop (v2sf);
	s17 =	sadd.s32 s29, s17;
	s25 =	simm.s32 @!p4 $0x0  }
0x1d8: {  	p4 =	slt.s32 s16, s19;
	s16 =	sadd.s32 s12, s16;
	s29 =	simm.s32 $0x1  }
0x1d9: {  	s20 =	spop (v2sf);
	s17 =	sadd.s32 s25, s17;
	s25 =	simm.s32 $0x1  }
0x1da: {  	s25 =	simm.s32 @!p4 $0x0;
	p4 =	slt.s32 s16, s19;
	s16 =	sadd.s32 s13, s16  }
0x1db: {  	s17 =	sadd.s32 s25, s17;
	s29 =	simm.s32 @!p4 $0x0;
	p4 =	slt.s32 s16, s19  }
0x1dc: {  	s16 =	sadd.s32 s18, s16;
	s25 =	simm.s32 $0x1;
	s17 =	sadd.s32 s29, s17  }
0x1dd: {  	s25 =	simm.s32 @!p4 $0x0;
	p4 =	slt.s32 s16, s19;
	s29 =	simm.s32 $0x1  }
0x1de: {  	s16 =	sadd.s32 s20, s16;
	s17 =	sadd.s32 s25, s17;
	s29 =	simm.s32 @!p4 $0x0  }
0x1df: {  	p4 =	slt.s32 s16, s19;
	s25 =	spop (v2sf);
	s17 =	sadd.s32 s29, s17  }
0x1e0: {  	s30 =	simm.s32 @!p4 $0x0;
	s29 =	spop (v2sf);
	s16 =	sadd.s32 s25, s16  }
0x1e1: {  	s17 =	sadd.s32 s30, s17;
	p4 =	slt.s32 s16, s19;
	s16 =	sadd.s32 s29, s16  }
0x1e2: {  	s30 =	spop (v2sf);
	s31 =	simm.s32 @!p4 $0x0;
	p4 =	slt.s32 s16, s19  }
0x1e3: {  	s16 =	sadd.s32 s30, s16;
	s17 =	sadd.s32 s31, s17;
	s31 =	simm.s32 $0x1  }
0x1e4: {  	s31 =	simm.s32 @!p4 $0x0;
	p4 =	slt.s32 s16, s19;
	s16 =	simm.s32 $0x1  }
0x1e5: {  	s24 =	sadd.s32 @p1 s26, s24;
	s17 =	sadd.s32 s31, s17;
	s16 =	simm.s32 @!p4 $0x0  }
0x1e6: {  	s5 =	smov.u32 @p2 s0;
	s24 =	smov.u32 @p2 s28;
	s16 =	sadd.s32 s16, s17  }
0x1e7: {  	p2 =	seq.s32 s21, s22;
	p3 =	seq.s32 s16, $0x0;
	p4 =	sgt.u32 s16, $0x2  }
0x1e8: {  	s7 =	simm.s32 @p3 $0x0;
	p3 =	sgt.u32 s16, $0x1;
	s2 =	simm.s32 @!p4 $0x0  }
0x1e9: {  	p4 =	sgt.u32 s16, $0x5;
	s28 =	sadd.s32 s23, s7;
	s4 =	simm.s32 @!p3 $0x0  }
0x1ea: {  	p3 =	sgt.u32 s16, $0x3;
	s8 =	simm.s32 @!p4 $0x0;
	s0 =	sadd.s32 s4, s28  }
0x1eb: {  	s1 =	simm.s32 @!p3 $0x0;
	p3 =	sgt.u32 s16, $0x4;
	s0 =	sadd.s32 s2, s0  }
0x1ec: {  	p4 =	sgt.u32 s16, $0x7;
	s6 =	simm.s32 @!p3 $0x0;
	s0 =	sadd.s32 s1, s0  }
0x1ed: {  	s10 =	simm.s32 @!p4 $0x0;
	p3 =	sgt.u32 s16, $0x6;
	s0 =	sadd.s32 s6, s0  }
0x1ee: {  	p4 =	sgt.u32 s16, $0x9;
	s9 =	simm.s32 @!p3 $0x0;
	s0 =	sadd.s32 s8, s0  }
0x1ef: {  	s4 =	simm.s32 $0x0;
	p3 =	sgt.u32 s16, $0x8;
	s0 =	sadd.s32 s9, s0  }
0x1f0: {  	s12 =	simm.s32 @!p4 $0x0;
	s11 =	simm.s32 @!p3 $0x0;
	s0 =	sadd.s32 s10, s0  }
0x1f1: {  	p4 =	sgt.u32 s16, $0xB;
	p3 =	sgt.u32 s16, $0xA;
	s0 =	sadd.s32 s11, s0  }
0x1f2: {  	s4 =	smov.u32 @p1 s24;
	s13 =	simm.s32 @!p3 $0x0;
	s0 =	sadd.s32 s12, s0  }
0x1f3: {  	s18 =	simm.s32 @!p4 $0x0;
	p3 =	sgt.u32 s16, $0xC;
	s0 =	sadd.s32 s13, s0  }
0x1f4: {  	v6 =	vld [tilespmem:$0x1FFE0];
	s20 =	simm.s32 @!p3 $0x0;
	p3 =	sgt.u32 s16, $0xD;
	s0 =	sadd.s32 s18, s0  }
0x1f5: {  	s25 =	simm.s32 @!p3 $0x0;
	p3 =	sgt.u32 s16, $0xE;
	s0 =	sadd.s32 s20, s0  }
0x1f6: {  	s29 =	simm.s32 @!p3 $0x0;
	p3 =	sgt.u32 s16, $0xF;
	s31 =	sadd.s32 s25, s0  }
0x1f7: {  	s30 =	simm.s32 @!p3 $0x0;
	s0 =	simm.s32 $0x0;
	s1 =	sadd.s32 s29, s31  }
0x1f8: {  	s2 =	simm.s32 $0x0;
	s0 =	smov.u32 @p1 s5;
	s1 =	sadd.s32 s30, s1  }
0x1f9: {  	vm7 =	vcmask $0xF14;
	vm5 =	vcmask $0x308;
	vm1 =	vnez.u8 v6;
	s0 =	smov.u32 @p2 s16;
	s4 =	smov.u32 @p2 s1;
	s1 =	simm.s32 $0x40  }
.LBB2_26:
0x1fa: {  	p1 =	seq.s32 s1, $0xFC0;
	[tilespmem:s2+$0x4E80] =	vst v1;
	s2 =	smov.u32 s1;
	s1 =	sadd.s32 $0x40, s1  }
.Ltmp13:
0x1fb: {  	(pc) =	sbr.rel @!p1 .LBB2_26-.Ltmp13, $2  }
0x1fc: {  	_ =	sdelay $0x2  }
0x1fd: {  	s2 =	sshra.s32 s2, $0x2  }
0x1fe: {  	s1 =	sshll.u32 s21, $0x4  }
0x1ff: {  	[tilespmem:s2+$0x4E80] =	vst v1;
	s2 =	simm.s32 $0x4E80;
	s0 =	sadd.s32 s1, s0  }
0x200: {  	s1 =	simm.s32 $0x0;
	[dreg:$0xa] =	wrdreg s0;
	v6 =	vmov s0;
	s0 =	simm.s32 $0x40  }
.LBB2_28:
0x201: {  	p1 =	sne.s32 s0, $0x13840;
	v7 =	vld [tilespmem:s1+$0x0];
	_ =	sdelay $0x4  }
0x202: {  	v8 =	vshra.s32 v7, $0x15;
	v9 =	vshrl.u32 v7, $0xA  }
0x203: {  	v8 =	vadd.s32 $0x400, v8;
	v9 =	vand.u32 $0x7FF, v9  }
0x204: {  	vm2 =	veq.s32 v8, v5;
	vm3 =	veq.s32 v9, v6  }
0x205: {  	v7 =	vand.u32 $0x3FF, v7;
	vm2 =	vmand vm2, vm3  }
0x206: {  	v7 =	vnsel vm2, $0x800, v7  }
.Ltmp14:
0x207: {  	(pc) =	sbr.rel @p1 .LBB2_28-.Ltmp14, $2  }
0x208: {  	_ =	sdelay $0x2  }
0x209: {  	s1 =	sshra.s32 s0, $0x2;
	s0 =	sadd.s32 $0x40, s0;
	[tilespmem:v7+s2+$0x0] =	vst.idx.add.s32.msk $0xffff, v2  }
0x20a: {  	v7 =	vld [tilespmem:s1+$0x0];
	_ =	sdelay $0x4  }
0x20b: {  	v8 =	vshra.s32 v7, $0x15;
	v9 =	vshrl.u32 v7, $0xA  }
0x20c: {  	v8 =	vadd.s32 $0x400, v8;
	v9 =	vand.u32 $0x7FF, v9  }
0x20d: {  	vm2 =	veq.s32 v8, v5;
	vm3 =	veq.s32 v9, v6  }
0x20e: {  	v5 =	vand.u32 $0x3FF, v7;
	vm2 =	vmand vm2, vm3  }
0x20f: {  	v5 =	vnsel vm2, $0x800, v5;
	_ =	sdelay $0x4  }
0x210: {  	s6 =	simm.s32 $0x4E80;
	[tilespmem:v5+s2+$0x0] =	vst.idx.add.s32.msk $0xffff, v2  }
0x211: {  	v5 =	vld [tilespmem:s6+$0x0];
	_ =	sdelay $0x4  }
0x212: {  	(xrf0) =	vadd.scan.msk.s32 $0xffff, v5;
	_ =	sdelay $0x5  }
0x213: {  	s25 =	simm.s32 $0x4E90;
	v5, _, _ =	vpop (xrf0)  }
0x214: {  	(v2sf) =	vpush v5, $0xF;
	v5 =	vld [tilespmem:s25+$0x0];
	_ =	sdelay $0x2  }
0x215: {  	s0 =	simm.s32 $0x4EA0  }
0x216: {  	v6 =	vld [tilespmem:s0+$0x0]  }
0x217: {  	(xrf0) =	vadd.scan.msk.s32 $0xffff, v5;
	_ =	sdelay $0x3  }
0x218: {  	(xrf0) =	vadd.scan.msk.s32 $0xffff, v6;
	_ =	sdelay $0x1  }
0x219: {  	v6, _, _ =	vpop (xrf0)  }
0x21a: {  	(v2sf) =	vpush v6, $0xF  }
0x21b: {  	s30 =	simm.s32 $0x4EB0  }
0x21c: {  	v5 =	vld [tilespmem:s30+$0x0]  }
0x21d: {  	v6, _, _ =	vpop (xrf0)  }
0x21e: {  	s31 =	spop (v2sf);
	(v2sf) =	vpush v6, $0xF  }
0x21f: {  	s19 =	ssub.s32 s19, s4  }
0x220: {  	s22 =	simm.s32 $0xFFFFFFFF;
	s20 =	simm.s32 $0x0;
	s23 =	simm.s32 $0x1  }
0x221: {  	s26 =	simm.s32 $0x2;
	s1 =	simm.s32 $0x3;
	s10 =	simm.s32 $0x4;
	(xrf0) =	vadd.scan.msk.s32 $0xffff, v5  }
0x222: {  	p1 =	por $0x1, $0x1;
	s9 =	simm.s32 $0x4EC0;
	s0 =	sadd.s32 $0x0, s31  }
0x223: {  	s8 =	simm.s32 $0x5;
	s7 =	simm.s32 $0x0;
	v5 =	vld [tilespmem:s9+$0x0];
	p2 =	sge.s32 s0, s19  }
0x224: {  	s24 =	simm.s32 $0x0;
	s5 =	simm.s32 $0x1;
	p1 =	por !p1, !p2  }
0x225: {  	s4 =	simm.s32 $0x2;
	s2 =	simm.s32 $0x0;
	p1 =	por !p1, !p1  }
.LBB2_30:
0x226: {  	p2 =	sne.s32 s8, $0x3F;
	s22 =	smov.u32 @p1 s7;
	s24 =	smov.u32 @p1 s2  }
0x227: {  	v6, _, _ =	vpop (xrf0);
	s7 =	smov.u32 s5;
	s5 =	smov.u32 s4;
	s4 =	smov.u32 s1  }
0x228: {  	s1 =	smov.u32 s10;
	s10 =	smov.u32 s8;
	s8 =	sadd.s32 $0x1, s8;
	(xrf0) =	vadd.scan.msk.s32 $0xffff, v5;
	(v2sf) =	vpush v6, $0xF  }
.Ltmp15:
0x229: {  	s9 =	sadd.s32 $0x10, s9;
	s11 =	spop (v2sf);
	(pc) =	sbr.rel @p2 .LBB2_30-.Ltmp15, $4  }
0x22a: {  	s2 =	smov.u32 s0;
	v5 =	vld [tilespmem:s9+$0x0];
	s0 =	sadd.s32 s0, s11  }
0x22b: {  	p1 =	slt.s32 s22, $0x0;
	p3 =	sge.s32 s0, s19  }
0x22c: {  	p1 =	por !p1, !p3  }
0x22d: {  	p1 =	por !p1, !p1  }
0x22e: {  	v6 =	vld [tilespmem:s6+$0x0];
	_ =	sdelay $0x1  }
0x22f: {  	(xrf0) =	vadd.scan.msk.s32 $0xffff, v5;
	_ =	sdelay $0x1  }
0x230: {  	v5, _, _ =	vpop (xrf0)  }
0x231: {  	(v2sf) =	vpush v5, $0xF;
	v5 =	vnsel vm1, $0x0, v6;
	_ =	sdelay $0x1  }
0x232: {  	vm0 =	vcmask $0x70C;
	v7 =	vsel vm5, $0x0, v6;
	(xrf0) =	vadd.scan.msk.s32 $0xffff, v5  }
0x233: {  	vm2 =	vcmask $0xB10;
	v8 =	vsel vm0, $0x0, v6;
	v5, _, _ =	vpop (xrf0);
	(xrf0) =	vadd.scan.msk.s32 $0xffff, v7  }
0x234: {  	vm8 =	vcmask $0x1318;
	(v2sf) =	vpush v5, $0xF;
	v5 =	vsel vm2, $0x0, v6;
	(xrf0) =	vadd.scan.msk.s32 $0xffff, v8  }
0x235: {  	v7 =	vsel vm7, $0x0, v6;
	(xrf0) =	vadd.scan.msk.s32 $0xffff, v5;
	v5 =	vsel vm8, $0x0, v6  }
0x236: {  	(xrf0) =	vadd.scan.msk.s32 $0xffff, v7;
	_ =	sdelay $0x1  }
0x237: {  	s16 =	spop (v2sf);
	vm4 =	vcmask $0x171C;
	vm3 =	vcmask $0x1B20;
	vm9 =	vcmask $0x1F24;
	(xrf0) =	vadd.scan.msk.s32 $0xffff, v5;
	v5, _, _ =	vpop (xrf0)  }
0x238: {  	s22 =	smov.u32 @p1 s7;
	vm10 =	vcmask $0x2328;
	s6 =	sadd.s32 s0, s16;
	v7 =	vsel vm4, $0x0, v6;
	(v2sf) =	vpush v5, $0xF;
	v5, _, _ =	vpop (xrf0)  }
0x239: {  	vm11 =	vcmask $0x272C;
	p2 =	slt.s32 s22, $0x0;
	p3 =	sge.s32 s6, s19;
	v8 =	vsel vm3, $0x0, v6;
	(xrf0) =	vadd.scan.msk.s32 $0xffff, v7;
	(v2sf) =	vpush v5, $0xF;
	v5, _, _ =	vpop (xrf0)  }
0x23a: {  	vm12 =	vcmask $0x2B30;
	p2 =	por !p2, !p3;
	s17 =	spop (v2sf);
	v7 =	vsel vm9, $0x0, v6;
	(xrf0) =	vadd.scan.msk.s32 $0xffff, v8;
	(v2sf) =	vpush v5, $0xF;
	v5, _, _ =	vpop (xrf0)  }
0x23b: {  	p2 =	por !p2, !p2;
	v8 =	vsel vm10, $0x0, v6;
	(xrf0) =	vadd.scan.msk.s32 $0xffff, v7;
	v7 =	vsel vm11, $0x0, v6;
	(v2sf) =	vpush v5, $0xF;
	v5, _, _ =	vpop (xrf0)  }
0x23c: {  	s22 =	smov.u32 @p2 s5;
	s5 =	sadd.s32 s6, s17;
	(xrf0) =	vadd.scan.msk.s32 $0xffff, v8;
	(v2sf) =	vpush v5, $0xF;
	v5 =	vsel vm12, $0x0, v6  }
0x23d: {  	vm13 =	vcmask $0x2F34;
	p5 =	slt.s32 s22, $0x0;
	p4 =	sge.s32 s5, s19;
	(xrf0) =	vadd.scan.msk.s32 $0xffff, v7  }
0x23e: {  	p3 =	por !p5, !p4;
	v8 =	vsel vm13, $0x0, v6;
	v7, _, _ =	vpop (xrf0);
	(xrf0) =	vadd.scan.msk.s32 $0xffff, v5  }
0x23f: {  	p3 =	por !p3, !p3;
	s18 =	spop (v2sf);
	(v2sf) =	vpush v7, $0xF;
	v5, _, _ =	vpop (xrf0);
	(xrf0) =	vadd.scan.msk.s32 $0xffff, v8  }
0x240: {  	s22 =	smov.u32 @p3 s4;
	s4 =	sadd.s32 s5, s18;
	(v2sf) =	vpush v5, $0xF;
	v5, _, _ =	vpop (xrf0)  }
0x241: {  	p6 =	slt.s32 s22, $0x0;
	p5 =	sge.s32 s4, s19;
	(v2sf) =	vpush v5, $0xF;
	v5, _, _ =	vpop (xrf0)  }
0x242: {  	p4 =	por !p6, !p5;
	(v2sf) =	vpush v5, $0xF;
	v5, _, _ =	vpop (xrf0)  }
0x243: {  	p4 =	por !p4, !p4;
	s21 =	spop (v2sf);
	(v2sf) =	vpush v5, $0xF;
	v5, _, _ =	vpop (xrf0)  }
0x244: {  	s24 =	smov.u32 @p1 s2;
	s22 =	smov.u32 @p4 s1;
	s7 =	sadd.s32 s4, s21;
	(v2sf) =	vpush v5, $0xF;
	v5, _, _ =	vpop (xrf0)  }
0x245: {  	vm15 =	vcmask $0x3338;
	s24 =	smov.u32 @p2 s0;
	p5 =	slt.s32 s22, $0x0;
	p6 =	sge.s32 s7, s19;
	(v2sf) =	vpush v5, $0xF;
	v5, _, _ =	vpop (xrf0)  }
0x246: {  	s24 =	smov.u32 @p3 s6;
	p1 =	por !p5, !p6;
	(v2sf) =	vpush v5, $0xF;
	v5 =	vsel vm15, $0x0, v6  }
0x247: {  	s24 =	smov.u32 @p4 s5;
	p1 =	por !p1, !p1;
	(xrf0) =	vadd.scan.msk.s32 $0xffff, v5;
	v5 =	vld [tilespmem:$0x1FFF0]  }
0x248: {  	s28 =	simm.s32 $0x1;
	s24 =	smov.u32 @p1 s4;
	s18 =	spop (v2sf)  }
0x249: {  	s0 =	simm.s32 $0x1;
	s8 =	sadd.s32 s24, s18;
	s13 =	spop (v2sf)  }
0x24a: {  	vm0 =	vcmask $0x373C;
	s6 =	simm.s32 $0x1;
	s5 =	simm.s32 $0x1;
	s16 =	sadd.s32 s13, s8  }
0x24b: {  	v7 =	vsel vm0, $0x0, v6;
	s21 =	simm.s32 $0x1;
	s12 =	spop (v2sf);
	p2 =	slt.s32 s16, s19  }
0x24c: {  	(xrf0) =	vadd.scan.msk.s32 $0xffff, v7;
	s11 =	spop (v2sf);
	s1 =	sadd.s32 s12, s16;
	s16 =	simm.s32 $0x1;
	vm6 =	vnez.u8 v5  }
0x24d: {  	s5 =	simm.s32 @!p2 $0x0;
	s9 =	spop (v2sf);
	p2 =	slt.s32 s8, s19;
	v5 =	vsel vm6, $0x0, v6  }
0x24e: {  	p3 =	slt.s32 s1, s19;
	s1 =	sadd.s32 s11, s1;
	s4 =	spop (v2sf);
	(xrf0) =	vadd.scan.msk.s32 $0xffff, v5  }
0x24f: {  	s0 =	simm.s32 @!p2 $0x0;
	p2 =	slt.s32 s1, s19;
	s1 =	sadd.s32 s9, s1  }
0x250: {  	s6 =	simm.s32 @!p3 $0x0;
	s0 =	sadd.s32 s0, s5;
	s17 =	sadd.s32 s4, s1  }
0x251: {  	s0 =	sadd.s32 s6, s0;
	s6 =	simm.s32 $0x1;
	s2 =	spop (v2sf);
	v5, _, _ =	vpop (xrf0)  }
0x252: {  	s6 =	simm.s32 @!p2 $0x0;
	p2 =	slt.s32 s1, s19;
	s8 =	spop (v2sf);
	(v2sf) =	vpush v5, $0xF;
	v5, _, _ =	vpop (xrf0)  }
0x253: {  	s0 =	sadd.s32 s6, s0;
	s16 =	simm.s32 @!p2 $0x0;
	p2 =	slt.s32 s17, s19;
	(v2sf) =	vpush v5, $0xF  }
0x254: {  	s5 =	spop (v2sf);
	s0 =	sadd.s32 s16, s0;
	s16 =	simm.s32 $0x1;
	v5, _, _ =	vpop (xrf0)  }
0x255: {  	s17 =	sadd.s32 s2, s17;
	s7 =	spop (v2sf);
	s16 =	simm.s32 @!p2 $0x0;
	(v2sf) =	vpush v5, $0xF  }
0x256: {  	p2 =	slt.s32 s17, s19;
	s17 =	sadd.s32 s8, s17;
	s6 =	spop (v2sf)  }
0x257: {  	s0 =	sadd.s32 s16, s0;
	s21 =	simm.s32 @!p2 $0x0;
	p2 =	slt.s32 s17, s19  }
0x258: {  	s16 =	sadd.s32 s5, s17;
	s17 =	simm.s32 $0x1;
	s1 =	spop (v2sf)  }
0x259: {  	s0 =	sadd.s32 s21, s0;
	s17 =	simm.s32 @!p2 $0x0;
	p2 =	slt.s32 s16, s19  }
0x25a: {  	s16 =	sadd.s32 s7, s16;
	s0 =	sadd.s32 s17, s0;
	s17 =	simm.s32 $0x1  }
0x25b: {  	s21 =	simm.s32 $0x1;
	s31 =	spop (v2sf);
	s17 =	simm.s32 @!p2 $0x0  }
0x25c: {  	p2 =	slt.s32 s16, s19;
	s16 =	sadd.s32 s6, s16;
	s0 =	sadd.s32 s17, s0  }
0x25d: {  	v5 =	vld [tilespmem:s25+$0x0];
	s21 =	simm.s32 @!p2 $0x0;
	p2 =	slt.s32 s16, s19;
	s17 =	simm.s32 $0x1  }
0x25e: {  	s16 =	sadd.s32 s1, s16;
	s0 =	sadd.s32 s21, s0;
	s17 =	simm.s32 @!p2 $0x0  }
0x25f: {  	p2 =	slt.s32 s16, s19;
	s16 =	sadd.s32 s31, s16;
	s21 =	simm.s32 $0x1  }
0x260: {  	s17 =	sadd.s32 s17, s0;
	s21 =	simm.s32 @!p2 $0x0;
	p2 =	slt.s32 s16, s19  }
0x261: {  	s17 =	sadd.s32 s21, s17;
	s28 =	simm.s32 @!p2 $0x0;
	s0 =	spop (v2sf)  }
0x262: {  	v6 =	vnsel vm1, $0x0, v5;
	s21 =	simm.s32 $0x1;
	s30 =	spop (v2sf);
	s16 =	sadd.s32 s0, s16  }
0x263: {  	vm2 =	vcmask $0x70C;
	v7 =	vsel vm5, $0x0, v5;
	s17 =	sadd.s32 s28, s17;
	(xrf0) =	vadd.scan.msk.s32 $0xffff, v6;
	p2 =	slt.s32 s16, s19;
	s16 =	sadd.s32 s30, s16  }
0x264: {  	v6 =	vsel vm2, $0x0, v5;
	vm2 =	vcmask $0xB10;
	(xrf0) =	vadd.scan.msk.s32 $0xffff, v7;
	s21 =	simm.s32 @!p2 $0x0;
	p2 =	slt.s32 s16, s19;
	s29 =	spop (v2sf)  }
0x265: {  	v7 =	vsel vm2, $0x0, v5;
	(xrf0) =	vadd.scan.msk.s32 $0xffff, v6;
	s17 =	sadd.s32 s21, s17;
	s21 =	simm.s32 $0x1;
	s16 =	sadd.s32 s29, s16  }
0x266: {  	v6 =	vsel vm7, $0x0, v5;
	(xrf0) =	vadd.scan.msk.s32 $0xffff, v7;
	s21 =	simm.s32 @!p2 $0x0;
	p2 =	slt.s32 s16, s19;
	s16 =	simm.s32 $0x1  }
0x267: {  	s22 =	smov.u32 @p1 s10;
	v7 =	vsel vm8, $0x0, v5;
	(xrf0) =	vadd.scan.msk.s32 $0xffff, v6;
	s17 =	sadd.s32 s21, s17;
	s16 =	simm.s32 @!p2 $0x0  }
0x268: {  	p1 =	seq.s32 s22, $0x0;
	s28 =	simm.s32 $0x0;
	v6 =	vsel vm4, $0x0, v5;
	(xrf0) =	vadd.scan.msk.s32 $0xffff, v7;
	s10 =	sadd.s32 s16, s17  }
0x269: {  	v7 =	vsel vm3, $0x0, v5;
	v8, _, _ =	vpop (xrf0);
	(xrf0) =	vadd.scan.msk.s32 $0xffff, v6;
	p2 =	seq.s32 s10, $0x0;
	p3 =	sgt.u32 s10, $0x2;
	p4 =	sgt.u32 s10, $0x3  }
0x26a: {  	v6 =	vsel vm9, $0x0, v5;
	(v2sf) =	vpush v8, $0xF;
	v8, _, _ =	vpop (xrf0);
	(xrf0) =	vadd.scan.msk.s32 $0xffff, v7;
	s18 =	simm.s32 @p2 $0x0;
	p2 =	sgt.u32 s10, $0x1;
	s12 =	simm.s32 @!p3 $0x0  }
0x26b: {  	v7 =	vsel vm10, $0x0, v5;
	(v2sf) =	vpush v8, $0xF;
	v8, _, _ =	vpop (xrf0);
	(xrf0) =	vadd.scan.msk.s32 $0xffff, v6;
	s11 =	simm.s32 @!p4 $0x0;
	s21 =	sadd.s32 s24, s18;
	s13 =	simm.s32 @!p2 $0x0  }
0x26c: {  	v6 =	vsel vm11, $0x0, v5;
	(v2sf) =	vpush v8, $0xF;
	v8, _, _ =	vpop (xrf0);
	(xrf0) =	vadd.scan.msk.s32 $0xffff, v7;
	p3 =	sgt.u32 s10, $0x5;
	p2 =	sgt.u32 s10, $0x4;
	s13 =	sadd.s32 s13, s21  }
0x26d: {  	v7 =	vsel vm12, $0x0, v5;
	(v2sf) =	vpush v8, $0xF;
	v8, _, _ =	vpop (xrf0);
	(xrf0) =	vadd.scan.msk.s32 $0xffff, v6;
	v6 =	vsel vm13, $0x0, v5;
	s4 =	simm.s32 @!p3 $0x0;
	p3 =	sgt.u32 s10, $0x7;
	s12 =	sadd.s32 s12, s13  }
0x26e: {  	(v2sf) =	vpush v8, $0xF;
	v8, _, _ =	vpop (xrf0);
	(xrf0) =	vadd.scan.msk.s32 $0xffff, v7;
	s9 =	simm.s32 @!p2 $0x0;
	p2 =	sgt.u32 s10, $0x6;
	s11 =	sadd.s32 s11, s12  }
0x26f: {  	v7 =	vsel vm15, $0x0, v5;
	(v2sf) =	vpush v8, $0xF;
	v8, _, _ =	vpop (xrf0);
	(xrf0) =	vadd.scan.msk.s32 $0xffff, v6;
	s8 =	simm.s32 @!p3 $0x0;
	p3 =	sgt.u32 s10, $0x9;
	s9 =	sadd.s32 s9, s11  }
0x270: {  	v9 =	vsel vm0, $0x0, v5;
	(v2sf) =	vpush v8, $0xF;
	v6, _, _ =	vpop (xrf0);
	(xrf0) =	vadd.scan.msk.s32 $0xffff, v7;
	s2 =	simm.s32 @!p2 $0x0;
	p2 =	sgt.u32 s10, $0x8;
	s4 =	sadd.s32 s4, s9  }
0x271: {  	vm3 =	vmmov vm9;
	v5 =	vsel vm6, $0x0, v5;
	(v2sf) =	vpush v6, $0xF;
	v6, _, _ =	vpop (xrf0);
	(xrf0) =	vadd.scan.msk.s32 $0xffff, v9;
	s7 =	simm.s32 @!p3 $0x0;
	s5 =	simm.s32 @!p2 $0x0;
	s2 =	sadd.s32 s2, s4  }
.LBB2_32:
0x272: {  	p2 =	sgt.u32 s10, $0xA;
	p3 =	sgt.u32 s10, $0xB  }
0x273: {  	(v2sf) =	vpush v6, $0xF;
	v6, _, _ =	vpop (xrf0);
	(xrf0) =	vadd.scan.msk.s32 $0xffff, v5;
	p4 =	sgt.u32 s10, $0xC;
	s9 =	smov.u32 s26;
	s2 =	sadd.s32 s8, s2  }
0x274: {  	s20 =	smov.u32 @p1 s10;
	(v2sf) =	vpush v6, $0xF;
	v5, _, _ =	vpop (xrf0);
	s6 =	simm.s32 @!p2 $0x0;
	s1 =	simm.s32 @!p3 $0x0  }
0x275: {  	s2 =	sadd.s32 s5, s2;
	s31 =	simm.s32 @!p4 $0x0;
	p2 =	sgt.u32 s10, $0xD;
	(v2sf) =	vpush v5, $0xF;
	v5, _, _ =	vpop (xrf0)  }
0x276: {  	s2 =	sadd.s32 s7, s2;
	s0 =	simm.s32 @!p2 $0x0;
	p2 =	sgt.u32 s10, $0xE;
	(v2sf) =	vpush v5, $0xF;
	v5, _, _ =	vpop (xrf0)  }
0x277: {  	s2 =	sadd.s32 s6, s2;
	s30 =	simm.s32 @!p2 $0x0;
	p2 =	sgt.u32 s10, $0xF;
	(v2sf) =	vpush v5, $0xF;
	v5, _, _ =	vpop (xrf0)  }
0x278: {  	s25 =	sadd.s32 $0x10, s25;
	s1 =	sadd.s32 s1, s2;
	s29 =	simm.s32 @!p2 $0x0;
	(v2sf) =	vpush v5, $0xF;
	v5, _, _ =	vpop (xrf0)  }
0x279: {  	p2 =	sne.s32 s26, $0x3F;
	s26 =	sadd.s32 $0x1, s26;
	s1 =	sadd.s32 s31, s1;
	(v2sf) =	vpush v5, $0xF;
	v5, _, _ =	vpop (xrf0)  }
0x27a: {  	s16 =	simm.s32 $0x1;
	s0 =	sadd.s32 s0, s1;
	s13 =	spop (v2sf);
	(v2sf) =	vpush v5, $0xF  }
0x27b: {  	s0 =	sadd.s32 s30, s0;
	s1 =	sadd.s32 s24, s13;
	s21 =	spop (v2sf)  }
0x27c: {  	s17 =	simm.s32 $0x1;
	s0 =	sadd.s32 s29, s0;
	s4 =	sadd.s32 s21, s1  }
0x27d: {  	s18 =	spop (v2sf);
	s28 =	smov.u32 @p1 s0;
	s0 =	simm.s32 $0x1  }
0x27e: {  	p1 =	slt.s32 s1, s19;
	s1 =	simm.s32 $0x1;
	p3 =	slt.s32 s4, s19  }
0x27f: {  	s2 =	spop (v2sf);
	s5 =	sadd.s32 s18, s4;
	s1 =	simm.s32 @!p1 $0x0  }
0x280: {  	s0 =	simm.s32 @!p3 $0x0;
	s4 =	spop (v2sf);
	p3 =	slt.s32 s5, s19  }
0x281: {  	s6 =	sadd.s32 s2, s5;
	s12 =	spop (v2sf);
	s0 =	sadd.s32 s1, s0  }
0x282: {  	s1 =	simm.s32 $0x1;
	p1 =	slt.s32 s6, s19;
	s11 =	spop (v2sf)  }
0x283: {  	s10 =	sadd.s32 s4, s6;
	s1 =	simm.s32 @!p3 $0x0;
	s8 =	spop (v2sf)  }
0x284: {  	s0 =	sadd.s32 s1, s0;
	s1 =	simm.s32 $0x1;
	s5 =	spop (v2sf)  }
0x285: {  	s1 =	simm.s32 @!p1 $0x0;
	p1 =	slt.s32 s10, s19;
	s10 =	sadd.s32 s12, s10  }
0x286: {  	s7 =	spop (v2sf);
	s0 =	sadd.s32 s1, s0;
	s16 =	simm.s32 @!p1 $0x0  }
0x287: {  	p1 =	slt.s32 s10, s19;
	s10 =	sadd.s32 s11, s10;
	s6 =	spop (v2sf)  }
0x288: {  	s16 =	sadd.s32 s16, s0;
	s17 =	simm.s32 @!p1 $0x0;
	p1 =	slt.s32 s10, s19  }
0x289: {  	s1 =	spop (v2sf);
	s16 =	sadd.s32 s17, s16;
	s17 =	simm.s32 $0x1  }
0x28a: {  	s10 =	sadd.s32 s8, s10;
	s31 =	spop (v2sf);
	s17 =	simm.s32 @!p1 $0x0  }
0x28b: {  	p1 =	slt.s32 s10, s19;
	s16 =	sadd.s32 s17, s16;
	s17 =	simm.s32 $0x1  }
0x28c: {  	s10 =	sadd.s32 s5, s10;
	s0 =	spop (v2sf);
	s17 =	simm.s32 @!p1 $0x0  }
0x28d: {  	p1 =	slt.s32 s10, s19;
	s16 =	sadd.s32 s17, s16;
	s17 =	simm.s32 $0x1  }
0x28e: {  	s30 =	spop (v2sf);
	s10 =	sadd.s32 s7, s10;
	s17 =	simm.s32 @!p1 $0x0  }
0x28f: {  	p1 =	slt.s32 s10, s19;
	s16 =	sadd.s32 s17, s16;
	s17 =	simm.s32 $0x1  }
0x290: {  	s29 =	spop (v2sf);
	s10 =	sadd.s32 s6, s10;
	s17 =	simm.s32 @!p1 $0x0  }
0x291: {  	p1 =	slt.s32 s10, s19;
	s16 =	sadd.s32 s17, s16;
	s17 =	simm.s32 $0x1  }
0x292: {  	v5 =	vld [tilespmem:s25+$0x0];
	s10 =	sadd.s32 s1, s10;
	s17 =	simm.s32 @!p1 $0x0  }
0x293: {  	p1 =	slt.s32 s10, s19;
	s16 =	sadd.s32 s17, s16;
	s17 =	simm.s32 $0x1  }
0x294: {  	s10 =	sadd.s32 s31, s10;
	s17 =	simm.s32 @!p1 $0x0  }
0x295: {  	p1 =	slt.s32 s10, s19;
	s16 =	sadd.s32 s17, s16;
	s17 =	simm.s32 $0x1  }
0x296: {  	s10 =	sadd.s32 s0, s10;
	s17 =	simm.s32 @!p1 $0x0  }
0x297: {  	vm9 =	vcmask $0x70C;
	v6 =	vnsel vm1, $0x0, v5;
	p1 =	slt.s32 s10, s19;
	s16 =	sadd.s32 s17, s16;
	s17 =	simm.s32 $0x1  }
0x298: {  	v7 =	vsel vm5, $0x0, v5;
	v8 =	vsel vm9, $0x0, v5;
	v9 =	vsel vm2, $0x0, v5;
	s10 =	sadd.s32 s30, s10;
	s17 =	simm.s32 @!p1 $0x0  }
0x299: {  	v10 =	vsel vm7, $0x0, v5;
	v11 =	vsel vm8, $0x0, v5;
	vm9 =	vcmask $0x1B20;
	(xrf0) =	vadd.scan.msk.s32 $0xffff, v6;
	p1 =	slt.s32 s10, s19;
	s16 =	sadd.s32 s17, s16;
	s17 =	simm.s32 $0x1  }
0x29a: {  	v13 =	vsel vm3, $0x0, v5;
	v6 =	vsel vm4, $0x0, v5;
	v12 =	vsel vm9, $0x0, v5;
	(xrf0) =	vadd.scan.msk.s32 $0xffff, v7;
	s10 =	sadd.s32 s29, s10;
	s17 =	simm.s32 @!p1 $0x0  }
0x29b: {  	v14 =	vsel vm11, $0x0, v5;
	v15 =	vsel vm12, $0x0, v5;
	v7 =	vsel vm10, $0x0, v5;
	(xrf0) =	vadd.scan.msk.s32 $0xffff, v8;
	p1 =	slt.s32 s10, s19;
	s10 =	sadd.s32 s17, s16;
	s16 =	simm.s32 $0x1  }
0x29c: {  	v16 =	vsel vm15, $0x0, v5;
	v17 =	vsel vm0, $0x0, v5;
	v8 =	vsel vm13, $0x0, v5;
	(xrf0) =	vadd.scan.msk.s32 $0xffff, v9;
	s16 =	simm.s32 @!p1 $0x0  }
0x29d: {  	v5 =	vsel vm6, $0x0, v5;
	(xrf0) =	vadd.scan.msk.s32 $0xffff, v10;
	s10 =	sadd.s32 s16, s10  }
0x29e: {  	p1 =	seq.s32 s22, s23;
	s23 =	smov.u32 s9;
	(xrf0) =	vadd.scan.msk.s32 $0xffff, v11;
	p3 =	seq.s32 s10, $0x0  }
0x29f: {  	v9, _, _ =	vpop (xrf0);
	(xrf0) =	vadd.scan.msk.s32 $0xffff, v6;
	p4 =	sgt.u32 s10, $0x2;
	p5 =	sgt.u32 s10, $0x3;
	s13 =	simm.s32 @p3 $0x0  }
0x2a0: {  	(v2sf) =	vpush v9, $0xF;
	v6, _, _ =	vpop (xrf0);
	(xrf0) =	vadd.scan.msk.s32 $0xffff, v12;
	p3 =	sgt.u32 s10, $0x1;
	s18 =	simm.s32 @!p4 $0x0;
	s2 =	simm.s32 @!p5 $0x0  }
0x2a1: {  	p4 =	sgt.u32 s10, $0x5;
	(v2sf) =	vpush v6, $0xF;
	v6, _, _ =	vpop (xrf0);
	(xrf0) =	vadd.scan.msk.s32 $0xffff, v13;
	s9 =	sadd.s32 s24, s13;
	s21 =	simm.s32 @!p3 $0x0  }
0x2a2: {  	p3 =	sgt.u32 s10, $0x4;
	s12 =	simm.s32 @!p4 $0x0;
	(v2sf) =	vpush v6, $0xF;
	v6, _, _ =	vpop (xrf0);
	(xrf0) =	vadd.scan.msk.s32 $0xffff, v7;
	s9 =	sadd.s32 s21, s9  }
.Ltmp16:
0x2a3: {  	s4 =	simm.s32 @!p3 $0x0;
	(v2sf) =	vpush v6, $0xF;
	v6, _, _ =	vpop (xrf0);
	(xrf0) =	vadd.scan.msk.s32 $0xffff, v14;
	s9 =	sadd.s32 s18, s9;
	(pc) =	sbr.rel @p2 .LBB2_32-.Ltmp16, $4  }
0x2a4: {  	p4 =	sgt.u32 s10, $0x7;
	p3 =	sgt.u32 s10, $0x6;
	(v2sf) =	vpush v6, $0xF;
	v6, _, _ =	vpop (xrf0);
	(xrf0) =	vadd.scan.msk.s32 $0xffff, v15;
	s2 =	sadd.s32 s2, s9  }
0x2a5: {  	s8 =	simm.s32 @!p4 $0x0;
	s11 =	simm.s32 @!p3 $0x0;
	(v2sf) =	vpush v6, $0xF;
	v6, _, _ =	vpop (xrf0);
	(xrf0) =	vadd.scan.msk.s32 $0xffff, v8;
	s2 =	sadd.s32 s4, s2  }
0x2a6: {  	p4 =	sgt.u32 s10, $0x9;
	p3 =	sgt.u32 s10, $0x8;
	(v2sf) =	vpush v6, $0xF;
	v6, _, _ =	vpop (xrf0);
	(xrf0) =	vadd.scan.msk.s32 $0xffff, v16;
	s2 =	sadd.s32 s12, s2  }
0x2a7: {  	s7 =	simm.s32 @!p4 $0x0;
	s5 =	simm.s32 @!p3 $0x0;
	(v2sf) =	vpush v6, $0xF;
	v6, _, _ =	vpop (xrf0);
	(xrf0) =	vadd.scan.msk.s32 $0xffff, v17;
	s2 =	sadd.s32 s11, s2  }
0x2a8: {  	_ =	sdelay $0x1  }
0x2a9: {  	p2 =	sgt.u32 s10, $0xA;
	p3 =	sgt.u32 s10, $0xB;
	s2 =	sadd.s32 s8, s2  }
0x2aa: {  	s8 =	simm.s32 $0x1;
	s9 =	simm.s32 $0x1;
	s11 =	simm.s32 $0x1  }
0x2ab: {  	s12 =	simm.s32 $0x1;
	s16 =	simm.s32 $0x1;
	p4 =	sgt.u32 s10, $0xC  }
0x2ac: {  	(v2sf) =	vpush v6, $0xF;
	s20 =	smov.u32 @p1 s10;
	s6 =	simm.s32 @!p2 $0x0;
	s2 =	sadd.s32 s5, s2  }
0x2ad: {  	s1 =	simm.s32 @!p3 $0x0;
	s31 =	simm.s32 @!p4 $0x0;
	s2 =	sadd.s32 s7, s2  }
0x2ae: {  	p4 =	sgt.u32 s10, $0xE;
	s2 =	sadd.s32 s6, s2;
	s4 =	spop (v2sf)  }
0x2af: {  	v6, _, _ =	vpop (xrf0);
	s1 =	sadd.s32 s1, s2;
	s17 =	sadd.s32 s24, s4;
	s21 =	spop (v2sf)  }
0x2b0: {  	s2 =	simm.s32 $0x1;
	[dreg:$0xd] =	wrdreg s1;
	(v2sf) =	vpush v6, $0xF;
	s25 =	sadd.s32 s21, s17  }
0x2b1: {  	v6, _, _ =	vpop (xrf0);
	[dreg:$0xb] =	wrdreg s4;
	s18 =	spop (v2sf);
	p2 =	slt.s32 s25, s19  }
0x2b2: {  	(v2sf) =	vpush v6, $0xF;
	v6, _, _ =	vpop (xrf0);
	s5 =	spop (v2sf);
	s26 =	sadd.s32 s18, s25;
	s8 =	simm.s32 @!p2 $0x0  }
0x2b3: {  	(v2sf) =	vpush v6, $0xF;
	p2 =	slt.s32 s17, s19;
	p3 =	slt.s32 s26, s19;
	s6 =	spop (v2sf)  }
0x2b4: {  	(xrf0) =	vadd.scan.msk.s32 $0xffff, v5;
	v5, _, _ =	vpop (xrf0);
	s1 =	sadd.s32 s5, s26;
	s2 =	simm.s32 @!p2 $0x0;
	s9 =	simm.s32 @!p3 $0x0  }
0x2b5: {  	(v2sf) =	vpush v5, $0xF;
	s7 =	spop (v2sf);
	p2 =	slt.s32 s1, s19;
	s2 =	sadd.s32 s2, s8  }
0x2b6: {  	v5, _, _ =	vpop (xrf0);
	s8 =	spop (v2sf);
	s2 =	sadd.s32 s9, s2;
	s9 =	simm.s32 $0x1  }
0x2b7: {  	s1 =	sadd.s32 s6, s1;
	(v2sf) =	vpush v5, $0xF;
	s13 =	spop (v2sf);
	s9 =	simm.s32 @!p2 $0x0  }
0x2b8: {  	v5, _, _ =	vpop (xrf0);
	p2 =	slt.s32 s1, s19;
	s1 =	sadd.s32 s7, s1;
	s2 =	sadd.s32 s9, s2  }
0x2b9: {  	(v2sf) =	vpush v5, $0xF;
	s11 =	simm.s32 @!p2 $0x0;
	p2 =	slt.s32 s1, s19;
	s9 =	simm.s32 $0x1  }
0x2ba: {  	v5, _, _ =	vpop (xrf0);
	s1 =	sadd.s32 s8, s1;
	s2 =	sadd.s32 s11, s2;
	s9 =	simm.s32 @!p2 $0x0  }
0x2bb: {  	(v2sf) =	vpush v5, $0xF;
	p2 =	slt.s32 s1, s19;
	s11 =	spop (v2sf);
	s1 =	sadd.s32 s13, s1  }
0x2bc: {  	s2 =	sadd.s32 s9, s2;
	s12 =	simm.s32 @!p2 $0x0;
	p2 =	slt.s32 s1, s19  }
0x2bd: {  	s1 =	sadd.s32 s11, s1;
	s2 =	sadd.s32 s12, s2;
	s16 =	simm.s32 @!p2 $0x0  }
0x2be: {  	p2 =	slt.s32 s1, s19;
	s2 =	sadd.s32 s16, s2;
	s16 =	simm.s32 $0x1  }
0x2bf: {  	[dreg:$0xc] =	wrdreg s21;
	s16 =	simm.s32 @!p2 $0x0;
	s9 =	spop (v2sf)  }
0x2c0: {  	s17 =	simm.s32 $0x1;
	s2 =	sadd.s32 s16, s2;
	s1 =	sadd.s32 s9, s1  }
0x2c1: {  	s16 =	simm.s32 $0x1;
	s12 =	spop (v2sf);
	p2 =	slt.s32 s1, s19  }
0x2c2: {  	s1 =	sadd.s32 s12, s1;
	s25 =	spop (v2sf);
	s17 =	simm.s32 @!p2 $0x0  }
0x2c3: {  	p2 =	slt.s32 s1, s19;
	s1 =	sadd.s32 s25, s1;
	s2 =	sadd.s32 s17, s2  }
0x2c4: {  	s16 =	simm.s32 @!p2 $0x0;
	p2 =	slt.s32 s1, s19;
	s21 =	spop (v2sf)  }
0x2c5: {  	s17 =	simm.s32 $0x1;
	s2 =	sadd.s32 s16, s2;
	s1 =	sadd.s32 s21, s1  }
0x2c6: {  	s17 =	simm.s32 @!p2 $0x0;
	s26 =	spop (v2sf);
	s16 =	simm.s32 $0x1  }
0x2c7: {  	p2 =	slt.s32 s1, s19;
	s2 =	sadd.s32 s17, s2;
	s1 =	sadd.s32 s26, s1  }
0x2c8: {  	s4 =	spop (v2sf);
	s16 =	simm.s32 @!p2 $0x0;
	p2 =	slt.s32 s1, s19  }
0x2c9: {  	s17 =	sadd.s32 s4, s1;
	s1 =	simm.s32 $0x1;
	s16 =	sadd.s32 s16, s2  }
0x2ca: {  	s2 =	spop (v2sf);
	s1 =	simm.s32 @!p2 $0x0;
	p2 =	slt.s32 s17, s19  }
0x2cb: {  	s17 =	sadd.s32 s2, s17;
	s1 =	sadd.s32 s1, s16;
	s16 =	simm.s32 $0x1  }
0x2cc: {  	s30 =	simm.s32 @!p4 $0x0;
	p3 =	slt.s32 s17, s19;
	s16 =	simm.s32 @!p2 $0x0  }
0x2cd: {  	s17 =	simm.s32 $0x1;
	p2 =	sgt.u32 s10, $0xD;
	s1 =	sadd.s32 s16, s1  }
0x2ce: {  	s17 =	simm.s32 @!p3 $0x0;
	s16 =	rddreg [dreg:$0xd];
	s0 =	simm.s32 @!p2 $0x0  }
0x2cf: {  	p3 =	sgt.u32 s10, $0xF;
	p2 =	seq.s32 s22, s23;
	s10 =	rddreg [dreg:$0xc]  }
0x2d0: {  	s23 =	sshll.u32 s22, $0x4;
	s16 =	sadd.s32 s31, s16;
	s31 =	sadd.s32 s17, s1  }
0x2d1: {  	s1 =	rddreg [dreg:$0xb];
	s17 =	simm.s32 $0x0;
	s29 =	simm.s32 @!p3 $0x0  }
0x2d2: {  	p5 =	seq.s32 s31, $0x0;
	p6 =	sgt.u32 s31, $0x2;
	s20 =	smov.u32 @p2 s31  }
0x2d3: {  	s1 =	simm.s32 @p5 $0x0;
	p5 =	sgt.u32 s31, $0x1;
	s18 =	simm.s32 @!p6 $0x0  }
0x2d4: {  	p6 =	sgt.u32 s31, $0x5;
	s1 =	sadd.s32 s24, s1;
	s10 =	simm.s32 @!p5 $0x0  }
0x2d5: {  	p5 =	sgt.u32 s31, $0x3;
	s7 =	simm.s32 @!p6 $0x0;
	s1 =	sadd.s32 s10, s1  }
0x2d6: {  	s5 =	simm.s32 @!p5 $0x0;
	p5 =	sgt.u32 s31, $0x4;
	s1 =	sadd.s32 s18, s1  }
0x2d7: {  	s6 =	simm.s32 @!p5 $0x0;
	s18 =	rddreg [dreg:$0x9];
	s1 =	sadd.s32 s5, s1  }
0x2d8: {  	v6 =	vld [tilespmem:s17+$0x0];
	s24 =	rddreg [dreg:$0xa];
	s5 =	sshll.u32 s18, $0x15;
	s1 =	sadd.s32 s6, s1  }
0x2d9: {  	s5 =	sxor.u32 $0x80000000, s5;
	s1 =	sadd.s32 s7, s1;
	s7 =	sshll.u32 s24, $0xA  }
0x2da: {  	s0 =	sadd.s32 s0, s16;
	s6 =	sadd.s32 s23, s20;
	s5 =	sor.u32 s5, s7  }
0x2db: {  	p4 =	sgt.u32 s31, $0xC;
	p5 =	sgt.u32 s31, $0x6;
	s5 =	sor.u32 s6, s5  }
0x2dc: {  	s21 =	simm.s32 @!p4 $0x0;
	p6 =	sgt.u32 s31, $0x7;
	s8 =	simm.s32 @!p5 $0x0;
	v5 =	vmov s5  }
0x2dd: {  	s13 =	simm.s32 @!p6 $0x0;
	p5 =	sgt.u32 s31, $0x8;
	s1 =	sadd.s32 s8, s1;
	vm2 =	vlt.s32 v6, v5  }
0x2de: {  	p6 =	sgt.u32 s31, $0x9;
	s11 =	simm.s32 @!p5 $0x0;
	s1 =	sadd.s32 s13, s1;
	v7 =	vsel vm2, $0x1, v1  }
0x2df: {  	s9 =	simm.s32 @!p6 $0x0;
	p5 =	sgt.u32 s31, $0xA;
	s1 =	sadd.s32 s11, s1;
	(xrf0) =	vadd.scan.msk.s32 $0xffff, v7  }
0x2e0: {  	p6 =	sgt.u32 s31, $0xB;
	s12 =	simm.s32 @!p5 $0x0;
	s1 =	sadd.s32 s9, s1  }
0x2e1: {  	p4 =	sgt.u32 s31, $0xD;
	s25 =	simm.s32 @!p6 $0x0;
	s1 =	sadd.s32 s12, s1  }
0x2e2: {  	s0 =	sadd.s32 s30, s0;
	s26 =	simm.s32 @!p4 $0x0;
	s1 =	sadd.s32 s25, s1  }
0x2e3: {  	s0 =	sadd.s32 s29, s0;
	p5 =	sgt.u32 s31, $0xE;
	s1 =	sadd.s32 s21, s1  }
0x2e4: {  	p6 =	sgt.u32 s31, $0xF;
	s4 =	simm.s32 @!p5 $0x0;
	s1 =	sadd.s32 s26, s1  }
0x2e5: {  	s28 =	smov.u32 @p1 s0;
	s2 =	simm.s32 @!p6 $0x0;
	s1 =	sadd.s32 s4, s1;
	v7, _, _ =	vpop (xrf0)  }
0x2e6: {  	s4 =	simm.s32 $0x10;
	s0 =	sadd.s32 s2, s1;
	s1 =	simm.s32 $0x0;
	(v2sf) =	vpush v7, $0xF  }
0x2e7: {  	s2 =	simm.s32 $0x80;
	s28 =	smov.u32 @p2 s0;
	[tilespmem:s1+$0x5700] =	vst.msk vm2, v6;
	s0 =	simm.s32 $0x0  }
.LBB2_34:
0x2e8: {  	p1 =	seq.s32 s2, $0x13840;
	v6 =	vld [tilespmem:s4+$0x0];
	_ =	sdelay $0x4  }
0x2e9: {  	vm2 =	vlt.s32 v6, v5  }
0x2ea: {  	v7 =	vsel vm2, $0x1, v1  }
0x2eb: {  	(xrf0) =	vadd.scan.msk.s32 $0xffff, v7;
	_ =	sdelay $0x3  }
.Ltmp17:
0x2ec: {  	(pc) =	sbr.rel @!p1 .LBB2_34-.Ltmp17, $4  }
0x2ed: {  	_ = 	snop  }
0x2ee: {  	v7, _, _ =	vpop (xrf0);
	s4 =	spop (v2sf)  }
0x2ef: {  	(v2sf) =	vpush v7, $0xF;
	s0 =	sadd.s32 s0, s4  }
0x2f0: {  	s4 =	sshra.s32 s2, $0x2;
	s2 =	sadd.s32 $0x40, s2;
	[tilespmem:s0+$0x5700] =	vst.msk vm2, v6  }
0x2f1: {  	_ =	sdelay $0x5  }
0x2f2: {  	v6 =	vld [tilespmem:s4+$0x0];
	_ =	sdelay $0x4  }
0x2f3: {  	vm2 =	vlt.s32 v6, v5  }
0x2f4: {  	v7 =	vsel vm2, $0x1, v1  }
0x2f5: {  	(xrf0) =	vadd.scan.msk.s32 $0xffff, v7;
	s2 =	spop (v2sf)  }
0x2f6: {  	s0 =	sadd.s32 s0, s2  }
0x2f7: {  	[tilespmem:s0+$0x5700] =	vst.msk vm2, v6;
	v6 =	vld [tilespmem:$0x1FFE0];
	_ =	sdelay $0x3  }
0x2f8: {  	v7, _, _ =	vpop (xrf0)  }
0x2f9: {  	(v2sf) =	vpush v7, $0xF;
	vm0 =	vnez.u8 v6;
	v6 =	vld [tilespmem:s1+$0x0];
	_ =	sdelay $0x4  }
0x2fa: {  	vm2 =	vlt.s32 v6, v5  }
0x2fb: {  	v6 =	vsel vm2, $0x1, v1  }
0x2fc: {  	(xrf0) =	vadd.scan.msk.s32 $0xffff, v6;
	_ =	sdelay $0x5  }
0x2fd: {  	v7, _, _ =	vpop (xrf0)  }
0x2fe: {  	s12 =	rddreg [dreg:$0x2];
	s13 =	simm.s32 $0x1;
	s16 =	simm.s32 $0x4E80;
	v6 =	vor.u32 s1, v3;
	(v2sf) =	vpush v7, $0xF  }
0x2ff: {  	s8 =	simm.s32 $0x5E00;
	s2 =	simm.s32 $0x10;
	[tilespmem:s1+$0x5980] =	vst.msk vm2, v6;
	s31 =	spop (v2sf)  }
0x300: {  	vm6 =	vcmask $0xF14;
	s4 =	simm.s32 $0x20;
	s5 =	simm.s32 $0x10;
	v6 =	vld [tilespmem:s2+$0x0];
	s0 =	sadd.s32 s0, s31  }
.LBB2_36:
0x301: {  	p1 =	seq.s32 s4, $0x4E10;
	_ =	sdelay $0x3  }
0x302: {  	vm2 =	vlt.s32 v6, v5  }
0x303: {  	v6 =	vsel vm2, $0x1, v1  }
0x304: {  	(xrf0) =	vadd.scan.msk.s32 $0xffff, v6;
	_ =	sdelay $0x4  }
.Ltmp18:
0x305: {  	(pc) =	sbr.rel @!p1 .LBB2_36-.Ltmp18, $4  }
0x306: {  	v6, _, _ =	vpop (xrf0);
	s6 =	spop (v2sf)  }
0x307: {  	v7 =	vor.u32 s2, v3;
	s2 =	smov.u32 s4;
	(v2sf) =	vpush v6, $0xF;
	s1 =	sadd.s32 s1, s6  }
0x308: {  	s5 =	sadd.s32 $0x10, s5;
	[tilespmem:s1+$0x5980] =	vst.msk vm2, v7  }
0x309: {  	s4 =	sadd.s32 $0x10, s4;
	v6 =	vld [tilespmem:s5+$0x0]  }
0x30a: {  	_ =	sdelay $0x3  }
0x30b: {  	vm2 =	vlt.s32 v6, v5  }
0x30c: {  	v6 =	vsel vm2, $0x1, v1  }
0x30d: {  	(xrf0) =	vadd.scan.msk.s32 $0xffff, v6;
	_ =	sdelay $0x5  }
0x30e: {  	v6, _, _ =	vpop (xrf0);
	s4 =	spop (v2sf)  }
0x30f: {  	(v2sf) =	vpush v6, $0xF;
	v6 =	vor.u32 s2, v3;
	s1 =	sadd.s32 s1, s4  }
0x310: {  	[tilespmem:s1+$0x5980] =	vst.msk vm2, v6;
	s1 =	ssub.s32 s19, s28  }
0x311: {  	s2 =	simm.s32 $0x0;
	p1 =	sle.s32 s1, $0x0  }
0x312: {  	v6 =	vld @!p1 [tilespmem:s2+$0x0];
	_ =	sdelay $0x4  }
0x313: {  	v7 =	vimm.s32 @!p1 $0x0;
	vm2 =	veq.s32 @!p1 v6, v5  }
0x314: {  	v6 =	vsel @!p1 vm2, $0x1, v7  }
0x315: {  	(xrf0) =	vadd.scan.msk.s32 @!p1 $0xffff, v6;
	_ =	sdelay $0x5  }
0x316: {  	v6, _, _ =	vpop @!p1 (xrf0)  }
0x317: {  	(v2sf) =	vpush @!p1 v6, $0xF;
	_ =	sdelay $0xd  }
0x318: {  	s31 =	spop (v2sf)  }
0x319: {  	v6 =	vlaneseq.u32 @!p1;
	s5 =	spop @!p1 (v2sf)  }
0x31a: {  	v6 =	vor.u32 @!p1 s2, v6;
	s5 =	simm.s32 @p1 $0x0  }
0x31b: {  	s4 =	simm.s32 $0x10;
	[tilespmem:s2+$0x5C00] =	vst.msk @!p1 vm2, v6;
	s5 =	sadd.s32 $0x0, s5  }
.LBB2_38:
0x31c: {  	p1 =	sge.s32 s5, s1  }
0x31d: {  	s2 =	sadd.s32 $0x10, s2;
	s6 =	smov.u32 s4;
	s4 =	sadd.s32 $0x10, s4  }
0x31e: {  	v6 =	vld @!p1 [tilespmem:s2+$0x0];
	v7 =	vimm.s32 @!p1 $0x0;
	v8 =	vlaneseq.u32 @!p1;
	p2 =	seq.s32 s4, $0x4E20  }
0x31f: {  	v8 =	vor.u32 @!p1 s6, v8;
	_ =	sdelay $0x3  }
0x320: {  	vm2 =	veq.s32 @!p1 v6, v5  }
0x321: {  	v6 =	vsel @!p1 vm2, $0x1, v7;
	[tilespmem:s5+$0x5C00] =	vst.msk @!p1 vm2, v8  }
0x322: {  	(xrf0) =	vadd.scan.msk.s32 @!p1 $0xffff, v6;
	_ =	sdelay $0x5  }
0x323: {  	v6, _, _ =	vpop @!p1 (xrf0)  }
0x324: {  	(v2sf) =	vpush @!p1 v6, $0xF;
	_ =	sdelay $0xc  }
.Ltmp19:
0x325: {  	(pc) =	sbr.rel @!p2 .LBB2_38-.Ltmp19, $4  }
0x326: {  	_ = 	snop  }
0x327: {  	s6 =	spop @!p1 (v2sf)  }
0x328: {  	s6 =	simm.s32 @p1 $0x0  }
0x329: {  	s5 =	sadd.s32 s5, s6  }
0x32a: {  	v7 =	vmov s0;
	s0 =	simm.s32 $0x0  }
0x32b: {  	v6 =	vmov s1;
	v8 =	vor.u32 s0, v3  }
0x32c: {  	s4 =	simm.s32 $0x5C00;
	s5 =	simm.s32 $0x10;
	vm2 =	vlt.s32 v8, v6;
	v8 =	vadd.s32 v7, v8  }
.LBB2_40:
0x32d: {  	p1 =	sne.s32 s5, $0x160;
	v9 =	vnsel vm2, $0x21F, v8;
	v8 =	vld [tilespmem:s4+$0x0];
	_ =	sdelay $0x1  }
.Ltmp20:
0x32e: {  	(pc) =	sbr.rel @p1 .LBB2_40-.Ltmp20, $4  }
0x32f: {  	_ = 	snop  }
0x330: {  	s1 =	simm.s32 $0x5980  }
0x331: {  	v10 =	vor.u32 s5, v3;
	s2 =	simm.s32 $0x5700;
	[tilespmem:v9+s1+$0x0] =	vst.idx.msk $0xffff, v8  }
0x332: {  	s5 =	sadd.s32 $0x10, s5;
	s4 =	sadd.s32 $0x10, s4;
	vm2 =	vlt.s32 v10, v6;
	v8 =	vadd.s32 v7, v10;
	[tilespmem:v9+s2+$0x0] =	vst.idx.msk $0xffff, v5  }
0x333: {  	v6 =	vnsel vm2, $0x21F, v8;
	v7 =	vld [tilespmem:s4+$0x0];
	_ =	sdelay $0x4  }
0x334: {  	[tilespmem:v6+s1+$0x0] =	vst.idx.msk $0xffff, v7  }
0x335: {  	[tilespmem:v6+s2+$0x0] =	vst.idx.msk $0xffff, v5  }
0x336: {  	v6 =	vld [tilespmem:s2+$0x0]  }
0x337: {  	s4 =	simm.s32 $0x10;
	v5 =	vld [tilespmem:s1+$0x0]  }
.LBB2_42:
0x338: {  	p1 =	sne.s32 s4, $0x210  }
0x339: {  	v7 =	vor.u32 s0, v3;
	s0 =	smov.u32 s4  }
0x33a: {  	vm2 =	vlt.u32 v7, v0  }
.Ltmp21:
0x33b: {  	v6 =	vnsel vm2, $0x7FFFFFFF, v6;
	(pc) =	sbr.rel @p1 .LBB2_42-.Ltmp21, $4  }
0x33c: {  	[tilespmem:s2+$0x0] =	vst v6;
	v5 =	vnsel vm2, $0x7FFFFFFF, v5  }
0x33d: {  	s2 =	sadd.s32 $0x10, s2;
	[tilespmem:s1+$0x0] =	vst v5  }
0x33e: {  	s1 =	sadd.s32 $0x10, s1;
	v6 =	vld [tilespmem:s2+$0x0]  }
0x33f: {  	s4 =	sadd.s32 $0x10, s4;
	v5 =	vld [tilespmem:s1+$0x0]  }
0x340: {  	_ = 	snop  }
0x341: {  	v7 =	vor.u32 s0, v3  }
0x342: {  	vm2 =	vlt.u32 v7, v0  }
0x343: {  	v6 =	vnsel vm2, $0x7FFFFFFF, v6  }
0x344: {  	[tilespmem:s2+$0x0] =	vst v6;
	v5 =	vnsel vm2, $0x7FFFFFFF, v5  }
0x345: {  	s0 =	simm.s32 $0x0;
	[tilespmem:s1+$0x0] =	vst v5;
	s1 =	simm.s32 $0x40  }
.LBB2_44:
0x346: {  	p1 =	sne.s32 s1, $0x7C0;
	v5 =	vld [tilespmem:s0+$0x5700]  }
0x347: {  	v6 =	vld [tilespmem:s0+$0x5980];
	_ =	sdelay $0x3  }
0x348: {  	v5 =	vxor.u32 $0x80000000, v5  }
0x349: {  	(xrf1) =	vsort.ascd.msk.u32 $0xffff, v5, v6;
	_ =	sdelay $0xb  }
.Ltmp22:
0x34a: {  	(pc) =	sbr.rel @p1 .LBB2_44-.Ltmp22, $4  }
0x34b: {  	_ = 	snop  }
0x34c: {  	v5, v6, _ =	vpop (xrf1)  }
0x34d: {  	v5 =	vxor.u32 $0x80000000, v5;
	[tilespmem:s0+$0x5980] =	vst v6  }
0x34e: {  	[tilespmem:s0+$0x5700] =	vst v5;
	s0 =	sshra.s32 s1, $0x2;
	s1 =	sadd.s32 $0x40, s1  }
0x34f: {  	v5 =	vld [tilespmem:s0+$0x5700]  }
0x350: {  	v6 =	vld [tilespmem:s0+$0x5980];
	_ =	sdelay $0x3  }
0x351: {  	v5 =	vxor.u32 $0x80000000, v5  }
0x352: {  	(xrf1) =	vsort.ascd.msk.u32 $0xffff, v5, v6;
	_ =	sdelay $0xd  }
0x353: {  	v5, v6, _ =	vpop (xrf1)  }
0x354: {  	v5 =	vxor.u32 $0x80000000, v5;
	[tilespmem:s0+$0x5980] =	vst v6  }
0x355: {  	[tilespmem:s0+$0x5700] =	vst v5;
	s0 =	simm.s32 $0x0  }
0x356: {  	v6 =	vld [tilespmem:s0+$0x5710]  }
0x357: {  	v7 =	vld [tilespmem:s0+$0x5990]  }
0x358: {  	v5 =	vmul.u32 $0xFFFFFFFF, v3;
	v8 =	vld [tilespmem:s0+$0x5700];
	_ =	sdelay $0x1  }
0x359: {  	v9 =	vld [tilespmem:s0+$0x5980];
	v5 =	vadd.s32 $0xF, v5  }
0x35a: {  	v6 =	vperm.xlane v6, v5;
	_ =	sdelay $0x1  }
0x35b: {  	v7 =	vperm.xlane v7, v5;
	vm2 =	vgt.s32 v8, v6  }
0x35c: {  	v10 =	vsel vm2, v6, v8;
	v6 =	vsel vm2, v8, v6  }
0x35d: {  	v8 =	vsel vm2, v7, v9;
	[tilespmem:s0+$0x5700] =	vst v10;
	v6 =	vperm.xlane v6, v5  }
0x35e: {  	[tilespmem:s0+$0x5980] =	vst v8;
	v8 =	vld [tilespmem:s0+$0x5700]  }
0x35f: {  	v7 =	vsel vm2, v9, v7;
	[tilespmem:s0+$0x5710] =	vst v6;
	v6 =	vld [tilespmem:s0+$0x5980]  }
0x360: {  	v7 =	vperm.xlane v7, v5;
	_ =	sdelay $0x1  }
0x361: {  	[tilespmem:s0+$0x5990] =	vst v7;
	v7 =	vld [tilespmem:s0+$0x5710]  }
0x362: {  	v63 =	vld [tilespmem:s0+$0x5990];
	v8 =	vxor.u32 $0x80000000, v8  }
0x363: {  	(xrf1) =	vsort.ascd.msk.u32 $0xffff, v8, v6;
	_ =	sdelay $0x2  }
0x364: {  	v6 =	vxor.u32 $0x80000000, v7  }
0x365: {  	(xrf1) =	vsort.ascd.msk.u32 $0xffff, v6, v63;
	_ =	sdelay $0x9  }
0x366: {  	v6, v7, _ =	vpop (xrf1)  }
0x367: {  	v6 =	vxor.u32 $0x80000000, v6;
	_ =	sdelay $0x1  }
0x368: {  	[tilespmem:s0+$0x5980] =	vst v7  }
0x369: {  	[tilespmem:s0+$0x5700] =	vst v6;
	v6, v7, _ =	vpop (xrf1)  }
0x36a: {  	s1 =	simm.s32 $0x80;
	s2 =	simm.s32 $0x100;
	v6 =	vxor.u32 $0x80000000, v6;
	[tilespmem:s0+$0x5990] =	vst v7  }
.LBB2_46:
0x36b: {  	p1 =	sne.s32 s2, $0x780  }
0x36c: {  	[tilespmem:s0+$0x5710] =	vst v6;
	s0 =	sshra.s32 s1, $0x2;
	s1 =	smov.u32 s2;
	s2 =	sadd.s32 $0x80, s2  }
0x36d: {  	v6 =	vld [tilespmem:s0+$0x5710]  }
0x36e: {  	v7 =	vld [tilespmem:s0+$0x5990]  }
0x36f: {  	v8 =	vld [tilespmem:s0+$0x5700]  }
0x370: {  	v9 =	vld [tilespmem:s0+$0x5980];
	_ =	sdelay $0x1  }
0x371: {  	v6 =	vperm.xlane v6, v5  }
0x372: {  	v7 =	vperm.xlane v7, v5  }
0x373: {  	vm2 =	vgt.s32 v8, v6  }
0x374: {  	v10 =	vsel vm2, v6, v8;
	v6 =	vsel vm2, v8, v6;
	v8 =	vsel vm2, v9, v7  }
0x375: {  	v7 =	vsel vm2, v7, v9;
	v6 =	vperm.xlane v6, v5;
	v8 =	vperm.xlane v8, v5;
	[tilespmem:s0+$0x5700] =	vst v10  }
0x376: {  	[tilespmem:s0+$0x5980] =	vst v7;
	v7 =	vld [tilespmem:s0+$0x5700]  }
0x377: {  	[tilespmem:s0+$0x5710] =	vst v6;
	v6 =	vld [tilespmem:s0+$0x5980]  }
0x378: {  	[tilespmem:s0+$0x5990] =	vst v8;
	v8 =	vld [tilespmem:s0+$0x5710]  }
0x379: {  	v9 =	vld [tilespmem:s0+$0x5990];
	_ =	sdelay $0x1  }
0x37a: {  	v7 =	vxor.u32 $0x80000000, v7  }
0x37b: {  	(xrf1) =	vsort.ascd.msk.u32 $0xffff, v7, v6  }
0x37c: {  	v6 =	vxor.u32 $0x80000000, v8  }
0x37d: {  	(xrf1) =	vsort.ascd.msk.u32 $0xffff, v6, v9;
	_ =	sdelay $0xa  }
.Ltmp23:
0x37e: {  	(pc) =	sbr.rel @p1 .LBB2_46-.Ltmp23, $4  }
0x37f: {  	v6, v7, _ =	vpop (xrf1)  }
0x380: {  	v8 =	vxor.u32 $0x80000000, v6;
	[tilespmem:s0+$0x5980] =	vst v7  }
0x381: {  	[tilespmem:s0+$0x5700] =	vst v8;
	v6, v7, _ =	vpop (xrf1)  }
0x382: {  	v6 =	vxor.u32 $0x80000000, v6;
	[tilespmem:s0+$0x5990] =	vst v7  }
0x383: {  	s1 =	sshra.s32 s1, $0x2;
	[tilespmem:s0+$0x5710] =	vst v6  }
0x384: {  	v6 =	vld [tilespmem:s1+$0x5710]  }
0x385: {  	v7 =	vld [tilespmem:s1+$0x5990]  }
0x386: {  	v8 =	vld [tilespmem:s1+$0x5700];
	_ =	sdelay $0x1  }
0x387: {  	v9 =	vld [tilespmem:s1+$0x5980]  }
0x388: {  	v6 =	vperm.xlane v6, v5;
	_ =	sdelay $0x1  }
0x389: {  	v7 =	vperm.xlane v7, v5;
	vm2 =	vgt.s32 v8, v6  }
0x38a: {  	v10 =	vsel vm2, v6, v8;
	v6 =	vsel vm2, v8, v6  }
0x38b: {  	v8 =	vsel vm2, v9, v7;
	v7 =	vsel vm2, v7, v9;
	v6 =	vperm.xlane v6, v5;
	[tilespmem:s1+$0x5700] =	vst v10  }
0x38c: {  	[tilespmem:s1+$0x5980] =	vst v7;
	v7 =	vld [tilespmem:s1+$0x5700]  }
0x38d: {  	[tilespmem:s1+$0x5710] =	vst v6;
	v6 =	vld [tilespmem:s1+$0x5980]  }
0x38e: {  	v8 =	vperm.xlane v8, v5;
	_ =	sdelay $0x1  }
0x38f: {  	[tilespmem:s1+$0x5990] =	vst v8;
	v8 =	vld [tilespmem:s1+$0x5710]  }
0x390: {  	v9 =	vld [tilespmem:s1+$0x5990];
	v7 =	vxor.u32 $0x80000000, v7  }
0x391: {  	(xrf1) =	vsort.ascd.msk.u32 $0xffff, v7, v6;
	_ =	sdelay $0x2  }
0x392: {  	v6 =	vxor.u32 $0x80000000, v8  }
0x393: {  	(xrf1) =	vsort.ascd.msk.u32 $0xffff, v6, v9;
	_ =	sdelay $0x9  }
0x394: {  	v6, v7, _ =	vpop (xrf1)  }
0x395: {  	v6 =	vxor.u32 $0x80000000, v6;
	_ =	sdelay $0x1  }
0x396: {  	[tilespmem:s1+$0x5980] =	vst v7  }
0x397: {  	[tilespmem:s1+$0x5700] =	vst v6;
	v6, v7, _ =	vpop (xrf1)  }
0x398: {  	v6 =	vxor.u32 $0x80000000, v6;
	[tilespmem:s1+$0x5990] =	vst v7  }
0x399: {  	s18 =	simm.s32 $0x0;
	[tilespmem:s1+$0x5710] =	vst v6  }
0x39a: {  	v6 =	vld [tilespmem:s18+$0x5700]  }
0x39b: {  	p1 =	por $0x1, $0x1;
	v8 =	vld [tilespmem:s18+$0x5710]  }
.Ltmp24:
0x39c: {  	v10 =	vld [tilespmem:s18+$0x59A0];
	(pc) =	sbr.rel @!p1 .LBB2_49-.Ltmp24, $4  }
0x39d: {  	v11 =	vld [tilespmem:s18+$0x5720]  }
0x39e: {  	v9 =	vld [tilespmem:s18+$0x59B0]  }
0x39f: {  	v12 =	vld [tilespmem:s18+$0x5730]  }
0x3a0: {  	s0 =	simm.s32 $0x0;
	s1 =	simm.s32 $0x100;
	v7 =	vld [tilespmem:s18+$0x5990]  }
.LBB2_48:
0x3a1: {  	p1 =	sne.s32 s1, $0x700;
	s2 =	smov.u32 s1;
	s1 =	sadd.s32 $0x100, s1  }
0x3a2: {  	v13 =	vld [tilespmem:s0+$0x5980];
	v11 =	vperm.xlane v11, v5;
	_ =	sdelay $0x1  }
0x3a3: {  	v10 =	vperm.xlane v10, v5;
	v12 =	vperm.xlane v12, v5;
	vm2 =	vgt.s32 v8, v11  }
0x3a4: {  	s2 =	sshra.s32 s2, $0x2;
	v9 =	vperm.xlane v9, v5;
	v14 =	vsel vm2, v11, v8;
	v8 =	vsel vm2, v8, v11  }
0x3a5: {  	v11 =	vsel vm2, v10, v7;
	vm3 =	vgt.s32 v6, v12;
	v8 =	vperm.xlane v8, v5;
	[tilespmem:s0+$0x5710] =	vst v14  }
0x3a6: {  	v14 =	vsel vm3, v12, v6;
	v15 =	vsel vm3, v9, v13;
	v6 =	vsel vm3, v6, v12;
	[tilespmem:s0+$0x5990] =	vst v11;
	v11 =	vld [tilespmem:s0+$0x5710]  }
0x3a7: {  	v7 =	vsel vm2, v7, v10;
	v9 =	vsel vm3, v13, v9;
	[tilespmem:s0+$0x5700] =	vst v14;
	v10 =	vld [tilespmem:s0+$0x5990]  }
0x3a8: {  	v6 =	vperm.xlane v6, v5;
	v9 =	vperm.xlane v9, v5;
	[tilespmem:s0+$0x5980] =	vst v15;
	v12 =	vld [tilespmem:s0+$0x5700]  }
0x3a9: {  	v7 =	vperm.xlane v7, v5;
	[tilespmem:s0+$0x5720] =	vst v8;
	v8 =	vld [tilespmem:s0+$0x5980]  }
0x3aa: {  	[tilespmem:s0+$0x59B0] =	vst v9;
	v9 =	vld [tilespmem:s0+$0x5720]  }
0x3ab: {  	[tilespmem:s0+$0x5730] =	vst v6;
	v6 =	vld [tilespmem:s0+$0x59B0]  }
0x3ac: {  	[tilespmem:s0+$0x59A0] =	vst v7;
	v7 =	vld [tilespmem:s0+$0x5730]  }
0x3ad: {  	vm2 =	vgt.s32 v12, v11;
	v13 =	vld [tilespmem:s0+$0x59A0]  }
0x3ae: {  	v14 =	vsel vm2, v11, v12;
	v15 =	vsel vm2, v10, v8;
	v11 =	vsel vm2, v12, v11  }
0x3af: {  	v8 =	vsel vm2, v8, v10;
	[tilespmem:s0+$0x5700] =	vst v14  }
0x3b0: {  	[tilespmem:s0+$0x5980] =	vst v15;
	v10 =	vld [tilespmem:s0+$0x5700]  }
0x3b1: {  	[tilespmem:s0+$0x5710] =	vst v11;
	vm2 =	vgt.s32 v9, v7;
	v11 =	vld [tilespmem:s0+$0x5980]  }
0x3b2: {  	[tilespmem:s0+$0x5990] =	vst v8;
	v8 =	vsel vm2, v7, v9;
	v12 =	vsel vm2, v6, v13;
	v7 =	vsel vm2, v9, v7;
	v9 =	vld [tilespmem:s0+$0x5710]  }
0x3b3: {  	v6 =	vsel vm2, v13, v6;
	[tilespmem:s0+$0x5720] =	vst v8;
	v8 =	vld [tilespmem:s0+$0x5990]  }
0x3b4: {  	[tilespmem:s0+$0x59A0] =	vst v12;
	v12 =	vld [tilespmem:s0+$0x5720]  }
0x3b5: {  	[tilespmem:s0+$0x5730] =	vst v7;
	v7 =	vxor.u32 $0x80000000, v10;
	v10 =	vld [tilespmem:s0+$0x59A0]  }
0x3b6: {  	[tilespmem:s0+$0x59B0] =	vst v6;
	v6 =	vld [tilespmem:s0+$0x5730];
	(xrf1) =	vsort.ascd.msk.u32 $0xffff, v7, v11  }
0x3b7: {  	v7 =	vxor.u32 $0x80000000, v9;
	v9 =	vld [tilespmem:s0+$0x59B0]  }
0x3b8: {  	(xrf1) =	vsort.ascd.msk.u32 $0xffff, v7, v8  }
0x3b9: {  	v7 =	vxor.u32 $0x80000000, v12  }
0x3ba: {  	(xrf1) =	vsort.ascd.msk.u32 $0xffff, v7, v10  }
0x3bb: {  	v6 =	vxor.u32 $0x80000000, v6  }
0x3bc: {  	(xrf1) =	vsort.ascd.msk.u32 $0xffff, v6, v9;
	_ =	sdelay $0x7  }
0x3bd: {  	v6, v7, _ =	vpop (xrf1)  }
0x3be: {  	v8 =	vxor.u32 $0x80000000, v6;
	[tilespmem:s0+$0x5980] =	vst v7  }
0x3bf: {  	[tilespmem:s0+$0x5700] =	vst v8;
	v6, v7, _ =	vpop (xrf1)  }
0x3c0: {  	v8 =	vxor.u32 $0x80000000, v6;
	[tilespmem:s0+$0x5990] =	vst v7  }
0x3c1: {  	v6 =	vld [tilespmem:s2+$0x5700];
	[tilespmem:s0+$0x5710] =	vst v8;
	v7, v9, _ =	vpop (xrf1)  }
0x3c2: {  	v8 =	vld [tilespmem:s2+$0x5710];
	v11 =	vxor.u32 $0x80000000, v7;
	[tilespmem:s0+$0x59A0] =	vst v9  }
.Ltmp25:
0x3c3: {  	v10 =	vld [tilespmem:s2+$0x59A0];
	[tilespmem:s0+$0x5720] =	vst v11;
	v7, v9, _ =	vpop (xrf1);
	(pc) =	sbr.rel @p1 .LBB2_48-.Ltmp25, $4  }
0x3c4: {  	v11 =	vld [tilespmem:s2+$0x5720];
	v7 =	vxor.u32 $0x80000000, v7;
	[tilespmem:s0+$0x59B0] =	vst v9  }
0x3c5: {  	v9 =	vld [tilespmem:s2+$0x59B0];
	[tilespmem:s0+$0x5730] =	vst v7;
	s0 =	smov.u32 s2  }
0x3c6: {  	v12 =	vld [tilespmem:s0+$0x5730]  }
0x3c7: {  	v7 =	vld [tilespmem:s0+$0x5990]  }
.LBB2_49:
0x3c8: {  	_ = 	snop  }
0x3c9: {  	v11 =	vperm.xlane v11, v5  }
0x3ca: {  	v13 =	vld [tilespmem:s0+$0x5980]  }
0x3cb: {  	v10 =	vperm.xlane v10, v5;
	vm2 =	vgt.s32 v8, v11;
	v12 =	vperm.xlane v12, v5  }
0x3cc: {  	v14 =	vsel vm2, v11, v8  }
0x3cd: {  	v9 =	vperm.xlane v9, v5;
	v15 =	vsel vm2, v10, v7;
	[tilespmem:s0+$0x5710] =	vst v14;
	vm3 =	vgt.s32 v6, v12  }
0x3ce: {  	[tilespmem:s0+$0x5990] =	vst v15;
	v14 =	vsel vm3, v12, v6  }
0x3cf: {  	v8 =	vsel vm2, v8, v11;
	v15 =	vld [tilespmem:s0+$0x5710];
	v11 =	vsel vm3, v9, v13;
	[tilespmem:s0+$0x5700] =	vst v14  }
0x3d0: {  	v8 =	vperm.xlane v8, v5;
	[tilespmem:s0+$0x5980] =	vst v11;
	v11 =	vld [tilespmem:s0+$0x5700]  }
0x3d1: {  	v7 =	vsel vm2, v7, v10;
	v14 =	vld [tilespmem:s0+$0x5990]  }
0x3d2: {  	v7 =	vperm.xlane v7, v5;
	v9 =	vsel vm3, v13, v9;
	[tilespmem:s0+$0x5720] =	vst v8;
	v8 =	vld [tilespmem:s0+$0x5980]  }
0x3d3: {  	v6 =	vsel vm3, v6, v12;
	v9 =	vperm.xlane v9, v5  }
0x3d4: {  	v6 =	vperm.xlane v6, v5;
	[tilespmem:s0+$0x59A0] =	vst v7  }
0x3d5: {  	v10 =	vld [tilespmem:s0+$0x59A0];
	[tilespmem:s0+$0x59B0] =	vst v9;
	vm2 =	vgt.s32 v11, v15  }
0x3d6: {  	v9 =	vld [tilespmem:s0+$0x5720];
	[tilespmem:s0+$0x5730] =	vst v6;
	v12 =	vsel vm2, v15, v11  }
0x3d7: {  	v7 =	vld [tilespmem:s0+$0x5730];
	v13 =	vsel vm2, v14, v8;
	[tilespmem:s0+$0x5700] =	vst v12  }
0x3d8: {  	v11 =	vsel vm2, v11, v15;
	[tilespmem:s0+$0x5980] =	vst v13;
	v12 =	vld [tilespmem:s0+$0x5700]  }
0x3d9: {  	[tilespmem:s0+$0x5710] =	vst v11;
	v11 =	vld [tilespmem:s0+$0x5980]  }
0x3da: {  	v6 =	vld [tilespmem:s0+$0x59B0]  }
0x3db: {  	v8 =	vsel vm2, v8, v14  }
0x3dc: {  	vm2 =	vgt.s32 v9, v7;
	[tilespmem:s0+$0x5990] =	vst v8;
	v13 =	vld [tilespmem:s0+$0x5710]  }
0x3dd: {  	v8 =	vsel vm2, v7, v9;
	v14 =	vld [tilespmem:s0+$0x5990];
	v7 =	vsel vm2, v9, v7;
	v9 =	vxor.u32 $0x80000000, v12  }
0x3de: {  	(xrf1) =	vsort.ascd.msk.u32 $0xffff, v9, v11  }
0x3df: {  	[tilespmem:s0+$0x5720] =	vst v8;
	v8 =	vsel vm2, v6, v10  }
0x3e0: {  	[tilespmem:s0+$0x59A0] =	vst v8;
	v8 =	vld [tilespmem:s0+$0x5720]  }
0x3e1: {  	[tilespmem:s0+$0x5730] =	vst v7;
	v7 =	vld [tilespmem:s0+$0x59A0];
	v9 =	vxor.u32 $0x80000000, v13  }
0x3e2: {  	(xrf1) =	vsort.ascd.msk.u32 $0xffff, v9, v14  }
0x3e3: {  	v6 =	vsel vm2, v10, v6  }
0x3e4: {  	[tilespmem:s0+$0x59B0] =	vst v6;
	v6 =	vld [tilespmem:s0+$0x5730]  }
0x3e5: {  	v10 =	vld [tilespmem:s0+$0x59B0];
	v8 =	vxor.u32 $0x80000000, v8  }
0x3e6: {  	(xrf1) =	vsort.ascd.msk.u32 $0xffff, v8, v7;
	_ =	sdelay $0x2  }
0x3e7: {  	v6 =	vxor.u32 $0x80000000, v6  }
0x3e8: {  	(xrf1) =	vsort.ascd.msk.u32 $0xffff, v6, v10;
	_ =	sdelay $0x1  }
0x3e9: {  	v6, v7, _ =	vpop (xrf1)  }
0x3ea: {  	v6 =	vxor.u32 $0x80000000, v6;
	_ =	sdelay $0x1  }
0x3eb: {  	[tilespmem:s0+$0x5980] =	vst v7  }
0x3ec: {  	[tilespmem:s0+$0x5700] =	vst v6;
	v6, v7, _ =	vpop (xrf1)  }
0x3ed: {  	v6 =	vxor.u32 $0x80000000, v6;
	_ =	sdelay $0x1  }
0x3ee: {  	[tilespmem:s0+$0x5990] =	vst v7  }
0x3ef: {  	[tilespmem:s0+$0x5710] =	vst v6;
	v6, v7, _ =	vpop (xrf1)  }
0x3f0: {  	v6 =	vxor.u32 $0x80000000, v6;
	_ =	sdelay $0x1  }
0x3f1: {  	[tilespmem:s0+$0x59A0] =	vst v7  }
0x3f2: {  	[tilespmem:s0+$0x5720] =	vst v6;
	v6, v7, _ =	vpop (xrf1)  }
0x3f3: {  	v6 =	vxor.u32 $0x80000000, v6;
	[tilespmem:s0+$0x59B0] =	vst v7  }
0x3f4: {  	[tilespmem:s0+$0x5730] =	vst v6  }
0x3f5: {  	v6 =	vld [tilespmem:s18+$0x59D0]  }
0x3f6: {  	v8 =	vld [tilespmem:s18+$0x5700]  }
0x3f7: {  	v10 =	vld [tilespmem:s18+$0x5750]  }
0x3f8: {  	v11 =	vld [tilespmem:s18+$0x5720]  }
0x3f9: {  	v12 =	vld [tilespmem:s18+$0x5740]  }
0x3fa: {  	v13 =	vld [tilespmem:s18+$0x5730]  }
0x3fb: {  	v14 =	vld [tilespmem:s18+$0x5760]  }
0x3fc: {  	v16 =	vld [tilespmem:s18+$0x5770]  }
0x3fd: {  	v19 =	vld [tilespmem:s18+$0x59C0]  }
0x3fe: {  	v21 =	vld [tilespmem:s18+$0x59A0]  }
0x3ff: {  	v23 =	vld [tilespmem:s18+$0x59B0]  }
0x400: {  	v10 =	vperm.xlane v10, v5;
	v12 =	vperm.xlane v12, v5  }
0x401: {  	v9 =	vld [tilespmem:s18+$0x59E0];
	v16 =	vperm.xlane v16, v5;
	v6 =	vperm.xlane v6, v5  }
0x402: {  	v15 =	vld [tilespmem:s18+$0x5710];
	v14 =	vperm.xlane v14, v5;
	v19 =	vperm.xlane v19, v5;
	vm5 =	vgt.s32 v11, v10  }
0x403: {  	v7 =	vld [tilespmem:s18+$0x59F0];
	vm3 =	vgt.s32 v13, v12;
	vm4 =	vgt.s32 v8, v16;
	v58 =	vsel vm5, v6, v21  }
0x404: {  	v18 =	vld [tilespmem:s18+$0x5990];
	v20 =	vsel vm5, v11, v10;
	v22 =	vsel vm3, v13, v12;
	v26 =	vsel vm3, v19, v23;
	[tilespmem:s18+$0x59A0] =	vst v58  }
0x405: {  	v56 =	vsel vm4, v8, v16;
	v8 =	vsel vm4, v16, v8;
	v20 =	vperm.xlane v20, v5;
	[tilespmem:s18+$0x59B0] =	vst v26  }
0x406: {  	v17 =	vld [tilespmem:s18+$0x5980];
	v6 =	vsel vm5, v21, v6;
	v22 =	vperm.xlane v22, v5;
	[tilespmem:s18+$0x5700] =	vst v8  }
0x407: {  	vm2 =	vgt.s32 v15, v14;
	v6 =	vperm.xlane v6, v5;
	v8 =	vperm.xlane v9, v5;
	v60 =	vld [tilespmem:s18+$0x59A0];
	[tilespmem:s18+$0x5750] =	vst v20  }
0x408: {  	v7 =	vperm.xlane v7, v5;
	v24 =	vsel vm2, v15, v14;
	v61 =	vld [tilespmem:s18+$0x59B0];
	[tilespmem:s18+$0x5740] =	vst v22  }
0x409: {  	v20 =	vperm.xlane v24, v5;
	[tilespmem:s18+$0x59D0] =	vst v6;
	v6 =	vsel vm3, v23, v19;
	v16 =	vsel vm2, v8, v18;
	v19 =	vld [tilespmem:s18+$0x5700]  }
0x40a: {  	v22 =	vperm.xlane v56, v5;
	v57 =	vld [tilespmem:s18+$0x5750];
	[tilespmem:s18+$0x5990] =	vst v16  }
0x40b: {  	v59 =	vsel vm4, v17, v7;
	v6 =	vperm.xlane v6, v5;
	v16 =	vld [tilespmem:s18+$0x59D0];
	[tilespmem:s18+$0x5760] =	vst v20  }
0x40c: {  	v20 =	vld [tilespmem:s18+$0x5740];
	[tilespmem:s18+$0x5770] =	vst v22;
	v22 =	vperm.xlane v59, v5  }
0x40d: {  	v25 =	vld [tilespmem:s18+$0x5760];
	[tilespmem:s18+$0x59C0] =	vst v6  }
0x40e: {  	v27 =	vld [tilespmem:s18+$0x5770];
	v6 =	vsel vm4, v7, v17;
	v7 =	vsel vm2, v18, v8;
	[tilespmem:s18+$0x59F0] =	vst v22  }
0x40f: {  	v17 =	vld [tilespmem:s18+$0x5990];
	[tilespmem:s18+$0x5980] =	vst v6;
	v6 =	vsel vm2, v14, v15;
	v7 =	vperm.xlane v7, v5  }
0x410: {  	v62 =	vld [tilespmem:s18+$0x59C0];
	[tilespmem:s18+$0x5710] =	vst v6  }
0x411: {  	v9 =	vld [tilespmem:s18+$0x59F0];
	v6 =	vsel vm3, v12, v13;
	[tilespmem:s18+$0x59E0] =	vst v7  }
0x412: {  	[tilespmem:s18+$0x5730] =	vst v6;
	v6 =	vsel vm5, v10, v11;
	v8 =	vld [tilespmem:s18+$0x5710];
	vm5 =	vgt.s32 v20, v25  }
0x413: {  	[tilespmem:s18+$0x5720] =	vst v6;
	v6 =	vld [tilespmem:s18+$0x5730];
	vm2 =	vgt.s32 v57, v27;
	v7 =	vsel vm5, v25, v20  }
0x414: {  	v10 =	vld [tilespmem:s18+$0x5980];
	v12 =	vsel vm2, v57, v27;
	[tilespmem:s18+$0x5740] =	vst v7  }
0x415: {  	v63 =	vld [tilespmem:s18+$0x59E0];
	v7 =	vsel vm5, v20, v25;
	[tilespmem:s18+$0x5770] =	vst v12  }
0x416: {  	v11 =	vld [tilespmem:s18+$0x5720];
	[tilespmem:s18+$0x5760] =	vst v7;
	v7 =	vsel vm2, v27, v57  }
0x417: {  	v20 =	vld [tilespmem:s18+$0x5770];
	[tilespmem:s18+$0x5750] =	vst v7;
	v7 =	vsel vm2, v9, v16  }
0x418: {  	v13 =	vld [tilespmem:s18+$0x5740];
	v9 =	vsel vm2, v16, v9;
	vm4 =	vgt.s32 v8, v6;
	[tilespmem:s18+$0x59D0] =	vst v7  }
0x419: {  	v18 =	vld [tilespmem:s18+$0x5760];
	v12 =	vsel vm4, v6, v8;
	[tilespmem:s18+$0x59F0] =	vst v9  }
0x41a: {  	v7 =	vld [tilespmem:s18+$0x5750];
	v6 =	vsel vm4, v8, v6;
	[tilespmem:s18+$0x5710] =	vst v12  }
0x41b: {  	v9 =	vsel vm4, v17, v61;
	vm3 =	vgt.s32 v19, v11;
	v8 =	vld [tilespmem:s18+$0x59F0];
	[tilespmem:s18+$0x5730] =	vst v6  }
0x41c: {  	[tilespmem:s18+$0x59B0] =	vst v9;
	v12 =	vsel vm3, v19, v11;
	v9 =	vld [tilespmem:s18+$0x59D0]  }
0x41d: {  	v11 =	vsel vm3, v11, v19;
	v6 =	vld [tilespmem:s18+$0x5710];
	[tilespmem:s18+$0x5720] =	vst v12  }
0x41e: {  	p1 =	por $0x1, $0x1;
	v12 =	vsel vm3, v10, v60;
	[tilespmem:s18+$0x5700] =	vst v11;
	v15 =	vld [tilespmem:s18+$0x5730]  }
.Ltmp26:
0x41f: {  	v10 =	vsel vm3, v60, v10;
	[tilespmem:s18+$0x59A0] =	vst v12;
	v12 =	vld [tilespmem:s18+$0x59B0];
	(pc) =	sbr.rel @!p1 .LBB2_51-.Ltmp26, $4  }
0x420: {  	v16 =	vld [tilespmem:s18+$0x5720];
	[tilespmem:s18+$0x5980] =	vst v10;
	v10 =	vsel vm4, v61, v17;
	vm2 =	vgt.s32 v18, v20  }
0x421: {  	v14 =	vld [tilespmem:s18+$0x59A0];
	[tilespmem:s18+$0x5990] =	vst v10;
	v11 =	vsel vm2, v20, v18  }
0x422: {  	v10 =	vsel vm2, v18, v20;
	[tilespmem:s18+$0x5760] =	vst v11;
	v11 =	vld [tilespmem:s18+$0x5700]  }
0x423: {  	s0 =	simm.s32 $0x200;
	v17 =	vsel vm5, v62, v63;
	v18 =	vsel vm5, v63, v62;
	[tilespmem:s18+$0x5770] =	vst v10;
	v10 =	vld [tilespmem:s18+$0x5760]  }
.LBB2_50:
0x424: {  	p1 =	sne.s32 s0, $0x600;
	[tilespmem:s18+$0x59C0] =	vst v18;
	v18 =	vld [tilespmem:s18+$0x5770];
	s1 =	smov.u32 s0;
	s0 =	sadd.s32 $0x200, s0  }
0x425: {  	[tilespmem:s18+$0x59E0] =	vst v17;
	vm3 =	vgt.s32 v16, v15;
	v17 =	vld [tilespmem:s18+$0x59C0]  }
0x426: {  	v19 =	vsel vm3, v15, v16;
	v15 =	vsel vm3, v16, v15;
	v16 =	vsel vm3, v14, v12;
	v20 =	vld [tilespmem:s18+$0x59E0]  }
0x427: {  	v12 =	vsel vm3, v12, v14;
	v21 =	vld [tilespmem:s18+$0x5980];
	[tilespmem:s18+$0x5720] =	vst v19  }
0x428: {  	vm3 =	vgt.s32 v13, v7;
	[tilespmem:s18+$0x59A0] =	vst v12;
	v12 =	vld [tilespmem:s18+$0x5720]  }
0x429: {  	v14 =	vsel vm3, v7, v13;
	v7 =	vsel vm3, v13, v7;
	v13 =	vld [tilespmem:s18+$0x59A0]  }
0x42a: {  	v19 =	vld [tilespmem:s18+$0x5990];
	v22 =	vsel vm3, v9, v17;
	v9 =	vsel vm3, v17, v9;
	[tilespmem:s18+$0x5750] =	vst v7  }
0x42b: {  	[tilespmem:s18+$0x59D0] =	vst v9;
	v7 =	vsel vm2, v8, v20;
	v8 =	vsel vm2, v20, v8;
	v9 =	vld [tilespmem:s18+$0x5750]  }
0x42c: {  	[tilespmem:s18+$0x59E0] =	vst v7;
	v7 =	vld [tilespmem:s18+$0x59D0]  }
0x42d: {  	[tilespmem:s18+$0x59F0] =	vst v8;
	v8 =	vxor.u32 $0x80000000, v12;
	v12 =	vld [tilespmem:s18+$0x59E0]  }
0x42e: {  	vm2 =	vgt.s32 v11, v6;
	[tilespmem:s18+$0x5740] =	vst v14;
	v14 =	vld [tilespmem:s18+$0x59F0];
	(xrf1) =	vsort.ascd.msk.u32 $0xffff, v8, v13  }
0x42f: {  	v8 =	vsel vm2, v6, v11;
	v6 =	vsel vm2, v11, v6;
	[tilespmem:s18+$0x5730] =	vst v15;
	v11 =	vld [tilespmem:s18+$0x5740]  }
0x430: {  	v13 =	vsel vm2, v19, v21;
	v15 =	vsel vm2, v21, v19;
	[tilespmem:s18+$0x5700] =	vst v8;
	v8 =	vld [tilespmem:s18+$0x5730];
	v9 =	vxor.u32 $0x80000000, v9  }
0x431: {  	v10 =	vxor.u32 $0x80000000, v10;
	[tilespmem:s18+$0x5980] =	vst v13;
	v13 =	vld [tilespmem:s18+$0x5700];
	(xrf1) =	vsort.ascd.msk.u32 $0xffff, v9, v7  }
0x432: {  	v9 =	vxor.u32 $0x80000000, v18;
	[tilespmem:s18+$0x5990] =	vst v15;
	v7 =	vld [tilespmem:s18+$0x5980];
	(xrf1) =	vsort.ascd.msk.u32 $0xffff, v10, v12  }
0x433: {  	[tilespmem:s18+$0x59C0] =	vst v22;
	v10 =	vld [tilespmem:s18+$0x5990];
	(xrf1) =	vsort.ascd.msk.u32 $0xffff, v9, v14  }
0x434: {  	[tilespmem:s18+$0x5710] =	vst v6;
	v6 =	vld [tilespmem:s18+$0x59C0]  }
0x435: {  	[tilespmem:s18+$0x59B0] =	vst v16;
	v9 =	vld [tilespmem:s18+$0x5710]  }
0x436: {  	v12 =	vxor.u32 $0x80000000, v13;
	v13 =	vld [tilespmem:s18+$0x59B0]  }
0x437: {  	(xrf1) =	vsort.ascd.msk.u32 $0xffff, v12, v7  }
0x438: {  	v7 =	vxor.u32 $0x80000000, v11  }
0x439: {  	(xrf1) =	vsort.ascd.msk.u32 $0xffff, v7, v6  }
0x43a: {  	v7 =	vxor.u32 $0x80000000, v8;
	v9 =	vxor.u32 $0x80000000, v9  }
0x43b: {  	(xrf1) =	vsort.ascd.msk.u32 $0xffff, v9, v10  }
0x43c: {  	v6, v8, _ =	vpop (xrf1);
	(xrf1) =	vsort.ascd.msk.u32 $0xffff, v7, v13  }
0x43d: {  	v9 =	vxor.u32 $0x80000000, v6;
	[tilespmem:s18+$0x59A0] =	vst v8  }
0x43e: {  	[tilespmem:s18+$0x5720] =	vst v9  }
0x43f: {  	v6, v7, _ =	vpop (xrf1)  }
0x440: {  	v6 =	vxor.u32 $0x80000000, v6;
	[tilespmem:s18+$0x59D0] =	vst v7;
	v7, v8, _ =	vpop (xrf1)  }
0x441: {  	[tilespmem:s18+$0x5750] =	vst v6;
	v6 =	vxor.u32 $0x80000000, v7;
	v7, v9, _ =	vpop (xrf1)  }
0x442: {  	[tilespmem:s18+$0x59E0] =	vst v8  }
0x443: {  	v8 =	vxor.u32 $0x80000000, v7;
	[tilespmem:s18+$0x59F0] =	vst v9  }
0x444: {  	[tilespmem:s18+$0x5770] =	vst v8  }
0x445: {  	s1 =	sshra.s32 s1, $0x2;
	[tilespmem:s18+$0x5760] =	vst v6;
	v6, v7, _ =	vpop (xrf1)  }
0x446: {  	v8 =	vld [tilespmem:s1+$0x59D0];
	v10 =	vxor.u32 $0x80000000, v6;
	[tilespmem:s18+$0x5980] =	vst v7  }
0x447: {  	v7 =	vld [tilespmem:s1+$0x59F0];
	[tilespmem:s18+$0x5700] =	vst v10;
	v6, v9, _ =	vpop (xrf1)  }
0x448: {  	v10 =	vld [tilespmem:s1+$0x5700];
	v12 =	vxor.u32 $0x80000000, v6;
	[tilespmem:s18+$0x59C0] =	vst v9  }
0x449: {  	v9 =	vld [tilespmem:s1+$0x59E0];
	[tilespmem:s18+$0x5740] =	vst v12;
	v6, v11, _ =	vpop (xrf1)  }
0x44a: {  	v12 =	vld [tilespmem:s1+$0x5750];
	v6 =	vxor.u32 $0x80000000, v6;
	[tilespmem:s18+$0x5990] =	vst v11;
	v11, v13, _ =	vpop (xrf1)  }
0x44b: {  	v14 =	vld [tilespmem:s1+$0x5720];
	[tilespmem:s18+$0x5710] =	vst v6;
	v6 =	vxor.u32 $0x80000000, v11  }
0x44c: {  	v11 =	vld [tilespmem:s1+$0x5710];
	[tilespmem:s18+$0x5730] =	vst v6  }
0x44d: {  	v6 =	vld [tilespmem:s1+$0x5730];
	[tilespmem:s18+$0x59B0] =	vst v13;
	s18 =	smov.u32 s1  }
0x44e: {  	v13 =	vld [tilespmem:s18+$0x5740]  }
0x44f: {  	v15 =	vld [tilespmem:s18+$0x5760]  }
0x450: {  	v16 =	vld [tilespmem:s18+$0x5770]  }
0x451: {  	v7 =	vperm.xlane v7, v5;
	v17 =	vld [tilespmem:s18+$0x5980]  }
0x452: {  	v12 =	vperm.xlane v12, v5;
	v18 =	vld [tilespmem:s18+$0x5990]  }
0x453: {  	v9 =	vperm.xlane v9, v5;
	v19 =	vld [tilespmem:s18+$0x59C0];
	v13 =	vperm.xlane v13, v5  }
0x454: {  	v8 =	vperm.xlane v8, v5;
	vm3 =	vgt.s32 v14, v12;
	v15 =	vperm.xlane v15, v5;
	v20 =	vld [tilespmem:s18+$0x59A0]  }
0x455: {  	v21 =	vsel vm3, v14, v12;
	v16 =	vperm.xlane v16, v5;
	vm2 =	vgt.s32 v6, v13  }
0x456: {  	v21 =	vperm.xlane v21, v5;
	vm4 =	vgt.s32 v11, v15;
	v22 =	vld [tilespmem:s18+$0x59B0];
	v23 =	vsel vm2, v6, v13  }
0x457: {  	vm5 =	vgt.s32 v10, v16;
	v24 =	vsel vm4, v11, v15;
	v23 =	vperm.xlane v23, v5  }
0x458: {  	v25 =	vsel vm5, v10, v16;
	v26 =	vsel vm5, v17, v7;
	v24 =	vperm.xlane v24, v5;
	[tilespmem:s18+$0x5750] =	vst v21  }
0x459: {  	v19 =	vperm.xlane v19, v5;
	v21 =	vperm.xlane v25, v5;
	v25 =	vsel vm3, v20, v8;
	[tilespmem:s18+$0x5740] =	vst v23;
	v23 =	vld [tilespmem:s18+$0x5750]  }
0x45a: {  	v27 =	vsel vm4, v18, v9;
	v26 =	vperm.xlane v26, v5;
	[tilespmem:s18+$0x5760] =	vst v24;
	v24 =	vperm.xlane v25, v5;
	v25 =	vld [tilespmem:s18+$0x5740]  }
0x45b: {  	v10 =	vsel vm5, v16, v10;
	v8 =	vsel vm3, v8, v20;
	[tilespmem:s18+$0x5770] =	vst v21;
	v16 =	vsel vm2, v22, v19;
	v20 =	vld [tilespmem:s18+$0x5760]  }
0x45c: {  	v7 =	vsel vm5, v7, v17;
	[tilespmem:s18+$0x59A0] =	vst v8;
	v8 =	vsel vm2, v19, v22;
	v16 =	vperm.xlane v16, v5;
	v17 =	vld [tilespmem:s18+$0x5770]  }
0x45d: {  	v12 =	vsel vm3, v12, v14;
	v11 =	vsel vm4, v15, v11;
	v15 =	vperm.xlane v27, v5;
	[tilespmem:s18+$0x59B0] =	vst v8;
	v14 =	vld [tilespmem:s18+$0x59A0]  }
0x45e: {  	v6 =	vsel vm2, v13, v6;
	v8 =	vsel vm4, v9, v18;
	[tilespmem:s18+$0x59F0] =	vst v26;
	v9 =	vld [tilespmem:s18+$0x59B0]  }
0x45f: {  	[tilespmem:s18+$0x5700] =	vst v10;
	v10 =	vld [tilespmem:s18+$0x59F0]  }
0x460: {  	[tilespmem:s18+$0x59D0] =	vst v24;
	v13 =	vld [tilespmem:s18+$0x5700];
	vm3 =	vgt.s32 v25, v20  }
0x461: {  	[tilespmem:s18+$0x5990] =	vst v8;
	v8 =	vsel vm3, v20, v25;
	v18 =	vsel vm3, v25, v20;
	v19 =	vld [tilespmem:s18+$0x59D0];
	vm2 =	vgt.s32 v23, v17  }
0x462: {  	[tilespmem:s18+$0x59C0] =	vst v16;
	v16 =	vld [tilespmem:s18+$0x5990];
	v20 =	vsel vm2, v17, v23;
	v17 =	vsel vm2, v23, v17  }
0x463: {  	[tilespmem:s18+$0x5980] =	vst v7;
	v21 =	vld [tilespmem:s18+$0x59C0]  }
0x464: {  	[tilespmem:s18+$0x5710] =	vst v11  }
0x465: {  	[tilespmem:s18+$0x59E0] =	vst v15  }
0x466: {  	[tilespmem:s18+$0x5730] =	vst v6;
	v6 =	vld [tilespmem:s18+$0x5710];
	v7 =	vsel vm2, v10, v19;
	v10 =	vsel vm2, v19, v10  }
0x467: {  	[tilespmem:s18+$0x5720] =	vst v12;
	v11 =	vld [tilespmem:s18+$0x5730]  }
0x468: {  	v12 =	vld [tilespmem:s18+$0x5980];
	[tilespmem:s18+$0x5740] =	vst v8  }
0x469: {  	v15 =	vld [tilespmem:s18+$0x5720];
	[tilespmem:s18+$0x5760] =	vst v18  }
0x46a: {  	[tilespmem:s18+$0x5770] =	vst v17;
	v17 =	vld [tilespmem:s18+$0x5760]  }
0x46b: {  	[tilespmem:s18+$0x5750] =	vst v20;
	v18 =	vld [tilespmem:s18+$0x5770]  }
0x46c: {  	vm2 =	vgt.s32 v6, v11;
	[tilespmem:s18+$0x59D0] =	vst v7;
	v7 =	vld [tilespmem:s18+$0x5750]  }
0x46d: {  	v8 =	vsel vm2, v11, v6;
	v19 =	vsel vm2, v9, v16;
	v6 =	vsel vm2, v6, v11;
	v11 =	vld [tilespmem:s18+$0x59E0];
	[tilespmem:s18+$0x59F0] =	vst v10  }
0x46e: {  	v9 =	vsel vm2, v16, v9;
	vm4 =	vgt.s32 v13, v15;
	[tilespmem:s18+$0x5710] =	vst v8;
	v8 =	vld [tilespmem:s18+$0x59F0]  }
0x46f: {  	v10 =	vsel vm4, v15, v13;
	v20 =	vsel vm4, v14, v12;
	v12 =	vsel vm4, v12, v14;
	[tilespmem:s18+$0x5730] =	vst v6;
	v6 =	vld [tilespmem:s18+$0x5710]  }
0x470: {  	v13 =	vsel vm4, v13, v15;
	[tilespmem:s18+$0x59B0] =	vst v9;
	v9 =	vld [tilespmem:s18+$0x59D0];
	vm2 =	vgt.s32 v17, v18  }
0x471: {  	[tilespmem:s18+$0x5720] =	vst v13;
	v13 =	vld [tilespmem:s18+$0x5740];
	v14 =	vsel vm2, v18, v17;
	v22 =	vsel vm2, v17, v18  }
0x472: {  	[tilespmem:s18+$0x59A0] =	vst v12;
	v18 =	vsel vm3, v11, v21;
	v17 =	vsel vm3, v21, v11;
	v12 =	vld [tilespmem:s18+$0x59B0]  }
.Ltmp27:
0x473: {  	[tilespmem:s18+$0x5700] =	vst v10;
	v15 =	vld [tilespmem:s18+$0x5730];
	(pc) =	sbr.rel @p1 .LBB2_50-.Ltmp27, $4  }
0x474: {  	v16 =	vld [tilespmem:s18+$0x5720];
	[tilespmem:s18+$0x5760] =	vst v14  }
0x475: {  	[tilespmem:s18+$0x5980] =	vst v20;
	v14 =	vld [tilespmem:s18+$0x59A0]  }
0x476: {  	[tilespmem:s18+$0x5990] =	vst v19;
	v11 =	vld [tilespmem:s18+$0x5700]  }
0x477: {  	[tilespmem:s18+$0x5770] =	vst v22;
	v10 =	vld [tilespmem:s18+$0x5760]  }
.LBB2_51:
0x478: {  	[tilespmem:s18+$0x59C0] =	vst v18  }
0x479: {  	[tilespmem:s18+$0x59E0] =	vst v17;
	vm4 =	vgt.s32 v13, v7;
	v44 =	vld [tilespmem:s18+$0x59C0]  }
0x47a: {  	v19 =	vld [tilespmem:s18+$0x59E0];
	v23 =	vsel vm4, v13, v7  }
0x47b: {  	v21 =	vld [tilespmem:s18+$0x5980];
	vm3 =	vgt.s32 v16, v15;
	v7 =	vsel vm4, v7, v13;
	[tilespmem:s18+$0x5750] =	vst v23  }
0x47c: {  	v24 =	vld [tilespmem:s18+$0x5990];
	v20 =	vsel vm3, v15, v16;
	[tilespmem:s18+$0x5740] =	vst v7  }
0x47d: {  	v22 =	vsel vm3, v12, v14;
	[tilespmem:s18+$0x5720] =	vst v20  }
0x47e: {  	v7 =	vsel vm3, v16, v15;
	[tilespmem:s18+$0x59A0] =	vst v22;
	v20 =	vld [tilespmem:s18+$0x5720];
	v25 =	vsel vm4, v44, v9  }
0x47f: {  	[tilespmem:s18+$0x5730] =	vst v7;
	v22 =	vld [tilespmem:s18+$0x59A0];
	v45 =	vsel vm2, v8, v19;
	v47 =	vsel vm2, v19, v8;
	vm2 =	vgt.s32 v11, v6  }
0x480: {  	v43 =	vld [tilespmem:s18+$0x5770];
	[tilespmem:s18+$0x59D0] =	vst v25;
	v7 =	vsel vm2, v6, v11  }
0x481: {  	v46 =	vld [tilespmem:s18+$0x5750];
	[tilespmem:s18+$0x5700] =	vst v7;
	v7 =	vsel vm2, v24, v21  }
0x482: {  	v51 =	vld [tilespmem:s18+$0x5740];
	[tilespmem:s18+$0x5980] =	vst v7;
	v7 =	vsel vm2, v21, v24  }
0x483: {  	v48 =	vld [tilespmem:s18+$0x59D0];
	[tilespmem:s18+$0x5990] =	vst v7;
	v7 =	vxor.u32 $0x80000000, v20  }
0x484: {  	v52 =	vld [tilespmem:s18+$0x5730];
	[tilespmem:s18+$0x59E0] =	vst v45;
	(xrf1) =	vsort.ascd.msk.u32 $0xffff, v7, v22  }
0x485: {  	[tilespmem:s18+$0x59F0] =	vst v47;
	v49 =	vld [tilespmem:s18+$0x59E0]  }
0x486: {  	v50 =	vld [tilespmem:s18+$0x59F0]  }
0x487: {  	v54 =	vsel vm4, v9, v44;
	v55 =	vxor.u32 $0x80000000, v46;
	v53 =	vld [tilespmem:s18+$0x5700]  }
0x488: {  	[tilespmem:s18+$0x59C0] =	vst v54;
	v6 =	vsel vm2, v11, v6;
	v7 =	vld [tilespmem:s18+$0x5980];
	(xrf1) =	vsort.ascd.msk.u32 $0xffff, v55, v48  }
0x489: {  	[tilespmem:s18+$0x5710] =	vst v6;
	v6 =	vsel vm3, v14, v12;
	v58 =	vld [tilespmem:s18+$0x59C0]  }
0x48a: {  	v10 =	vxor.u32 $0x80000000, v10;
	[tilespmem:s18+$0x59B0] =	vst v6;
	v6 =	vld [tilespmem:s18+$0x5710]  }
0x48b: {  	v57 =	vxor.u32 $0x80000000, v43;
	(xrf1) =	vsort.ascd.msk.u32 $0xffff, v10, v49  }
0x48c: {  	v56 =	vld [tilespmem:s18+$0x5990];
	v59 =	vxor.u32 $0x80000000, v53;
	(xrf1) =	vsort.ascd.msk.u32 $0xffff, v57, v50  }
0x48d: {  	v60 =	vld [tilespmem:s18+$0x59B0];
	(xrf1) =	vsort.ascd.msk.u32 $0xffff, v59, v7;
	v7 =	vxor.u32 $0x80000000, v51  }
0x48e: {  	(xrf1) =	vsort.ascd.msk.u32 $0xffff, v7, v58;
	v7 =	vxor.u32 $0x80000000, v52  }
0x48f: {  	v6 =	vxor.u32 $0x80000000, v6;
	_ =	sdelay $0x1  }
0x490: {  	(xrf1) =	vsort.ascd.msk.u32 $0xffff, v6, v56  }
0x491: {  	(xrf1) =	vsort.ascd.msk.u32 $0xffff, v7, v60;
	v6, v7, _ =	vpop (xrf1)  }
0x492: {  	v6 =	vxor.u32 $0x80000000, v6;
	_ =	sdelay $0x1  }
0x493: {  	[tilespmem:s18+$0x59A0] =	vst v7  }
0x494: {  	[tilespmem:s18+$0x5720] =	vst v6;
	v6, v7, _ =	vpop (xrf1)  }
0x495: {  	v6 =	vxor.u32 $0x80000000, v6;
	_ =	sdelay $0x1  }
0x496: {  	[tilespmem:s18+$0x59D0] =	vst v7;
	v7, v61, _ =	vpop (xrf1)  }
0x497: {  	[tilespmem:s18+$0x5750] =	vst v6;
	v7 =	vxor.u32 $0x80000000, v7;
	v6, v62, _ =	vpop (xrf1)  }
0x498: {  	v6 =	vxor.u32 $0x80000000, v6;
	_ =	sdelay $0x1  }
0x499: {  	[tilespmem:s18+$0x5760] =	vst v7  }
0x49a: {  	[tilespmem:s18+$0x5770] =	vst v6;
	v6, v7, _ =	vpop (xrf1)  }
0x49b: {  	v6 =	vxor.u32 $0x80000000, v6;
	_ =	sdelay $0x1  }
0x49c: {  	[tilespmem:s18+$0x5980] =	vst v7  }
0x49d: {  	[tilespmem:s18+$0x5700] =	vst v6;
	v6, v7, _ =	vpop (xrf1)  }
0x49e: {  	[tilespmem:s18+$0x59E0] =	vst v61;
	v6 =	vxor.u32 $0x80000000, v6  }
0x49f: {  	[tilespmem:s18+$0x59F0] =	vst v62  }
0x4a0: {  	[tilespmem:s18+$0x59C0] =	vst v7  }
0x4a1: {  	[tilespmem:s18+$0x5740] =	vst v6;
	v6, v7, _ =	vpop (xrf1)  }
0x4a2: {  	v6 =	vxor.u32 $0x80000000, v6;
	[tilespmem:s18+$0x5990] =	vst v7  }
0x4a3: {  	v7, v63, _ =	vpop (xrf1);
	[tilespmem:s18+$0x5710] =	vst v6  }
0x4a4: {  	v6 =	vxor.u32 $0x80000000, v7;
	[tilespmem:s18+$0x59B0] =	vst v63  }
0x4a5: {  	s0 =	simm.s32 $0x0;
	p2 =	por $0x1, $0x1;
	[tilespmem:s18+$0x5730] =	vst v6  }
.LBB2_52:
0x4a6: {  	s1 =	sshll.u32 s0, $0x2  }
0x4a7: {  	s1 =	sshra.s32 s1, $0x2  }
0x4a8: {  	s2 =	sadd.s32 $0x5700, s1  }
0x4a9: {  	s31 =	sadd.s32 $0x5980, s1;
	v6 =	vmov s2  }
0x4aa: {  	v7 =	vmov s31;
	_ =	sdelay $0x2  }
0x4ab: {  	s1 =	simm.s32 $0xF0  }
0x4ac: {  	p1 =	por p2, p2;
	s4 =	simm.s32 $0x380;
	s2 =	simm.s32 $0x0;
	v8 =	vld.idx.msk [tilespmem:v6+s1+$0x0 ss:$0x1], $0xffff  }
.LBB2_53:
0x4ad: {  	p2 =	sne.s32 s4, $0x200;
	s5 =	sshra.s32 s2, $0x2;
	v9 =	vld.idx.msk [tilespmem:v7+s1+$0x0 ss:$0x1], $0xffff  }
0x4ae: {  	v10 =	vld.idx.msk [tilespmem:v6+s5+$0x0 ss:$0x1], $0xffff  }
0x4af: {  	v11 =	vld.idx.msk [tilespmem:v7+s5+$0x0 ss:$0x1], $0xffff;
	_ =	sdelay $0x2  }
0x4b0: {  	v8 =	vperm.xlane v8, v5  }
0x4b1: {  	v9 =	vperm.xlane v9, v5  }
0x4b2: {  	vm2 =	vgt.s32 v10, v8  }
0x4b3: {  	v12 =	vsel vm2, v8, v10;
	v13 =	vsel vm2, v9, v11;
	v8 =	vsel vm2, v10, v8  }
.Ltmp28:
0x4b4: {  	v9 =	vsel vm2, v11, v9;
	v8 =	vperm.xlane v8, v5;
	[tilespmem:v6+s5+$0x0 ss:$0x1] =	vst.idx.msk $0xffff, v12;
	(pc) =	sbr.rel @p2 .LBB2_53-.Ltmp28, $4  }
0x4b5: {  	v9 =	vperm.xlane v9, v5;
	[tilespmem:v7+s5+$0x0 ss:$0x1] =	vst.idx.msk $0xffff, v13  }
0x4b6: {  	[tilespmem:v6+s1+$0x0 ss:$0x1] =	vst.idx.msk $0xffff, v8  }
0x4b7: {  	[tilespmem:v7+s1+$0x0 ss:$0x1] =	vst.idx.msk $0xffff, v9;
	s1 =	sshra.s32 s4, $0x2  }
0x4b8: {  	s2 =	sadd.s32 $0x40, s2;
	s4 =	sadd.s32 $0xFFFFFFC0, s4;
	v8 =	vld.idx.msk [tilespmem:v6+s1+$0x0 ss:$0x1], $0xffff  }
0x4b9: {  	_ =	sdelay $0x3  }
0x4ba: {  	s2 =	sshra.s32 s2, $0x2;
	v9 =	vld.idx.msk [tilespmem:v7+s1+$0x0 ss:$0x1], $0xffff  }
0x4bb: {  	v10 =	vld.idx.msk [tilespmem:v6+s2+$0x0 ss:$0x1], $0xffff  }
0x4bc: {  	v11 =	vld.idx.msk [tilespmem:v7+s2+$0x0 ss:$0x1], $0xffff;
	_ =	sdelay $0x1  }
0x4bd: {  	v8 =	vperm.xlane v8, v5  }
0x4be: {  	v9 =	vperm.xlane v9, v5  }
0x4bf: {  	vm2 =	vgt.s32 v10, v8  }
0x4c0: {  	v12 =	vsel vm2, v8, v10;
	v13 =	vsel vm2, v9, v11;
	v8 =	vsel vm2, v10, v8  }
0x4c1: {  	v9 =	vsel vm2, v11, v9;
	v8 =	vperm.xlane v8, v5;
	[tilespmem:v6+s2+$0x0 ss:$0x1] =	vst.idx.msk $0xffff, v12  }
0x4c2: {  	v9 =	vperm.xlane v9, v5;
	[tilespmem:v7+s2+$0x0 ss:$0x1] =	vst.idx.msk $0xffff, v13  }
0x4c3: {  	[tilespmem:v6+s1+$0x0 ss:$0x1] =	vst.idx.msk $0xffff, v8  }
0x4c4: {  	[tilespmem:v7+s1+$0x0 ss:$0x1] =	vst.idx.msk $0xffff, v9  }
0x4c5: {  	v8 =	vld [tilespmem:s0+$0x5700]  }
0x4c6: {  	v9 =	vld [tilespmem:s0+$0x5740]  }
0x4c7: {  	v10 =	vld [tilespmem:s0+$0x5980]  }
0x4c8: {  	v11 =	vld [tilespmem:s0+$0x59C0];
	_ =	sdelay $0x2  }
0x4c9: {  	vm2 =	vgt.s32 v8, v9  }
0x4ca: {  	v16 =	vsel vm2, v9, v8;
	v8 =	vsel vm2, v8, v9  }
0x4cb: {  	v9 =	vsel vm2, v10, v11;
	[tilespmem:s0+$0x5740] =	vst v8;
	v8 =	vld [tilespmem:s0+$0x5710]  }
0x4cc: {  	[tilespmem:s0+$0x59C0] =	vst v9;
	v9 =	vld [tilespmem:s0+$0x5750]  }
0x4cd: {  	v17 =	vsel vm2, v11, v10;
	v10 =	vld [tilespmem:s0+$0x5990]  }
0x4ce: {  	v11 =	vld [tilespmem:s0+$0x59D0];
	_ =	sdelay $0x2  }
0x4cf: {  	vm2 =	vgt.s32 v8, v9  }
0x4d0: {  	v18 =	vsel vm2, v9, v8;
	v8 =	vsel vm2, v8, v9  }
0x4d1: {  	v9 =	vsel vm2, v10, v11;
	[tilespmem:s0+$0x5750] =	vst v8;
	v8 =	vld [tilespmem:s0+$0x5720]  }
0x4d2: {  	[tilespmem:s0+$0x59D0] =	vst v9;
	v9 =	vld [tilespmem:s0+$0x5760]  }
0x4d3: {  	v19 =	vsel vm2, v11, v10;
	v10 =	vld [tilespmem:s0+$0x59A0]  }
0x4d4: {  	v11 =	vld [tilespmem:s0+$0x59E0];
	_ =	sdelay $0x2  }
0x4d5: {  	vm2 =	vgt.s32 v8, v9  }
0x4d6: {  	v20 =	vsel vm2, v9, v8;
	v8 =	vsel vm2, v8, v9  }
0x4d7: {  	v9 =	vsel vm2, v10, v11;
	[tilespmem:s0+$0x5760] =	vst v8;
	v8 =	vld [tilespmem:s0+$0x5730]  }
0x4d8: {  	[tilespmem:s0+$0x59E0] =	vst v9;
	v9 =	vld [tilespmem:s0+$0x5770]  }
0x4d9: {  	v21 =	vsel vm2, v11, v10;
	v10 =	vld [tilespmem:s0+$0x59B0]  }
0x4da: {  	v11 =	vld [tilespmem:s0+$0x59F0];
	_ =	sdelay $0x2  }
0x4db: {  	vm2 =	vgt.s32 v8, v9  }
0x4dc: {  	v22 =	vsel vm2, v9, v8;
	v8 =	vsel vm2, v8, v9  }
0x4dd: {  	v9 =	vsel vm2, v10, v11;
	[tilespmem:s0+$0x5770] =	vst v8;
	v8 =	vld [tilespmem:s0+$0x5780]  }
0x4de: {  	[tilespmem:s0+$0x59F0] =	vst v9;
	v9 =	vld [tilespmem:s0+$0x57C0]  }
0x4df: {  	v23 =	vsel vm2, v11, v10;
	v10 =	vld [tilespmem:s0+$0x5A00]  }
0x4e0: {  	v11 =	vld [tilespmem:s0+$0x5A40];
	_ =	sdelay $0x2  }
0x4e1: {  	vm2 =	vgt.s32 v8, v9  }
0x4e2: {  	v24 =	vsel vm2, v9, v8;
	v8 =	vsel vm2, v8, v9  }
0x4e3: {  	v9 =	vsel vm2, v10, v11;
	[tilespmem:s0+$0x57C0] =	vst v8;
	v8 =	vld [tilespmem:s0+$0x5790]  }
0x4e4: {  	[tilespmem:s0+$0x5A40] =	vst v9;
	v9 =	vld [tilespmem:s0+$0x57D0]  }
0x4e5: {  	v25 =	vsel vm2, v11, v10;
	v10 =	vld [tilespmem:s0+$0x5A10]  }
0x4e6: {  	v11 =	vld [tilespmem:s0+$0x5A50];
	_ =	sdelay $0x2  }
0x4e7: {  	vm2 =	vgt.s32 v8, v9  }
0x4e8: {  	v26 =	vsel vm2, v9, v8;
	v8 =	vsel vm2, v8, v9  }
0x4e9: {  	v9 =	vsel vm2, v10, v11;
	[tilespmem:s0+$0x57D0] =	vst v8;
	v8 =	vld [tilespmem:s0+$0x57A0]  }
0x4ea: {  	[tilespmem:s0+$0x5A50] =	vst v9;
	v9 =	vld [tilespmem:s0+$0x57E0]  }
0x4eb: {  	v27 =	vsel vm2, v11, v10;
	v10 =	vld [tilespmem:s0+$0x5A20]  }
0x4ec: {  	v11 =	vld [tilespmem:s0+$0x5A60];
	_ =	sdelay $0x2  }
0x4ed: {  	vm2 =	vgt.s32 v8, v9  }
0x4ee: {  	v28 =	vsel vm2, v9, v8;
	v8 =	vsel vm2, v8, v9  }
0x4ef: {  	v9 =	vsel vm2, v10, v11;
	[tilespmem:s0+$0x57E0] =	vst v8;
	v8 =	vld [tilespmem:s0+$0x57B0]  }
0x4f0: {  	[tilespmem:s0+$0x5A60] =	vst v9;
	v9 =	vld [tilespmem:s0+$0x57F0]  }
0x4f1: {  	v29 =	vsel vm2, v11, v10;
	v10 =	vld [tilespmem:s0+$0x5A30]  }
0x4f2: {  	v11 =	vld [tilespmem:s0+$0x5A70];
	_ =	sdelay $0x1  }
0x4f3: {  	[tilespmem:s0+$0x5700] =	vst v16  }
0x4f4: {  	[tilespmem:s0+$0x5980] =	vst v17;
	vm2 =	vgt.s32 v8, v9  }
0x4f5: {  	[tilespmem:s0+$0x5720] =	vst v20;
	v30 =	vsel vm2, v9, v8;
	v8 =	vsel vm2, v8, v9  }
0x4f6: {  	v9 =	vsel vm2, v10, v11;
	[tilespmem:s0+$0x57F0] =	vst v8;
	v8 =	vld [tilespmem:s0+$0x5700]  }
0x4f7: {  	[tilespmem:s0+$0x5A70] =	vst v9;
	v9 =	vld [tilespmem:s0+$0x5720]  }
0x4f8: {  	[tilespmem:s0+$0x59A0] =	vst v21;
	v31 =	vsel vm2, v11, v10;
	v10 =	vld [tilespmem:s0+$0x5980]  }
0x4f9: {  	v11 =	vld [tilespmem:s0+$0x59A0];
	_ =	sdelay $0x1  }
0x4fa: {  	[tilespmem:s0+$0x5710] =	vst v18  }
0x4fb: {  	[tilespmem:s0+$0x5990] =	vst v19;
	vm2 =	vgt.s32 v8, v9  }
0x4fc: {  	[tilespmem:s0+$0x5730] =	vst v22;
	v32 =	vsel vm2, v9, v8;
	v8 =	vsel vm2, v8, v9  }
0x4fd: {  	v9 =	vsel vm2, v10, v11;
	[tilespmem:s0+$0x5720] =	vst v8;
	v8 =	vld [tilespmem:s0+$0x5710]  }
0x4fe: {  	[tilespmem:s0+$0x59A0] =	vst v9;
	v9 =	vld [tilespmem:s0+$0x5730]  }
0x4ff: {  	[tilespmem:s0+$0x59B0] =	vst v23;
	v33 =	vsel vm2, v11, v10;
	v10 =	vld [tilespmem:s0+$0x5990]  }
0x500: {  	v11 =	vld [tilespmem:s0+$0x59B0];
	_ =	sdelay $0x2  }
0x501: {  	vm2 =	vgt.s32 v8, v9  }
0x502: {  	v34 =	vsel vm2, v9, v8;
	v8 =	vsel vm2, v8, v9  }
0x503: {  	v9 =	vsel vm2, v10, v11;
	[tilespmem:s0+$0x5730] =	vst v8;
	v8 =	vld [tilespmem:s0+$0x5740]  }
0x504: {  	[tilespmem:s0+$0x59B0] =	vst v9;
	v9 =	vld [tilespmem:s0+$0x5760]  }
0x505: {  	v35 =	vsel vm2, v11, v10;
	v10 =	vld [tilespmem:s0+$0x59C0]  }
0x506: {  	v11 =	vld [tilespmem:s0+$0x59E0];
	_ =	sdelay $0x2  }
0x507: {  	vm2 =	vgt.s32 v8, v9  }
0x508: {  	v36 =	vsel vm2, v9, v8;
	v8 =	vsel vm2, v8, v9  }
0x509: {  	v9 =	vsel vm2, v10, v11;
	[tilespmem:s0+$0x5760] =	vst v8;
	v8 =	vld [tilespmem:s0+$0x5750]  }
0x50a: {  	[tilespmem:s0+$0x59E0] =	vst v9;
	v9 =	vld [tilespmem:s0+$0x5770]  }
0x50b: {  	v37 =	vsel vm2, v11, v10;
	v10 =	vld [tilespmem:s0+$0x59D0]  }
0x50c: {  	v11 =	vld [tilespmem:s0+$0x59F0];
	_ =	sdelay $0x1  }
0x50d: {  	[tilespmem:s0+$0x5780] =	vst v24  }
0x50e: {  	[tilespmem:s0+$0x5A00] =	vst v25;
	vm2 =	vgt.s32 v8, v9  }
0x50f: {  	[tilespmem:s0+$0x57A0] =	vst v28;
	v38 =	vsel vm2, v9, v8;
	v8 =	vsel vm2, v8, v9  }
0x510: {  	v9 =	vsel vm2, v10, v11;
	[tilespmem:s0+$0x5770] =	vst v8;
	v8 =	vld [tilespmem:s0+$0x5780]  }
0x511: {  	[tilespmem:s0+$0x59F0] =	vst v9;
	v9 =	vld [tilespmem:s0+$0x57A0]  }
0x512: {  	[tilespmem:s0+$0x5A20] =	vst v29;
	v39 =	vsel vm2, v11, v10;
	v10 =	vld [tilespmem:s0+$0x5A00]  }
0x513: {  	v11 =	vld [tilespmem:s0+$0x5A20];
	_ =	sdelay $0x1  }
0x514: {  	[tilespmem:s0+$0x5790] =	vst v26  }
0x515: {  	[tilespmem:s0+$0x5A10] =	vst v27;
	vm2 =	vgt.s32 v8, v9  }
0x516: {  	[tilespmem:s0+$0x57B0] =	vst v30;
	v40 =	vsel vm2, v9, v8;
	v8 =	vsel vm2, v8, v9  }
0x517: {  	v9 =	vsel vm2, v10, v11;
	[tilespmem:s0+$0x57A0] =	vst v8;
	v8 =	vld [tilespmem:s0+$0x5790]  }
0x518: {  	[tilespmem:s0+$0x5A20] =	vst v9;
	v9 =	vld [tilespmem:s0+$0x57B0]  }
0x519: {  	[tilespmem:s0+$0x5A30] =	vst v31;
	v41 =	vsel vm2, v11, v10;
	v10 =	vld [tilespmem:s0+$0x5A10]  }
0x51a: {  	v11 =	vld [tilespmem:s0+$0x5A30];
	_ =	sdelay $0x2  }
0x51b: {  	vm2 =	vgt.s32 v8, v9  }
0x51c: {  	v42 =	vsel vm2, v9, v8;
	v8 =	vsel vm2, v8, v9  }
0x51d: {  	v9 =	vsel vm2, v10, v11;
	[tilespmem:s0+$0x57B0] =	vst v8;
	v8 =	vld [tilespmem:s0+$0x57C0]  }
0x51e: {  	[tilespmem:s0+$0x5A30] =	vst v9;
	v9 =	vld [tilespmem:s0+$0x57E0]  }
0x51f: {  	v43 =	vsel vm2, v11, v10;
	v10 =	vld [tilespmem:s0+$0x5A40]  }
0x520: {  	v11 =	vld [tilespmem:s0+$0x5A60];
	_ =	sdelay $0x2  }
0x521: {  	vm2 =	vgt.s32 v8, v9  }
0x522: {  	v44 =	vsel vm2, v9, v8;
	v8 =	vsel vm2, v8, v9  }
0x523: {  	v9 =	vsel vm2, v10, v11;
	[tilespmem:s0+$0x57E0] =	vst v8;
	v8 =	vld [tilespmem:s0+$0x57D0]  }
0x524: {  	[tilespmem:s0+$0x5A60] =	vst v9;
	v9 =	vld [tilespmem:s0+$0x57F0]  }
0x525: {  	v45 =	vsel vm2, v11, v10;
	v10 =	vld [tilespmem:s0+$0x5A50]  }
0x526: {  	v11 =	vld [tilespmem:s0+$0x5A70];
	_ =	sdelay $0x1  }
0x527: {  	[tilespmem:s0+$0x5700] =	vst v32  }
0x528: {  	[tilespmem:s0+$0x5980] =	vst v33;
	vm2 =	vgt.s32 v8, v9  }
0x529: {  	[tilespmem:s0+$0x5710] =	vst v34;
	v46 =	vsel vm2, v9, v8;
	v8 =	vsel vm2, v8, v9  }
0x52a: {  	v9 =	vsel vm2, v10, v11;
	[tilespmem:s0+$0x57F0] =	vst v8;
	v8 =	vld [tilespmem:s0+$0x5700]  }
0x52b: {  	[tilespmem:s0+$0x5A70] =	vst v9;
	v9 =	vld [tilespmem:s0+$0x5710]  }
0x52c: {  	[tilespmem:s0+$0x5990] =	vst v35;
	v47 =	vsel vm2, v11, v10;
	v10 =	vld [tilespmem:s0+$0x5980]  }
0x52d: {  	v11 =	vld [tilespmem:s0+$0x5990];
	_ =	sdelay $0x2  }
0x52e: {  	vm2 =	vgt.s32 v8, v9  }
0x52f: {  	v48 =	vsel vm2, v9, v8;
	v8 =	vsel vm2, v8, v9  }
0x530: {  	v9 =	vsel vm2, v10, v11;
	[tilespmem:s0+$0x5710] =	vst v8;
	v8 =	vld [tilespmem:s0+$0x5720]  }
0x531: {  	[tilespmem:s0+$0x5990] =	vst v9;
	v9 =	vld [tilespmem:s0+$0x5730]  }
0x532: {  	v49 =	vsel vm2, v11, v10;
	v10 =	vld [tilespmem:s0+$0x59A0]  }
0x533: {  	v11 =	vld [tilespmem:s0+$0x59B0];
	_ =	sdelay $0x1  }
0x534: {  	[tilespmem:s0+$0x5740] =	vst v36  }
0x535: {  	[tilespmem:s0+$0x59C0] =	vst v37;
	vm2 =	vgt.s32 v8, v9  }
0x536: {  	[tilespmem:s0+$0x5750] =	vst v38;
	v50 =	vsel vm2, v9, v8;
	v8 =	vsel vm2, v8, v9  }
0x537: {  	v9 =	vsel vm2, v10, v11;
	[tilespmem:s0+$0x5730] =	vst v8;
	v8 =	vld [tilespmem:s0+$0x5740]  }
0x538: {  	[tilespmem:s0+$0x59B0] =	vst v9;
	v9 =	vld [tilespmem:s0+$0x5750]  }
0x539: {  	[tilespmem:s0+$0x59D0] =	vst v39;
	v51 =	vsel vm2, v11, v10;
	v10 =	vld [tilespmem:s0+$0x59C0]  }
0x53a: {  	v11 =	vld [tilespmem:s0+$0x59D0];
	_ =	sdelay $0x2  }
0x53b: {  	vm2 =	vgt.s32 v8, v9  }
0x53c: {  	v52 =	vsel vm2, v9, v8;
	v8 =	vsel vm2, v8, v9  }
0x53d: {  	v9 =	vsel vm2, v10, v11;
	[tilespmem:s0+$0x5750] =	vst v8;
	v8 =	vld [tilespmem:s0+$0x5760]  }
0x53e: {  	[tilespmem:s0+$0x59D0] =	vst v9;
	v9 =	vld [tilespmem:s0+$0x5770]  }
0x53f: {  	v53 =	vsel vm2, v11, v10;
	v10 =	vld [tilespmem:s0+$0x59E0]  }
0x540: {  	v11 =	vld [tilespmem:s0+$0x59F0];
	_ =	sdelay $0x1  }
0x541: {  	[tilespmem:s0+$0x5780] =	vst v40  }
0x542: {  	[tilespmem:s0+$0x5A00] =	vst v41;
	vm2 =	vgt.s32 v8, v9  }
0x543: {  	[tilespmem:s0+$0x5790] =	vst v42;
	v54 =	vsel vm2, v9, v8;
	v8 =	vsel vm2, v8, v9  }
0x544: {  	v9 =	vsel vm2, v10, v11;
	[tilespmem:s0+$0x5770] =	vst v8;
	v8 =	vld [tilespmem:s0+$0x5780]  }
0x545: {  	[tilespmem:s0+$0x59F0] =	vst v9;
	v9 =	vld [tilespmem:s0+$0x5790]  }
0x546: {  	[tilespmem:s0+$0x5A10] =	vst v43;
	v55 =	vsel vm2, v11, v10;
	v10 =	vld [tilespmem:s0+$0x5A00]  }
0x547: {  	v11 =	vld [tilespmem:s0+$0x5A10];
	_ =	sdelay $0x2  }
0x548: {  	vm2 =	vgt.s32 v8, v9  }
0x549: {  	v56 =	vsel vm2, v9, v8;
	v8 =	vsel vm2, v8, v9  }
0x54a: {  	v9 =	vsel vm2, v10, v11;
	[tilespmem:s0+$0x5790] =	vst v8;
	v8 =	vld [tilespmem:s0+$0x57A0]  }
0x54b: {  	[tilespmem:s0+$0x5A10] =	vst v9;
	v9 =	vld [tilespmem:s0+$0x57B0]  }
0x54c: {  	[tilespmem:s0+$0x57C0] =	vst v44;
	v57 =	vsel vm2, v11, v10;
	v10 =	vld [tilespmem:s0+$0x5A20]  }
0x54d: {  	[tilespmem:s0+$0x5A40] =	vst v45;
	v11 =	vld [tilespmem:s0+$0x5A30]  }
0x54e: {  	[tilespmem:s0+$0x57D0] =	vst v46  }
0x54f: {  	[tilespmem:s0+$0x5A50] =	vst v47  }
0x550: {  	[tilespmem:s0+$0x5700] =	vst v48;
	vm2 =	vgt.s32 v8, v9  }
0x551: {  	[tilespmem:s0+$0x5980] =	vst v49;
	v58 =	vsel vm2, v9, v8;
	v8 =	vsel vm2, v8, v9  }
0x552: {  	v9 =	vsel vm2, v10, v11;
	[tilespmem:s0+$0x57B0] =	vst v8;
	v8 =	vld [tilespmem:s0+$0x57C0]  }
0x553: {  	[tilespmem:s0+$0x5A30] =	vst v9;
	v9 =	vld [tilespmem:s0+$0x57D0]  }
0x554: {  	[tilespmem:s0+$0x5720] =	vst v50;
	v59 =	vsel vm2, v11, v10;
	v10 =	vld [tilespmem:s0+$0x5A40]  }
0x555: {  	[tilespmem:s0+$0x59A0] =	vst v51;
	v11 =	vld [tilespmem:s0+$0x5A50]  }
0x556: {  	[tilespmem:s0+$0x5740] =	vst v52  }
0x557: {  	[tilespmem:s0+$0x59C0] =	vst v53  }
0x558: {  	[tilespmem:s0+$0x5760] =	vst v54;
	vm2 =	vgt.s32 v8, v9  }
0x559: {  	[tilespmem:s0+$0x59E0] =	vst v55;
	v60 =	vsel vm2, v9, v8;
	v8 =	vsel vm2, v8, v9  }
0x55a: {  	v9 =	vsel vm2, v10, v11;
	[tilespmem:s0+$0x57D0] =	vst v8;
	v8 =	vld [tilespmem:s0+$0x57E0]  }
0x55b: {  	[tilespmem:s0+$0x5A50] =	vst v9;
	v9 =	vld [tilespmem:s0+$0x57F0]  }
0x55c: {  	[tilespmem:s0+$0x5780] =	vst v56;
	v61 =	vsel vm2, v11, v10;
	v10 =	vld [tilespmem:s0+$0x5A60]  }
0x55d: {  	[tilespmem:s0+$0x5A00] =	vst v57;
	v11 =	vld [tilespmem:s0+$0x5A70]  }
0x55e: {  	[tilespmem:s0+$0x57A0] =	vst v58  }
0x55f: {  	[tilespmem:s0+$0x5A20] =	vst v59  }
0x560: {  	[tilespmem:s0+$0x57C0] =	vst v60;
	vm2 =	vgt.s32 v8, v9  }
0x561: {  	[tilespmem:s0+$0x5A40] =	vst v61;
	v62 =	vsel vm2, v9, v8  }
0x562: {  	v63 =	vsel vm2, v11, v10;
	[tilespmem:s0+$0x57E0] =	vst v62  }
0x563: {  	v8 =	vsel vm2, v8, v9;
	[tilespmem:s0+$0x5A60] =	vst v63  }
0x564: {  	v9 =	vsel vm2, v10, v11;
	[tilespmem:s0+$0x57F0] =	vst v8  }
0x565: {  	[tilespmem:s0+$0x5A70] =	vst v9;
	s0 =	simm.s32 $0x0  }
0x566: {  	s1 =	simm.s32 $0x40;
	v8 =	vld.idx.msk [tilespmem:v6+s0+$0x0 ss:$0x1], $0xffff  }
.LBB2_55:
0x567: {  	p2 =	sne.s32 s1, $0x3C0;
	v9 =	vld.idx.msk [tilespmem:v7+s0+$0x0 ss:$0x1], $0xffff;
	_ =	sdelay $0x4  }
0x568: {  	v8 =	vxor.u32 $0x80000000, v8  }
0x569: {  	(xrf1) =	vsort.ascd.msk.u32 $0xffff, v8, v9;
	_ =	sdelay $0xd  }
.Ltmp29:
0x56a: {  	v8, v9, _ =	vpop (xrf1);
	(pc) =	sbr.rel @p2 .LBB2_55-.Ltmp29, $4  }
0x56b: {  	v8 =	vxor.u32 $0x80000000, v8  }
0x56c: {  	[tilespmem:v6+s0+$0x0 ss:$0x1] =	vst.idx.msk $0xffff, v8  }
0x56d: {  	[tilespmem:v7+s0+$0x0 ss:$0x1] =	vst.idx.msk $0xffff, v9;
	s0 =	sshra.s32 s1, $0x2  }
0x56e: {  	s1 =	sadd.s32 $0x40, s1;
	v8 =	vld.idx.msk [tilespmem:v6+s0+$0x0 ss:$0x1], $0xffff  }
0x56f: {  	_ =	sdelay $0x3  }
0x570: {  	v9 =	vld.idx.msk [tilespmem:v7+s0+$0x0 ss:$0x1], $0xffff;
	_ =	sdelay $0x3  }
0x571: {  	v8 =	vxor.u32 $0x80000000, v8  }
0x572: {  	(xrf1) =	vsort.ascd.msk.u32 $0xffff, v8, v9;
	_ =	sdelay $0xc  }
.Ltmp30:
0x573: {  	_ = 	snop;
	(pc) =	sbr.rel @p1 .LBB2_52-.Ltmp30, $4  }
0x574: {  	v8, v9, _ =	vpop (xrf1)  }
0x575: {  	v8 =	vxor.u32 $0x80000000, v8  }
0x576: {  	[tilespmem:v6+s0+$0x0 ss:$0x1] =	vst.idx.msk $0xffff, v8  }
0x577: {  	s1 =	simm.s32 $0x0;
	p2 =	por $0x0, $0x0;
	[tilespmem:v7+s0+$0x0 ss:$0x1] =	vst.idx.msk $0xffff, v9;
	s0 =	simm.s32 $0x100  }
0x578: {  	s0 =	simm.s32 $0x1F0  }
0x579: {  	v6 =	vld [tilespmem:s0+$0x5700]  }
0x57a: {  	s2 =	simm.s32 $0x0;
	v7 =	vld [tilespmem:s0+$0x5980]  }
0x57b: {  	v8 =	vld [tilespmem:s2+$0x5700];
	_ =	sdelay $0x1  }
0x57c: {  	v9 =	vld [tilespmem:s2+$0x5980]  }
0x57d: {  	v6 =	vperm.xlane v6, v5;
	_ =	sdelay $0x1  }
0x57e: {  	v7 =	vperm.xlane v7, v5;
	vm2 =	vgt.s32 v8, v6  }
0x57f: {  	v10 =	vsel vm2, v6, v8  }
0x580: {  	v6 =	vsel vm2, v8, v6;
	v8 =	vsel vm2, v9, v7;
	v9 =	vsel vm2, v7, v9;
	[tilespmem:s2+$0x5700] =	vst v10  }
0x581: {  	s4 =	simm.s32 $0x780;
	s5 =	simm.s32 $0x740;
	v7 =	vperm.xlane v6, v5;
	v6 =	vperm.xlane v8, v5;
	[tilespmem:s2+$0x5980] =	vst v9;
	s2 =	simm.s32 $0x0  }
.LBB2_58:
0x582: {  	s6 =	sshra.s32 s4, $0x2  }
0x583: {  	[tilespmem:s0+$0x5700] =	vst v7;
	s2 =	sadd.s32 $0x40, s2;
	s4 =	smov.u32 s5;
	s7 =	sadd.s32 $0xFFFFFFC0, s5  }
0x584: {  	p1 =	sne.s32 s5, $0x400;
	v7 =	vld [tilespmem:s6+$0x5700];
	[tilespmem:s0+$0x5980] =	vst v6;
	s0 =	smov.u32 s6  }
0x585: {  	s5 =	sshra.s32 s2, $0x2;
	v6 =	vld [tilespmem:s0+$0x5980]  }
0x586: {  	v8 =	vld [tilespmem:s5+$0x5700]  }
0x587: {  	v9 =	vld [tilespmem:s5+$0x5980];
	_ =	sdelay $0x1  }
0x588: {  	v7 =	vperm.xlane v7, v5  }
.Ltmp31:
0x589: {  	v6 =	vperm.xlane v6, v5;
	(pc) =	sbr.rel @p1 .LBB2_58-.Ltmp31, $4  }
0x58a: {  	vm2 =	vgt.s32 v8, v7  }
0x58b: {  	v10 =	vsel vm2, v7, v8;
	v7 =	vsel vm2, v8, v7;
	v8 =	vsel vm2, v9, v6  }
0x58c: {  	v9 =	vsel vm2, v6, v9;
	v7 =	vperm.xlane v7, v5;
	v6 =	vperm.xlane v8, v5;
	[tilespmem:s5+$0x5700] =	vst v10  }
0x58d: {  	[tilespmem:s5+$0x5980] =	vst v9;
	s5 =	smov.u32 s7  }
0x58e: {  	s4 =	sshra.s32 s4, $0x2;
	[tilespmem:s0+$0x5700] =	vst v7  }
0x58f: {  	s2 =	sadd.s32 $0x40, s2;
	v7 =	vld [tilespmem:s4+$0x5700];
	[tilespmem:s0+$0x5980] =	vst v6  }
0x590: {  	s28 =	sshra.s32 s2, $0x2;
	v6 =	vld [tilespmem:s4+$0x5980]  }
0x591: {  	v8 =	vld [tilespmem:s28+$0x5700];
	_ =	sdelay $0x1  }
0x592: {  	v9 =	vld [tilespmem:s28+$0x5980]  }
0x593: {  	v7 =	vperm.xlane v7, v5;
	_ =	sdelay $0x1  }
0x594: {  	v6 =	vperm.xlane v6, v5;
	vm2 =	vgt.s32 v8, v7  }
0x595: {  	v10 =	vsel vm2, v7, v8;
	v7 =	vsel vm2, v8, v7  }
0x596: {  	v63 =	vsel vm2, v9, v6;
	v6 =	vsel vm2, v6, v9;
	v7 =	vperm.xlane v7, v5;
	[tilespmem:s28+$0x5700] =	vst v10  }
0x597: {  	s29 =	sand.u32 $0x100, s1;
	v5 =	vperm.xlane v63, v5;
	[tilespmem:s28+$0x5980] =	vst v6  }
0x598: {  	s30 =	sor.u32 s29, s1;
	[tilespmem:s4+$0x5700] =	vst v7  }
0x599: {  	s31 =	sand.u32 $0x70, s1;
	s2 =	sor.u32 $0x80, s30;
	[tilespmem:s4+$0x5980] =	vst v5  }
0x59a: {  	s0 =	sor.u32 s31, s29;
	s4 =	simm.s32 $0x10;
	v5 =	vld [tilespmem:s2+$0x5700]  }
.LBB2_60:
0x59b: {  	p1 =	sne.s32 s4, $0xF0;
	v6 =	vld [tilespmem:s0+$0x5700]  }
0x59c: {  	v7 =	vld [tilespmem:s0+$0x5980]  }
0x59d: {  	v8 =	vld [tilespmem:s2+$0x5980];
	_ =	sdelay $0x2  }
0x59e: {  	vm2 =	vgt.s32 v6, v5  }
0x59f: {  	v9 =	vsel vm2, v5, v6;
	v5 =	vsel vm2, v6, v5  }
.Ltmp32:
0x5a0: {  	s1 =	sadd.s32 $0x20, s1;
	v6 =	vsel vm2, v8, v7;
	[tilespmem:s0+$0x5700] =	vst v9;
	(pc) =	sbr.rel @p1 .LBB2_60-.Ltmp32, $4  }
0x5a1: {  	s5 =	sand.u32 $0x100, s1;
	v7 =	vsel vm2, v7, v8;
	[tilespmem:s0+$0x5980] =	vst v6  }
0x5a2: {  	s0 =	sor.u32 s5, s4;
	[tilespmem:s2+$0x5980] =	vst v7  }
0x5a3: {  	s6 =	sand.u32 $0x70, s4;
	[tilespmem:s2+$0x5700] =	vst v5;
	s2 =	sor.u32 $0x80, s0  }
0x5a4: {  	s4 =	sadd.s32 $0x10, s4;
	s0 =	sor.u32 s6, s5;
	v5 =	vld [tilespmem:s2+$0x5700]  }
0x5a5: {  	v6 =	vld [tilespmem:s0+$0x5700]  }
0x5a6: {  	v7 =	vld [tilespmem:s0+$0x5980]  }
0x5a7: {  	v8 =	vld [tilespmem:s2+$0x5980];
	_ =	sdelay $0x2  }
0x5a8: {  	vm2 =	vgt.s32 v6, v5  }
0x5a9: {  	v9 =	vsel vm2, v5, v6  }
0x5aa: {  	[tilespmem:s0+$0x5700] =	vst v9;
	v9 =	vsel vm2, v8, v7  }
0x5ab: {  	v7 =	vsel vm2, v7, v8;
	[tilespmem:s0+$0x5980] =	vst v9;
	s0 =	simm.s32 $0x0  }
0x5ac: {  	v5 =	vsel vm2, v6, v5;
	[tilespmem:s2+$0x5980] =	vst v7;
	s1 =	sand.u32 $0x30, s0;
	s4 =	sand.u32 $0x180, s0  }
0x5ad: {  	[tilespmem:s2+$0x5700] =	vst v5;
	s1 =	sor.u32 s1, s4  }
0x5ae: {  	v5 =	vld [tilespmem:s1+$0x5740]  }
0x5af: {  	v7 =	vld [tilespmem:s1+$0x5700]  }
0x5b0: {  	v6 =	vld [tilespmem:s1+$0x59C0]  }
0x5b1: {  	s2 =	simm.s32 $0x20;
	s4 =	simm.s32 $0x0;
	v8 =	vld [tilespmem:s1+$0x5980]  }
.LBB2_62:
0x5b2: {  	_ =	sdelay $0x1  }
0x5b3: {  	p1 =	sne.s32 s2, $0x1E0  }
0x5b4: {  	s4 =	sadd.s32 $0x10, s4;
	s5 =	smov.u32 s2;
	s2 =	sadd.s32 $0x20, s2;
	vm2 =	vgt.s32 v7, v5  }
0x5b5: {  	s6 =	sand.u32 $0x30, s4;
	s5 =	sand.u32 $0x180, s5;
	v9 =	vsel vm2, v5, v7;
	v5 =	vsel vm2, v7, v5;
	v10 =	vsel vm2, v6, v8  }
.Ltmp33:
0x5b6: {  	s5 =	sor.u32 s6, s5;
	v6 =	vsel vm2, v8, v6;
	[tilespmem:s1+$0x5740] =	vst v5;
	(pc) =	sbr.rel @p1 .LBB2_62-.Ltmp33, $4  }
0x5b7: {  	v5 =	vld [tilespmem:s5+$0x5740];
	[tilespmem:s1+$0x5700] =	vst v9  }
0x5b8: {  	v7 =	vld [tilespmem:s5+$0x5700];
	[tilespmem:s1+$0x59C0] =	vst v6  }
0x5b9: {  	v6 =	vld [tilespmem:s5+$0x59C0];
	[tilespmem:s1+$0x5980] =	vst v10;
	s1 =	smov.u32 s5  }
0x5ba: {  	v8 =	vld [tilespmem:s1+$0x5980]  }
0x5bb: {  	_ =	sdelay $0x1  }
0x5bc: {  	vm2 =	vgt.s32 v7, v5  }
0x5bd: {  	v9 =	vsel vm2, v7, v5  }
0x5be: {  	v5 =	vsel vm2, v5, v7;
	[tilespmem:s1+$0x5740] =	vst v9  }
0x5bf: {  	v7 =	vsel vm2, v8, v6;
	[tilespmem:s1+$0x5700] =	vst v5  }
0x5c0: {  	s2 =	sand.u32 $0x1C0, s0;
	s4 =	sand.u32 $0x10, s0;
	v5 =	vsel vm2, v6, v8;
	[tilespmem:s1+$0x59C0] =	vst v7  }
0x5c1: {  	[tilespmem:s1+$0x5980] =	vst v5;
	s1 =	sor.u32 s4, s2  }
0x5c2: {  	v5 =	vld [tilespmem:s1+$0x5720]  }
0x5c3: {  	v7 =	vld [tilespmem:s1+$0x5700]  }
0x5c4: {  	v6 =	vld [tilespmem:s1+$0x59A0]  }
0x5c5: {  	v8 =	vld [tilespmem:s1+$0x5980];
	_ =	sdelay $0x1  }
0x5c6: {  	s2 =	simm.s32 $0x10  }
.LBB2_64:
0x5c7: {  	p1 =	sne.s32 s2, $0xF0  }
0x5c8: {  	vm2 =	vgt.s32 v7, v5;
	s0 =	sadd.s32 $0x20, s0;
	s4 =	smov.u32 s2;
	s2 =	sadd.s32 $0x10, s2  }
0x5c9: {  	s5 =	sand.u32 $0x1C0, s0;
	s4 =	sand.u32 $0x10, s4;
	v9 =	vsel vm2, v5, v7;
	v10 =	vsel vm2, v6, v8;
	v5 =	vsel vm2, v7, v5  }
0x5ca: {  	v6 =	vsel vm2, v8, v6;
	s4 =	sor.u32 s4, s5;
	[tilespmem:s1+$0x5720] =	vst v5  }
0x5cb: {  	v5 =	vld [tilespmem:s4+$0x5720];
	[tilespmem:s1+$0x5700] =	vst v9  }
0x5cc: {  	v7 =	vld [tilespmem:s4+$0x5700];
	[tilespmem:s1+$0x59A0] =	vst v6  }
.Ltmp34:
0x5cd: {  	v6 =	vld [tilespmem:s4+$0x59A0];
	[tilespmem:s1+$0x5980] =	vst v10;
	s1 =	smov.u32 s4;
	(pc) =	sbr.rel @p1 .LBB2_64-.Ltmp34, $1  }
0x5ce: {  	v8 =	vld [tilespmem:s1+$0x5980];
	_ =	sdelay $0x3  }
0x5cf: {  	vm2 =	vgt.s32 v7, v5  }
0x5d0: {  	v9 =	vsel vm2, v7, v5  }
0x5d1: {  	v5 =	vsel vm2, v5, v7;
	[tilespmem:s1+$0x5720] =	vst v9  }
0x5d2: {  	v7 =	vsel vm2, v8, v6;
	[tilespmem:s1+$0x5700] =	vst v5  }
0x5d3: {  	v5 =	vsel vm2, v6, v8;
	[tilespmem:s1+$0x59A0] =	vst v7  }
0x5d4: {  	s0 =	simm.s32 $0x0;
	[tilespmem:s1+$0x5980] =	vst v5  }
0x5d5: {  	v5 =	vld [tilespmem:s0+$0x5700]  }
0x5d6: {  	v7 =	vld [tilespmem:s0+$0x5710]  }
0x5d7: {  	s1 =	simm.s32 $0x80;
	v6 =	vld [tilespmem:s0+$0x5990]  }
.LBB2_66:
0x5d8: {  	p1 =	sne.s32 s1, $0x780;
	v8 =	vld [tilespmem:s0+$0x5980];
	s2 =	smov.u32 s1;
	s1 =	sadd.s32 $0x80, s1  }
0x5d9: {  	s2 =	sshra.s32 s2, $0x2;
	_ =	sdelay $0x1  }
0x5da: {  	vm2 =	vgt.s32 v5, v7  }
.Ltmp35:
0x5db: {  	v9 =	vsel vm2, v7, v5;
	v7 =	vsel vm2, v5, v7;
	(pc) =	sbr.rel @p1 .LBB2_66-.Ltmp35, $4  }
0x5dc: {  	v10 =	vsel vm2, v6, v8;
	v6 =	vsel vm2, v8, v6;
	[tilespmem:s0+$0x5700] =	vst v9  }
0x5dd: {  	v5 =	vld [tilespmem:s2+$0x5700];
	[tilespmem:s0+$0x5710] =	vst v7  }
0x5de: {  	v7 =	vld [tilespmem:s2+$0x5710];
	[tilespmem:s0+$0x5990] =	vst v6  }
0x5df: {  	v6 =	vld [tilespmem:s2+$0x5990];
	[tilespmem:s0+$0x5980] =	vst v10;
	s0 =	smov.u32 s2  }
0x5e0: {  	_ = 	snop  }
0x5e1: {  	v8 =	vld [tilespmem:s0+$0x5980];
	_ =	sdelay $0x1  }
0x5e2: {  	vm2 =	vgt.s32 v5, v7  }
0x5e3: {  	v9 =	vsel vm2, v7, v5  }
0x5e4: {  	v5 =	vsel vm2, v5, v7;
	[tilespmem:s0+$0x5700] =	vst v9  }
0x5e5: {  	v7 =	vsel vm2, v8, v6;
	[tilespmem:s0+$0x5710] =	vst v5  }
0x5e6: {  	v5 =	vsel vm2, v6, v8;
	[tilespmem:s0+$0x5990] =	vst v7  }
0x5e7: {  	s1 =	simm.s32 $0x40;
	[tilespmem:s0+$0x5980] =	vst v5;
	s0 =	simm.s32 $0x0  }
.LBB2_68:
0x5e8: {  	p1 =	seq.s32 s1, $0x7C0;
	v5 =	vld [tilespmem:s0+$0x5700]  }
0x5e9: {  	v6 =	vld [tilespmem:s0+$0x5980];
	_ =	sdelay $0x3  }
0x5ea: {  	v5 =	vxor.u32 $0x80000000, v5  }
0x5eb: {  	(xrf1) =	vsort.ascd.msk.u32 $0xffff, v5, v6;
	_ =	sdelay $0xb  }
.Ltmp36:
0x5ec: {  	(pc) =	sbr.rel @!p1 .LBB2_68-.Ltmp36, $4  }
0x5ed: {  	_ = 	snop  }
0x5ee: {  	v5, v6, _ =	vpop (xrf1)  }
0x5ef: {  	v5 =	vxor.u32 $0x80000000, v5;
	[tilespmem:s0+$0x5980] =	vst v6  }
0x5f0: {  	[tilespmem:s0+$0x5700] =	vst v5;
	s0 =	sshra.s32 s1, $0x2;
	s1 =	sadd.s32 $0x40, s1  }
0x5f1: {  	v5 =	vld [tilespmem:s0+$0x5700]  }
0x5f2: {  	v6 =	vld [tilespmem:s0+$0x5980];
	_ =	sdelay $0x3  }
0x5f3: {  	v5 =	vxor.u32 $0x80000000, v5  }
0x5f4: {  	(xrf1) =	vsort.ascd.msk.u32 $0xffff, v5, v6;
	_ =	sdelay $0xd  }
0x5f5: {  	v5, v6, _ =	vpop (xrf1)  }
0x5f6: {  	v5 =	vxor.u32 $0x80000000, v5;
	[tilespmem:s0+$0x5980] =	vst v6  }
0x5f7: {  	s1 =	simm.s32 $0x0;
	[tilespmem:s0+$0x5700] =	vst v5;
	s0 =	simm.s32 $0x0  }
.LBB2_71:
0x5f8: {  	s2 =	sshll.u32 s1, $0x4  }
0x5f9: {  	v5 =	vor.u32 s2, v4;
	_ =	sdelay $0x3  }
0x5fa: {  	v6 =	vld [tilespmem:s2+$0x5980]  }
0x5fb: {  	v7 =	vld.idx.msk [tilespmem:v5+s15+$0x0], $0xffff  }
0x5fc: {  	v8 =	vld [tilespmem:s2+$0x5700]  }
0x5fd: {  	v5 =	vld.idx.msk [tilespmem:v5+s14+$0x0], $0xffff;
	_ =	sdelay $0x2  }
0x5fe: {  	vm2 =	vmneg vm14;
	vm3 =	vgt.s32 v6, v7;
	vm4 =	vlt.s32 v6, v7  }
0x5ff: {  	vm4 =	vmand vm2, vm4;
	vm3 =	vmand vm3, vm14  }
0x600: {  	vm5 =	veq.s32 v8, v5;
	vm3 =	vmor vm3, vm4  }
0x601: {  	vm3 =	vmand vm5, vm3  }
0x602: {  	v5 =	vsel vm3, $0x1, v1  }
0x603: {  	(xrf0) =	vadd.scan.msk.s32 $0xffff, v5;
	_ =	sdelay $0x5  }
0x604: {  	v5, _, _ =	vpop (xrf0)  }
0x605: {  	(v2sf) =	vpush v5, $0xF;
	_ =	sdelay $0x9  }
0x606: {  	s1 =	sadd.s32 $0x1, s1  }
0x607: {  	p1 =	sne.s32 s1, $0x20  }
.Ltmp37:
0x608: {  	_ = 	snop;
	(pc) =	sbr.rel @p1 .LBB2_71-.Ltmp37, $3  }
0x609: {  	_ =	sdelay $0x1  }
0x60a: {  	s5 =	simm.s32 $0x1;
	v5 =	vsel vm3, v7, v6;
	s4 =	spop (v2sf)  }
0x60b: {  	[tilespmem:s2+$0x5980] =	vst v5;
	s2 =	simm.s32 $0x5981;
	s0 =	sadd.s32 s0, s4;
	s4 =	simm.s32 $0x5701  }
0x60c: {  	v5 =	vadd.s32 s5, v4;
	_ =	sdelay $0x3  }
0x60d: {  	v7 =	vld [tilespmem:s2+$0x0]  }
0x60e: {  	v6 =	vld.idx.msk [tilespmem:v5+s15+$0x0], $0xffff  }
0x60f: {  	v8 =	vld [tilespmem:s4+$0x0]  }
0x610: {  	v5 =	vld.idx.msk [tilespmem:v5+s14+$0x0], $0xffff;
	_ =	sdelay $0x2  }
0x611: {  	s1 =	simm.s32 $0x11;
	vm3 =	vgt.s32 v7, v6;
	vm4 =	vlt.s32 v7, v6  }
0x612: {  	v9 =	vadd.s32 s1, v4;
	vm4 =	vmand vm2, vm4;
	vm3 =	vmand vm3, vm14  }
0x613: {  	vm5 =	veq.s32 v8, v5;
	vm3 =	vmor vm3, vm4  }
0x614: {  	vm3 =	vmand vm5, vm3  }
0x615: {  	v5 =	vsel vm3, v6, v7  }
0x616: {  	[tilespmem:s2+$0x0] =	vst v5  }
0x617: {  	s29 =	simm.s32 $0x5991;
	v5 =	vld.idx.msk [tilespmem:v9+s15+$0x0], $0xffff  }
0x618: {  	v6 =	vld [tilespmem:s29+$0x0]  }
0x619: {  	s30 =	simm.s32 $0x5711;
	v7 =	vld.idx.msk [tilespmem:v9+s14+$0x0], $0xffff  }
0x61a: {  	v8 =	vld [tilespmem:s30+$0x0];
	_ =	sdelay $0x2  }
0x61b: {  	vm4 =	vgt.s32 v6, v5;
	vm5 =	vlt.s32 v6, v5  }
0x61c: {  	vm5 =	vmand vm2, vm5;
	vm4 =	vmand vm4, vm14  }
0x61d: {  	vm4 =	vmor vm4, vm5;
	vm5 =	veq.s32 v8, v7;
	v7 =	vsel vm3, $0x1, v1  }
0x61e: {  	(xrf0) =	vadd.scan.msk.s32 $0xffff, v7;
	_ =	sdelay $0x5  }
0x61f: {  	v7, _, _ =	vpop (xrf0)  }
0x620: {  	s31 =	simm.s32 $0x21;
	(v2sf) =	vpush v7, $0xF  }
0x621: {  	v62 =	vadd.s32 s31, v4  }
0x622: {  	vm4 =	vmand vm5, vm4  }
0x623: {  	v5 =	vsel vm4, v5, v6;
	v6 =	vsel vm4, $0x1, v1  }
0x624: {  	(xrf0) =	vadd.scan.msk.s32 $0xffff, v6  }
0x625: {  	[tilespmem:s29+$0x0] =	vst v5  }
0x626: {  	s2 =	simm.s32 $0x59A1;
	v5 =	vld.idx.msk [tilespmem:v62+s15+$0x0], $0xffff  }
0x627: {  	v6 =	vld [tilespmem:s2+$0x0]  }
0x628: {  	s4 =	simm.s32 $0x5721;
	v8 =	vld.idx.msk [tilespmem:v62+s14+$0x0], $0xffff  }
0x629: {  	v63 =	vld [tilespmem:s4+$0x0]  }
0x62a: {  	v7, _, _ =	vpop (xrf0)  }
0x62b: {  	(v2sf) =	vpush v7, $0xF  }
0x62c: {  	s6 =	simm.s32 $0x31;
	vm3 =	vgt.s32 v6, v5;
	vm4 =	vlt.s32 v6, v5  }
0x62d: {  	vm4 =	vmand vm2, vm4;
	vm5 =	vmand vm3, vm14;
	v7 =	vadd.s32 s6, v4  }
0x62e: {  	vm8 =	vmmov vm6;
	s5 =	simm.s32 $0x41;
	s1 =	simm.s32 $0x51;
	s6 =	simm.s32 $0x61;
	vm3 =	veq.s32 v63, v8;
	vm4 =	vmor vm5, vm4  }
.LBB2_73:
0x62f: {  	p1 =	seq.s32 s6, $0x1F1;
	vm3 =	vmand vm3, vm4;
	s7 =	spop (v2sf)  }
0x630: {  	v5 =	vsel vm3, v5, v6;
	v6 =	vsel vm3, $0x1, v1;
	s0 =	sadd.s32 s0, s7  }
0x631: {  	[tilespmem:s2+$0x0] =	vst v5;
	(xrf0) =	vadd.scan.msk.s32 $0xffff, v6  }
0x632: {  	s2 =	sadd.s32 $0x10, s2;
	v5 =	vld.idx.msk [tilespmem:v7+s15+$0x0], $0xffff  }
0x633: {  	v6 =	vld [tilespmem:s2+$0x0]  }
0x634: {  	s4 =	sadd.s32 $0x10, s4;
	v8 =	vld.idx.msk [tilespmem:v7+s14+$0x0], $0xffff  }
0x635: {  	v9 =	vld [tilespmem:s4+$0x0]  }
.Ltmp38:
0x636: {  	(pc) =	sbr.rel @!p1 .LBB2_73-.Ltmp38, $4  }
0x637: {  	v7, _, _ =	vpop (xrf0)  }
0x638: {  	vm3 =	vgt.s32 v6, v5;
	vm4 =	vlt.s32 v6, v5;
	(v2sf) =	vpush v7, $0xF  }
0x639: {  	v7 =	vadd.s32 s5, v4;
	s5 =	smov.u32 s1;
	s1 =	smov.u32 s6;
	vm4 =	vmand vm2, vm4;
	vm5 =	vmand vm3, vm14  }
0x63a: {  	s6 =	sadd.s32 $0x10, s6;
	vm3 =	veq.s32 v9, v8;
	vm4 =	vmor vm5, vm4  }
0x63b: {  	_ = 	snop  }
0x63c: {  	vm3 =	vmand vm3, vm4  }
0x63d: {  	v5 =	vsel vm3, v5, v6  }
0x63e: {  	[tilespmem:s2+$0x0] =	vst v5  }
0x63f: {  	s22 =	sadd.s32 $0x10, s2;
	v5 =	vld.idx.msk [tilespmem:v7+s15+$0x0], $0xffff  }
0x640: {  	v6 =	vld [tilespmem:s22+$0x0]  }
0x641: {  	s4 =	sadd.s32 $0x10, s4;
	v7 =	vld.idx.msk [tilespmem:v7+s14+$0x0], $0xffff  }
0x642: {  	v8 =	vld [tilespmem:s4+$0x0];
	_ =	sdelay $0x2  }
0x643: {  	vm4 =	vgt.s32 v6, v5;
	vm5 =	vlt.s32 v6, v5  }
0x644: {  	v9 =	vadd.s32 s5, v4;
	vm5 =	vmand vm2, vm5;
	vm4 =	vmand vm4, vm14  }
0x645: {  	vm6 =	veq.s32 v8, v7;
	vm4 =	vmor vm4, vm5  }
0x646: {  	vm4 =	vmand vm6, vm4  }
0x647: {  	v5 =	vsel vm4, v5, v6  }
0x648: {  	[tilespmem:s22+$0x0] =	vst v5  }
0x649: {  	s2 =	sadd.s32 $0x10, s22;
	v5 =	vld.idx.msk [tilespmem:v9+s15+$0x0], $0xffff  }
0x64a: {  	v6 =	vld [tilespmem:s2+$0x0]  }
0x64b: {  	s4 =	sadd.s32 $0x10, s4;
	v7 =	vld.idx.msk [tilespmem:v9+s14+$0x0], $0xffff  }
0x64c: {  	v58 =	vld [tilespmem:s4+$0x0];
	_ =	sdelay $0x2  }
0x64d: {  	vm5 =	vgt.s32 v6, v5;
	vm6 =	vlt.s32 v6, v5  }
0x64e: {  	v59 =	vadd.s32 s1, v4;
	vm6 =	vmand vm2, vm6;
	vm5 =	vmand vm5, vm14  }
0x64f: {  	vm7 =	veq.s32 v58, v7;
	vm5 =	vmor vm5, vm6  }
0x650: {  	vm5 =	vmand vm7, vm5  }
0x651: {  	v5 =	vsel vm5, v5, v6  }
0x652: {  	[tilespmem:s2+$0x0] =	vst v5  }
0x653: {  	s23 =	sadd.s32 $0x10, s2;
	v5 =	vld.idx.msk [tilespmem:v59+s15+$0x0], $0xffff  }
0x654: {  	v6 =	vld [tilespmem:s23+$0x0]  }
0x655: {  	s24 =	sadd.s32 $0x10, s4;
	v7 =	vld.idx.msk [tilespmem:v59+s14+$0x0], $0xffff  }
0x656: {  	v60 =	vld [tilespmem:s24+$0x0];
	_ =	sdelay $0x2  }
0x657: {  	vm6 =	vgt.s32 v6, v5;
	vm7 =	vlt.s32 v6, v5  }
0x658: {  	v61 =	vsel vm3, $0x1, v1;
	vm2 =	vmand vm2, vm7;
	vm3 =	vmand vm6, vm14  }
0x659: {  	(xrf0) =	vadd.scan.msk.s32 $0xffff, v61;
	v62 =	vsel vm4, $0x1, v1;
	vm4 =	veq.s32 v60, v7;
	vm2 =	vmor vm3, vm2  }
0x65a: {  	(xrf0) =	vadd.scan.msk.s32 $0xffff, v62;
	v7 =	vsel vm5, $0x1, v1;
	vm2 =	vmand vm4, vm2  }
0x65b: {  	(xrf0) =	vadd.scan.msk.s32 $0xffff, v7;
	v7 =	vsel vm2, $0x1, v1  }
0x65c: {  	(xrf0) =	vadd.scan.msk.s32 $0xffff, v7;
	_ =	sdelay $0x2  }
0x65d: {  	v7, _, _ =	vpop (xrf0)  }
0x65e: {  	v63, _, _ =	vpop (xrf0);
	(v2sf) =	vpush v7, $0xF  }
0x65f: {  	v7, _, _ =	vpop (xrf0);
	(v2sf) =	vpush v63, $0xF  }
0x660: {  	(v2sf) =	vpush v7, $0xF;
	v7, _, _ =	vpop (xrf0)  }
0x661: {  	(v2sf) =	vpush v7, $0xF;
	_ =	sdelay $0x9  }
0x662: {  	s25 =	spop (v2sf)  }
0x663: {  	s0 =	sadd.s32 s0, s25;
	s26 =	spop (v2sf)  }
0x664: {  	s0 =	sadd.s32 s0, s26;
	s28 =	spop (v2sf)  }
0x665: {  	s29 =	spop (v2sf);
	s0 =	sadd.s32 s0, s28  }
0x666: {  	s0 =	sadd.s32 s0, s29;
	s30 =	spop (v2sf)  }
0x667: {  	v5 =	vsel vm2, v5, v6;
	s0 =	sadd.s32 s0, s30;
	s31 =	spop (v2sf)  }
0x668: {  	[tilespmem:s23+$0x0] =	vst v5;
	s0 =	sadd.s32 s0, s31  }
0x669: {  	p1 =	slt.s32 s0, $0x1  }
.Ltmp39:
0x66a: {  	_ = 	snop;
	(pc) =	sbr.rel @!p1 .LBB2_71-.Ltmp39, $2  }
0x66b: {  	_ =	sdelay $0x2  }
0x66c: {  	s0 =	simm.s32 $0x0;
	s1 =	simm.s32 $0x0;
	vm6 =	vmmov vm8  }
0x66d: {  	s1 =	sshra.s32 s0, $0x2  }
0x66e: {  	s2 =	sadd.s32 $0x40, s0;
	v5 =	vld [tilespmem:s1+$0x5700]  }
0x66f: {  	s28 =	sshra.s32 s2, $0x2;
	s2 =	sadd.s32 $0x40, s2  }
0x670: {  	v6 =	vld [tilespmem:s28+$0x5700];
	s29 =	sshra.s32 s2, $0x2  }
0x671: {  	v7 =	vld [tilespmem:s29+$0x5700];
	_ =	sdelay $0x1  }
0x672: {  	vm2 =	vne.s32 v5, $0x7FFFFFFF  }
0x673: {  	v5 =	vsel vm2, $0x1, v1  }
0x674: {  	vm2 =	vne.s32 v6, $0x7FFFFFFF;
	(xrf0) =	vadd.scan.msk.s32 $0xffff, v5  }
0x675: {  	v5 =	vsel vm2, $0x1, v1;
	vm2 =	vne.s32 v7, $0x7FFFFFFF  }
0x676: {  	s30 =	sadd.s32 $0x40, s2;
	(xrf0) =	vadd.scan.msk.s32 $0xffff, v5;
	v5 =	vsel vm2, $0x1, v1  }
0x677: {  	s2 =	sshra.s32 s30, $0x2;
	(xrf0) =	vadd.scan.msk.s32 $0xffff, v5  }
0x678: {  	v6 =	vld [tilespmem:s2+$0x5700];
	_ =	sdelay $0x1  }
0x679: {  	v5, _, _ =	vpop (xrf0)  }
0x67a: {  	(v2sf) =	vpush v5, $0xF  }
0x67b: {  	v5, _, _ =	vpop (xrf0)  }
0x67c: {  	vm2 =	vne.s32 v6, $0x7FFFFFFF;
	(v2sf) =	vpush v5, $0xF;
	v6, _, _ =	vpop (xrf0)  }
0x67d: {  	(v2sf) =	vpush v6, $0xF;
	_ =	sdelay $0x4  }
0x67e: {  	s1 =	sadd.s32 $0x40, s30  }
0x67f: {  	s31 =	sshra.s32 s1, $0x2;
	v5 =	vsel vm2, $0x1, v1  }
0x680: {  	(xrf0) =	vadd.scan.msk.s32 $0xffff, v5;
	v5 =	vld [tilespmem:s31+$0x5700];
	_ =	sdelay $0x1  }
0x681: {  	s1 =	sadd.s32 $0x40, s1  }
.LBB2_76:
0x682: {  	p1 =	sne.s32 s1, $0x7C0  }
.Ltmp40:
0x683: {  	s2 =	sshra.s32 s1, $0x2;
	(pc) =	sbr.rel @p1 .LBB2_76-.Ltmp40, $4  }
0x684: {  	s1 =	sadd.s32 $0x40, s1;
	s4 =	spop (v2sf);
	vm2 =	vne.s32 v5, $0x7FFFFFFF  }
0x685: {  	s0 =	sadd.s32 s0, s4;
	v5 =	vld [tilespmem:s2+$0x5700];
	v7 =	vsel vm2, $0x1, v1  }
0x686: {  	(xrf0) =	vadd.scan.msk.s32 $0xffff, v7;
	v6, _, _ =	vpop (xrf0)  }
0x687: {  	(v2sf) =	vpush v6, $0xF  }
0x688: {  	_ =	sdelay $0x1  }
0x689: {  	vm2 =	vne.s32 v5, $0x7FFFFFFF  }
0x68a: {  	v5 =	vsel vm2, $0x1, v1  }
0x68b: {  	(xrf0) =	vadd.scan.msk.s32 $0xffff, v5;
	_ =	sdelay $0x4  }
0x68c: {  	v5, _, _ =	vpop (xrf0)  }
0x68d: {  	(v2sf) =	vpush v5, $0xF;
	v5, _, _ =	vpop (xrf0)  }
0x68e: {  	(v2sf) =	vpush v5, $0xF;
	_ =	sdelay $0xa  }
0x68f: {  	s1 =	spop (v2sf)  }
0x690: {  	s2 =	spop (v2sf);
	s0 =	sadd.s32 s0, s1  }
0x691: {  	s5 =	simm.s32 $0x80;
	s0 =	sadd.s32 s0, s2;
	s29 =	spop (v2sf)  }
0x692: {  	s1 =	simm.s32 $0x0;
	s0 =	sadd.s32 s0, s29;
	s30 =	spop (v2sf)  }
0x693: {  	vm4 =	vcmask $0x308;
	vm5 =	vcmask $0x70C;
	s6 =	simm.s32 $0x400;
	v5 =	vld [tilespmem:s1+$0x5980];
	s0 =	sadd.s32 s0, s30;
	s31 =	spop (v2sf)  }
0x694: {  	vm3 =	vcmask $0xB10;
	vm7 =	vcmask $0x1318;
	vm8 =	vcmask $0x171C;
	s7 =	simm.s32 $0x7000;
	s2 =	simm.s32 $0x40;
	s0 =	sadd.s32 s0, s31  }
.LBB2_78:
0x695: {  	p1 =	sne.s32 s2, $0x7C0  }
.Ltmp41:
0x696: {  	_ = 	snop;
	(pc) =	sbr.rel @p1 .LBB2_78-.Ltmp41, $4  }
0x697: {  	_ = 	snop  }
0x698: {  	s4 =	sshra.s32 s2, $0x2;
	s2 =	sadd.s32 $0x40, s2;
	vm2 =	vlt.s32 v5, $0x4E1F  }
0x699: {  	v6 =	vnsel vm2, $0x4E1F, v5;
	v5 =	vld [tilespmem:s4+$0x5980]  }
0x69a: {  	[tilespmem:s1+$0x5E00] =	vst v6;
	s1 =	smov.u32 s4  }
0x69b: {  	_ = 	snop  }
0x69c: {  	s2 =	simm.s32 $0x0  }
0x69d: {  	v6 =	vmov s2;
	v7 =	vor.u32 s2, v3  }
0x69e: {  	v7 =	vshrl.u32 v7, $0x3;
	v6 =	vshrl.u32 v6, $0x3;
	vm2 =	vlt.s32 v5, $0x4E1F  }
0x69f: {  	v7 =	vand.u32 $0x7F, v7;
	v6 =	vand.u32 $0x180, v6;
	v5 =	vnsel vm2, $0x4E1F, v5  }
0x6a0: {  	s30 =	rddreg [dreg:$0x3];
	[tilespmem:s1+$0x5E00] =	vst v5;
	v5 =	vor.u32 v6, v7  }
0x6a1: {  	[tilespmem:s7], [sflag:$0x1] =	stream.strided.gather [hbm4b:s30+s5], $0x13880, s6, s5, $0x38;
	[tilespmem:$0x1A880] =	vst v63  }
0x6a2: {  	_ =	swait.ge [sflag:s13], $0x13880  }
0x6a3: {  	[sflag:s13] =	ssyncset.done $0x0  }
0x6a4: {  	[sflag:s13] =	ssyncadd.s32 $0xFFFEC780  }
0x6a5: {  	v6 =	vld.idx.msk [tilespmem:v5+s8+$0x0], $0xffff;
	_ =	sdelay $0x4  }
0x6a6: {  	v5 =	vand.u32 $0x7, v3;
	v7 =	vshll.u32 v6, $0x3  }
0x6a7: {  	vm2 =	vlt.u32 v6, $0x2710;
	v6 =	vor.u32 v5, v7  }
0x6a8: {  	v6 =	vnsel vm2, $0x0, v6;
	_ =	sdelay $0x3  }
0x6a9: {  	s31 =	simm.s32 $0x10  }
0x6aa: {  	v8 =	vor.u32 s31, v3;
	s2 =	simm.s32 $0x20;
	s1 =	simm.s32 $0x6000;
	v7 =	vmov s31;
	v6 =	vld.idx.msk [tilespmem:v6+s7+$0x0], vm2  }
.LBB2_80:
0x6ab: {  	p1 =	sne.s32 s2, $0xFF0;
	v8 =	vshrl.u32 v8, $0x3;
	v7 =	vshrl.u32 v7, $0x3;
	v9 =	vld [tilespmem:s1+$0x0]  }
0x6ac: {  	v8 =	vand.u32 $0x7F, v8;
	v7 =	vand.u32 $0x180, v7  }
0x6ad: {  	v7 =	vor.u32 v7, v8;
	_ =	sdelay $0x2  }
0x6ae: {  	v6 =	vsel vm2, v6, v9  }
0x6af: {  	[tilespmem:s1+$0x0] =	vst v6  }
0x6b0: {  	v6 =	vld.idx.msk [tilespmem:v7+s8+$0x0], $0xffff;
	_ =	sdelay $0x5  }
0x6b1: {  	v7 =	vshll.u32 v6, $0x3  }
0x6b2: {  	vm2 =	vlt.u32 v6, $0x2710;
	v6 =	vor.u32 v5, v7  }
0x6b3: {  	v6 =	vnsel vm2, $0x0, v6  }
.Ltmp42:
0x6b4: {  	(pc) =	sbr.rel @p1 .LBB2_80-.Ltmp42, $2  }
0x6b5: {  	_ =	sdelay $0x2  }
0x6b6: {  	v8 =	vor.u32 s2, v3;
	s1 =	sadd.s32 $0x10, s1;
	v7 =	vmov s2;
	s2 =	sadd.s32 $0x10, s2;
	v6 =	vld.idx.msk [tilespmem:v6+s7+$0x0], vm2  }
0x6b7: {  	v8 =	vshrl.u32 v8, $0x3;
	v7 =	vshrl.u32 v7, $0x3;
	v9 =	vld [tilespmem:s1+$0x0]  }
0x6b8: {  	v8 =	vand.u32 $0x7F, v8;
	v7 =	vand.u32 $0x180, v7  }
0x6b9: {  	v7 =	vor.u32 v7, v8;
	_ =	sdelay $0x2  }
0x6ba: {  	v6 =	vsel vm2, v6, v9  }
0x6bb: {  	[tilespmem:s1+$0x0] =	vst v6  }
0x6bc: {  	v6 =	vld.idx.msk [tilespmem:v7+s8+$0x0], $0xffff;
	_ =	sdelay $0x4  }
0x6bd: {  	v7 =	vshll.u32 v6, $0x3  }
0x6be: {  	vm2 =	vlt.u32 v6, $0x2710;
	v6 =	vor.u32 v5, v7  }
0x6bf: {  	v6 =	vnsel vm2, $0x0, v6;
	_ =	sdelay $0x2  }
0x6c0: {  	s29 =	sadd.s32 $0x10, s1  }
0x6c1: {  	v7 =	vld [tilespmem:s29+$0x0]  }
0x6c2: {  	v6 =	vld.idx.msk [tilespmem:v6+s7+$0x0], vm2;
	_ =	sdelay $0x4  }
0x6c3: {  	s2 =	simm.s32 $0x0;
	v6 =	vsel vm2, v6, v7  }
0x6c4: {  	v7 =	vor.u32 s2, v3;
	[tilespmem:s29+$0x0] =	vst v6;
	v6 =	vmov s2  }
0x6c5: {  	v7 =	vshrl.u32 v7, $0x3;
	v6 =	vshrl.u32 v6, $0x3  }
0x6c6: {  	v7 =	vand.u32 $0x7F, v7;
	v6 =	vand.u32 $0x180, v6  }
0x6c7: {  	s30 =	rddreg [dreg:$0x4];
	v6 =	vor.u32 v6, v7  }
0x6c8: {  	[tilespmem:s7], [sflag:$0x1] =	stream.strided.gather [hbm4b:s30+s5], $0x13880, s6, s5, $0x38;
	[tilespmem:$0x1A880] =	vst v63  }
0x6c9: {  	_ =	swait.ge [sflag:s13], $0x13880  }
0x6ca: {  	[sflag:s13] =	ssyncset.done $0x0  }
0x6cb: {  	[sflag:s13] =	ssyncadd.s32 $0xFFFEC780  }
0x6cc: {  	v6 =	vld.idx.msk [tilespmem:v6+s8+$0x0], $0xffff;
	_ =	sdelay $0x4  }
0x6cd: {  	v5 =	vor.u32 $0xFFFEC780, v5;
	v7 =	vadd.s32 $0xFFFFD8F0, v6;
	v6 =	vshll.u32 v6, $0x3  }
0x6ce: {  	vm2 =	vlt.u32 v7, $0x2710;
	v6 =	vadd.s32 v5, v6  }
0x6cf: {  	v6 =	vnsel vm2, $0x0, v6;
	_ =	sdelay $0x3  }
0x6d0: {  	s31 =	simm.s32 $0x10  }
0x6d1: {  	v8 =	vor.u32 s31, v3;
	s1 =	simm.s32 $0x6000;
	s2 =	simm.s32 $0x20;
	v7 =	vmov s31;
	v6 =	vld.idx.msk [tilespmem:v6+s7+$0x0], vm2  }
.LBB2_82:
0x6d2: {  	p1 =	seq.s32 s2, $0xFF0;
	v8 =	vshrl.u32 v8, $0x3;
	v7 =	vshrl.u32 v7, $0x3;
	v9 =	vld [tilespmem:s1+$0x0]  }
0x6d3: {  	v8 =	vand.u32 $0x7F, v8;
	v7 =	vand.u32 $0x180, v7  }
0x6d4: {  	v7 =	vor.u32 v7, v8;
	_ =	sdelay $0x2  }
0x6d5: {  	v6 =	vsel vm2, v6, v9  }
0x6d6: {  	[tilespmem:s1+$0x0] =	vst v6  }
0x6d7: {  	v6 =	vld.idx.msk [tilespmem:v7+s8+$0x0], $0xffff;
	_ =	sdelay $0x5  }
0x6d8: {  	v7 =	vadd.s32 $0xFFFFD8F0, v6;
	v6 =	vshll.u32 v6, $0x3  }
0x6d9: {  	vm2 =	vlt.u32 v7, $0x2710;
	v6 =	vadd.s32 v5, v6  }
0x6da: {  	v6 =	vnsel vm2, $0x0, v6  }
.Ltmp43:
0x6db: {  	(pc) =	sbr.rel @!p1 .LBB2_82-.Ltmp43, $2  }
0x6dc: {  	_ =	sdelay $0x2  }
0x6dd: {  	v8 =	vor.u32 s2, v3;
	s1 =	sadd.s32 $0x10, s1;
	v7 =	vmov s2;
	s2 =	sadd.s32 $0x10, s2;
	v6 =	vld.idx.msk [tilespmem:v6+s7+$0x0], vm2  }
0x6de: {  	v8 =	vshrl.u32 v8, $0x3;
	v7 =	vshrl.u32 v7, $0x3;
	v9 =	vld [tilespmem:s1+$0x0]  }
0x6df: {  	v8 =	vand.u32 $0x7F, v8;
	v7 =	vand.u32 $0x180, v7  }
0x6e0: {  	v7 =	vor.u32 v7, v8;
	_ =	sdelay $0x2  }
0x6e1: {  	v6 =	vsel vm2, v6, v9  }
0x6e2: {  	[tilespmem:s1+$0x0] =	vst v6  }
0x6e3: {  	v6 =	vld.idx.msk [tilespmem:v7+s8+$0x0], $0xffff;
	_ =	sdelay $0x4  }
0x6e4: {  	v7 =	vadd.s32 $0xFFFFD8F0, v6;
	v6 =	vshll.u32 v6, $0x3  }
0x6e5: {  	vm2 =	vlt.u32 v7, $0x2710;
	v5 =	vadd.s32 v5, v6  }
0x6e6: {  	v5 =	vnsel vm2, $0x0, v5;
	_ =	sdelay $0x2  }
0x6e7: {  	s31 =	sadd.s32 $0x10, s1  }
0x6e8: {  	v6 =	vld [tilespmem:s31+$0x0]  }
0x6e9: {  	v5 =	vld.idx.msk [tilespmem:v5+s7+$0x0], vm2;
	_ =	sdelay $0x4  }
0x6ea: {  	s0 =	sshll.u32 s0, $0x3;
	v5 =	vsel vm2, v5, v6  }
0x6eb: {  	[tilespmem:s31+$0x0] =	vst v5;
	v5 =	vmov s0;
	s0 =	simm.s32 $0x6000  }
0x6ec: {  	s2 =	simm.s32 $0x10;
	s1 =	simm.s32 $0x0;
	v6 =	vld [tilespmem:s0+$0x0]  }
.LBB2_84:
0x6ed: {  	p1 =	sne.s32 s2, $0xFF0;
	_ =	sdelay $0x1  }
.Ltmp44:
0x6ee: {  	v7 =	vor.u32 s1, v3;
	s1 =	smov.u32 s2;
	(pc) =	sbr.rel @p1 .LBB2_84-.Ltmp44, $4  }
0x6ef: {  	vm2 =	vlt.s32 v7, v5  }
0x6f0: {  	v6 =	vnsel vm2, $0x0, v6  }
0x6f1: {  	[tilespmem:s0+$0x0] =	vst v6;
	s0 =	sadd.s32 $0x10, s0  }
0x6f2: {  	s2 =	sadd.s32 $0x10, s2;
	v6 =	vld [tilespmem:s0+$0x0]  }
0x6f3: {  	_ =	sdelay $0x1  }
0x6f4: {  	v7 =	vor.u32 s1, v3  }
0x6f5: {  	vm2 =	vlt.s32 v7, v5  }
0x6f6: {  	s1 =	simm.s32 @p0 $0x100;
	v5 =	vnsel vm2, $0x0, v6  }
0x6f7: {  	s2 =	simm.s32 @p0 $0x6000;
	s4 =	rddreg [dreg:$0x5];
	[tilespmem:s0+$0x0] =	vst v5;
	s0 =	simm.s32 @p0 $0x80  }
0x6f8: {  	[hbm4b:s4+s0] =	stream.strided.scatter @p0 [tilespmem:s2], [sflag:$0x1], $0x800, s1, s0, $0x38;
	[tilespmem:$0x1A880] =	vst v63  }
0x6f9: {  	s0 =	simm.s32 @p0 $0x1  }
0x6fa: {  	_ =	swait.ge @p0 [sflag:s0], $0x800  }
0x6fb: {  	s1 =	simm.s32 @!p0 $0x100;
	s2 =	simm.s32 @!p0 $0x6000;
	[sflag:s0] =	ssyncset.done @p0 $0x0  }
0x6fc: {  	s4 =	rddreg [dreg:$0x6];
	[sflag:s0] =	ssyncadd.s32 @p0 $0xFFFFF800;
	s0 =	simm.s32 @!p0 $0x80  }
0x6fd: {  	[hbm4b:s4+s0] =	stream.strided.scatter @!p0 [tilespmem:s2], [sflag:$0x1], $0x1000, s1, s0, $0x38;
	[tilespmem:$0x1A880] =	vst v63  }
0x6fe: {  	s0 =	simm.s32 @!p0 $0x1  }
0x6ff: {  	_ =	swait.ge @!p0 [sflag:s0], $0x1000  }
0x700: {  	s12 =	sadd.s32 $0x1, s12;
	s31 =	rddreg [dreg:$0x8]  }
0x701: {  	p1 =	sne.s32 s12, s31  }
.Ltmp45:
0x702: {  	_ = 	snop;
	(pc) =	sbr.rel @p1 .LBB2_2-.Ltmp45, $4  }
.Ltmp46:
0x703: {  	_ = 	snop;
	(pc) =	sbr.rel @!p1 .LBB2_86-.Ltmp46, $4  }
0x704: {  	_ = 	snop  }
0x705: {  	[sflag:s0] =	ssyncset.done @!p0 $0x0  }
0x706: {  	[sflag:s0] =	ssyncadd.s32 @!p0 $0xFFFFF000  }
0x707: {  	_ = 	snop  }
.LBB2_9:
.Ltmp47:
0x708: {  	(pc) =	sbr.rel .LBB2_14-.Ltmp47, $2  }
0x709: {  	_ =	sdelay $0x2  }
0x70a: {  	vm0 =	vmmov vm2;
	s0 =	simm.s32 $0x0;
	s25 =	simm.s32 $0x0;
	s20 =	simm.s32 $0x0  }
.LBB2_21:
.Ltmp48:
0x70b: {  	(pc) =	sbr.rel .LBB2_25-.Ltmp48, $2  }
0x70c: {  	_ =	sdelay $0x2  }
0x70d: {  	s0 =	simm.s32 $0x0;
	s28 =	simm.s32 $0x0;
	s22 =	simm.s32 $0x0  }
.LBB2_11:
.Ltmp49:
0x70e: {  	(pc) =	sbr.rel .LBB2_14-.Ltmp49, $2  }
0x70f: {  	_ =	sdelay $0x2  }
0x710: {  	vm0 =	vmmov vm2;
	s0 =	simm.s32 $0x0;
	s25 =	simm.s32 $0x0  }
.LBB2_23:
.Ltmp50:
0x711: {  	(pc) =	sbr.rel .LBB2_25-.Ltmp50, $2  }
0x712: {  	_ =	sdelay $0x2  }
0x713: {  	s0 =	simm.s32 $0x0;
	s28 =	simm.s32 $0x0  }
.LBB2_86:
0x714: {  	_ =	sfence.sel $0x180000  }
0x715: {  	[bflag:$0x0] =	sbarrier.arrive $0xFFFF  }
0x716: {  	_ =	strace $0x90000047  }
0x717: {  	s0 =	stileid.u32;
	[bflag:$0x2] =	sbarrier.arrive $0xFFFF  }
0x718: {  	p0 =	sne.s32 s0, $0x0;
	s0 =	rddreg [dreg:$0x1]  }
0x719: {  	s0 =	sadd.s32 @!p0 $0x100000, s0  }
0x71a: {  	[sflag:s0] =	ssyncadd.tile.s32 @!p0 $0x1;
	_ =	shalt  }
.Lfunc_end2:
_tile_overlayer_lowered:
.L_overlay_start_2:
0x71b: {  	(tag) =	ssettag $0x2  }
0x71c: {  	s0 =	rddreg [dreg:$0x0];
	s2 =	stileid.u32  }
0x71d: {  	s1 =	rddreg [dreg:$0x1];
	p0 =	sne.s32 s2, $0x0  }
0x71e: {  	s3 =	rddreg [dreg:$0x2];
	[bflag:$0x3] =	sbarrier.arrive $0xFFFF;
	s2 =	simm.s32 @!p0 $0x1C01  }
0x71f: {  	[timem:s3], [sflag:s2] =	dma.local @!p0 [hbm:s0], s1  }
0x720: {  	s0 =	simm.s32 @!p0 $0x1  }
0x721: {  	_ =	swait.ge @!p0 [sflag:s0], s1  }
0x722: {  	s1 =	ssub.s32 @!p0 $0x0, s1;
	[sflag:s0] =	ssyncset.done @!p0 $0x0  }
0x723: {  	[sflag:s0] =	ssyncadd.s32 @!p0 s1  }
0x724: {  	[bflag:$0x3] =	sbarrier.arrive $0xFFFF  }
0x725: {  	_ =	shalt  }

</sc_bundles>
